<compile_context>
chip_gen: v7x
topology: tpu7x:2x2x1
jax: 0.10.2.dev20260603
libtpu: 0.0.44.dev20260713+nightly
codegen_flags: <defaults>
</compile_context>

<pallas_src>
import jax
import jax.numpy as jnp
from jax import lax
from jax.experimental import pallas as pl
from jax.experimental.pallas import tpu as pltpu
from jax.experimental.pallas import tpu_sc as plsc

N_ROWS = 320000
D = 128
N_SEG = 10000
EPS = 1e-05

L = 16
C = D // L
NC = 2
NS = 16
NW = NC * NS
SEG_PER_W = (N_SEG + NW - 1) // NW
B = 80
N_BOUNDS = 48
MAX_RUNS = SEG_PER_W + 1


def _body(data_hbm, index_hbm, bounds_hbm, out_hbm,
          row_v, idx_v, runmin_v, runrcp_v, rstart_v, bounds_v,
          sem_d, sem_i, sem_o):
    w = lax.axis_index("s") * NC + lax.axis_index("c")
    pltpu.sync_copy(bounds_hbm, bounds_v)
    bv = bounds_v[pl.ds(w, L)]
    row_lo = bv[0]
    row_hi = bv[1]

    blk_lo = row_lo // B
    blk_hi = (row_hi + B - 1) // B

    zero_vec = jnp.zeros((L,), jnp.float32)
    zeros = (zero_vec,) * C

    def in_copies(b, with_idx):
        p = lax.rem(b, 3)
        r0 = b * B
        cps = [pltpu.make_async_copy(
            data_hbm.at[pl.ds(r0, B)], row_v.at[p], sem_d.at[p])]
        if with_idx:
            cps.append(pltpu.make_async_copy(
                index_hbm.at[pl.ds(r0, B)], idx_v.at[pl.ds(p * (B + L), B)],
                sem_i.at[p]))
        return cps

    def start_in(b, with_idx):
        for cp in in_copies(b, with_idx):
            cp.start()

    def wait_in(b, with_idx):
        for cp in in_copies(b, with_idx):
            cp.wait()

    def stage(b, prev_blk, with_idx):
        @pl.when(b != prev_blk)
        def _():
            wait_in(b, with_idx)

        @pl.when(jnp.logical_and(b != prev_blk, b + 1 < blk_hi))
        def _():
            start_in(b + 1, with_idx)

    def load_row(p, i):
        return tuple(row_v[p, i, pl.ds(c * L, L)] for c in range(C))

    def read_rstart(j):
        return rstart_v[pl.ds(j * L, L)][0]

    def p1_block(b, carry):
        r0 = b * B
        p = lax.rem(b, 3)
        lo_i = jnp.maximum(row_lo - r0, 0)
        hi_i = jnp.maximum(jnp.minimum(row_hi - r0, B), lo_i)
        stage(b, b - 1, True)

        def row_fn(i, c_):
            n, cur_s = c_[0], c_[1]
            m = c_[2:]
            s = idx_v[pl.ds(p * (B + L) + i, L)][0]
            changed = s != cur_s
            n2 = jnp.where(changed, n + 1, n)
            dst_s = jnp.where(changed, n2, 0)
            rstart_v[pl.ds(dst_s * L, L)] = \
                jnp.zeros((L,), jnp.int32) + (r0 + i)
            v = load_row(p, i)
            m2 = tuple(
                jnp.where(changed, v[c], jnp.minimum(m[c], v[c]))
                for c in range(C))
            for c in range(C):
                runmin_v[n2, pl.ds(c * L, L)] = m2[c]
            return (n2, s) + m2

        return lax.fori_loop(lo_i, hi_i, row_fn, carry)

    @pl.when(blk_lo < blk_hi)
    def _():
        start_in(blk_lo, True)

    fin = lax.fori_loop(blk_lo, blk_hi, p1_block,
                        (jnp.int32(0), jnp.int32(-1)) + zeros)
    n_runs = fin[0]
    rstart_v[pl.ds((n_runs + 1) * L, L)] = jnp.zeros((L,), jnp.int32) + row_hi

    def p2_run(j, cur_blk):
        start = read_rstart(j)
        end = read_rstart(j + 1)
        m = tuple(runmin_v[j, pl.ds(c * L, L)] for c in range(C))
        b0 = start // B
        b1 = (end + B - 1) // B

        def piece(b, carry):
            prev_blk = carry[0]
            a = carry[1:]
            stage(b, prev_blk, False)
            p = lax.rem(b, 3)

            r0 = b * B
            lo_i = jnp.maximum(start - r0, 0)
            hi_i = jnp.minimum(end - r0, B)

            def row_fn(i, a_):
                v = load_row(p, i)
                return tuple(
                    a_[c] + (jnp.exp(v[c] - m[c]) + EPS) for c in range(C))

            a2 = lax.fori_loop(lo_i, hi_i, row_fn, a)
            return (b,) + a2

        fin2 = lax.fori_loop(b0, b1, piece, (cur_blk,) + zeros)
        a = fin2[1:]
        for c in range(C):
            runrcp_v[j, pl.ds(c * L, L)] = 1.0 / a[c]
        return fin2[0]

    @pl.when(blk_lo < blk_hi)
    def _():
        start_in(blk_lo, False)

    lax.fori_loop(1, n_runs + 1, p2_run, jnp.int32(-1))

    def is_full(blk):
        r0 = blk * B
        return jnp.logical_and(r0 >= row_lo, r0 + B <= row_hi)

    def out_copy(blk):
        p = lax.rem(blk, 3)
        return pltpu.make_async_copy(
            row_v.at[p], out_hbm.at[pl.ds(blk * B, B)], sem_o.at[p])

    def wb_edge(blk):
        r0 = blk * B
        p = lax.rem(blk, 3)
        lo_i = jnp.maximum(row_lo - r0, 0)
        hi_i = jnp.maximum(jnp.minimum(row_hi - r0, B), lo_i)

        def tail_row(i, _):
            pltpu.sync_copy(row_v.at[p, pl.ds(i, 1)],
                            out_hbm.at[pl.ds(r0 + i, 1)])
            return 0
        lax.fori_loop(lo_i, hi_i, tail_row, 0)

    def p3_run(j, cur_blk):
        start = read_rstart(j)
        end = read_rstart(j + 1)
        m = tuple(runmin_v[j, pl.ds(c * L, L)] for c in range(C))
        rc = tuple(runrcp_v[j, pl.ds(c * L, L)] for c in range(C))
        b0 = start // B
        b1 = (end + B - 1) // B

        def piece(b, prev_blk):
            newb = b != prev_blk
            has_prev = jnp.logical_and(newb, prev_blk >= 0)

            @pl.when(jnp.logical_and(has_prev, is_full(prev_blk)))
            def _():
                out_copy(prev_blk).start()

            @pl.when(jnp.logical_and(has_prev,
                                     jnp.logical_not(is_full(prev_blk))))
            def _():
                wb_edge(prev_blk)

            @pl.when(newb)
            def _():
                wait_in(b, False)

            pref = jnp.logical_and(newb, b + 1 < blk_hi)

            @pl.when(jnp.logical_and(pref,
                                     jnp.logical_and(b - 2 >= blk_lo,
                                                     is_full(b - 2))))
            def _():
                out_copy(b - 2).wait()

            @pl.when(pref)
            def _():
                start_in(b + 1, False)

            p = lax.rem(b, 3)
            r0 = b * B
            lo_i = jnp.maximum(start - r0, 0)
            hi_i = jnp.minimum(end - r0, B)

            def row_fn(i, z):
                v = load_row(p, i)
                for c in range(C):
                    row_v[p, i, pl.ds(c * L, L)] = \
                        (jnp.exp(v[c] - m[c]) + EPS) * rc[c]
                return z

            lax.fori_loop(lo_i, hi_i, row_fn, 0)
            return b

        return lax.fori_loop(b0, b1, piece, cur_blk)

    @pl.when(blk_lo < blk_hi)
    def _():
        start_in(blk_lo, False)

    last_blk = lax.fori_loop(1, n_runs + 1, p3_run, jnp.int32(-1))

    def drain(blk):
        @pl.when(jnp.logical_and(last_blk >= 0,
                                 jnp.logical_and(blk >= blk_lo,
                                                 is_full(blk))))
        def _():
            out_copy(blk).wait()

    drain(last_blk - 2)
    drain(last_blk - 1)

    @pl.when(jnp.logical_and(last_blk >= 0, is_full(last_blk)))
    def _():
        p = lax.rem(last_blk, 3)
        pltpu.sync_copy(row_v.at[p], out_hbm.at[pl.ds(last_blk * B, B)])

    @pl.when(jnp.logical_and(last_blk >= 0,
                             jnp.logical_not(is_full(last_blk))))
    def _():
        wb_edge(last_blk)


@jax.jit
def _run(data, index_i32, bounds):
    mesh = plsc.VectorSubcoreMesh(core_axis_name="c", subcore_axis_name="s")
    f = pl.kernel(
        _body,
        mesh=mesh,
        out_type=jax.ShapeDtypeStruct((N_ROWS, D), jnp.float32),
        scratch_types=[
            pltpu.VMEM((3, B, D), jnp.float32),
            pltpu.VMEM((3 * (B + L),), jnp.int32),
            pltpu.VMEM((MAX_RUNS + 1, D), jnp.float32),
            pltpu.VMEM((MAX_RUNS + 1, D), jnp.float32),
            pltpu.VMEM(((MAX_RUNS + 2) * L,), jnp.int32),
            pltpu.VMEM((N_BOUNDS,), jnp.int32),
            pltpu.SemaphoreType.DMA((3,)),
            pltpu.SemaphoreType.DMA((3,)),
            pltpu.SemaphoreType.DMA((3,)),
        ],
    )
    return f(data, index_i32, bounds)


def kernel(data, index):
    index = index.astype(jnp.int32)
    targets = jnp.arange(NW + 1, dtype=jnp.int32) * SEG_PER_W
    bounds = jnp.searchsorted(index, targets, side="left").astype(jnp.int32)
    bounds = jnp.concatenate(
        [bounds, jnp.zeros((N_BOUNDS - NW - 1,), jnp.int32)])
    return _run(data, index, bounds)

# --- scband reference (transcript-rebuilt; emitter-appended) ---
"""Pipeline reference for scband-soft-max-custom-46248207843553 (READ-ONLY COPY).

The authoritative reference and input builder live on the scoring server;
editing this copy changes nothing except your own understanding.
"""

import jax, jax.numpy as jnp
import numpy as np

NUM_SEGMENTS = 10000
EPS = 1e-05

def setup_inputs(seed: int = 0) -> dict:
    key = jax.random.key(seed)
    k_data, k_idx = jax.random.split(key)
    data = jax.random.normal(k_data, (320000, 128), dtype=jnp.float32)
    index = jnp.sort(jax.random.randint(k_idx, (320000,), 0, NUM_SEGMENTS, dtype=jnp.int64))
    return {"data": data, "index": index}

def reference(data, index):
    # Faithful translation of SoftMaxCustom.forward (note: original uses reduce='min'
    # despite the variable name max_data; we preserve that behavior).
    max_data = jax.ops.segment_min(data, index, num_segments=NUM_SEGMENTS)
    data_exp = jnp.exp(data - max_data[index]) + EPS
    under = jax.ops.segment_sum(data_exp, index, num_segments=NUM_SEGMENTS)
    output = data_exp / under[index]
    return output

if __name__ == "__main__":
    import jax
    _d = setup_inputs()
    print(jax.jit(kernel)(*tuple(_d.values())))

</pallas_src>

<mosaic_0001>
#map = affine_map<(d0, d1) -> (0, 0)>
#map1 = affine_map<(d0, d1) -> (0)>
module attributes {stable_mosaic.version = 14 : i64} {
  func.func @_body(%arg0: i32, %arg1: i32, %arg2: memref<320000x128xf32, #tpu.memory_space<hbm>>, %arg3: memref<320000xi32, #tpu.memory_space<hbm>>, %arg4: memref<48xi32, #tpu.memory_space<hbm>>, %arg5: memref<320000x128xf32, #tpu.memory_space<hbm>>, %arg6: memref<3x80x128xf32, #tpu.memory_space<vmem>>, %arg7: memref<288xi32, #tpu.memory_space<vmem>>, %arg8: memref<315x128xf32, #tpu.memory_space<vmem>>, %arg9: memref<315x128xf32, #tpu.memory_space<vmem>>, %arg10: memref<5056xi32, #tpu.memory_space<vmem>>, %arg11: memref<48xi32, #tpu.memory_space<vmem>>, %arg12: memref<3x!tpu.dma_semaphore, #tpu.memory_space<semaphore_mem>>, %arg13: memref<3x!tpu.dma_semaphore, #tpu.memory_space<semaphore_mem>>, %arg14: memref<3x!tpu.dma_semaphore, #tpu.memory_space<semaphore_mem>>) attributes {dimension_semantics = [#tpu.dimension_semantics<core_parallel>, #tpu.dimension_semantics<subcore_parallel>], iteration_bounds = array<i64: 2, 16>, scalar_prefetch = 0 : i64, scratch_operands = 9 : i64, tpu.core_type = #tpu.core_type<sc_vector_subcore>, window_params = [{transform_indices = #map}, {transform_indices = #map1}, {transform_indices = #map1}, {transform_indices = #map}]} {
    %mul3A = arith.constant 2 : i32
    %mul3A_0 = arith.muli %arg1, %mul3A : i32
    %add3A = arith.addi %mul3A_0, %arg0 : i32
    "tpu.region"() ({
      %run_scoped3A = tpu.sem_alloc : memref<!tpu.dma_semaphore, #tpu.memory_space<semaphore_mem>>
      tpu.enqueue_dma source(%arg4 : memref<48xi32, #tpu.memory_space<hbm>>) target(%arg11 : memref<48xi32, #tpu.memory_space<vmem>>) target_semaphore(%run_scoped3A : memref<!tpu.dma_semaphore, #tpu.memory_space<semaphore_mem>>)
      tpu.wait_dma2 semaphore(%run_scoped3A : memref<!tpu.dma_semaphore, #tpu.memory_space<semaphore_mem>>) src(%arg4 : memref<48xi32, #tpu.memory_space<hbm>>) dst(%arg11 : memref<48xi32, #tpu.memory_space<vmem>>)
      tpu.yield
    }) : () -> ()
    %get3A = arith.index_cast %add3A : i32 to index
    %get3A_1 = tpu.vector_load %arg11[%get3A] {strides = array<i32>} : memref<48xi32, #tpu.memory_space<vmem>>, vector<16xi32>,
    %get3A_2 = vector.shape_cast %get3A_1 : vector<16xi32> to vector<16xi32>
    %slice3A = vector.extract_strided_slice %get3A_2 {offsets = [0], sizes = [1], strides = [1]} : vector<16xi32> to vector<1xi32>
    %squeeze3A = vector.extract %slice3A[0] : i32 from vector<1xi32>
    %slice3A_3 = vector.extract_strided_slice %get3A_2 {offsets = [1], sizes = [1], strides = [1]} : vector<16xi32> to vector<1xi32>
    %squeeze3A_4 = vector.extract %slice3A_3[0] : i32 from vector<1xi32>
    %jit3A = arith.constant 80 : i32
    %div3A = arith.divsi %squeeze3A, %jit3A : i32
    %sign3A = arith.constant 0 : i32
    %sign3A_5 = arith.cmpi sgt, %squeeze3A, %sign3A : i32
    %sign3A_6 = arith.extui %sign3A_5 : i1 to i32
    %sign3A_7 = arith.constant 0 : i32
    %sign3A_8 = arith.cmpi slt, %squeeze3A, %sign3A_7 : i32
    %sign3A_9 = arith.extui %sign3A_8 : i1 to i32
    %sign3A_10 = arith.subi %sign3A_6, %sign3A_9 : i32
    %sign3A_11 = arith.constant 0 : i32
    %sign3A_12 = arith.cmpi sgt, %jit3A, %sign3A_11 : i32
    %sign3A_13 = arith.extui %sign3A_12 : i1 to i32
    %sign3A_14 = arith.constant 0 : i32
    %sign3A_15 = arith.cmpi slt, %jit3A, %sign3A_14 : i32
    %sign3A_16 = arith.extui %sign3A_15 : i1 to i32
    %sign3A_17 = arith.subi %sign3A_13, %sign3A_16 : i32
    %ne3A = arith.cmpi ne, %sign3A_10, %sign3A_17 : i32
    %rem3A = arith.remsi %squeeze3A, %jit3A : i32
    %ne3A_18 = arith.constant 0 : i32
    %ne3A_19 = arith.cmpi ne, %rem3A, %ne3A_18 : i32
    %and3A = arith.andi %ne3A, %ne3A_19 : i1
    %sub3A = arith.constant 1 : i32
    %sub3A_20 = arith.subi %div3A, %sub3A : i32
    %select_n3A = arith.select %and3A, %sub3A_20, %div3A : i32
    %add3A_21 = arith.constant 80 : i32
    %add3A_22 = arith.addi %squeeze3A_4, %add3A_21 : i32
    %sub3A_23 = arith.constant 1 : i32
    %sub3A_24 = arith.subi %add3A_22, %sub3A_23 : i32
    %jit3A_25 = arith.constant 80 : i32
    %div3A_26 = arith.divsi %sub3A_24, %jit3A_25 : i32
    %sign3A_27 = arith.constant 0 : i32
    %sign3A_28 = arith.cmpi sgt, %sub3A_24, %sign3A_27 : i32
    %sign3A_29 = arith.extui %sign3A_28 : i1 to i32
    %sign3A_30 = arith.constant 0 : i32
    %sign3A_31 = arith.cmpi slt, %sub3A_24, %sign3A_30 : i32
    %sign3A_32 = arith.extui %sign3A_31 : i1 to i32
    %sign3A_33 = arith.subi %sign3A_29, %sign3A_32 : i32
    %sign3A_34 = arith.constant 0 : i32
    %sign3A_35 = arith.cmpi sgt, %jit3A_25, %sign3A_34 : i32
    %sign3A_36 = arith.extui %sign3A_35 : i1 to i32
    %sign3A_37 = arith.constant 0 : i32
    %sign3A_38 = arith.cmpi slt, %jit3A_25, %sign3A_37 : i32
    %sign3A_39 = arith.extui %sign3A_38 : i1 to i32
    %sign3A_40 = arith.subi %sign3A_36, %sign3A_39 : i32
    %ne3A_41 = arith.cmpi ne, %sign3A_33, %sign3A_40 : i32
    %rem3A_42 = arith.remsi %sub3A_24, %jit3A_25 : i32
    %ne3A_43 = arith.constant 0 : i32
    %ne3A_44 = arith.cmpi ne, %rem3A_42, %ne3A_43 : i32
    %and3A_45 = arith.andi %ne3A_41, %ne3A_44 : i1
    %sub3A_46 = arith.constant 1 : i32
    %sub3A_47 = arith.subi %div3A_26, %sub3A_46 : i32
    %select_n3A_48 = arith.select %and3A_45, %sub3A_47, %div3A_26 : i32
    %broadcast_in_dim3A = arith.constant 0.000000e+00 : f32
    %broadcast_in_dim3A_49 = vector.broadcast %broadcast_in_dim3A : f32 to vector<16xf32>
    %lt3A = arith.cmpi slt, %select_n3A, %select_n3A_48 : i32
    %convert_element_type3A = arith.extui %lt3A : i1 to i32
    %cond3A = arith.constant 0 : i32
    %cond3A_50 = arith.cmpi ne, %convert_element_type3A, %cond3A : i32
    scf.if %cond3A_50 {
      %rem3A_168 = arith.constant 3 : i32
      %rem3A_169 = arith.remsi %select_n3A, %rem3A_168 : i32
      %mul3A_170 = arith.constant 80 : i32
      %mul3A_171 = arith.muli %select_n3A, %mul3A_170 : i32
      %mul3A_172 = arith.constant 96 : i32
      %mul3A_173 = arith.muli %rem3A_169, %mul3A_172 : i32
      %dma_start3A = arith.constant 0 : i32
      %dma_start3A_174 = arith.constant 0 : i32
      %dma_start3A_175 = tpu.memref_slice %arg6[%rem3A_169, %dma_start3A, %dma_start3A_174] : memref<3x80x128xf32, #tpu.memory_space<vmem>> -> memref<1x80x128xf32, #tpu.memory_space<vmem>>
      %dma_start3A_176 = tpu.memref_squeeze %dma_start3A_175 : memref<1x80x128xf32, #tpu.memory_space<vmem>> -> memref<80x128xf32, #tpu.memory_space<vmem>>
      %dma_start3A_177 = arith.constant 0 : i32
      %dma_start3A_178 = tpu.memref_slice %arg2[%mul3A_171, %dma_start3A_177] : memref<320000x128xf32, #tpu.memory_space<hbm>> -> memref<80x128xf32, #tpu.memory_space<hbm>>
      %dma_start3A_179 = tpu.memref_slice %arg12[%rem3A_169] : memref<3x!tpu.dma_semaphore, #tpu.memory_space<semaphore_mem>> -> memref<1x!tpu.dma_semaphore, #tpu.memory_space<semaphore_mem>>
      %dma_start3A_180 = tpu.memref_squeeze %dma_start3A_179 : memref<1x!tpu.dma_semaphore, #tpu.memory_space<semaphore_mem>> -> memref<!tpu.dma_semaphore, #tpu.memory_space<semaphore_mem>>
      %dma_start3A_181 = arith.constant 0 : i32
      %dma_start3A_182 = arith.constant 0 : i32
      %dma_start3A_183 = tpu.memref_slice %arg6[%rem3A_169, %dma_start3A_181, %dma_start3A_182] : memref<3x80x128xf32, #tpu.memory_space<vmem>> -> memref<1x80x128xf32, #tpu.memory_space<vmem>>
      %dma_start3A_184 = tpu.memref_squeeze %dma_start3A_183 : memref<1x80x128xf32, #tpu.memory_space<vmem>> -> memref<80x128xf32, #tpu.memory_space<vmem>>
      %dma_start3A_185 = arith.constant 0 : i32
      %dma_start3A_186 = tpu.memref_slice %arg2[%mul3A_171, %dma_start3A_185] : memref<320000x128xf32, #tpu.memory_space<hbm>> -> memref<80x128xf32, #tpu.memory_space<hbm>>
      tpu.enqueue_dma source(%dma_start3A_186 : memref<80x128xf32, #tpu.memory_space<hbm>>) target(%dma_start3A_184 : memref<80x128xf32, #tpu.memory_space<vmem>>) target_semaphore(%dma_start3A_180 : memref<!tpu.dma_semaphore, #tpu.memory_space<semaphore_mem>>)
      %dma_start3A_187 = tpu.memref_slice %arg7[%mul3A_173] : memref<288xi32, #tpu.memory_space<vmem>> -> memref<80xi32, #tpu.memory_space<vmem>>
      %dma_start3A_188 = tpu.memref_slice %arg3[%mul3A_171] : memref<320000xi32, #tpu.memory_space<hbm>> -> memref<80xi32, #tpu.memory_space<hbm>>
      %dma_start3A_189 = tpu.memref_slice %arg13[%rem3A_169] : memref<3x!tpu.dma_semaphore, #tpu.memory_space<semaphore_mem>> -> memref<1x!tpu.dma_semaphore, #tpu.memory_space<semaphore_mem>>
      %dma_start3A_190 = tpu.memref_squeeze %dma_start3A_189 : memref<1x!tpu.dma_semaphore, #tpu.memory_space<semaphore_mem>> -> memref<!tpu.dma_semaphore, #tpu.memory_space<semaphore_mem>>
      %dma_start3A_191 = tpu.memref_slice %arg7[%mul3A_173] : memref<288xi32, #tpu.memory_space<vmem>> -> memref<80xi32, #tpu.memory_space<vmem>>
      %dma_start3A_192 = tpu.memref_slice %arg3[%mul3A_171] : memref<320000xi32, #tpu.memory_space<hbm>> -> memref<80xi32, #tpu.memory_space<hbm>>
      tpu.enqueue_dma source(%dma_start3A_192 : memref<80xi32, #tpu.memory_space<hbm>>) target(%dma_start3A_191 : memref<80xi32, #tpu.memory_space<vmem>>) target_semaphore(%dma_start3A_190 : memref<!tpu.dma_semaphore, #tpu.memory_space<semaphore_mem>>)
    } else {
    }
    %while3A = arith.constant 0 : i32
    %while3A_51 = arith.constant -1 : i32
    %while3A_52 = arith.subi %select_n3A_48, %select_n3A : i32
    %while3A_53 = arith.addi %select_n3A, %while3A_52 : i32
    %while3A_54 = arith.constant 1 : i32
    %while3A_55 = arith.divsi %while3A_52, %while3A_54 : i32
    %while3A_56 = arith.muli %while3A_55, %while3A_54 : i32
    %while3A_57 = arith.addi %select_n3A, %while3A_56 : i32
    %while3A_58 = arith.constant 1 : i32
    %while3A_59:10 = scf.for %while3A_168 = %select_n3A to %while3A_57 step %while3A_58 iter_args(%while3A_169 = %while3A, %while3A_170 = %while3A_51, %while3A_171 = %broadcast_in_dim3A_49, %while3A_172 = %broadcast_in_dim3A_49, %while3A_173 = %broadcast_in_dim3A_49, %while3A_174 = %broadcast_in_dim3A_49, %while3A_175 = %broadcast_in_dim3A_49, %while3A_176 = %broadcast_in_dim3A_49, %while3A_177 = %broadcast_in_dim3A_49, %while3A_178 = %broadcast_in_dim3A_49) -> (i32, i32, vector<16xf32>, vector<16xf32>, vector<16xf32>, vector<16xf32>, vector<16xf32>, vector<16xf32>, vector<16xf32>, vector<16xf32>)  : i32 {
      %mul3A_179 = arith.constant 80 : i32
      %mul3A_180 = arith.muli %while3A_168, %mul3A_179 : i32
      %rem3A_181 = arith.constant 3 : i32
      %rem3A_182 = arith.remsi %while3A_168, %rem3A_181 : i32
      %sub3A_183 = arith.subi %squeeze3A, %mul3A_180 : i32
      %max3A = arith.constant 0 : i32
      %max3A_184 = arith.maxsi %sub3A_183, %max3A : i32
      %sub3A_185 = arith.subi %squeeze3A_4, %mul3A_180 : i32
      %min3A = arith.constant 80 : i32
      %min3A_186 = arith.minsi %sub3A_185, %min3A : i32
      %max3A_187 = arith.maxsi %min3A_186, %max3A_184 : i32
      %sub3A_188 = arith.constant 1 : i32
      %sub3A_189 = arith.subi %while3A_168, %sub3A_188 : i32
      %ne3A_190 = arith.cmpi ne, %while3A_168, %sub3A_189 : i32
      %convert_element_type3A_191 = arith.extui %ne3A_190 : i1 to i32
      %cond3A_192 = arith.constant 0 : i32
      %cond3A_193 = arith.cmpi ne, %convert_element_type3A_191, %cond3A_192 : i32
      scf.if %cond3A_193 {
        %rem3A_212 = arith.constant 3 : i32
        %rem3A_213 = arith.remsi %while3A_168, %rem3A_212 : i32
        %mul3A_214 = arith.constant 80 : i32
        %mul3A_215 = arith.muli %while3A_168, %mul3A_214 : i32
        %mul3A_216 = arith.constant 96 : i32
        %mul3A_217 = arith.muli %rem3A_213, %mul3A_216 : i32
        %dma_wait3A = arith.constant 0 : i32
        %dma_wait3A_218 = arith.constant 0 : i32
        %dma_wait3A_219 = tpu.memref_slice %arg6[%rem3A_213, %dma_wait3A, %dma_wait3A_218] : memref<3x80x128xf32, #tpu.memory_space<vmem>> -> memref<1x80x128xf32, #tpu.memory_space<vmem>>
        %dma_wait3A_220 = tpu.memref_squeeze %dma_wait3A_219 : memref<1x80x128xf32, #tpu.memory_space<vmem>> -> memref<80x128xf32, #tpu.memory_space<vmem>>
        %dma_wait3A_221 = arith.constant 0 : i32
        %dma_wait3A_222 = tpu.memref_slice %arg2[%mul3A_215, %dma_wait3A_221] : memref<320000x128xf32, #tpu.memory_space<hbm>> -> memref<80x128xf32, #tpu.memory_space<hbm>>
        %dma_wait3A_223 = tpu.memref_slice %arg12[%rem3A_213] : memref<3x!tpu.dma_semaphore, #tpu.memory_space<semaphore_mem>> -> memref<1x!tpu.dma_semaphore, #tpu.memory_space<semaphore_mem>>
        %dma_wait3A_224 = tpu.memref_squeeze %dma_wait3A_223 : memref<1x!tpu.dma_semaphore, #tpu.memory_space<semaphore_mem>> -> memref<!tpu.dma_semaphore, #tpu.memory_space<semaphore_mem>>
        %dma_wait3A_225 = arith.constant 0 : i32
        %dma_wait3A_226 = arith.constant 0 : i32
        %dma_wait3A_227 = tpu.memref_slice %arg6[%rem3A_213, %dma_wait3A_225, %dma_wait3A_226] : memref<3x80x128xf32, #tpu.memory_space<vmem>> -> memref<1x80x128xf32, #tpu.memory_space<vmem>>
        %dma_wait3A_228 = tpu.memref_squeeze %dma_wait3A_227 : memref<1x80x128xf32, #tpu.memory_space<vmem>> -> memref<80x128xf32, #tpu.memory_space<vmem>>
        %dma_wait3A_229 = arith.constant 0 : i32
        %dma_wait3A_230 = tpu.memref_slice %arg2[%mul3A_215, %dma_wait3A_229] : memref<320000x128xf32, #tpu.memory_space<hbm>> -> memref<80x128xf32, #tpu.memory_space<hbm>>
        tpu.wait_dma2 semaphore(%dma_wait3A_224 : memref<!tpu.dma_semaphore, #tpu.memory_space<semaphore_mem>>) src(%dma_wait3A_230 : memref<80x128xf32, #tpu.memory_space<hbm>>) dst(%dma_wait3A_228 : memref<80x128xf32, #tpu.memory_space<vmem>>)
        %dma_wait3A_231 = tpu.memref_slice %arg7[%mul3A_217] : memref<288xi32, #tpu.memory_space<vmem>> -> memref<80xi32, #tpu.memory_space<vmem>>
        %dma_wait3A_232 = tpu.memref_slice %arg3[%mul3A_215] : memref<320000xi32, #tpu.memory_space<hbm>> -> memref<80xi32, #tpu.memory_space<hbm>>
        %dma_wait3A_233 = tpu.memref_slice %arg13[%rem3A_213] : memref<3x!tpu.dma_semaphore, #tpu.memory_space<semaphore_mem>> -> memref<1x!tpu.dma_semaphore, #tpu.memory_space<semaphore_mem>>
        %dma_wait3A_234 = tpu.memref_squeeze %dma_wait3A_233 : memref<1x!tpu.dma_semaphore, #tpu.memory_space<semaphore_mem>> -> memref<!tpu.dma_semaphore, #tpu.memory_space<semaphore_mem>>
        %dma_wait3A_235 = tpu.memref_slice %arg7[%mul3A_217] : memref<288xi32, #tpu.memory_space<vmem>> -> memref<80xi32, #tpu.memory_space<vmem>>
        %dma_wait3A_236 = tpu.memref_slice %arg3[%mul3A_215] : memref<320000xi32, #tpu.memory_space<hbm>> -> memref<80xi32, #tpu.memory_space<hbm>>
        tpu.wait_dma2 semaphore(%dma_wait3A_234 : memref<!tpu.dma_semaphore, #tpu.memory_space<semaphore_mem>>) src(%dma_wait3A_236 : memref<80xi32, #tpu.memory_space<hbm>>) dst(%dma_wait3A_235 : memref<80xi32, #tpu.memory_space<vmem>>)
      } else {
      }
      %ne3A_194 = arith.cmpi ne, %while3A_168, %sub3A_189 : i32
      %add3A_195 = arith.constant 1 : i32
      %add3A_196 = arith.addi %while3A_168, %add3A_195 : i32
      %lt3A_197 = arith.cmpi slt, %add3A_196, %select_n3A_48 : i32
      %and3A_198 = arith.andi %ne3A_194, %lt3A_197 : i1
      %convert_element_type3A_199 = arith.extui %and3A_198 : i1 to i32
      %cond3A_200 = arith.constant 0 : i32
      %cond3A_201 = arith.cmpi ne, %convert_element_type3A_199, %cond3A_200 : i32
      scf.if %cond3A_201 {
        %add3A_212 = arith.constant 1 : i32
        %add3A_213 = arith.addi %while3A_168, %add3A_212 : i32
        %rem3A_214 = arith.constant 3 : i32
        %rem3A_215 = arith.remsi %add3A_213, %rem3A_214 : i32
        %mul3A_216 = arith.constant 80 : i32
        %mul3A_217 = arith.muli %add3A_213, %mul3A_216 : i32
        %mul3A_218 = arith.constant 96 : i32
        %mul3A_219 = arith.muli %rem3A_215, %mul3A_218 : i32
        %dma_start3A = arith.constant 0 : i32
        %dma_start3A_220 = arith.constant 0 : i32
        %dma_start3A_221 = tpu.memref_slice %arg6[%rem3A_215, %dma_start3A, %dma_start3A_220] : memref<3x80x128xf32, #tpu.memory_space<vmem>> -> memref<1x80x128xf32, #tpu.memory_space<vmem>>
        %dma_start3A_222 = tpu.memref_squeeze %dma_start3A_221 : memref<1x80x128xf32, #tpu.memory_space<vmem>> -> memref<80x128xf32, #tpu.memory_space<vmem>>
        %dma_start3A_223 = arith.constant 0 : i32
        %dma_start3A_224 = tpu.memref_slice %arg2[%mul3A_217, %dma_start3A_223] : memref<320000x128xf32, #tpu.memory_space<hbm>> -> memref<80x128xf32, #tpu.memory_space<hbm>>
        %dma_start3A_225 = tpu.memref_slice %arg12[%rem3A_215] : memref<3x!tpu.dma_semaphore, #tpu.memory_space<semaphore_mem>> -> memref<1x!tpu.dma_semaphore, #tpu.memory_space<semaphore_mem>>
        %dma_start3A_226 = tpu.memref_squeeze %dma_start3A_225 : memref<1x!tpu.dma_semaphore, #tpu.memory_space<semaphore_mem>> -> memref<!tpu.dma_semaphore, #tpu.memory_space<semaphore_mem>>
        %dma_start3A_227 = arith.constant 0 : i32
        %dma_start3A_228 = arith.constant 0 : i32
        %dma_start3A_229 = tpu.memref_slice %arg6[%rem3A_215, %dma_start3A_227, %dma_start3A_228] : memref<3x80x128xf32, #tpu.memory_space<vmem>> -> memref<1x80x128xf32, #tpu.memory_space<vmem>>
        %dma_start3A_230 = tpu.memref_squeeze %dma_start3A_229 : memref<1x80x128xf32, #tpu.memory_space<vmem>> -> memref<80x128xf32, #tpu.memory_space<vmem>>
        %dma_start3A_231 = arith.constant 0 : i32
        %dma_start3A_232 = tpu.memref_slice %arg2[%mul3A_217, %dma_start3A_231] : memref<320000x128xf32, #tpu.memory_space<hbm>> -> memref<80x128xf32, #tpu.memory_space<hbm>>
        tpu.enqueue_dma source(%dma_start3A_232 : memref<80x128xf32, #tpu.memory_space<hbm>>) target(%dma_start3A_230 : memref<80x128xf32, #tpu.memory_space<vmem>>) target_semaphore(%dma_start3A_226 : memref<!tpu.dma_semaphore, #tpu.memory_space<semaphore_mem>>)
        %dma_start3A_233 = tpu.memref_slice %arg7[%mul3A_219] : memref<288xi32, #tpu.memory_space<vmem>> -> memref<80xi32, #tpu.memory_space<vmem>>
        %dma_start3A_234 = tpu.memref_slice %arg3[%mul3A_217] : memref<320000xi32, #tpu.memory_space<hbm>> -> memref<80xi32, #tpu.memory_space<hbm>>
        %dma_start3A_235 = tpu.memref_slice %arg13[%rem3A_215] : memref<3x!tpu.dma_semaphore, #tpu.memory_space<semaphore_mem>> -> memref<1x!tpu.dma_semaphore, #tpu.memory_space<semaphore_mem>>
        %dma_start3A_236 = tpu.memref_squeeze %dma_start3A_235 : memref<1x!tpu.dma_semaphore, #tpu.memory_space<semaphore_mem>> -> memref<!tpu.dma_semaphore, #tpu.memory_space<semaphore_mem>>
        %dma_start3A_237 = tpu.memref_slice %arg7[%mul3A_219] : memref<288xi32, #tpu.memory_space<vmem>> -> memref<80xi32, #tpu.memory_space<vmem>>
        %dma_start3A_238 = tpu.memref_slice %arg3[%mul3A_217] : memref<320000xi32, #tpu.memory_space<hbm>> -> memref<80xi32, #tpu.memory_space<hbm>>
        tpu.enqueue_dma source(%dma_start3A_238 : memref<80xi32, #tpu.memory_space<hbm>>) target(%dma_start3A_237 : memref<80xi32, #tpu.memory_space<vmem>>) target_semaphore(%dma_start3A_236 : memref<!tpu.dma_semaphore, #tpu.memory_space<semaphore_mem>>)
      } else {
      }
      %while3A_202 = arith.subi %max3A_187, %max3A_184 : i32
      %while3A_203 = arith.addi %max3A_184, %while3A_202 : i32
      %while3A_204 = arith.constant 1 : i32
      %while3A_205 = arith.divsi %while3A_202, %while3A_204 : i32
      %while3A_206 = arith.muli %while3A_205, %while3A_204 : i32
      %while3A_207 = arith.addi %max3A_184, %while3A_206 : i32
      %while3A_208 = arith.constant 1 : i32
      %while3A_209:10 = scf.for %while3A_212 = %max3A_184 to %while3A_207 step %while3A_208 iter_args(%while3A_213 = %while3A_169, %while3A_214 = %while3A_170, %while3A_215 = %while3A_171, %while3A_216 = %while3A_172, %while3A_217 = %while3A_173, %while3A_218 = %while3A_174, %while3A_219 = %while3A_175, %while3A_220 = %while3A_176, %while3A_221 = %while3A_177, %while3A_222 = %while3A_178) -> (i32, i32, vector<16xf32>, vector<16xf32>, vector<16xf32>, vector<16xf32>, vector<16xf32>, vector<16xf32>, vector<16xf32>, vector<16xf32>)  : i32 {
        %mul3A_223 = arith.constant 96 : i32
        %mul3A_224 = arith.muli %rem3A_182, %mul3A_223 : i32
        %add3A_225 = arith.addi %mul3A_224, %while3A_212 : i32
        %get3A_226 = arith.index_cast %add3A_225 : i32 to index
        %get3A_227 = tpu.vector_load %arg7[%get3A_226] {strides = array<i32>} : memref<288xi32, #tpu.memory_space<vmem>>, vector<16xi32>,
        %get3A_228 = vector.shape_cast %get3A_227 : vector<16xi32> to vector<16xi32>
        %slice3A_229 = vector.extract_strided_slice %get3A_228 {offsets = [0], sizes = [1], strides = [1]} : vector<16xi32> to vector<1xi32>
        %squeeze3A_230 = vector.extract %slice3A_229[0] : i32 from vector<1xi32>
        %ne3A_231 = arith.cmpi ne, %squeeze3A_230, %while3A_214 : i32
        %add3A_232 = arith.constant 1 : i32
        %add3A_233 = arith.addi %while3A_213, %add3A_232 : i32
        %select_n3A_234 = arith.select %ne3A_231, %add3A_233, %while3A_213 : i32
        %jit3A_235 = arith.constant 0 : i32
        %select_n3A_236 = arith.select %ne3A_231, %select_n3A_234, %jit3A_235 : i32
        %broadcast_in_dim3A_237 = arith.constant 0 : i32
        %broadcast_in_dim3A_238 = vector.broadcast %broadcast_in_dim3A_237 : i32 to vector<16xi32>
        %add3A_239 = arith.addi %mul3A_180, %while3A_212 : i32
        %add3A_240 = vector.broadcast %add3A_239 : i32 to vector<16xi32>
        %add3A_241 = arith.addi %broadcast_in_dim3A_238, %add3A_240 : vector<16xi32>
        %mul3A_242 = arith.constant 16 : i32
        %mul3A_243 = arith.muli %select_n3A_236, %mul3A_242 : i32
        %swap3A_244 = arith.index_cast %mul3A_243 : i32 to index
        %swap3A_245 = tpu.vector_load %arg10[%swap3A_244] {strides = array<i32>} : memref<5056xi32, #tpu.memory_space<vmem>>, vector<16xi32>,
        %swap3A_246 = vector.shape_cast %swap3A_245 : vector<16xi32> to vector<16xi32>
        %swap3A_247 = vector.shape_cast %add3A_241 : vector<16xi32> to vector<16xi32>
        tpu.vector_store %arg10[%swap3A_244], %swap3A_247 {strides = array<i32>} : memref<5056xi32, #tpu.memory_space<vmem>>, vector<16xi32>,
        %get3A_248 = arith.index_cast %rem3A_182 : i32 to index
        %get3A_249 = arith.index_cast %while3A_212 : i32 to index
        %get3A_250 = arith.constant 0 : index
        %get3A_251 = tpu.vector_load %arg6[%get3A_248, %get3A_249, %get3A_250] {strides = array<i32>} : memref<3x80x128xf32, #tpu.memory_space<vmem>>, vector<1x1x16xf32>,
        %get3A_252 = vector.shape_cast %get3A_251 : vector<1x1x16xf32> to vector<16xf32>
        %get3A_253 = arith.index_cast %rem3A_182 : i32 to index
        %get3A_254 = arith.index_cast %while3A_212 : i32 to index
        %get3A_255 = arith.constant 16 : index
        %get3A_256 = tpu.vector_load %arg6[%get3A_253, %get3A_254, %get3A_255] {strides = array<i32>} : memref<3x80x128xf32, #tpu.memory_space<vmem>>, vector<1x1x16xf32>,
        %get3A_257 = vector.shape_cast %get3A_256 : vector<1x1x16xf32> to vector<16xf32>
        %get3A_258 = arith.index_cast %rem3A_182 : i32 to index
        %get3A_259 = arith.index_cast %while3A_212 : i32 to index
        %get3A_260 = arith.constant 32 : index
        %get3A_261 = tpu.vector_load %arg6[%get3A_258, %get3A_259, %get3A_260] {strides = array<i32>} : memref<3x80x128xf32, #tpu.memory_space<vmem>>, vector<1x1x16xf32>,
        %get3A_262 = vector.shape_cast %get3A_261 : vector<1x1x16xf32> to vector<16xf32>
        %get3A_263 = arith.index_cast %rem3A_182 : i32 to index
        %get3A_264 = arith.index_cast %while3A_212 : i32 to index
        %get3A_265 = arith.constant 48 : index
        %get3A_266 = tpu.vector_load %arg6[%get3A_263, %get3A_264, %get3A_265] {strides = array<i32>} : memref<3x80x128xf32, #tpu.memory_space<vmem>>, vector<1x1x16xf32>,
        %get3A_267 = vector.shape_cast %get3A_266 : vector<1x1x16xf32> to vector<16xf32>
        %get3A_268 = arith.index_cast %rem3A_182 : i32 to index
        %get3A_269 = arith.index_cast %while3A_212 : i32 to index
        %get3A_270 = arith.constant 64 : index
        %get3A_271 = tpu.vector_load %arg6[%get3A_268, %get3A_269, %get3A_270] {strides = array<i32>} : memref<3x80x128xf32, #tpu.memory_space<vmem>>, vector<1x1x16xf32>,
        %get3A_272 = vector.shape_cast %get3A_271 : vector<1x1x16xf32> to vector<16xf32>
        %get3A_273 = arith.index_cast %rem3A_182 : i32 to index
        %get3A_274 = arith.index_cast %while3A_212 : i32 to index
        %get3A_275 = arith.constant 80 : index
        %get3A_276 = tpu.vector_load %arg6[%get3A_273, %get3A_274, %get3A_275] {strides = array<i32>} : memref<3x80x128xf32, #tpu.memory_space<vmem>>, vector<1x1x16xf32>,
        %get3A_277 = vector.shape_cast %get3A_276 : vector<1x1x16xf32> to vector<16xf32>
        %get3A_278 = arith.index_cast %rem3A_182 : i32 to index
        %get3A_279 = arith.index_cast %while3A_212 : i32 to index
        %get3A_280 = arith.constant 96 : index
        %get3A_281 = tpu.vector_load %arg6[%get3A_278, %get3A_279, %get3A_280] {strides = array<i32>} : memref<3x80x128xf32, #tpu.memory_space<vmem>>, vector<1x1x16xf32>,
        %get3A_282 = vector.shape_cast %get3A_281 : vector<1x1x16xf32> to vector<16xf32>
        %get3A_283 = arith.index_cast %rem3A_182 : i32 to index
        %get3A_284 = arith.index_cast %while3A_212 : i32 to index
        %get3A_285 = arith.constant 112 : index
        %get3A_286 = tpu.vector_load %arg6[%get3A_283, %get3A_284, %get3A_285] {strides = array<i32>} : memref<3x80x128xf32, #tpu.memory_space<vmem>>, vector<1x1x16xf32>,
        %get3A_287 = vector.shape_cast %get3A_286 : vector<1x1x16xf32> to vector<16xf32>
        %min3A_288 = arith.minimumf %while3A_215, %get3A_252 : vector<16xf32>
        %select_n3A_289 = arith.select %ne3A_231, %get3A_252, %min3A_288 : vector<16xf32>
        %min3A_290 = arith.minimumf %while3A_216, %get3A_257 : vector<16xf32>
        %select_n3A_291 = arith.select %ne3A_231, %get3A_257, %min3A_290 : vector<16xf32>
        %min3A_292 = arith.minimumf %while3A_217, %get3A_262 : vector<16xf32>
        %select_n3A_293 = arith.select %ne3A_231, %get3A_262, %min3A_292 : vector<16xf32>
        %min3A_294 = arith.minimumf %while3A_218, %get3A_267 : vector<16xf32>
        %select_n3A_295 = arith.select %ne3A_231, %get3A_267, %min3A_294 : vector<16xf32>
        %min3A_296 = arith.minimumf %while3A_219, %get3A_272 : vector<16xf32>
        %select_n3A_297 = arith.select %ne3A_231, %get3A_272, %min3A_296 : vector<16xf32>
        %min3A_298 = arith.minimumf %while3A_220, %get3A_277 : vector<16xf32>
        %select_n3A_299 = arith.select %ne3A_231, %get3A_277, %min3A_298 : vector<16xf32>
        %min3A_300 = arith.minimumf %while3A_221, %get3A_282 : vector<16xf32>
        %select_n3A_301 = arith.select %ne3A_231, %get3A_282, %min3A_300 : vector<16xf32>
        %min3A_302 = arith.minimumf %while3A_222, %get3A_287 : vector<16xf32>
        %select_n3A_303 = arith.select %ne3A_231, %get3A_287, %min3A_302 : vector<16xf32>
        %swap3A_304 = arith.index_cast %select_n3A_234 : i32 to index
        %swap3A_305 = arith.constant 0 : index
        %swap3A_306 = tpu.vector_load %arg8[%swap3A_304, %swap3A_305] {strides = array<i32>} : memref<315x128xf32, #tpu.memory_space<vmem>>, vector<1x16xf32>,
        %swap3A_307 = vector.shape_cast %swap3A_306 : vector<1x16xf32> to vector<16xf32>
        %swap3A_308 = vector.shape_cast %select_n3A_289 : vector<16xf32> to vector<1x16xf32>
        tpu.vector_store %arg8[%swap3A_304, %swap3A_305], %swap3A_308 {strides = array<i32>} : memref<315x128xf32, #tpu.memory_space<vmem>>, vector<1x16xf32>,
        %swap3A_309 = arith.index_cast %select_n3A_234 : i32 to index
        %swap3A_310 = arith.constant 16 : index
        %swap3A_311 = tpu.vector_load %arg8[%swap3A_309, %swap3A_310] {strides = array<i32>} : memref<315x128xf32, #tpu.memory_space<vmem>>, vector<1x16xf32>,
        %swap3A_312 = vector.shape_cast %swap3A_311 : vector<1x16xf32> to vector<16xf32>
        %swap3A_313 = vector.shape_cast %select_n3A_291 : vector<16xf32> to vector<1x16xf32>
        tpu.vector_store %arg8[%swap3A_309, %swap3A_310], %swap3A_313 {strides = array<i32>} : memref<315x128xf32, #tpu.memory_space<vmem>>, vector<1x16xf32>,
        %swap3A_314 = arith.index_cast %select_n3A_234 : i32 to index
        %swap3A_315 = arith.constant 32 : index
        %swap3A_316 = tpu.vector_load %arg8[%swap3A_314, %swap3A_315] {strides = array<i32>} : memref<315x128xf32, #tpu.memory_space<vmem>>, vector<1x16xf32>,
        %swap3A_317 = vector.shape_cast %swap3A_316 : vector<1x16xf32> to vector<16xf32>
        %swap3A_318 = vector.shape_cast %select_n3A_293 : vector<16xf32> to vector<1x16xf32>
        tpu.vector_store %arg8[%swap3A_314, %swap3A_315], %swap3A_318 {strides = array<i32>} : memref<315x128xf32, #tpu.memory_space<vmem>>, vector<1x16xf32>,
        %swap3A_319 = arith.index_cast %select_n3A_234 : i32 to index
        %swap3A_320 = arith.constant 48 : index
        %swap3A_321 = tpu.vector_load %arg8[%swap3A_319, %swap3A_320] {strides = array<i32>} : memref<315x128xf32, #tpu.memory_space<vmem>>, vector<1x16xf32>,
        %swap3A_322 = vector.shape_cast %swap3A_321 : vector<1x16xf32> to vector<16xf32>
        %swap3A_323 = vector.shape_cast %select_n3A_295 : vector<16xf32> to vector<1x16xf32>
        tpu.vector_store %arg8[%swap3A_319, %swap3A_320], %swap3A_323 {strides = array<i32>} : memref<315x128xf32, #tpu.memory_space<vmem>>, vector<1x16xf32>,
        %swap3A_324 = arith.index_cast %select_n3A_234 : i32 to index
        %swap3A_325 = arith.constant 64 : index
        %swap3A_326 = tpu.vector_load %arg8[%swap3A_324, %swap3A_325] {strides = array<i32>} : memref<315x128xf32, #tpu.memory_space<vmem>>, vector<1x16xf32>,
        %swap3A_327 = vector.shape_cast %swap3A_326 : vector<1x16xf32> to vector<16xf32>
        %swap3A_328 = vector.shape_cast %select_n3A_297 : vector<16xf32> to vector<1x16xf32>
        tpu.vector_store %arg8[%swap3A_324, %swap3A_325], %swap3A_328 {strides = array<i32>} : memref<315x128xf32, #tpu.memory_space<vmem>>, vector<1x16xf32>,
        %swap3A_329 = arith.index_cast %select_n3A_234 : i32 to index
        %swap3A_330 = arith.constant 80 : index
        %swap3A_331 = tpu.vector_load %arg8[%swap3A_329, %swap3A_330] {strides = array<i32>} : memref<315x128xf32, #tpu.memory_space<vmem>>, vector<1x16xf32>,
        %swap3A_332 = vector.shape_cast %swap3A_331 : vector<1x16xf32> to vector<16xf32>
        %swap3A_333 = vector.shape_cast %select_n3A_299 : vector<16xf32> to vector<1x16xf32>
        tpu.vector_store %arg8[%swap3A_329, %swap3A_330], %swap3A_333 {strides = array<i32>} : memref<315x128xf32, #tpu.memory_space<vmem>>, vector<1x16xf32>,
        %swap3A_334 = arith.index_cast %select_n3A_234 : i32 to index
        %swap3A_335 = arith.constant 96 : index
        %swap3A_336 = tpu.vector_load %arg8[%swap3A_334, %swap3A_335] {strides = array<i32>} : memref<315x128xf32, #tpu.memory_space<vmem>>, vector<1x16xf32>,
        %swap3A_337 = vector.shape_cast %swap3A_336 : vector<1x16xf32> to vector<16xf32>
        %swap3A_338 = vector.shape_cast %select_n3A_301 : vector<16xf32> to vector<1x16xf32>
        tpu.vector_store %arg8[%swap3A_334, %swap3A_335], %swap3A_338 {strides = array<i32>} : memref<315x128xf32, #tpu.memory_space<vmem>>, vector<1x16xf32>,
        %swap3A_339 = arith.index_cast %select_n3A_234 : i32 to index
        %swap3A_340 = arith.constant 112 : index
        %swap3A_341 = tpu.vector_load %arg8[%swap3A_339, %swap3A_340] {strides = array<i32>} : memref<315x128xf32, #tpu.memory_space<vmem>>, vector<1x16xf32>,
        %swap3A_342 = vector.shape_cast %swap3A_341 : vector<1x16xf32> to vector<16xf32>
        %swap3A_343 = vector.shape_cast %select_n3A_303 : vector<16xf32> to vector<1x16xf32>
        tpu.vector_store %arg8[%swap3A_339, %swap3A_340], %swap3A_343 {strides = array<i32>} : memref<315x128xf32, #tpu.memory_space<vmem>>, vector<1x16xf32>,
        scf.yield %select_n3A_234, %squeeze3A_230, %select_n3A_289, %select_n3A_291, %select_n3A_293, %select_n3A_295, %select_n3A_297, %select_n3A_299, %select_n3A_301, %select_n3A_303 : i32, i32, vector<16xf32>, vector<16xf32>, vector<16xf32>, vector<16xf32>, vector<16xf32>, vector<16xf32>, vector<16xf32>, vector<16xf32>
      }
      %while3A_210 = arith.constant 1 : i32
      %while3A_211:10 = scf.for %while3A_212 = %while3A_207 to %while3A_203 step %while3A_210 iter_args(%while3A_213 = %while3A_209#0, %while3A_214 = %while3A_209#1, %while3A_215 = %while3A_209#2, %while3A_216 = %while3A_209#3, %while3A_217 = %while3A_209#4, %while3A_218 = %while3A_209#5, %while3A_219 = %while3A_209#6, %while3A_220 = %while3A_209#7, %while3A_221 = %while3A_209#8, %while3A_222 = %while3A_209#9) -> (i32, i32, vector<16xf32>, vector<16xf32>, vector<16xf32>, vector<16xf32>, vector<16xf32>, vector<16xf32>, vector<16xf32>, vector<16xf32>)  : i32 {
        %mul3A_223 = arith.constant 96 : i32
        %mul3A_224 = arith.muli %rem3A_182, %mul3A_223 : i32
        %add3A_225 = arith.addi %mul3A_224, %while3A_212 : i32
        %get3A_226 = arith.index_cast %add3A_225 : i32 to index
        %get3A_227 = tpu.vector_load %arg7[%get3A_226] {strides = array<i32>} : memref<288xi32, #tpu.memory_space<vmem>>, vector<16xi32>,
        %get3A_228 = vector.shape_cast %get3A_227 : vector<16xi32> to vector<16xi32>
        %slice3A_229 = vector.extract_strided_slice %get3A_228 {offsets = [0], sizes = [1], strides = [1]} : vector<16xi32> to vector<1xi32>
        %squeeze3A_230 = vector.extract %slice3A_229[0] : i32 from vector<1xi32>
        %ne3A_231 = arith.cmpi ne, %squeeze3A_230, %while3A_214 : i32
        %add3A_232 = arith.constant 1 : i32
        %add3A_233 = arith.addi %while3A_213, %add3A_232 : i32
        %select_n3A_234 = arith.select %ne3A_231, %add3A_233, %while3A_213 : i32
        %jit3A_235 = arith.constant 0 : i32
        %select_n3A_236 = arith.select %ne3A_231, %select_n3A_234, %jit3A_235 : i32
        %broadcast_in_dim3A_237 = arith.constant 0 : i32
        %broadcast_in_dim3A_238 = vector.broadcast %broadcast_in_dim3A_237 : i32 to vector<16xi32>
        %add3A_239 = arith.addi %mul3A_180, %while3A_212 : i32
        %add3A_240 = vector.broadcast %add3A_239 : i32 to vector<16xi32>
        %add3A_241 = arith.addi %broadcast_in_dim3A_238, %add3A_240 : vector<16xi32>
        %mul3A_242 = arith.constant 16 : i32
        %mul3A_243 = arith.muli %select_n3A_236, %mul3A_242 : i32
        %swap3A_244 = arith.index_cast %mul3A_243 : i32 to index
        %swap3A_245 = tpu.vector_load %arg10[%swap3A_244] {strides = array<i32>} : memref<5056xi32, #tpu.memory_space<vmem>>, vector<16xi32>,
        %swap3A_246 = vector.shape_cast %swap3A_245 : vector<16xi32> to vector<16xi32>
        %swap3A_247 = vector.shape_cast %add3A_241 : vector<16xi32> to vector<16xi32>
        tpu.vector_store %arg10[%swap3A_244], %swap3A_247 {strides = array<i32>} : memref<5056xi32, #tpu.memory_space<vmem>>, vector<16xi32>,
        %get3A_248 = arith.index_cast %rem3A_182 : i32 to index
        %get3A_249 = arith.index_cast %while3A_212 : i32 to index
        %get3A_250 = arith.constant 0 : index
        %get3A_251 = tpu.vector_load %arg6[%get3A_248, %get3A_249, %get3A_250] {strides = array<i32>} : memref<3x80x128xf32, #tpu.memory_space<vmem>>, vector<1x1x16xf32>,
        %get3A_252 = vector.shape_cast %get3A_251 : vector<1x1x16xf32> to vector<16xf32>
        %get3A_253 = arith.index_cast %rem3A_182 : i32 to index
        %get3A_254 = arith.index_cast %while3A_212 : i32 to index
        %get3A_255 = arith.constant 16 : index
        %get3A_256 = tpu.vector_load %arg6[%get3A_253, %get3A_254, %get3A_255] {strides = array<i32>} : memref<3x80x128xf32, #tpu.memory_space<vmem>>, vector<1x1x16xf32>,
        %get3A_257 = vector.shape_cast %get3A_256 : vector<1x1x16xf32> to vector<16xf32>
        %get3A_258 = arith.index_cast %rem3A_182 : i32 to index
        %get3A_259 = arith.index_cast %while3A_212 : i32 to index
        %get3A_260 = arith.constant 32 : index
        %get3A_261 = tpu.vector_load %arg6[%get3A_258, %get3A_259, %get3A_260] {strides = array<i32>} : memref<3x80x128xf32, #tpu.memory_space<vmem>>, vector<1x1x16xf32>,
        %get3A_262 = vector.shape_cast %get3A_261 : vector<1x1x16xf32> to vector<16xf32>
        %get3A_263 = arith.index_cast %rem3A_182 : i32 to index
        %get3A_264 = arith.index_cast %while3A_212 : i32 to index
        %get3A_265 = arith.constant 48 : index
        %get3A_266 = tpu.vector_load %arg6[%get3A_263, %get3A_264, %get3A_265] {strides = array<i32>} : memref<3x80x128xf32, #tpu.memory_space<vmem>>, vector<1x1x16xf32>,
        %get3A_267 = vector.shape_cast %get3A_266 : vector<1x1x16xf32> to vector<16xf32>
        %get3A_268 = arith.index_cast %rem3A_182 : i32 to index
        %get3A_269 = arith.index_cast %while3A_212 : i32 to index
        %get3A_270 = arith.constant 64 : index
        %get3A_271 = tpu.vector_load %arg6[%get3A_268, %get3A_269, %get3A_270] {strides = array<i32>} : memref<3x80x128xf32, #tpu.memory_space<vmem>>, vector<1x1x16xf32>,
        %get3A_272 = vector.shape_cast %get3A_271 : vector<1x1x16xf32> to vector<16xf32>
        %get3A_273 = arith.index_cast %rem3A_182 : i32 to index
        %get3A_274 = arith.index_cast %while3A_212 : i32 to index
        %get3A_275 = arith.constant 80 : index
        %get3A_276 = tpu.vector_load %arg6[%get3A_273, %get3A_274, %get3A_275] {strides = array<i32>} : memref<3x80x128xf32, #tpu.memory_space<vmem>>, vector<1x1x16xf32>,
        %get3A_277 = vector.shape_cast %get3A_276 : vector<1x1x16xf32> to vector<16xf32>
        %get3A_278 = arith.index_cast %rem3A_182 : i32 to index
        %get3A_279 = arith.index_cast %while3A_212 : i32 to index
        %get3A_280 = arith.constant 96 : index
        %get3A_281 = tpu.vector_load %arg6[%get3A_278, %get3A_279, %get3A_280] {strides = array<i32>} : memref<3x80x128xf32, #tpu.memory_space<vmem>>, vector<1x1x16xf32>,
        %get3A_282 = vector.shape_cast %get3A_281 : vector<1x1x16xf32> to vector<16xf32>
        %get3A_283 = arith.index_cast %rem3A_182 : i32 to index
        %get3A_284 = arith.index_cast %while3A_212 : i32 to index
        %get3A_285 = arith.constant 112 : index
        %get3A_286 = tpu.vector_load %arg6[%get3A_283, %get3A_284, %get3A_285] {strides = array<i32>} : memref<3x80x128xf32, #tpu.memory_space<vmem>>, vector<1x1x16xf32>,
        %get3A_287 = vector.shape_cast %get3A_286 : vector<1x1x16xf32> to vector<16xf32>
        %min3A_288 = arith.minimumf %while3A_215, %get3A_252 : vector<16xf32>
        %select_n3A_289 = arith.select %ne3A_231, %get3A_252, %min3A_288 : vector<16xf32>
        %min3A_290 = arith.minimumf %while3A_216, %get3A_257 : vector<16xf32>
        %select_n3A_291 = arith.select %ne3A_231, %get3A_257, %min3A_290 : vector<16xf32>
        %min3A_292 = arith.minimumf %while3A_217, %get3A_262 : vector<16xf32>
        %select_n3A_293 = arith.select %ne3A_231, %get3A_262, %min3A_292 : vector<16xf32>
        %min3A_294 = arith.minimumf %while3A_218, %get3A_267 : vector<16xf32>
        %select_n3A_295 = arith.select %ne3A_231, %get3A_267, %min3A_294 : vector<16xf32>
        %min3A_296 = arith.minimumf %while3A_219, %get3A_272 : vector<16xf32>
        %select_n3A_297 = arith.select %ne3A_231, %get3A_272, %min3A_296 : vector<16xf32>
        %min3A_298 = arith.minimumf %while3A_220, %get3A_277 : vector<16xf32>
        %select_n3A_299 = arith.select %ne3A_231, %get3A_277, %min3A_298 : vector<16xf32>
        %min3A_300 = arith.minimumf %while3A_221, %get3A_282 : vector<16xf32>
        %select_n3A_301 = arith.select %ne3A_231, %get3A_282, %min3A_300 : vector<16xf32>
        %min3A_302 = arith.minimumf %while3A_222, %get3A_287 : vector<16xf32>
        %select_n3A_303 = arith.select %ne3A_231, %get3A_287, %min3A_302 : vector<16xf32>
        %swap3A_304 = arith.index_cast %select_n3A_234 : i32 to index
        %swap3A_305 = arith.constant 0 : index
        %swap3A_306 = tpu.vector_load %arg8[%swap3A_304, %swap3A_305] {strides = array<i32>} : memref<315x128xf32, #tpu.memory_space<vmem>>, vector<1x16xf32>,
        %swap3A_307 = vector.shape_cast %swap3A_306 : vector<1x16xf32> to vector<16xf32>
        %swap3A_308 = vector.shape_cast %select_n3A_289 : vector<16xf32> to vector<1x16xf32>
        tpu.vector_store %arg8[%swap3A_304, %swap3A_305], %swap3A_308 {strides = array<i32>} : memref<315x128xf32, #tpu.memory_space<vmem>>, vector<1x16xf32>,
        %swap3A_309 = arith.index_cast %select_n3A_234 : i32 to index
        %swap3A_310 = arith.constant 16 : index
        %swap3A_311 = tpu.vector_load %arg8[%swap3A_309, %swap3A_310] {strides = array<i32>} : memref<315x128xf32, #tpu.memory_space<vmem>>, vector<1x16xf32>,
        %swap3A_312 = vector.shape_cast %swap3A_311 : vector<1x16xf32> to vector<16xf32>
        %swap3A_313 = vector.shape_cast %select_n3A_291 : vector<16xf32> to vector<1x16xf32>
        tpu.vector_store %arg8[%swap3A_309, %swap3A_310], %swap3A_313 {strides = array<i32>} : memref<315x128xf32, #tpu.memory_space<vmem>>, vector<1x16xf32>,
        %swap3A_314 = arith.index_cast %select_n3A_234 : i32 to index
        %swap3A_315 = arith.constant 32 : index
        %swap3A_316 = tpu.vector_load %arg8[%swap3A_314, %swap3A_315] {strides = array<i32>} : memref<315x128xf32, #tpu.memory_space<vmem>>, vector<1x16xf32>,
        %swap3A_317 = vector.shape_cast %swap3A_316 : vector<1x16xf32> to vector<16xf32>
        %swap3A_318 = vector.shape_cast %select_n3A_293 : vector<16xf32> to vector<1x16xf32>
        tpu.vector_store %arg8[%swap3A_314, %swap3A_315], %swap3A_318 {strides = array<i32>} : memref<315x128xf32, #tpu.memory_space<vmem>>, vector<1x16xf32>,
        %swap3A_319 = arith.index_cast %select_n3A_234 : i32 to index
        %swap3A_320 = arith.constant 48 : index
        %swap3A_321 = tpu.vector_load %arg8[%swap3A_319, %swap3A_320] {strides = array<i32>} : memref<315x128xf32, #tpu.memory_space<vmem>>, vector<1x16xf32>,
        %swap3A_322 = vector.shape_cast %swap3A_321 : vector<1x16xf32> to vector<16xf32>
        %swap3A_323 = vector.shape_cast %select_n3A_295 : vector<16xf32> to vector<1x16xf32>
        tpu.vector_store %arg8[%swap3A_319, %swap3A_320], %swap3A_323 {strides = array<i32>} : memref<315x128xf32, #tpu.memory_space<vmem>>, vector<1x16xf32>,
        %swap3A_324 = arith.index_cast %select_n3A_234 : i32 to index
        %swap3A_325 = arith.constant 64 : index
        %swap3A_326 = tpu.vector_load %arg8[%swap3A_324, %swap3A_325] {strides = array<i32>} : memref<315x128xf32, #tpu.memory_space<vmem>>, vector<1x16xf32>,
        %swap3A_327 = vector.shape_cast %swap3A_326 : vector<1x16xf32> to vector<16xf32>
        %swap3A_328 = vector.shape_cast %select_n3A_297 : vector<16xf32> to vector<1x16xf32>
        tpu.vector_store %arg8[%swap3A_324, %swap3A_325], %swap3A_328 {strides = array<i32>} : memref<315x128xf32, #tpu.memory_space<vmem>>, vector<1x16xf32>,
        %swap3A_329 = arith.index_cast %select_n3A_234 : i32 to index
        %swap3A_330 = arith.constant 80 : index
        %swap3A_331 = tpu.vector_load %arg8[%swap3A_329, %swap3A_330] {strides = array<i32>} : memref<315x128xf32, #tpu.memory_space<vmem>>, vector<1x16xf32>,
        %swap3A_332 = vector.shape_cast %swap3A_331 : vector<1x16xf32> to vector<16xf32>
        %swap3A_333 = vector.shape_cast %select_n3A_299 : vector<16xf32> to vector<1x16xf32>
        tpu.vector_store %arg8[%swap3A_329, %swap3A_330], %swap3A_333 {strides = array<i32>} : memref<315x128xf32, #tpu.memory_space<vmem>>, vector<1x16xf32>,
        %swap3A_334 = arith.index_cast %select_n3A_234 : i32 to index
        %swap3A_335 = arith.constant 96 : index
        %swap3A_336 = tpu.vector_load %arg8[%swap3A_334, %swap3A_335] {strides = array<i32>} : memref<315x128xf32, #tpu.memory_space<vmem>>, vector<1x16xf32>,
        %swap3A_337 = vector.shape_cast %swap3A_336 : vector<1x16xf32> to vector<16xf32>
        %swap3A_338 = vector.shape_cast %select_n3A_301 : vector<16xf32> to vector<1x16xf32>
        tpu.vector_store %arg8[%swap3A_334, %swap3A_335], %swap3A_338 {strides = array<i32>} : memref<315x128xf32, #tpu.memory_space<vmem>>, vector<1x16xf32>,
        %swap3A_339 = arith.index_cast %select_n3A_234 : i32 to index
        %swap3A_340 = arith.constant 112 : index
        %swap3A_341 = tpu.vector_load %arg8[%swap3A_339, %swap3A_340] {strides = array<i32>} : memref<315x128xf32, #tpu.memory_space<vmem>>, vector<1x16xf32>,
        %swap3A_342 = vector.shape_cast %swap3A_341 : vector<1x16xf32> to vector<16xf32>
        %swap3A_343 = vector.shape_cast %select_n3A_303 : vector<16xf32> to vector<1x16xf32>
        tpu.vector_store %arg8[%swap3A_339, %swap3A_340], %swap3A_343 {strides = array<i32>} : memref<315x128xf32, #tpu.memory_space<vmem>>, vector<1x16xf32>,
        scf.yield %select_n3A_234, %squeeze3A_230, %select_n3A_289, %select_n3A_291, %select_n3A_293, %select_n3A_295, %select_n3A_297, %select_n3A_299, %select_n3A_301, %select_n3A_303 : i32, i32, vector<16xf32>, vector<16xf32>, vector<16xf32>, vector<16xf32>, vector<16xf32>, vector<16xf32>, vector<16xf32>, vector<16xf32>
      }
      scf.yield %while3A_211#0, %while3A_211#1, %while3A_211#2, %while3A_211#3, %while3A_211#4, %while3A_211#5, %while3A_211#6, %while3A_211#7, %while3A_211#8, %while3A_211#9 : i32, i32, vector<16xf32>, vector<16xf32>, vector<16xf32>, vector<16xf32>, vector<16xf32>, vector<16xf32>, vector<16xf32>, vector<16xf32>
    }
    %while3A_60 = arith.constant 1 : i32
    %while3A_61:10 = scf.for %while3A_168 = %while3A_57 to %while3A_53 step %while3A_60 iter_args(%while3A_169 = %while3A_59#0, %while3A_170 = %while3A_59#1, %while3A_171 = %while3A_59#2, %while3A_172 = %while3A_59#3, %while3A_173 = %while3A_59#4, %while3A_174 = %while3A_59#5, %while3A_175 = %while3A_59#6, %while3A_176 = %while3A_59#7, %while3A_177 = %while3A_59#8, %while3A_178 = %while3A_59#9) -> (i32, i32, vector<16xf32>, vector<16xf32>, vector<16xf32>, vector<16xf32>, vector<16xf32>, vector<16xf32>, vector<16xf32>, vector<16xf32>)  : i32 {
      %mul3A_179 = arith.constant 80 : i32
      %mul3A_180 = arith.muli %while3A_168, %mul3A_179 : i32
      %rem3A_181 = arith.constant 3 : i32
      %rem3A_182 = arith.remsi %while3A_168, %rem3A_181 : i32
      %sub3A_183 = arith.subi %squeeze3A, %mul3A_180 : i32
      %max3A = arith.constant 0 : i32
      %max3A_184 = arith.maxsi %sub3A_183, %max3A : i32
      %sub3A_185 = arith.subi %squeeze3A_4, %mul3A_180 : i32
      %min3A = arith.constant 80 : i32
      %min3A_186 = arith.minsi %sub3A_185, %min3A : i32
      %max3A_187 = arith.maxsi %min3A_186, %max3A_184 : i32
      %sub3A_188 = arith.constant 1 : i32
      %sub3A_189 = arith.subi %while3A_168, %sub3A_188 : i32
      %ne3A_190 = arith.cmpi ne, %while3A_168, %sub3A_189 : i32
      %convert_element_type3A_191 = arith.extui %ne3A_190 : i1 to i32
      %cond3A_192 = arith.constant 0 : i32
      %cond3A_193 = arith.cmpi ne, %convert_element_type3A_191, %cond3A_192 : i32
      scf.if %cond3A_193 {
        %rem3A_212 = arith.constant 3 : i32
        %rem3A_213 = arith.remsi %while3A_168, %rem3A_212 : i32
        %mul3A_214 = arith.constant 80 : i32
        %mul3A_215 = arith.muli %while3A_168, %mul3A_214 : i32
        %mul3A_216 = arith.constant 96 : i32
        %mul3A_217 = arith.muli %rem3A_213, %mul3A_216 : i32
        %dma_wait3A = arith.constant 0 : i32
        %dma_wait3A_218 = arith.constant 0 : i32
        %dma_wait3A_219 = tpu.memref_slice %arg6[%rem3A_213, %dma_wait3A, %dma_wait3A_218] : memref<3x80x128xf32, #tpu.memory_space<vmem>> -> memref<1x80x128xf32, #tpu.memory_space<vmem>>
        %dma_wait3A_220 = tpu.memref_squeeze %dma_wait3A_219 : memref<1x80x128xf32, #tpu.memory_space<vmem>> -> memref<80x128xf32, #tpu.memory_space<vmem>>
        %dma_wait3A_221 = arith.constant 0 : i32
        %dma_wait3A_222 = tpu.memref_slice %arg2[%mul3A_215, %dma_wait3A_221] : memref<320000x128xf32, #tpu.memory_space<hbm>> -> memref<80x128xf32, #tpu.memory_space<hbm>>
        %dma_wait3A_223 = tpu.memref_slice %arg12[%rem3A_213] : memref<3x!tpu.dma_semaphore, #tpu.memory_space<semaphore_mem>> -> memref<1x!tpu.dma_semaphore, #tpu.memory_space<semaphore_mem>>
        %dma_wait3A_224 = tpu.memref_squeeze %dma_wait3A_223 : memref<1x!tpu.dma_semaphore, #tpu.memory_space<semaphore_mem>> -> memref<!tpu.dma_semaphore, #tpu.memory_space<semaphore_mem>>
        %dma_wait3A_225 = arith.constant 0 : i32
        %dma_wait3A_226 = arith.constant 0 : i32
        %dma_wait3A_227 = tpu.memref_slice %arg6[%rem3A_213, %dma_wait3A_225, %dma_wait3A_226] : memref<3x80x128xf32, #tpu.memory_space<vmem>> -> memref<1x80x128xf32, #tpu.memory_space<vmem>>
        %dma_wait3A_228 = tpu.memref_squeeze %dma_wait3A_227 : memref<1x80x128xf32, #tpu.memory_space<vmem>> -> memref<80x128xf32, #tpu.memory_space<vmem>>
        %dma_wait3A_229 = arith.constant 0 : i32
        %dma_wait3A_230 = tpu.memref_slice %arg2[%mul3A_215, %dma_wait3A_229] : memref<320000x128xf32, #tpu.memory_space<hbm>> -> memref<80x128xf32, #tpu.memory_space<hbm>>
        tpu.wait_dma2 semaphore(%dma_wait3A_224 : memref<!tpu.dma_semaphore, #tpu.memory_space<semaphore_mem>>) src(%dma_wait3A_230 : memref<80x128xf32, #tpu.memory_space<hbm>>) dst(%dma_wait3A_228 : memref<80x128xf32, #tpu.memory_space<vmem>>)
        %dma_wait3A_231 = tpu.memref_slice %arg7[%mul3A_217] : memref<288xi32, #tpu.memory_space<vmem>> -> memref<80xi32, #tpu.memory_space<vmem>>
        %dma_wait3A_232 = tpu.memref_slice %arg3[%mul3A_215] : memref<320000xi32, #tpu.memory_space<hbm>> -> memref<80xi32, #tpu.memory_space<hbm>>
        %dma_wait3A_233 = tpu.memref_slice %arg13[%rem3A_213] : memref<3x!tpu.dma_semaphore, #tpu.memory_space<semaphore_mem>> -> memref<1x!tpu.dma_semaphore, #tpu.memory_space<semaphore_mem>>
        %dma_wait3A_234 = tpu.memref_squeeze %dma_wait3A_233 : memref<1x!tpu.dma_semaphore, #tpu.memory_space<semaphore_mem>> -> memref<!tpu.dma_semaphore, #tpu.memory_space<semaphore_mem>>
        %dma_wait3A_235 = tpu.memref_slice %arg7[%mul3A_217] : memref<288xi32, #tpu.memory_space<vmem>> -> memref<80xi32, #tpu.memory_space<vmem>>
        %dma_wait3A_236 = tpu.memref_slice %arg3[%mul3A_215] : memref<320000xi32, #tpu.memory_space<hbm>> -> memref<80xi32, #tpu.memory_space<hbm>>
        tpu.wait_dma2 semaphore(%dma_wait3A_234 : memref<!tpu.dma_semaphore, #tpu.memory_space<semaphore_mem>>) src(%dma_wait3A_236 : memref<80xi32, #tpu.memory_space<hbm>>) dst(%dma_wait3A_235 : memref<80xi32, #tpu.memory_space<vmem>>)
      } else {
      }
      %ne3A_194 = arith.cmpi ne, %while3A_168, %sub3A_189 : i32
      %add3A_195 = arith.constant 1 : i32
      %add3A_196 = arith.addi %while3A_168, %add3A_195 : i32
      %lt3A_197 = arith.cmpi slt, %add3A_196, %select_n3A_48 : i32
      %and3A_198 = arith.andi %ne3A_194, %lt3A_197 : i1
      %convert_element_type3A_199 = arith.extui %and3A_198 : i1 to i32
      %cond3A_200 = arith.constant 0 : i32
      %cond3A_201 = arith.cmpi ne, %convert_element_type3A_199, %cond3A_200 : i32
      scf.if %cond3A_201 {
        %add3A_212 = arith.constant 1 : i32
        %add3A_213 = arith.addi %while3A_168, %add3A_212 : i32
        %rem3A_214 = arith.constant 3 : i32
        %rem3A_215 = arith.remsi %add3A_213, %rem3A_214 : i32
        %mul3A_216 = arith.constant 80 : i32
        %mul3A_217 = arith.muli %add3A_213, %mul3A_216 : i32
        %mul3A_218 = arith.constant 96 : i32
        %mul3A_219 = arith.muli %rem3A_215, %mul3A_218 : i32
        %dma_start3A = arith.constant 0 : i32
        %dma_start3A_220 = arith.constant 0 : i32
        %dma_start3A_221 = tpu.memref_slice %arg6[%rem3A_215, %dma_start3A, %dma_start3A_220] : memref<3x80x128xf32, #tpu.memory_space<vmem>> -> memref<1x80x128xf32, #tpu.memory_space<vmem>>
        %dma_start3A_222 = tpu.memref_squeeze %dma_start3A_221 : memref<1x80x128xf32, #tpu.memory_space<vmem>> -> memref<80x128xf32, #tpu.memory_space<vmem>>
        %dma_start3A_223 = arith.constant 0 : i32
        %dma_start3A_224 = tpu.memref_slice %arg2[%mul3A_217, %dma_start3A_223] : memref<320000x128xf32, #tpu.memory_space<hbm>> -> memref<80x128xf32, #tpu.memory_space<hbm>>
        %dma_start3A_225 = tpu.memref_slice %arg12[%rem3A_215] : memref<3x!tpu.dma_semaphore, #tpu.memory_space<semaphore_mem>> -> memref<1x!tpu.dma_semaphore, #tpu.memory_space<semaphore_mem>>
        %dma_start3A_226 = tpu.memref_squeeze %dma_start3A_225 : memref<1x!tpu.dma_semaphore, #tpu.memory_space<semaphore_mem>> -> memref<!tpu.dma_semaphore, #tpu.memory_space<semaphore_mem>>
        %dma_start3A_227 = arith.constant 0 : i32
        %dma_start3A_228 = arith.constant 0 : i32
        %dma_start3A_229 = tpu.memref_slice %arg6[%rem3A_215, %dma_start3A_227, %dma_start3A_228] : memref<3x80x128xf32, #tpu.memory_space<vmem>> -> memref<1x80x128xf32, #tpu.memory_space<vmem>>
        %dma_start3A_230 = tpu.memref_squeeze %dma_start3A_229 : memref<1x80x128xf32, #tpu.memory_space<vmem>> -> memref<80x128xf32, #tpu.memory_space<vmem>>
        %dma_start3A_231 = arith.constant 0 : i32
        %dma_start3A_232 = tpu.memref_slice %arg2[%mul3A_217, %dma_start3A_231] : memref<320000x128xf32, #tpu.memory_space<hbm>> -> memref<80x128xf32, #tpu.memory_space<hbm>>
        tpu.enqueue_dma source(%dma_start3A_232 : memref<80x128xf32, #tpu.memory_space<hbm>>) target(%dma_start3A_230 : memref<80x128xf32, #tpu.memory_space<vmem>>) target_semaphore(%dma_start3A_226 : memref<!tpu.dma_semaphore, #tpu.memory_space<semaphore_mem>>)
        %dma_start3A_233 = tpu.memref_slice %arg7[%mul3A_219] : memref<288xi32, #tpu.memory_space<vmem>> -> memref<80xi32, #tpu.memory_space<vmem>>
        %dma_start3A_234 = tpu.memref_slice %arg3[%mul3A_217] : memref<320000xi32, #tpu.memory_space<hbm>> -> memref<80xi32, #tpu.memory_space<hbm>>
        %dma_start3A_235 = tpu.memref_slice %arg13[%rem3A_215] : memref<3x!tpu.dma_semaphore, #tpu.memory_space<semaphore_mem>> -> memref<1x!tpu.dma_semaphore, #tpu.memory_space<semaphore_mem>>
        %dma_start3A_236 = tpu.memref_squeeze %dma_start3A_235 : memref<1x!tpu.dma_semaphore, #tpu.memory_space<semaphore_mem>> -> memref<!tpu.dma_semaphore, #tpu.memory_space<semaphore_mem>>
        %dma_start3A_237 = tpu.memref_slice %arg7[%mul3A_219] : memref<288xi32, #tpu.memory_space<vmem>> -> memref<80xi32, #tpu.memory_space<vmem>>
        %dma_start3A_238 = tpu.memref_slice %arg3[%mul3A_217] : memref<320000xi32, #tpu.memory_space<hbm>> -> memref<80xi32, #tpu.memory_space<hbm>>
        tpu.enqueue_dma source(%dma_start3A_238 : memref<80xi32, #tpu.memory_space<hbm>>) target(%dma_start3A_237 : memref<80xi32, #tpu.memory_space<vmem>>) target_semaphore(%dma_start3A_236 : memref<!tpu.dma_semaphore, #tpu.memory_space<semaphore_mem>>)
      } else {
      }
      %while3A_202 = arith.subi %max3A_187, %max3A_184 : i32
      %while3A_203 = arith.addi %max3A_184, %while3A_202 : i32
      %while3A_204 = arith.constant 1 : i32
      %while3A_205 = arith.divsi %while3A_202, %while3A_204 : i32
      %while3A_206 = arith.muli %while3A_205, %while3A_204 : i32
      %while3A_207 = arith.addi %max3A_184, %while3A_206 : i32
      %while3A_208 = arith.constant 1 : i32
      %while3A_209:10 = scf.for %while3A_212 = %max3A_184 to %while3A_207 step %while3A_208 iter_args(%while3A_213 = %while3A_169, %while3A_214 = %while3A_170, %while3A_215 = %while3A_171, %while3A_216 = %while3A_172, %while3A_217 = %while3A_173, %while3A_218 = %while3A_174, %while3A_219 = %while3A_175, %while3A_220 = %while3A_176, %while3A_221 = %while3A_177, %while3A_222 = %while3A_178) -> (i32, i32, vector<16xf32>, vector<16xf32>, vector<16xf32>, vector<16xf32>, vector<16xf32>, vector<16xf32>, vector<16xf32>, vector<16xf32>)  : i32 {
        %mul3A_223 = arith.constant 96 : i32
        %mul3A_224 = arith.muli %rem3A_182, %mul3A_223 : i32
        %add3A_225 = arith.addi %mul3A_224, %while3A_212 : i32
        %get3A_226 = arith.index_cast %add3A_225 : i32 to index
        %get3A_227 = tpu.vector_load %arg7[%get3A_226] {strides = array<i32>} : memref<288xi32, #tpu.memory_space<vmem>>, vector<16xi32>,
        %get3A_228 = vector.shape_cast %get3A_227 : vector<16xi32> to vector<16xi32>
        %slice3A_229 = vector.extract_strided_slice %get3A_228 {offsets = [0], sizes = [1], strides = [1]} : vector<16xi32> to vector<1xi32>
        %squeeze3A_230 = vector.extract %slice3A_229[0] : i32 from vector<1xi32>
        %ne3A_231 = arith.cmpi ne, %squeeze3A_230, %while3A_214 : i32
        %add3A_232 = arith.constant 1 : i32
        %add3A_233 = arith.addi %while3A_213, %add3A_232 : i32
        %select_n3A_234 = arith.select %ne3A_231, %add3A_233, %while3A_213 : i32
        %jit3A_235 = arith.constant 0 : i32
        %select_n3A_236 = arith.select %ne3A_231, %select_n3A_234, %jit3A_235 : i32
        %broadcast_in_dim3A_237 = arith.constant 0 : i32
        %broadcast_in_dim3A_238 = vector.broadcast %broadcast_in_dim3A_237 : i32 to vector<16xi32>
        %add3A_239 = arith.addi %mul3A_180, %while3A_212 : i32
        %add3A_240 = vector.broadcast %add3A_239 : i32 to vector<16xi32>
        %add3A_241 = arith.addi %broadcast_in_dim3A_238, %add3A_240 : vector<16xi32>
        %mul3A_242 = arith.constant 16 : i32
        %mul3A_243 = arith.muli %select_n3A_236, %mul3A_242 : i32
        %swap3A_244 = arith.index_cast %mul3A_243 : i32 to index
        %swap3A_245 = tpu.vector_load %arg10[%swap3A_244] {strides = array<i32>} : memref<5056xi32, #tpu.memory_space<vmem>>, vector<16xi32>,
        %swap3A_246 = vector.shape_cast %swap3A_245 : vector<16xi32> to vector<16xi32>
        %swap3A_247 = vector.shape_cast %add3A_241 : vector<16xi32> to vector<16xi32>
        tpu.vector_store %arg10[%swap3A_244], %swap3A_247 {strides = array<i32>} : memref<5056xi32, #tpu.memory_space<vmem>>, vector<16xi32>,
        %get3A_248 = arith.index_cast %rem3A_182 : i32 to index
        %get3A_249 = arith.index_cast %while3A_212 : i32 to index
        %get3A_250 = arith.constant 0 : index
        %get3A_251 = tpu.vector_load %arg6[%get3A_248, %get3A_249, %get3A_250] {strides = array<i32>} : memref<3x80x128xf32, #tpu.memory_space<vmem>>, vector<1x1x16xf32>,
        %get3A_252 = vector.shape_cast %get3A_251 : vector<1x1x16xf32> to vector<16xf32>
        %get3A_253 = arith.index_cast %rem3A_182 : i32 to index
        %get3A_254 = arith.index_cast %while3A_212 : i32 to index
        %get3A_255 = arith.constant 16 : index
        %get3A_256 = tpu.vector_load %arg6[%get3A_253, %get3A_254, %get3A_255] {strides = array<i32>} : memref<3x80x128xf32, #tpu.memory_space<vmem>>, vector<1x1x16xf32>,
        %get3A_257 = vector.shape_cast %get3A_256 : vector<1x1x16xf32> to vector<16xf32>
        %get3A_258 = arith.index_cast %rem3A_182 : i32 to index
        %get3A_259 = arith.index_cast %while3A_212 : i32 to index
        %get3A_260 = arith.constant 32 : index
        %get3A_261 = tpu.vector_load %arg6[%get3A_258, %get3A_259, %get3A_260] {strides = array<i32>} : memref<3x80x128xf32, #tpu.memory_space<vmem>>, vector<1x1x16xf32>,
        %get3A_262 = vector.shape_cast %get3A_261 : vector<1x1x16xf32> to vector<16xf32>
        %get3A_263 = arith.index_cast %rem3A_182 : i32 to index
        %get3A_264 = arith.index_cast %while3A_212 : i32 to index
        %get3A_265 = arith.constant 48 : index
        %get3A_266 = tpu.vector_load %arg6[%get3A_263, %get3A_264, %get3A_265] {strides = array<i32>} : memref<3x80x128xf32, #tpu.memory_space<vmem>>, vector<1x1x16xf32>,
        %get3A_267 = vector.shape_cast %get3A_266 : vector<1x1x16xf32> to vector<16xf32>
        %get3A_268 = arith.index_cast %rem3A_182 : i32 to index
        %get3A_269 = arith.index_cast %while3A_212 : i32 to index
        %get3A_270 = arith.constant 64 : index
        %get3A_271 = tpu.vector_load %arg6[%get3A_268, %get3A_269, %get3A_270] {strides = array<i32>} : memref<3x80x128xf32, #tpu.memory_space<vmem>>, vector<1x1x16xf32>,
        %get3A_272 = vector.shape_cast %get3A_271 : vector<1x1x16xf32> to vector<16xf32>
        %get3A_273 = arith.index_cast %rem3A_182 : i32 to index
        %get3A_274 = arith.index_cast %while3A_212 : i32 to index
        %get3A_275 = arith.constant 80 : index
        %get3A_276 = tpu.vector_load %arg6[%get3A_273, %get3A_274, %get3A_275] {strides = array<i32>} : memref<3x80x128xf32, #tpu.memory_space<vmem>>, vector<1x1x16xf32>,
        %get3A_277 = vector.shape_cast %get3A_276 : vector<1x1x16xf32> to vector<16xf32>
        %get3A_278 = arith.index_cast %rem3A_182 : i32 to index
        %get3A_279 = arith.index_cast %while3A_212 : i32 to index
        %get3A_280 = arith.constant 96 : index
        %get3A_281 = tpu.vector_load %arg6[%get3A_278, %get3A_279, %get3A_280] {strides = array<i32>} : memref<3x80x128xf32, #tpu.memory_space<vmem>>, vector<1x1x16xf32>,
        %get3A_282 = vector.shape_cast %get3A_281 : vector<1x1x16xf32> to vector<16xf32>
        %get3A_283 = arith.index_cast %rem3A_182 : i32 to index
        %get3A_284 = arith.index_cast %while3A_212 : i32 to index
        %get3A_285 = arith.constant 112 : index
        %get3A_286 = tpu.vector_load %arg6[%get3A_283, %get3A_284, %get3A_285] {strides = array<i32>} : memref<3x80x128xf32, #tpu.memory_space<vmem>>, vector<1x1x16xf32>,
        %get3A_287 = vector.shape_cast %get3A_286 : vector<1x1x16xf32> to vector<16xf32>
        %min3A_288 = arith.minimumf %while3A_215, %get3A_252 : vector<16xf32>
        %select_n3A_289 = arith.select %ne3A_231, %get3A_252, %min3A_288 : vector<16xf32>
        %min3A_290 = arith.minimumf %while3A_216, %get3A_257 : vector<16xf32>
        %select_n3A_291 = arith.select %ne3A_231, %get3A_257, %min3A_290 : vector<16xf32>
        %min3A_292 = arith.minimumf %while3A_217, %get3A_262 : vector<16xf32>
        %select_n3A_293 = arith.select %ne3A_231, %get3A_262, %min3A_292 : vector<16xf32>
        %min3A_294 = arith.minimumf %while3A_218, %get3A_267 : vector<16xf32>
        %select_n3A_295 = arith.select %ne3A_231, %get3A_267, %min3A_294 : vector<16xf32>
        %min3A_296 = arith.minimumf %while3A_219, %get3A_272 : vector<16xf32>
        %select_n3A_297 = arith.select %ne3A_231, %get3A_272, %min3A_296 : vector<16xf32>
        %min3A_298 = arith.minimumf %while3A_220, %get3A_277 : vector<16xf32>
        %select_n3A_299 = arith.select %ne3A_231, %get3A_277, %min3A_298 : vector<16xf32>
        %min3A_300 = arith.minimumf %while3A_221, %get3A_282 : vector<16xf32>
        %select_n3A_301 = arith.select %ne3A_231, %get3A_282, %min3A_300 : vector<16xf32>
        %min3A_302 = arith.minimumf %while3A_222, %get3A_287 : vector<16xf32>
        %select_n3A_303 = arith.select %ne3A_231, %get3A_287, %min3A_302 : vector<16xf32>
        %swap3A_304 = arith.index_cast %select_n3A_234 : i32 to index
        %swap3A_305 = arith.constant 0 : index
        %swap3A_306 = tpu.vector_load %arg8[%swap3A_304, %swap3A_305] {strides = array<i32>} : memref<315x128xf32, #tpu.memory_space<vmem>>, vector<1x16xf32>,
        %swap3A_307 = vector.shape_cast %swap3A_306 : vector<1x16xf32> to vector<16xf32>
        %swap3A_308 = vector.shape_cast %select_n3A_289 : vector<16xf32> to vector<1x16xf32>
        tpu.vector_store %arg8[%swap3A_304, %swap3A_305], %swap3A_308 {strides = array<i32>} : memref<315x128xf32, #tpu.memory_space<vmem>>, vector<1x16xf32>,
        %swap3A_309 = arith.index_cast %select_n3A_234 : i32 to index
        %swap3A_310 = arith.constant 16 : index
        %swap3A_311 = tpu.vector_load %arg8[%swap3A_309, %swap3A_310] {strides = array<i32>} : memref<315x128xf32, #tpu.memory_space<vmem>>, vector<1x16xf32>,
        %swap3A_312 = vector.shape_cast %swap3A_311 : vector<1x16xf32> to vector<16xf32>
        %swap3A_313 = vector.shape_cast %select_n3A_291 : vector<16xf32> to vector<1x16xf32>
        tpu.vector_store %arg8[%swap3A_309, %swap3A_310], %swap3A_313 {strides = array<i32>} : memref<315x128xf32, #tpu.memory_space<vmem>>, vector<1x16xf32>,
        %swap3A_314 = arith.index_cast %select_n3A_234 : i32 to index
        %swap3A_315 = arith.constant 32 : index
        %swap3A_316 = tpu.vector_load %arg8[%swap3A_314, %swap3A_315] {strides = array<i32>} : memref<315x128xf32, #tpu.memory_space<vmem>>, vector<1x16xf32>,
        %swap3A_317 = vector.shape_cast %swap3A_316 : vector<1x16xf32> to vector<16xf32>
        %swap3A_318 = vector.shape_cast %select_n3A_293 : vector<16xf32> to vector<1x16xf32>
        tpu.vector_store %arg8[%swap3A_314, %swap3A_315], %swap3A_318 {strides = array<i32>} : memref<315x128xf32, #tpu.memory_space<vmem>>, vector<1x16xf32>,
        %swap3A_319 = arith.index_cast %select_n3A_234 : i32 to index
        %swap3A_320 = arith.constant 48 : index
        %swap3A_321 = tpu.vector_load %arg8[%swap3A_319, %swap3A_320] {strides = array<i32>} : memref<315x128xf32, #tpu.memory_space<vmem>>, vector<1x16xf32>,
        %swap3A_322 = vector.shape_cast %swap3A_321 : vector<1x16xf32> to vector<16xf32>
        %swap3A_323 = vector.shape_cast %select_n3A_295 : vector<16xf32> to vector<1x16xf32>
        tpu.vector_store %arg8[%swap3A_319, %swap3A_320], %swap3A_323 {strides = array<i32>} : memref<315x128xf32, #tpu.memory_space<vmem>>, vector<1x16xf32>,
        %swap3A_324 = arith.index_cast %select_n3A_234 : i32 to index
        %swap3A_325 = arith.constant 64 : index
        %swap3A_326 = tpu.vector_load %arg8[%swap3A_324, %swap3A_325] {strides = array<i32>} : memref<315x128xf32, #tpu.memory_space<vmem>>, vector<1x16xf32>,
        %swap3A_327 = vector.shape_cast %swap3A_326 : vector<1x16xf32> to vector<16xf32>
        %swap3A_328 = vector.shape_cast %select_n3A_297 : vector<16xf32> to vector<1x16xf32>
        tpu.vector_store %arg8[%swap3A_324, %swap3A_325], %swap3A_328 {strides = array<i32>} : memref<315x128xf32, #tpu.memory_space<vmem>>, vector<1x16xf32>,
        %swap3A_329 = arith.index_cast %select_n3A_234 : i32 to index
        %swap3A_330 = arith.constant 80 : index
        %swap3A_331 = tpu.vector_load %arg8[%swap3A_329, %swap3A_330] {strides = array<i32>} : memref<315x128xf32, #tpu.memory_space<vmem>>, vector<1x16xf32>,
        %swap3A_332 = vector.shape_cast %swap3A_331 : vector<1x16xf32> to vector<16xf32>
        %swap3A_333 = vector.shape_cast %select_n3A_299 : vector<16xf32> to vector<1x16xf32>
        tpu.vector_store %arg8[%swap3A_329, %swap3A_330], %swap3A_333 {strides = array<i32>} : memref<315x128xf32, #tpu.memory_space<vmem>>, vector<1x16xf32>,
        %swap3A_334 = arith.index_cast %select_n3A_234 : i32 to index
        %swap3A_335 = arith.constant 96 : index
        %swap3A_336 = tpu.vector_load %arg8[%swap3A_334, %swap3A_335] {strides = array<i32>} : memref<315x128xf32, #tpu.memory_space<vmem>>, vector<1x16xf32>,
        %swap3A_337 = vector.shape_cast %swap3A_336 : vector<1x16xf32> to vector<16xf32>
        %swap3A_338 = vector.shape_cast %select_n3A_301 : vector<16xf32> to vector<1x16xf32>
        tpu.vector_store %arg8[%swap3A_334, %swap3A_335], %swap3A_338 {strides = array<i32>} : memref<315x128xf32, #tpu.memory_space<vmem>>, vector<1x16xf32>,
        %swap3A_339 = arith.index_cast %select_n3A_234 : i32 to index
        %swap3A_340 = arith.constant 112 : index
        %swap3A_341 = tpu.vector_load %arg8[%swap3A_339, %swap3A_340] {strides = array<i32>} : memref<315x128xf32, #tpu.memory_space<vmem>>, vector<1x16xf32>,
        %swap3A_342 = vector.shape_cast %swap3A_341 : vector<1x16xf32> to vector<16xf32>
        %swap3A_343 = vector.shape_cast %select_n3A_303 : vector<16xf32> to vector<1x16xf32>
        tpu.vector_store %arg8[%swap3A_339, %swap3A_340], %swap3A_343 {strides = array<i32>} : memref<315x128xf32, #tpu.memory_space<vmem>>, vector<1x16xf32>,
        scf.yield %select_n3A_234, %squeeze3A_230, %select_n3A_289, %select_n3A_291, %select_n3A_293, %select_n3A_295, %select_n3A_297, %select_n3A_299, %select_n3A_301, %select_n3A_303 : i32, i32, vector<16xf32>, vector<16xf32>, vector<16xf32>, vector<16xf32>, vector<16xf32>, vector<16xf32>, vector<16xf32>, vector<16xf32>
      }
      %while3A_210 = arith.constant 1 : i32
      %while3A_211:10 = scf.for %while3A_212 = %while3A_207 to %while3A_203 step %while3A_210 iter_args(%while3A_213 = %while3A_209#0, %while3A_214 = %while3A_209#1, %while3A_215 = %while3A_209#2, %while3A_216 = %while3A_209#3, %while3A_217 = %while3A_209#4, %while3A_218 = %while3A_209#5, %while3A_219 = %while3A_209#6, %while3A_220 = %while3A_209#7, %while3A_221 = %while3A_209#8, %while3A_222 = %while3A_209#9) -> (i32, i32, vector<16xf32>, vector<16xf32>, vector<16xf32>, vector<16xf32>, vector<16xf32>, vector<16xf32>, vector<16xf32>, vector<16xf32>)  : i32 {
        %mul3A_223 = arith.constant 96 : i32
        %mul3A_224 = arith.muli %rem3A_182, %mul3A_223 : i32
        %add3A_225 = arith.addi %mul3A_224, %while3A_212 : i32
        %get3A_226 = arith.index_cast %add3A_225 : i32 to index
        %get3A_227 = tpu.vector_load %arg7[%get3A_226] {strides = array<i32>} : memref<288xi32, #tpu.memory_space<vmem>>, vector<16xi32>,
        %get3A_228 = vector.shape_cast %get3A_227 : vector<16xi32> to vector<16xi32>
        %slice3A_229 = vector.extract_strided_slice %get3A_228 {offsets = [0], sizes = [1], strides = [1]} : vector<16xi32> to vector<1xi32>
        %squeeze3A_230 = vector.extract %slice3A_229[0] : i32 from vector<1xi32>
        %ne3A_231 = arith.cmpi ne, %squeeze3A_230, %while3A_214 : i32
        %add3A_232 = arith.constant 1 : i32
        %add3A_233 = arith.addi %while3A_213, %add3A_232 : i32
        %select_n3A_234 = arith.select %ne3A_231, %add3A_233, %while3A_213 : i32
        %jit3A_235 = arith.constant 0 : i32
        %select_n3A_236 = arith.select %ne3A_231, %select_n3A_234, %jit3A_235 : i32
        %broadcast_in_dim3A_237 = arith.constant 0 : i32
        %broadcast_in_dim3A_238 = vector.broadcast %broadcast_in_dim3A_237 : i32 to vector<16xi32>
        %add3A_239 = arith.addi %mul3A_180, %while3A_212 : i32
        %add3A_240 = vector.broadcast %add3A_239 : i32 to vector<16xi32>
        %add3A_241 = arith.addi %broadcast_in_dim3A_238, %add3A_240 : vector<16xi32>
        %mul3A_242 = arith.constant 16 : i32
        %mul3A_243 = arith.muli %select_n3A_236, %mul3A_242 : i32
        %swap3A_244 = arith.index_cast %mul3A_243 : i32 to index
        %swap3A_245 = tpu.vector_load %arg10[%swap3A_244] {strides = array<i32>} : memref<5056xi32, #tpu.memory_space<vmem>>, vector<16xi32>,
        %swap3A_246 = vector.shape_cast %swap3A_245 : vector<16xi32> to vector<16xi32>
        %swap3A_247 = vector.shape_cast %add3A_241 : vector<16xi32> to vector<16xi32>
        tpu.vector_store %arg10[%swap3A_244], %swap3A_247 {strides = array<i32>} : memref<5056xi32, #tpu.memory_space<vmem>>, vector<16xi32>,
        %get3A_248 = arith.index_cast %rem3A_182 : i32 to index
        %get3A_249 = arith.index_cast %while3A_212 : i32 to index
        %get3A_250 = arith.constant 0 : index
        %get3A_251 = tpu.vector_load %arg6[%get3A_248, %get3A_249, %get3A_250] {strides = array<i32>} : memref<3x80x128xf32, #tpu.memory_space<vmem>>, vector<1x1x16xf32>,
        %get3A_252 = vector.shape_cast %get3A_251 : vector<1x1x16xf32> to vector<16xf32>
        %get3A_253 = arith.index_cast %rem3A_182 : i32 to index
        %get3A_254 = arith.index_cast %while3A_212 : i32 to index
        %get3A_255 = arith.constant 16 : index
        %get3A_256 = tpu.vector_load %arg6[%get3A_253, %get3A_254, %get3A_255] {strides = array<i32>} : memref<3x80x128xf32, #tpu.memory_space<vmem>>, vector<1x1x16xf32>,
        %get3A_257 = vector.shape_cast %get3A_256 : vector<1x1x16xf32> to vector<16xf32>
        %get3A_258 = arith.index_cast %rem3A_182 : i32 to index
        %get3A_259 = arith.index_cast %while3A_212 : i32 to index
        %get3A_260 = arith.constant 32 : index
        %get3A_261 = tpu.vector_load %arg6[%get3A_258, %get3A_259, %get3A_260] {strides = array<i32>} : memref<3x80x128xf32, #tpu.memory_space<vmem>>, vector<1x1x16xf32>,
        %get3A_262 = vector.shape_cast %get3A_261 : vector<1x1x16xf32> to vector<16xf32>
        %get3A_263 = arith.index_cast %rem3A_182 : i32 to index
        %get3A_264 = arith.index_cast %while3A_212 : i32 to index
        %get3A_265 = arith.constant 48 : index
        %get3A_266 = tpu.vector_load %arg6[%get3A_263, %get3A_264, %get3A_265] {strides = array<i32>} : memref<3x80x128xf32, #tpu.memory_space<vmem>>, vector<1x1x16xf32>,
        %get3A_267 = vector.shape_cast %get3A_266 : vector<1x1x16xf32> to vector<16xf32>
        %get3A_268 = arith.index_cast %rem3A_182 : i32 to index
        %get3A_269 = arith.index_cast %while3A_212 : i32 to index
        %get3A_270 = arith.constant 64 : index
        %get3A_271 = tpu.vector_load %arg6[%get3A_268, %get3A_269, %get3A_270] {strides = array<i32>} : memref<3x80x128xf32, #tpu.memory_space<vmem>>, vector<1x1x16xf32>,
        %get3A_272 = vector.shape_cast %get3A_271 : vector<1x1x16xf32> to vector<16xf32>
        %get3A_273 = arith.index_cast %rem3A_182 : i32 to index
        %get3A_274 = arith.index_cast %while3A_212 : i32 to index
        %get3A_275 = arith.constant 80 : index
        %get3A_276 = tpu.vector_load %arg6[%get3A_273, %get3A_274, %get3A_275] {strides = array<i32>} : memref<3x80x128xf32, #tpu.memory_space<vmem>>, vector<1x1x16xf32>,
        %get3A_277 = vector.shape_cast %get3A_276 : vector<1x1x16xf32> to vector<16xf32>
        %get3A_278 = arith.index_cast %rem3A_182 : i32 to index
        %get3A_279 = arith.index_cast %while3A_212 : i32 to index
        %get3A_280 = arith.constant 96 : index
        %get3A_281 = tpu.vector_load %arg6[%get3A_278, %get3A_279, %get3A_280] {strides = array<i32>} : memref<3x80x128xf32, #tpu.memory_space<vmem>>, vector<1x1x16xf32>,
        %get3A_282 = vector.shape_cast %get3A_281 : vector<1x1x16xf32> to vector<16xf32>
        %get3A_283 = arith.index_cast %rem3A_182 : i32 to index
        %get3A_284 = arith.index_cast %while3A_212 : i32 to index
        %get3A_285 = arith.constant 112 : index
        %get3A_286 = tpu.vector_load %arg6[%get3A_283, %get3A_284, %get3A_285] {strides = array<i32>} : memref<3x80x128xf32, #tpu.memory_space<vmem>>, vector<1x1x16xf32>,
        %get3A_287 = vector.shape_cast %get3A_286 : vector<1x1x16xf32> to vector<16xf32>
        %min3A_288 = arith.minimumf %while3A_215, %get3A_252 : vector<16xf32>
        %select_n3A_289 = arith.select %ne3A_231, %get3A_252, %min3A_288 : vector<16xf32>
        %min3A_290 = arith.minimumf %while3A_216, %get3A_257 : vector<16xf32>
        %select_n3A_291 = arith.select %ne3A_231, %get3A_257, %min3A_290 : vector<16xf32>
        %min3A_292 = arith.minimumf %while3A_217, %get3A_262 : vector<16xf32>
        %select_n3A_293 = arith.select %ne3A_231, %get3A_262, %min3A_292 : vector<16xf32>
        %min3A_294 = arith.minimumf %while3A_218, %get3A_267 : vector<16xf32>
        %select_n3A_295 = arith.select %ne3A_231, %get3A_267, %min3A_294 : vector<16xf32>
        %min3A_296 = arith.minimumf %while3A_219, %get3A_272 : vector<16xf32>
        %select_n3A_297 = arith.select %ne3A_231, %get3A_272, %min3A_296 : vector<16xf32>
        %min3A_298 = arith.minimumf %while3A_220, %get3A_277 : vector<16xf32>
        %select_n3A_299 = arith.select %ne3A_231, %get3A_277, %min3A_298 : vector<16xf32>
        %min3A_300 = arith.minimumf %while3A_221, %get3A_282 : vector<16xf32>
        %select_n3A_301 = arith.select %ne3A_231, %get3A_282, %min3A_300 : vector<16xf32>
        %min3A_302 = arith.minimumf %while3A_222, %get3A_287 : vector<16xf32>
        %select_n3A_303 = arith.select %ne3A_231, %get3A_287, %min3A_302 : vector<16xf32>
        %swap3A_304 = arith.index_cast %select_n3A_234 : i32 to index
        %swap3A_305 = arith.constant 0 : index
        %swap3A_306 = tpu.vector_load %arg8[%swap3A_304, %swap3A_305] {strides = array<i32>} : memref<315x128xf32, #tpu.memory_space<vmem>>, vector<1x16xf32>,
        %swap3A_307 = vector.shape_cast %swap3A_306 : vector<1x16xf32> to vector<16xf32>
        %swap3A_308 = vector.shape_cast %select_n3A_289 : vector<16xf32> to vector<1x16xf32>
        tpu.vector_store %arg8[%swap3A_304, %swap3A_305], %swap3A_308 {strides = array<i32>} : memref<315x128xf32, #tpu.memory_space<vmem>>, vector<1x16xf32>,
        %swap3A_309 = arith.index_cast %select_n3A_234 : i32 to index
        %swap3A_310 = arith.constant 16 : index
        %swap3A_311 = tpu.vector_load %arg8[%swap3A_309, %swap3A_310] {strides = array<i32>} : memref<315x128xf32, #tpu.memory_space<vmem>>, vector<1x16xf32>,
        %swap3A_312 = vector.shape_cast %swap3A_311 : vector<1x16xf32> to vector<16xf32>
        %swap3A_313 = vector.shape_cast %select_n3A_291 : vector<16xf32> to vector<1x16xf32>
        tpu.vector_store %arg8[%swap3A_309, %swap3A_310], %swap3A_313 {strides = array<i32>} : memref<315x128xf32, #tpu.memory_space<vmem>>, vector<1x16xf32>,
        %swap3A_314 = arith.index_cast %select_n3A_234 : i32 to index
        %swap3A_315 = arith.constant 32 : index
        %swap3A_316 = tpu.vector_load %arg8[%swap3A_314, %swap3A_315] {strides = array<i32>} : memref<315x128xf32, #tpu.memory_space<vmem>>, vector<1x16xf32>,
        %swap3A_317 = vector.shape_cast %swap3A_316 : vector<1x16xf32> to vector<16xf32>
        %swap3A_318 = vector.shape_cast %select_n3A_293 : vector<16xf32> to vector<1x16xf32>
        tpu.vector_store %arg8[%swap3A_314, %swap3A_315], %swap3A_318 {strides = array<i32>} : memref<315x128xf32, #tpu.memory_space<vmem>>, vector<1x16xf32>,
        %swap3A_319 = arith.index_cast %select_n3A_234 : i32 to index
        %swap3A_320 = arith.constant 48 : index
        %swap3A_321 = tpu.vector_load %arg8[%swap3A_319, %swap3A_320] {strides = array<i32>} : memref<315x128xf32, #tpu.memory_space<vmem>>, vector<1x16xf32>,
        %swap3A_322 = vector.shape_cast %swap3A_321 : vector<1x16xf32> to vector<16xf32>
        %swap3A_323 = vector.shape_cast %select_n3A_295 : vector<16xf32> to vector<1x16xf32>
        tpu.vector_store %arg8[%swap3A_319, %swap3A_320], %swap3A_323 {strides = array<i32>} : memref<315x128xf32, #tpu.memory_space<vmem>>, vector<1x16xf32>,
        %swap3A_324 = arith.index_cast %select_n3A_234 : i32 to index
        %swap3A_325 = arith.constant 64 : index
        %swap3A_326 = tpu.vector_load %arg8[%swap3A_324, %swap3A_325] {strides = array<i32>} : memref<315x128xf32, #tpu.memory_space<vmem>>, vector<1x16xf32>,
        %swap3A_327 = vector.shape_cast %swap3A_326 : vector<1x16xf32> to vector<16xf32>
        %swap3A_328 = vector.shape_cast %select_n3A_297 : vector<16xf32> to vector<1x16xf32>
        tpu.vector_store %arg8[%swap3A_324, %swap3A_325], %swap3A_328 {strides = array<i32>} : memref<315x128xf32, #tpu.memory_space<vmem>>, vector<1x16xf32>,
        %swap3A_329 = arith.index_cast %select_n3A_234 : i32 to index
        %swap3A_330 = arith.constant 80 : index
        %swap3A_331 = tpu.vector_load %arg8[%swap3A_329, %swap3A_330] {strides = array<i32>} : memref<315x128xf32, #tpu.memory_space<vmem>>, vector<1x16xf32>,
        %swap3A_332 = vector.shape_cast %swap3A_331 : vector<1x16xf32> to vector<16xf32>
        %swap3A_333 = vector.shape_cast %select_n3A_299 : vector<16xf32> to vector<1x16xf32>
        tpu.vector_store %arg8[%swap3A_329, %swap3A_330], %swap3A_333 {strides = array<i32>} : memref<315x128xf32, #tpu.memory_space<vmem>>, vector<1x16xf32>,
        %swap3A_334 = arith.index_cast %select_n3A_234 : i32 to index
        %swap3A_335 = arith.constant 96 : index
        %swap3A_336 = tpu.vector_load %arg8[%swap3A_334, %swap3A_335] {strides = array<i32>} : memref<315x128xf32, #tpu.memory_space<vmem>>, vector<1x16xf32>,
        %swap3A_337 = vector.shape_cast %swap3A_336 : vector<1x16xf32> to vector<16xf32>
        %swap3A_338 = vector.shape_cast %select_n3A_301 : vector<16xf32> to vector<1x16xf32>
        tpu.vector_store %arg8[%swap3A_334, %swap3A_335], %swap3A_338 {strides = array<i32>} : memref<315x128xf32, #tpu.memory_space<vmem>>, vector<1x16xf32>,
        %swap3A_339 = arith.index_cast %select_n3A_234 : i32 to index
        %swap3A_340 = arith.constant 112 : index
        %swap3A_341 = tpu.vector_load %arg8[%swap3A_339, %swap3A_340] {strides = array<i32>} : memref<315x128xf32, #tpu.memory_space<vmem>>, vector<1x16xf32>,
        %swap3A_342 = vector.shape_cast %swap3A_341 : vector<1x16xf32> to vector<16xf32>
        %swap3A_343 = vector.shape_cast %select_n3A_303 : vector<16xf32> to vector<1x16xf32>
        tpu.vector_store %arg8[%swap3A_339, %swap3A_340], %swap3A_343 {strides = array<i32>} : memref<315x128xf32, #tpu.memory_space<vmem>>, vector<1x16xf32>,
        scf.yield %select_n3A_234, %squeeze3A_230, %select_n3A_289, %select_n3A_291, %select_n3A_293, %select_n3A_295, %select_n3A_297, %select_n3A_299, %select_n3A_301, %select_n3A_303 : i32, i32, vector<16xf32>, vector<16xf32>, vector<16xf32>, vector<16xf32>, vector<16xf32>, vector<16xf32>, vector<16xf32>, vector<16xf32>
      }
      scf.yield %while3A_211#0, %while3A_211#1, %while3A_211#2, %while3A_211#3, %while3A_211#4, %while3A_211#5, %while3A_211#6, %while3A_211#7, %while3A_211#8, %while3A_211#9 : i32, i32, vector<16xf32>, vector<16xf32>, vector<16xf32>, vector<16xf32>, vector<16xf32>, vector<16xf32>, vector<16xf32>, vector<16xf32>
    }
    %broadcast_in_dim3A_62 = arith.constant 0 : i32
    %broadcast_in_dim3A_63 = vector.broadcast %broadcast_in_dim3A_62 : i32 to vector<16xi32>
    %add3A_64 = vector.broadcast %squeeze3A_4 : i32 to vector<16xi32>
    %add3A_65 = arith.addi %broadcast_in_dim3A_63, %add3A_64 : vector<16xi32>
    %add3A_66 = arith.constant 1 : i32
    %add3A_67 = arith.addi %while3A_61#0, %add3A_66 : i32
    %mul3A_68 = arith.constant 16 : i32
    %mul3A_69 = arith.muli %add3A_67, %mul3A_68 : i32
    %swap3A = arith.index_cast %mul3A_69 : i32 to index
    %swap3A_70 = tpu.vector_load %arg10[%swap3A] {strides = array<i32>} : memref<5056xi32, #tpu.memory_space<vmem>>, vector<16xi32>,
    %swap3A_71 = vector.shape_cast %swap3A_70 : vector<16xi32> to vector<16xi32>
    %swap3A_72 = vector.shape_cast %add3A_65 : vector<16xi32> to vector<16xi32>
    tpu.vector_store %arg10[%swap3A], %swap3A_72 {strides = array<i32>} : memref<5056xi32, #tpu.memory_space<vmem>>, vector<16xi32>,
    %lt3A_73 = arith.cmpi slt, %select_n3A, %select_n3A_48 : i32
    %convert_element_type3A_74 = arith.extui %lt3A_73 : i1 to i32
    %cond3A_75 = arith.constant 0 : i32
    %cond3A_76 = arith.cmpi ne, %convert_element_type3A_74, %cond3A_75 : i32
    scf.if %cond3A_76 {
      %rem3A_168 = arith.constant 3 : i32
      %rem3A_169 = arith.remsi %select_n3A, %rem3A_168 : i32
      %mul3A_170 = arith.constant 80 : i32
      %mul3A_171 = arith.muli %select_n3A, %mul3A_170 : i32
      %dma_start3A = arith.constant 0 : i32
      %dma_start3A_172 = arith.constant 0 : i32
      %dma_start3A_173 = tpu.memref_slice %arg6[%rem3A_169, %dma_start3A, %dma_start3A_172] : memref<3x80x128xf32, #tpu.memory_space<vmem>> -> memref<1x80x128xf32, #tpu.memory_space<vmem>>
      %dma_start3A_174 = tpu.memref_squeeze %dma_start3A_173 : memref<1x80x128xf32, #tpu.memory_space<vmem>> -> memref<80x128xf32, #tpu.memory_space<vmem>>
      %dma_start3A_175 = arith.constant 0 : i32
      %dma_start3A_176 = tpu.memref_slice %arg2[%mul3A_171, %dma_start3A_175] : memref<320000x128xf32, #tpu.memory_space<hbm>> -> memref<80x128xf32, #tpu.memory_space<hbm>>
      %dma_start3A_177 = tpu.memref_slice %arg12[%rem3A_169] : memref<3x!tpu.dma_semaphore, #tpu.memory_space<semaphore_mem>> -> memref<1x!tpu.dma_semaphore, #tpu.memory_space<semaphore_mem>>
      %dma_start3A_178 = tpu.memref_squeeze %dma_start3A_177 : memref<1x!tpu.dma_semaphore, #tpu.memory_space<semaphore_mem>> -> memref<!tpu.dma_semaphore, #tpu.memory_space<semaphore_mem>>
      %dma_start3A_179 = arith.constant 0 : i32
      %dma_start3A_180 = arith.constant 0 : i32
      %dma_start3A_181 = tpu.memref_slice %arg6[%rem3A_169, %dma_start3A_179, %dma_start3A_180] : memref<3x80x128xf32, #tpu.memory_space<vmem>> -> memref<1x80x128xf32, #tpu.memory_space<vmem>>
      %dma_start3A_182 = tpu.memref_squeeze %dma_start3A_181 : memref<1x80x128xf32, #tpu.memory_space<vmem>> -> memref<80x128xf32, #tpu.memory_space<vmem>>
      %dma_start3A_183 = arith.constant 0 : i32
      %dma_start3A_184 = tpu.memref_slice %arg2[%mul3A_171, %dma_start3A_183] : memref<320000x128xf32, #tpu.memory_space<hbm>> -> memref<80x128xf32, #tpu.memory_space<hbm>>
      tpu.enqueue_dma source(%dma_start3A_184 : memref<80x128xf32, #tpu.memory_space<hbm>>) target(%dma_start3A_182 : memref<80x128xf32, #tpu.memory_space<vmem>>) target_semaphore(%dma_start3A_178 : memref<!tpu.dma_semaphore, #tpu.memory_space<semaphore_mem>>)
    } else {
    }
    %add3A_77 = arith.constant 1 : i32
    %add3A_78 = arith.addi %while3A_61#0, %add3A_77 : i32
    %while3A_79 = arith.constant 1 : i32
    %while3A_80 = arith.constant -1 : i32
    %while3A_81 = arith.subi %add3A_78, %while3A_79 : i32
    %while3A_82 = arith.addi %while3A_79, %while3A_81 : i32
    %while3A_83 = arith.constant 1 : i32
    %while3A_84 = arith.divsi %while3A_81, %while3A_83 : i32
    %while3A_85 = arith.muli %while3A_84, %while3A_83 : i32
    %while3A_86 = arith.addi %while3A_79, %while3A_85 : i32
    %while3A_87 = arith.constant 1 : i32
    %while3A_88 = scf.for %while3A_168 = %while3A_79 to %while3A_86 step %while3A_87 iter_args(%while3A_169 = %while3A_80) -> (i32)  : i32 {
      %mul3A_170 = arith.constant 16 : i32
      %mul3A_171 = arith.muli %while3A_168, %mul3A_170 : i32
      %get3A_172 = arith.index_cast %mul3A_171 : i32 to index
      %get3A_173 = tpu.vector_load %arg10[%get3A_172] {strides = array<i32>} : memref<5056xi32, #tpu.memory_space<vmem>>, vector<16xi32>,
      %get3A_174 = vector.shape_cast %get3A_173 : vector<16xi32> to vector<16xi32>
      %slice3A_175 = vector.extract_strided_slice %get3A_174 {offsets = [0], sizes = [1], strides = [1]} : vector<16xi32> to vector<1xi32>
      %squeeze3A_176 = vector.extract %slice3A_175[0] : i32 from vector<1xi32>
      %add3A_177 = arith.constant 1 : i32
      %add3A_178 = arith.addi %while3A_168, %add3A_177 : i32
      %mul3A_179 = arith.constant 16 : i32
      %mul3A_180 = arith.muli %add3A_178, %mul3A_179 : i32
      %get3A_181 = arith.index_cast %mul3A_180 : i32 to index
      %get3A_182 = tpu.vector_load %arg10[%get3A_181] {strides = array<i32>} : memref<5056xi32, #tpu.memory_space<vmem>>, vector<16xi32>,
      %get3A_183 = vector.shape_cast %get3A_182 : vector<16xi32> to vector<16xi32>
      %slice3A_184 = vector.extract_strided_slice %get3A_183 {offsets = [0], sizes = [1], strides = [1]} : vector<16xi32> to vector<1xi32>
      %squeeze3A_185 = vector.extract %slice3A_184[0] : i32 from vector<1xi32>
      %get3A_186 = arith.index_cast %while3A_168 : i32 to index
      %get3A_187 = arith.constant 0 : index
      %get3A_188 = tpu.vector_load %arg8[%get3A_186, %get3A_187] {strides = array<i32>} : memref<315x128xf32, #tpu.memory_space<vmem>>, vector<1x16xf32>,
      %get3A_189 = vector.shape_cast %get3A_188 : vector<1x16xf32> to vector<16xf32>
      %get3A_190 = arith.index_cast %while3A_168 : i32 to index
      %get3A_191 = arith.constant 16 : index
      %get3A_192 = tpu.vector_load %arg8[%get3A_190, %get3A_191] {strides = array<i32>} : memref<315x128xf32, #tpu.memory_space<vmem>>, vector<1x16xf32>,
      %get3A_193 = vector.shape_cast %get3A_192 : vector<1x16xf32> to vector<16xf32>
      %get3A_194 = arith.index_cast %while3A_168 : i32 to index
      %get3A_195 = arith.constant 32 : index
      %get3A_196 = tpu.vector_load %arg8[%get3A_194, %get3A_195] {strides = array<i32>} : memref<315x128xf32, #tpu.memory_space<vmem>>, vector<1x16xf32>,
      %get3A_197 = vector.shape_cast %get3A_196 : vector<1x16xf32> to vector<16xf32>
      %get3A_198 = arith.index_cast %while3A_168 : i32 to index
      %get3A_199 = arith.constant 48 : index
      %get3A_200 = tpu.vector_load %arg8[%get3A_198, %get3A_199] {strides = array<i32>} : memref<315x128xf32, #tpu.memory_space<vmem>>, vector<1x16xf32>,
      %get3A_201 = vector.shape_cast %get3A_200 : vector<1x16xf32> to vector<16xf32>
      %get3A_202 = arith.index_cast %while3A_168 : i32 to index
      %get3A_203 = arith.constant 64 : index
      %get3A_204 = tpu.vector_load %arg8[%get3A_202, %get3A_203] {strides = array<i32>} : memref<315x128xf32, #tpu.memory_space<vmem>>, vector<1x16xf32>,
      %get3A_205 = vector.shape_cast %get3A_204 : vector<1x16xf32> to vector<16xf32>
      %get3A_206 = arith.index_cast %while3A_168 : i32 to index
      %get3A_207 = arith.constant 80 : index
      %get3A_208 = tpu.vector_load %arg8[%get3A_206, %get3A_207] {strides = array<i32>} : memref<315x128xf32, #tpu.memory_space<vmem>>, vector<1x16xf32>,
      %get3A_209 = vector.shape_cast %get3A_208 : vector<1x16xf32> to vector<16xf32>
      %get3A_210 = arith.index_cast %while3A_168 : i32 to index
      %get3A_211 = arith.constant 96 : index
      %get3A_212 = tpu.vector_load %arg8[%get3A_210, %get3A_211] {strides = array<i32>} : memref<315x128xf32, #tpu.memory_space<vmem>>, vector<1x16xf32>,
      %get3A_213 = vector.shape_cast %get3A_212 : vector<1x16xf32> to vector<16xf32>
      %get3A_214 = arith.index_cast %while3A_168 : i32 to index
      %get3A_215 = arith.constant 112 : index
      %get3A_216 = tpu.vector_load %arg8[%get3A_214, %get3A_215] {strides = array<i32>} : memref<315x128xf32, #tpu.memory_space<vmem>>, vector<1x16xf32>,
      %get3A_217 = vector.shape_cast %get3A_216 : vector<1x16xf32> to vector<16xf32>
      %jit3A_218 = arith.constant 80 : i32
      %div3A_219 = arith.divsi %squeeze3A_176, %jit3A_218 : i32
      %sign3A_220 = arith.constant 0 : i32
      %sign3A_221 = arith.cmpi sgt, %squeeze3A_176, %sign3A_220 : i32
      %sign3A_222 = arith.extui %sign3A_221 : i1 to i32
      %sign3A_223 = arith.constant 0 : i32
      %sign3A_224 = arith.cmpi slt, %squeeze3A_176, %sign3A_223 : i32
      %sign3A_225 = arith.extui %sign3A_224 : i1 to i32
      %sign3A_226 = arith.subi %sign3A_222, %sign3A_225 : i32
      %sign3A_227 = arith.constant 0 : i32
      %sign3A_228 = arith.cmpi sgt, %jit3A_218, %sign3A_227 : i32
      %sign3A_229 = arith.extui %sign3A_228 : i1 to i32
      %sign3A_230 = arith.constant 0 : i32
      %sign3A_231 = arith.cmpi slt, %jit3A_218, %sign3A_230 : i32
      %sign3A_232 = arith.extui %sign3A_231 : i1 to i32
      %sign3A_233 = arith.subi %sign3A_229, %sign3A_232 : i32
      %ne3A_234 = arith.cmpi ne, %sign3A_226, %sign3A_233 : i32
      %rem3A_235 = arith.remsi %squeeze3A_176, %jit3A_218 : i32
      %ne3A_236 = arith.constant 0 : i32
      %ne3A_237 = arith.cmpi ne, %rem3A_235, %ne3A_236 : i32
      %and3A_238 = arith.andi %ne3A_234, %ne3A_237 : i1
      %sub3A_239 = arith.constant 1 : i32
      %sub3A_240 = arith.subi %div3A_219, %sub3A_239 : i32
      %select_n3A_241 = arith.select %and3A_238, %sub3A_240, %div3A_219 : i32
      %add3A_242 = arith.constant 80 : i32
      %add3A_243 = arith.addi %squeeze3A_185, %add3A_242 : i32
      %sub3A_244 = arith.constant 1 : i32
      %sub3A_245 = arith.subi %add3A_243, %sub3A_244 : i32
      %jit3A_246 = arith.constant 80 : i32
      %div3A_247 = arith.divsi %sub3A_245, %jit3A_246 : i32
      %sign3A_248 = arith.constant 0 : i32
      %sign3A_249 = arith.cmpi sgt, %sub3A_245, %sign3A_248 : i32
      %sign3A_250 = arith.extui %sign3A_249 : i1 to i32
      %sign3A_251 = arith.constant 0 : i32
      %sign3A_252 = arith.cmpi slt, %sub3A_245, %sign3A_251 : i32
      %sign3A_253 = arith.extui %sign3A_252 : i1 to i32
      %sign3A_254 = arith.subi %sign3A_250, %sign3A_253 : i32
      %sign3A_255 = arith.constant 0 : i32
      %sign3A_256 = arith.cmpi sgt, %jit3A_246, %sign3A_255 : i32
      %sign3A_257 = arith.extui %sign3A_256 : i1 to i32
      %sign3A_258 = arith.constant 0 : i32
      %sign3A_259 = arith.cmpi slt, %jit3A_246, %sign3A_258 : i32
      %sign3A_260 = arith.extui %sign3A_259 : i1 to i32
      %sign3A_261 = arith.subi %sign3A_257, %sign3A_260 : i32
      %ne3A_262 = arith.cmpi ne, %sign3A_254, %sign3A_261 : i32
      %rem3A_263 = arith.remsi %sub3A_245, %jit3A_246 : i32
      %ne3A_264 = arith.constant 0 : i32
      %ne3A_265 = arith.cmpi ne, %rem3A_263, %ne3A_264 : i32
      %and3A_266 = arith.andi %ne3A_262, %ne3A_265 : i1
      %sub3A_267 = arith.constant 1 : i32
      %sub3A_268 = arith.subi %div3A_247, %sub3A_267 : i32
      %select_n3A_269 = arith.select %and3A_266, %sub3A_268, %div3A_247 : i32
      %while3A_270 = arith.subi %select_n3A_269, %select_n3A_241 : i32
      %while3A_271 = arith.addi %select_n3A_241, %while3A_270 : i32
      %while3A_272 = arith.constant 1 : i32
      %while3A_273 = arith.divsi %while3A_270, %while3A_272 : i32
      %while3A_274 = arith.muli %while3A_273, %while3A_272 : i32
      %while3A_275 = arith.addi %select_n3A_241, %while3A_274 : i32
      %while3A_276 = arith.constant 1 : i32
      %while3A_277:9 = scf.for %while3A_344 = %select_n3A_241 to %while3A_275 step %while3A_276 iter_args(%while3A_345 = %while3A_169, %while3A_346 = %broadcast_in_dim3A_49, %while3A_347 = %broadcast_in_dim3A_49, %while3A_348 = %broadcast_in_dim3A_49, %while3A_349 = %broadcast_in_dim3A_49, %while3A_350 = %broadcast_in_dim3A_49, %while3A_351 = %broadcast_in_dim3A_49, %while3A_352 = %broadcast_in_dim3A_49, %while3A_353 = %broadcast_in_dim3A_49) -> (i32, vector<16xf32>, vector<16xf32>, vector<16xf32>, vector<16xf32>, vector<16xf32>, vector<16xf32>, vector<16xf32>, vector<16xf32>)  : i32 {
        %ne3A_354 = arith.cmpi ne, %while3A_344, %while3A_345 : i32
        %convert_element_type3A_355 = arith.extui %ne3A_354 : i1 to i32
        %cond3A_356 = arith.constant 0 : i32
        %cond3A_357 = arith.cmpi ne, %convert_element_type3A_355, %cond3A_356 : i32
        scf.if %cond3A_357 {
          %rem3A_384 = arith.constant 3 : i32
          %rem3A_385 = arith.remsi %while3A_344, %rem3A_384 : i32
          %mul3A_386 = arith.constant 80 : i32
          %mul3A_387 = arith.muli %while3A_344, %mul3A_386 : i32
          %dma_wait3A = arith.constant 0 : i32
          %dma_wait3A_388 = arith.constant 0 : i32
          %dma_wait3A_389 = tpu.memref_slice %arg6[%rem3A_385, %dma_wait3A, %dma_wait3A_388] : memref<3x80x128xf32, #tpu.memory_space<vmem>> -> memref<1x80x128xf32, #tpu.memory_space<vmem>>
          %dma_wait3A_390 = tpu.memref_squeeze %dma_wait3A_389 : memref<1x80x128xf32, #tpu.memory_space<vmem>> -> memref<80x128xf32, #tpu.memory_space<vmem>>
          %dma_wait3A_391 = arith.constant 0 : i32
          %dma_wait3A_392 = tpu.memref_slice %arg2[%mul3A_387, %dma_wait3A_391] : memref<320000x128xf32, #tpu.memory_space<hbm>> -> memref<80x128xf32, #tpu.memory_space<hbm>>
          %dma_wait3A_393 = tpu.memref_slice %arg12[%rem3A_385] : memref<3x!tpu.dma_semaphore, #tpu.memory_space<semaphore_mem>> -> memref<1x!tpu.dma_semaphore, #tpu.memory_space<semaphore_mem>>
          %dma_wait3A_394 = tpu.memref_squeeze %dma_wait3A_393 : memref<1x!tpu.dma_semaphore, #tpu.memory_space<semaphore_mem>> -> memref<!tpu.dma_semaphore, #tpu.memory_space<semaphore_mem>>
          %dma_wait3A_395 = arith.constant 0 : i32
          %dma_wait3A_396 = arith.constant 0 : i32
          %dma_wait3A_397 = tpu.memref_slice %arg6[%rem3A_385, %dma_wait3A_395, %dma_wait3A_396] : memref<3x80x128xf32, #tpu.memory_space<vmem>> -> memref<1x80x128xf32, #tpu.memory_space<vmem>>
          %dma_wait3A_398 = tpu.memref_squeeze %dma_wait3A_397 : memref<1x80x128xf32, #tpu.memory_space<vmem>> -> memref<80x128xf32, #tpu.memory_space<vmem>>
          %dma_wait3A_399 = arith.constant 0 : i32
          %dma_wait3A_400 = tpu.memref_slice %arg2[%mul3A_387, %dma_wait3A_399] : memref<320000x128xf32, #tpu.memory_space<hbm>> -> memref<80x128xf32, #tpu.memory_space<hbm>>
          tpu.wait_dma2 semaphore(%dma_wait3A_394 : memref<!tpu.dma_semaphore, #tpu.memory_space<semaphore_mem>>) src(%dma_wait3A_400 : memref<80x128xf32, #tpu.memory_space<hbm>>) dst(%dma_wait3A_398 : memref<80x128xf32, #tpu.memory_space<vmem>>)
        } else {
        }
        %ne3A_358 = arith.cmpi ne, %while3A_344, %while3A_345 : i32
        %add3A_359 = arith.constant 1 : i32
        %add3A_360 = arith.addi %while3A_344, %add3A_359 : i32
        %lt3A_361 = arith.cmpi slt, %add3A_360, %select_n3A_48 : i32
        %and3A_362 = arith.andi %ne3A_358, %lt3A_361 : i1
        %convert_element_type3A_363 = arith.extui %and3A_362 : i1 to i32
        %cond3A_364 = arith.constant 0 : i32
        %cond3A_365 = arith.cmpi ne, %convert_element_type3A_363, %cond3A_364 : i32
        scf.if %cond3A_365 {
          %add3A_384 = arith.constant 1 : i32
          %add3A_385 = arith.addi %while3A_344, %add3A_384 : i32
          %rem3A_386 = arith.constant 3 : i32
          %rem3A_387 = arith.remsi %add3A_385, %rem3A_386 : i32
          %mul3A_388 = arith.constant 80 : i32
          %mul3A_389 = arith.muli %add3A_385, %mul3A_388 : i32
          %dma_start3A = arith.constant 0 : i32
          %dma_start3A_390 = arith.constant 0 : i32
          %dma_start3A_391 = tpu.memref_slice %arg6[%rem3A_387, %dma_start3A, %dma_start3A_390] : memref<3x80x128xf32, #tpu.memory_space<vmem>> -> memref<1x80x128xf32, #tpu.memory_space<vmem>>
          %dma_start3A_392 = tpu.memref_squeeze %dma_start3A_391 : memref<1x80x128xf32, #tpu.memory_space<vmem>> -> memref<80x128xf32, #tpu.memory_space<vmem>>
          %dma_start3A_393 = arith.constant 0 : i32
          %dma_start3A_394 = tpu.memref_slice %arg2[%mul3A_389, %dma_start3A_393] : memref<320000x128xf32, #tpu.memory_space<hbm>> -> memref<80x128xf32, #tpu.memory_space<hbm>>
          %dma_start3A_395 = tpu.memref_slice %arg12[%rem3A_387] : memref<3x!tpu.dma_semaphore, #tpu.memory_space<semaphore_mem>> -> memref<1x!tpu.dma_semaphore, #tpu.memory_space<semaphore_mem>>
          %dma_start3A_396 = tpu.memref_squeeze %dma_start3A_395 : memref<1x!tpu.dma_semaphore, #tpu.memory_space<semaphore_mem>> -> memref<!tpu.dma_semaphore, #tpu.memory_space<semaphore_mem>>
          %dma_start3A_397 = arith.constant 0 : i32
          %dma_start3A_398 = arith.constant 0 : i32
          %dma_start3A_399 = tpu.memref_slice %arg6[%rem3A_387, %dma_start3A_397, %dma_start3A_398] : memref<3x80x128xf32, #tpu.memory_space<vmem>> -> memref<1x80x128xf32, #tpu.memory_space<vmem>>
          %dma_start3A_400 = tpu.memref_squeeze %dma_start3A_399 : memref<1x80x128xf32, #tpu.memory_space<vmem>> -> memref<80x128xf32, #tpu.memory_space<vmem>>
          %dma_start3A_401 = arith.constant 0 : i32
          %dma_start3A_402 = tpu.memref_slice %arg2[%mul3A_389, %dma_start3A_401] : memref<320000x128xf32, #tpu.memory_space<hbm>> -> memref<80x128xf32, #tpu.memory_space<hbm>>
          tpu.enqueue_dma source(%dma_start3A_402 : memref<80x128xf32, #tpu.memory_space<hbm>>) target(%dma_start3A_400 : memref<80x128xf32, #tpu.memory_space<vmem>>) target_semaphore(%dma_start3A_396 : memref<!tpu.dma_semaphore, #tpu.memory_space<semaphore_mem>>)
        } else {
        }
        %rem3A_366 = arith.constant 3 : i32
        %rem3A_367 = arith.remsi %while3A_344, %rem3A_366 : i32
        %mul3A_368 = arith.constant 80 : i32
        %mul3A_369 = arith.muli %while3A_344, %mul3A_368 : i32
        %sub3A_370 = arith.subi %squeeze3A_176, %mul3A_369 : i32
        %max3A = arith.constant 0 : i32
        %max3A_371 = arith.maxsi %sub3A_370, %max3A : i32
        %sub3A_372 = arith.subi %squeeze3A_185, %mul3A_369 : i32
        %min3A = arith.constant 80 : i32
        %min3A_373 = arith.minsi %sub3A_372, %min3A : i32
        %while3A_374 = arith.subi %min3A_373, %max3A_371 : i32
        %while3A_375 = arith.addi %max3A_371, %while3A_374 : i32
        %while3A_376 = arith.constant 1 : i32
        %while3A_377 = arith.divsi %while3A_374, %while3A_376 : i32
        %while3A_378 = arith.muli %while3A_377, %while3A_376 : i32
        %while3A_379 = arith.addi %max3A_371, %while3A_378 : i32
        %while3A_380 = arith.constant 1 : i32
        %while3A_381:8 = scf.for %while3A_384 = %max3A_371 to %while3A_379 step %while3A_380 iter_args(%while3A_385 = %while3A_346, %while3A_386 = %while3A_347, %while3A_387 = %while3A_348, %while3A_388 = %while3A_349, %while3A_389 = %while3A_350, %while3A_390 = %while3A_351, %while3A_391 = %while3A_352, %while3A_392 = %while3A_353) -> (vector<16xf32>, vector<16xf32>, vector<16xf32>, vector<16xf32>, vector<16xf32>, vector<16xf32>, vector<16xf32>, vector<16xf32>)  : i32 {
          %get3A_393 = arith.index_cast %rem3A_367 : i32 to index
          %get3A_394 = arith.index_cast %while3A_384 : i32 to index
          %get3A_395 = arith.constant 0 : index
          %get3A_396 = tpu.vector_load %arg6[%get3A_393, %get3A_394, %get3A_395] {strides = array<i32>} : memref<3x80x128xf32, #tpu.memory_space<vmem>>, vector<1x1x16xf32>,
          %get3A_397 = vector.shape_cast %get3A_396 : vector<1x1x16xf32> to vector<16xf32>
          %get3A_398 = arith.index_cast %rem3A_367 : i32 to index
          %get3A_399 = arith.index_cast %while3A_384 : i32 to index
          %get3A_400 = arith.constant 16 : index
          %get3A_401 = tpu.vector_load %arg6[%get3A_398, %get3A_399, %get3A_400] {strides = array<i32>} : memref<3x80x128xf32, #tpu.memory_space<vmem>>, vector<1x1x16xf32>,
          %get3A_402 = vector.shape_cast %get3A_401 : vector<1x1x16xf32> to vector<16xf32>
          %get3A_403 = arith.index_cast %rem3A_367 : i32 to index
          %get3A_404 = arith.index_cast %while3A_384 : i32 to index
          %get3A_405 = arith.constant 32 : index
          %get3A_406 = tpu.vector_load %arg6[%get3A_403, %get3A_404, %get3A_405] {strides = array<i32>} : memref<3x80x128xf32, #tpu.memory_space<vmem>>, vector<1x1x16xf32>,
          %get3A_407 = vector.shape_cast %get3A_406 : vector<1x1x16xf32> to vector<16xf32>
          %get3A_408 = arith.index_cast %rem3A_367 : i32 to index
          %get3A_409 = arith.index_cast %while3A_384 : i32 to index
          %get3A_410 = arith.constant 48 : index
          %get3A_411 = tpu.vector_load %arg6[%get3A_408, %get3A_409, %get3A_410] {strides = array<i32>} : memref<3x80x128xf32, #tpu.memory_space<vmem>>, vector<1x1x16xf32>,
          %get3A_412 = vector.shape_cast %get3A_411 : vector<1x1x16xf32> to vector<16xf32>
          %get3A_413 = arith.index_cast %rem3A_367 : i32 to index
          %get3A_414 = arith.index_cast %while3A_384 : i32 to index
          %get3A_415 = arith.constant 64 : index
          %get3A_416 = tpu.vector_load %arg6[%get3A_413, %get3A_414, %get3A_415] {strides = array<i32>} : memref<3x80x128xf32, #tpu.memory_space<vmem>>, vector<1x1x16xf32>,
          %get3A_417 = vector.shape_cast %get3A_416 : vector<1x1x16xf32> to vector<16xf32>
          %get3A_418 = arith.index_cast %rem3A_367 : i32 to index
          %get3A_419 = arith.index_cast %while3A_384 : i32 to index
          %get3A_420 = arith.constant 80 : index
          %get3A_421 = tpu.vector_load %arg6[%get3A_418, %get3A_419, %get3A_420] {strides = array<i32>} : memref<3x80x128xf32, #tpu.memory_space<vmem>>, vector<1x1x16xf32>,
          %get3A_422 = vector.shape_cast %get3A_421 : vector<1x1x16xf32> to vector<16xf32>
          %get3A_423 = arith.index_cast %rem3A_367 : i32 to index
          %get3A_424 = arith.index_cast %while3A_384 : i32 to index
          %get3A_425 = arith.constant 96 : index
          %get3A_426 = tpu.vector_load %arg6[%get3A_423, %get3A_424, %get3A_425] {strides = array<i32>} : memref<3x80x128xf32, #tpu.memory_space<vmem>>, vector<1x1x16xf32>,
          %get3A_427 = vector.shape_cast %get3A_426 : vector<1x1x16xf32> to vector<16xf32>
          %get3A_428 = arith.index_cast %rem3A_367 : i32 to index
          %get3A_429 = arith.index_cast %while3A_384 : i32 to index
          %get3A_430 = arith.constant 112 : index
          %get3A_431 = tpu.vector_load %arg6[%get3A_428, %get3A_429, %get3A_430] {strides = array<i32>} : memref<3x80x128xf32, #tpu.memory_space<vmem>>, vector<1x1x16xf32>,
          %get3A_432 = vector.shape_cast %get3A_431 : vector<1x1x16xf32> to vector<16xf32>
          %sub3A_433 = arith.subf %get3A_397, %get3A_189 : vector<16xf32>
          %exp3A = math.exp %sub3A_433 : vector<16xf32>
          %add3A_434 = arith.constant 9.99999974E-6 : f32
          %add3A_435 = vector.broadcast %add3A_434 : f32 to vector<16xf32>
          %add3A_436 = arith.addf %exp3A, %add3A_435 : vector<16xf32>
          %add3A_437 = arith.addf %while3A_385, %add3A_436 : vector<16xf32>
          %sub3A_438 = arith.subf %get3A_402, %get3A_193 : vector<16xf32>
          %exp3A_439 = math.exp %sub3A_438 : vector<16xf32>
          %add3A_440 = arith.constant 9.99999974E-6 : f32
          %add3A_441 = vector.broadcast %add3A_440 : f32 to vector<16xf32>
          %add3A_442 = arith.addf %exp3A_439, %add3A_441 : vector<16xf32>
          %add3A_443 = arith.addf %while3A_386, %add3A_442 : vector<16xf32>
          %sub3A_444 = arith.subf %get3A_407, %get3A_197 : vector<16xf32>
          %exp3A_445 = math.exp %sub3A_444 : vector<16xf32>
          %add3A_446 = arith.constant 9.99999974E-6 : f32
          %add3A_447 = vector.broadcast %add3A_446 : f32 to vector<16xf32>
          %add3A_448 = arith.addf %exp3A_445, %add3A_447 : vector<16xf32>
          %add3A_449 = arith.addf %while3A_387, %add3A_448 : vector<16xf32>
          %sub3A_450 = arith.subf %get3A_412, %get3A_201 : vector<16xf32>
          %exp3A_451 = math.exp %sub3A_450 : vector<16xf32>
          %add3A_452 = arith.constant 9.99999974E-6 : f32
          %add3A_453 = vector.broadcast %add3A_452 : f32 to vector<16xf32>
          %add3A_454 = arith.addf %exp3A_451, %add3A_453 : vector<16xf32>
          %add3A_455 = arith.addf %while3A_388, %add3A_454 : vector<16xf32>
          %sub3A_456 = arith.subf %get3A_417, %get3A_205 : vector<16xf32>
          %exp3A_457 = math.exp %sub3A_456 : vector<16xf32>
          %add3A_458 = arith.constant 9.99999974E-6 : f32
          %add3A_459 = vector.broadcast %add3A_458 : f32 to vector<16xf32>
          %add3A_460 = arith.addf %exp3A_457, %add3A_459 : vector<16xf32>
          %add3A_461 = arith.addf %while3A_389, %add3A_460 : vector<16xf32>
          %sub3A_462 = arith.subf %get3A_422, %get3A_209 : vector<16xf32>
          %exp3A_463 = math.exp %sub3A_462 : vector<16xf32>
          %add3A_464 = arith.constant 9.99999974E-6 : f32
          %add3A_465 = vector.broadcast %add3A_464 : f32 to vector<16xf32>
          %add3A_466 = arith.addf %exp3A_463, %add3A_465 : vector<16xf32>
          %add3A_467 = arith.addf %while3A_390, %add3A_466 : vector<16xf32>
          %sub3A_468 = arith.subf %get3A_427, %get3A_213 : vector<16xf32>
          %exp3A_469 = math.exp %sub3A_468 : vector<16xf32>
          %add3A_470 = arith.constant 9.99999974E-6 : f32
          %add3A_471 = vector.broadcast %add3A_470 : f32 to vector<16xf32>
          %add3A_472 = arith.addf %exp3A_469, %add3A_471 : vector<16xf32>
          %add3A_473 = arith.addf %while3A_391, %add3A_472 : vector<16xf32>
          %sub3A_474 = arith.subf %get3A_432, %get3A_217 : vector<16xf32>
          %exp3A_475 = math.exp %sub3A_474 : vector<16xf32>
          %add3A_476 = arith.constant 9.99999974E-6 : f32
          %add3A_477 = vector.broadcast %add3A_476 : f32 to vector<16xf32>
          %add3A_478 = arith.addf %exp3A_475, %add3A_477 : vector<16xf32>
          %add3A_479 = arith.addf %while3A_392, %add3A_478 : vector<16xf32>
          scf.yield %add3A_437, %add3A_443, %add3A_449, %add3A_455, %add3A_461, %add3A_467, %add3A_473, %add3A_479 : vector<16xf32>, vector<16xf32>, vector<16xf32>, vector<16xf32>, vector<16xf32>, vector<16xf32>, vector<16xf32>, vector<16xf32>
        }
        %while3A_382 = arith.constant 1 : i32
        %while3A_383:8 = scf.for %while3A_384 = %while3A_379 to %while3A_375 step %while3A_382 iter_args(%while3A_385 = %while3A_381#0, %while3A_386 = %while3A_381#1, %while3A_387 = %while3A_381#2, %while3A_388 = %while3A_381#3, %while3A_389 = %while3A_381#4, %while3A_390 = %while3A_381#5, %while3A_391 = %while3A_381#6, %while3A_392 = %while3A_381#7) -> (vector<16xf32>, vector<16xf32>, vector<16xf32>, vector<16xf32>, vector<16xf32>, vector<16xf32>, vector<16xf32>, vector<16xf32>)  : i32 {
          %get3A_393 = arith.index_cast %rem3A_367 : i32 to index
          %get3A_394 = arith.index_cast %while3A_384 : i32 to index
          %get3A_395 = arith.constant 0 : index
          %get3A_396 = tpu.vector_load %arg6[%get3A_393, %get3A_394, %get3A_395] {strides = array<i32>} : memref<3x80x128xf32, #tpu.memory_space<vmem>>, vector<1x1x16xf32>,
          %get3A_397 = vector.shape_cast %get3A_396 : vector<1x1x16xf32> to vector<16xf32>
          %get3A_398 = arith.index_cast %rem3A_367 : i32 to index
          %get3A_399 = arith.index_cast %while3A_384 : i32 to index
          %get3A_400 = arith.constant 16 : index
          %get3A_401 = tpu.vector_load %arg6[%get3A_398, %get3A_399, %get3A_400] {strides = array<i32>} : memref<3x80x128xf32, #tpu.memory_space<vmem>>, vector<1x1x16xf32>,
          %get3A_402 = vector.shape_cast %get3A_401 : vector<1x1x16xf32> to vector<16xf32>
          %get3A_403 = arith.index_cast %rem3A_367 : i32 to index
          %get3A_404 = arith.index_cast %while3A_384 : i32 to index
          %get3A_405 = arith.constant 32 : index
          %get3A_406 = tpu.vector_load %arg6[%get3A_403, %get3A_404, %get3A_405] {strides = array<i32>} : memref<3x80x128xf32, #tpu.memory_space<vmem>>, vector<1x1x16xf32>,
          %get3A_407 = vector.shape_cast %get3A_406 : vector<1x1x16xf32> to vector<16xf32>
          %get3A_408 = arith.index_cast %rem3A_367 : i32 to index
          %get3A_409 = arith.index_cast %while3A_384 : i32 to index
          %get3A_410 = arith.constant 48 : index
          %get3A_411 = tpu.vector_load %arg6[%get3A_408, %get3A_409, %get3A_410] {strides = array<i32>} : memref<3x80x128xf32, #tpu.memory_space<vmem>>, vector<1x1x16xf32>,
          %get3A_412 = vector.shape_cast %get3A_411 : vector<1x1x16xf32> to vector<16xf32>
          %get3A_413 = arith.index_cast %rem3A_367 : i32 to index
          %get3A_414 = arith.index_cast %while3A_384 : i32 to index
          %get3A_415 = arith.constant 64 : index
          %get3A_416 = tpu.vector_load %arg6[%get3A_413, %get3A_414, %get3A_415] {strides = array<i32>} : memref<3x80x128xf32, #tpu.memory_space<vmem>>, vector<1x1x16xf32>,
          %get3A_417 = vector.shape_cast %get3A_416 : vector<1x1x16xf32> to vector<16xf32>
          %get3A_418 = arith.index_cast %rem3A_367 : i32 to index
          %get3A_419 = arith.index_cast %while3A_384 : i32 to index
          %get3A_420 = arith.constant 80 : index
          %get3A_421 = tpu.vector_load %arg6[%get3A_418, %get3A_419, %get3A_420] {strides = array<i32>} : memref<3x80x128xf32, #tpu.memory_space<vmem>>, vector<1x1x16xf32>,
          %get3A_422 = vector.shape_cast %get3A_421 : vector<1x1x16xf32> to vector<16xf32>
          %get3A_423 = arith.index_cast %rem3A_367 : i32 to index
          %get3A_424 = arith.index_cast %while3A_384 : i32 to index
          %get3A_425 = arith.constant 96 : index
          %get3A_426 = tpu.vector_load %arg6[%get3A_423, %get3A_424, %get3A_425] {strides = array<i32>} : memref<3x80x128xf32, #tpu.memory_space<vmem>>, vector<1x1x16xf32>,
          %get3A_427 = vector.shape_cast %get3A_426 : vector<1x1x16xf32> to vector<16xf32>
          %get3A_428 = arith.index_cast %rem3A_367 : i32 to index
          %get3A_429 = arith.index_cast %while3A_384 : i32 to index
          %get3A_430 = arith.constant 112 : index
          %get3A_431 = tpu.vector_load %arg6[%get3A_428, %get3A_429, %get3A_430] {strides = array<i32>} : memref<3x80x128xf32, #tpu.memory_space<vmem>>, vector<1x1x16xf32>,
          %get3A_432 = vector.shape_cast %get3A_431 : vector<1x1x16xf32> to vector<16xf32>
          %sub3A_433 = arith.subf %get3A_397, %get3A_189 : vector<16xf32>
          %exp3A = math.exp %sub3A_433 : vector<16xf32>
          %add3A_434 = arith.constant 9.99999974E-6 : f32
          %add3A_435 = vector.broadcast %add3A_434 : f32 to vector<16xf32>
          %add3A_436 = arith.addf %exp3A, %add3A_435 : vector<16xf32>
          %add3A_437 = arith.addf %while3A_385, %add3A_436 : vector<16xf32>
          %sub3A_438 = arith.subf %get3A_402, %get3A_193 : vector<16xf32>
          %exp3A_439 = math.exp %sub3A_438 : vector<16xf32>
          %add3A_440 = arith.constant 9.99999974E-6 : f32
          %add3A_441 = vector.broadcast %add3A_440 : f32 to vector<16xf32>
          %add3A_442 = arith.addf %exp3A_439, %add3A_441 : vector<16xf32>
          %add3A_443 = arith.addf %while3A_386, %add3A_442 : vector<16xf32>
          %sub3A_444 = arith.subf %get3A_407, %get3A_197 : vector<16xf32>
          %exp3A_445 = math.exp %sub3A_444 : vector<16xf32>
          %add3A_446 = arith.constant 9.99999974E-6 : f32
          %add3A_447 = vector.broadcast %add3A_446 : f32 to vector<16xf32>
          %add3A_448 = arith.addf %exp3A_445, %add3A_447 : vector<16xf32>
          %add3A_449 = arith.addf %while3A_387, %add3A_448 : vector<16xf32>
          %sub3A_450 = arith.subf %get3A_412, %get3A_201 : vector<16xf32>
          %exp3A_451 = math.exp %sub3A_450 : vector<16xf32>
          %add3A_452 = arith.constant 9.99999974E-6 : f32
          %add3A_453 = vector.broadcast %add3A_452 : f32 to vector<16xf32>
          %add3A_454 = arith.addf %exp3A_451, %add3A_453 : vector<16xf32>
          %add3A_455 = arith.addf %while3A_388, %add3A_454 : vector<16xf32>
          %sub3A_456 = arith.subf %get3A_417, %get3A_205 : vector<16xf32>
          %exp3A_457 = math.exp %sub3A_456 : vector<16xf32>
          %add3A_458 = arith.constant 9.99999974E-6 : f32
          %add3A_459 = vector.broadcast %add3A_458 : f32 to vector<16xf32>
          %add3A_460 = arith.addf %exp3A_457, %add3A_459 : vector<16xf32>
          %add3A_461 = arith.addf %while3A_389, %add3A_460 : vector<16xf32>
          %sub3A_462 = arith.subf %get3A_422, %get3A_209 : vector<16xf32>
          %exp3A_463 = math.exp %sub3A_462 : vector<16xf32>
          %add3A_464 = arith.constant 9.99999974E-6 : f32
          %add3A_465 = vector.broadcast %add3A_464 : f32 to vector<16xf32>
          %add3A_466 = arith.addf %exp3A_463, %add3A_465 : vector<16xf32>
          %add3A_467 = arith.addf %while3A_390, %add3A_466 : vector<16xf32>
          %sub3A_468 = arith.subf %get3A_427, %get3A_213 : vector<16xf32>
          %exp3A_469 = math.exp %sub3A_468 : vector<16xf32>
          %add3A_470 = arith.constant 9.99999974E-6 : f32
          %add3A_471 = vector.broadcast %add3A_470 : f32 to vector<16xf32>
          %add3A_472 = arith.addf %exp3A_469, %add3A_471 : vector<16xf32>
          %add3A_473 = arith.addf %while3A_391, %add3A_472 : vector<16xf32>
          %sub3A_474 = arith.subf %get3A_432, %get3A_217 : vector<16xf32>
          %exp3A_475 = math.exp %sub3A_474 : vector<16xf32>
          %add3A_476 = arith.constant 9.99999974E-6 : f32
          %add3A_477 = vector.broadcast %add3A_476 : f32 to vector<16xf32>
          %add3A_478 = arith.addf %exp3A_475, %add3A_477 : vector<16xf32>
          %add3A_479 = arith.addf %while3A_392, %add3A_478 : vector<16xf32>
          scf.yield %add3A_437, %add3A_443, %add3A_449, %add3A_455, %add3A_461, %add3A_467, %add3A_473, %add3A_479 : vector<16xf32>, vector<16xf32>, vector<16xf32>, vector<16xf32>, vector<16xf32>, vector<16xf32>, vector<16xf32>, vector<16xf32>
        }
        scf.yield %while3A_344, %while3A_383#0, %while3A_383#1, %while3A_383#2, %while3A_383#3, %while3A_383#4, %while3A_383#5, %while3A_383#6, %while3A_383#7 : i32, vector<16xf32>, vector<16xf32>, vector<16xf32>, vector<16xf32>, vector<16xf32>, vector<16xf32>, vector<16xf32>, vector<16xf32>
      }
      %while3A_278 = arith.constant 1 : i32
      %while3A_279:9 = scf.for %while3A_344 = %while3A_275 to %while3A_271 step %while3A_278 iter_args(%while3A_345 = %while3A_277#0, %while3A_346 = %while3A_277#1, %while3A_347 = %while3A_277#2, %while3A_348 = %while3A_277#3, %while3A_349 = %while3A_277#4, %while3A_350 = %while3A_277#5, %while3A_351 = %while3A_277#6, %while3A_352 = %while3A_277#7, %while3A_353 = %while3A_277#8) -> (i32, vector<16xf32>, vector<16xf32>, vector<16xf32>, vector<16xf32>, vector<16xf32>, vector<16xf32>, vector<16xf32>, vector<16xf32>)  : i32 {
        %ne3A_354 = arith.cmpi ne, %while3A_344, %while3A_345 : i32
        %convert_element_type3A_355 = arith.extui %ne3A_354 : i1 to i32
        %cond3A_356 = arith.constant 0 : i32
        %cond3A_357 = arith.cmpi ne, %convert_element_type3A_355, %cond3A_356 : i32
        scf.if %cond3A_357 {
          %rem3A_384 = arith.constant 3 : i32
          %rem3A_385 = arith.remsi %while3A_344, %rem3A_384 : i32
          %mul3A_386 = arith.constant 80 : i32
          %mul3A_387 = arith.muli %while3A_344, %mul3A_386 : i32
          %dma_wait3A = arith.constant 0 : i32
          %dma_wait3A_388 = arith.constant 0 : i32
          %dma_wait3A_389 = tpu.memref_slice %arg6[%rem3A_385, %dma_wait3A, %dma_wait3A_388] : memref<3x80x128xf32, #tpu.memory_space<vmem>> -> memref<1x80x128xf32, #tpu.memory_space<vmem>>
          %dma_wait3A_390 = tpu.memref_squeeze %dma_wait3A_389 : memref<1x80x128xf32, #tpu.memory_space<vmem>> -> memref<80x128xf32, #tpu.memory_space<vmem>>
          %dma_wait3A_391 = arith.constant 0 : i32
          %dma_wait3A_392 = tpu.memref_slice %arg2[%mul3A_387, %dma_wait3A_391] : memref<320000x128xf32, #tpu.memory_space<hbm>> -> memref<80x128xf32, #tpu.memory_space<hbm>>
          %dma_wait3A_393 = tpu.memref_slice %arg12[%rem3A_385] : memref<3x!tpu.dma_semaphore, #tpu.memory_space<semaphore_mem>> -> memref<1x!tpu.dma_semaphore, #tpu.memory_space<semaphore_mem>>
          %dma_wait3A_394 = tpu.memref_squeeze %dma_wait3A_393 : memref<1x!tpu.dma_semaphore, #tpu.memory_space<semaphore_mem>> -> memref<!tpu.dma_semaphore, #tpu.memory_space<semaphore_mem>>
          %dma_wait3A_395 = arith.constant 0 : i32
          %dma_wait3A_396 = arith.constant 0 : i32
          %dma_wait3A_397 = tpu.memref_slice %arg6[%rem3A_385, %dma_wait3A_395, %dma_wait3A_396] : memref<3x80x128xf32, #tpu.memory_space<vmem>> -> memref<1x80x128xf32, #tpu.memory_space<vmem>>
          %dma_wait3A_398 = tpu.memref_squeeze %dma_wait3A_397 : memref<1x80x128xf32, #tpu.memory_space<vmem>> -> memref<80x128xf32, #tpu.memory_space<vmem>>
          %dma_wait3A_399 = arith.constant 0 : i32
          %dma_wait3A_400 = tpu.memref_slice %arg2[%mul3A_387, %dma_wait3A_399] : memref<320000x128xf32, #tpu.memory_space<hbm>> -> memref<80x128xf32, #tpu.memory_space<hbm>>
          tpu.wait_dma2 semaphore(%dma_wait3A_394 : memref<!tpu.dma_semaphore, #tpu.memory_space<semaphore_mem>>) src(%dma_wait3A_400 : memref<80x128xf32, #tpu.memory_space<hbm>>) dst(%dma_wait3A_398 : memref<80x128xf32, #tpu.memory_space<vmem>>)
        } else {
        }
        %ne3A_358 = arith.cmpi ne, %while3A_344, %while3A_345 : i32
        %add3A_359 = arith.constant 1 : i32
        %add3A_360 = arith.addi %while3A_344, %add3A_359 : i32
        %lt3A_361 = arith.cmpi slt, %add3A_360, %select_n3A_48 : i32
        %and3A_362 = arith.andi %ne3A_358, %lt3A_361 : i1
        %convert_element_type3A_363 = arith.extui %and3A_362 : i1 to i32
        %cond3A_364 = arith.constant 0 : i32
        %cond3A_365 = arith.cmpi ne, %convert_element_type3A_363, %cond3A_364 : i32
        scf.if %cond3A_365 {
          %add3A_384 = arith.constant 1 : i32
          %add3A_385 = arith.addi %while3A_344, %add3A_384 : i32
          %rem3A_386 = arith.constant 3 : i32
          %rem3A_387 = arith.remsi %add3A_385, %rem3A_386 : i32
          %mul3A_388 = arith.constant 80 : i32
          %mul3A_389 = arith.muli %add3A_385, %mul3A_388 : i32
          %dma_start3A = arith.constant 0 : i32
          %dma_start3A_390 = arith.constant 0 : i32
          %dma_start3A_391 = tpu.memref_slice %arg6[%rem3A_387, %dma_start3A, %dma_start3A_390] : memref<3x80x128xf32, #tpu.memory_space<vmem>> -> memref<1x80x128xf32, #tpu.memory_space<vmem>>
          %dma_start3A_392 = tpu.memref_squeeze %dma_start3A_391 : memref<1x80x128xf32, #tpu.memory_space<vmem>> -> memref<80x128xf32, #tpu.memory_space<vmem>>
          %dma_start3A_393 = arith.constant 0 : i32
          %dma_start3A_394 = tpu.memref_slice %arg2[%mul3A_389, %dma_start3A_393] : memref<320000x128xf32, #tpu.memory_space<hbm>> -> memref<80x128xf32, #tpu.memory_space<hbm>>
          %dma_start3A_395 = tpu.memref_slice %arg12[%rem3A_387] : memref<3x!tpu.dma_semaphore, #tpu.memory_space<semaphore_mem>> -> memref<1x!tpu.dma_semaphore, #tpu.memory_space<semaphore_mem>>
          %dma_start3A_396 = tpu.memref_squeeze %dma_start3A_395 : memref<1x!tpu.dma_semaphore, #tpu.memory_space<semaphore_mem>> -> memref<!tpu.dma_semaphore, #tpu.memory_space<semaphore_mem>>
          %dma_start3A_397 = arith.constant 0 : i32
          %dma_start3A_398 = arith.constant 0 : i32
          %dma_start3A_399 = tpu.memref_slice %arg6[%rem3A_387, %dma_start3A_397, %dma_start3A_398] : memref<3x80x128xf32, #tpu.memory_space<vmem>> -> memref<1x80x128xf32, #tpu.memory_space<vmem>>
          %dma_start3A_400 = tpu.memref_squeeze %dma_start3A_399 : memref<1x80x128xf32, #tpu.memory_space<vmem>> -> memref<80x128xf32, #tpu.memory_space<vmem>>
          %dma_start3A_401 = arith.constant 0 : i32
          %dma_start3A_402 = tpu.memref_slice %arg2[%mul3A_389, %dma_start3A_401] : memref<320000x128xf32, #tpu.memory_space<hbm>> -> memref<80x128xf32, #tpu.memory_space<hbm>>
          tpu.enqueue_dma source(%dma_start3A_402 : memref<80x128xf32, #tpu.memory_space<hbm>>) target(%dma_start3A_400 : memref<80x128xf32, #tpu.memory_space<vmem>>) target_semaphore(%dma_start3A_396 : memref<!tpu.dma_semaphore, #tpu.memory_space<semaphore_mem>>)
        } else {
        }
        %rem3A_366 = arith.constant 3 : i32
        %rem3A_367 = arith.remsi %while3A_344, %rem3A_366 : i32
        %mul3A_368 = arith.constant 80 : i32
        %mul3A_369 = arith.muli %while3A_344, %mul3A_368 : i32
        %sub3A_370 = arith.subi %squeeze3A_176, %mul3A_369 : i32
        %max3A = arith.constant 0 : i32
        %max3A_371 = arith.maxsi %sub3A_370, %max3A : i32
        %sub3A_372 = arith.subi %squeeze3A_185, %mul3A_369 : i32
        %min3A = arith.constant 80 : i32
        %min3A_373 = arith.minsi %sub3A_372, %min3A : i32
        %while3A_374 = arith.subi %min3A_373, %max3A_371 : i32
        %while3A_375 = arith.addi %max3A_371, %while3A_374 : i32
        %while3A_376 = arith.constant 1 : i32
        %while3A_377 = arith.divsi %while3A_374, %while3A_376 : i32
        %while3A_378 = arith.muli %while3A_377, %while3A_376 : i32
        %while3A_379 = arith.addi %max3A_371, %while3A_378 : i32
        %while3A_380 = arith.constant 1 : i32
        %while3A_381:8 = scf.for %while3A_384 = %max3A_371 to %while3A_379 step %while3A_380 iter_args(%while3A_385 = %while3A_346, %while3A_386 = %while3A_347, %while3A_387 = %while3A_348, %while3A_388 = %while3A_349, %while3A_389 = %while3A_350, %while3A_390 = %while3A_351, %while3A_391 = %while3A_352, %while3A_392 = %while3A_353) -> (vector<16xf32>, vector<16xf32>, vector<16xf32>, vector<16xf32>, vector<16xf32>, vector<16xf32>, vector<16xf32>, vector<16xf32>)  : i32 {
          %get3A_393 = arith.index_cast %rem3A_367 : i32 to index
          %get3A_394 = arith.index_cast %while3A_384 : i32 to index
          %get3A_395 = arith.constant 0 : index
          %get3A_396 = tpu.vector_load %arg6[%get3A_393, %get3A_394, %get3A_395] {strides = array<i32>} : memref<3x80x128xf32, #tpu.memory_space<vmem>>, vector<1x1x16xf32>,
          %get3A_397 = vector.shape_cast %get3A_396 : vector<1x1x16xf32> to vector<16xf32>
          %get3A_398 = arith.index_cast %rem3A_367 : i32 to index
          %get3A_399 = arith.index_cast %while3A_384 : i32 to index
          %get3A_400 = arith.constant 16 : index
          %get3A_401 = tpu.vector_load %arg6[%get3A_398, %get3A_399, %get3A_400] {strides = array<i32>} : memref<3x80x128xf32, #tpu.memory_space<vmem>>, vector<1x1x16xf32>,
          %get3A_402 = vector.shape_cast %get3A_401 : vector<1x1x16xf32> to vector<16xf32>
          %get3A_403 = arith.index_cast %rem3A_367 : i32 to index
          %get3A_404 = arith.index_cast %while3A_384 : i32 to index
          %get3A_405 = arith.constant 32 : index
          %get3A_406 = tpu.vector_load %arg6[%get3A_403, %get3A_404, %get3A_405] {strides = array<i32>} : memref<3x80x128xf32, #tpu.memory_space<vmem>>, vector<1x1x16xf32>,
          %get3A_407 = vector.shape_cast %get3A_406 : vector<1x1x16xf32> to vector<16xf32>
          %get3A_408 = arith.index_cast %rem3A_367 : i32 to index
          %get3A_409 = arith.index_cast %while3A_384 : i32 to index
          %get3A_410 = arith.constant 48 : index
          %get3A_411 = tpu.vector_load %arg6[%get3A_408, %get3A_409, %get3A_410] {strides = array<i32>} : memref<3x80x128xf32, #tpu.memory_space<vmem>>, vector<1x1x16xf32>,
          %get3A_412 = vector.shape_cast %get3A_411 : vector<1x1x16xf32> to vector<16xf32>
          %get3A_413 = arith.index_cast %rem3A_367 : i32 to index
          %get3A_414 = arith.index_cast %while3A_384 : i32 to index
          %get3A_415 = arith.constant 64 : index
          %get3A_416 = tpu.vector_load %arg6[%get3A_413, %get3A_414, %get3A_415] {strides = array<i32>} : memref<3x80x128xf32, #tpu.memory_space<vmem>>, vector<1x1x16xf32>,
          %get3A_417 = vector.shape_cast %get3A_416 : vector<1x1x16xf32> to vector<16xf32>
          %get3A_418 = arith.index_cast %rem3A_367 : i32 to index
          %get3A_419 = arith.index_cast %while3A_384 : i32 to index
          %get3A_420 = arith.constant 80 : index
          %get3A_421 = tpu.vector_load %arg6[%get3A_418, %get3A_419, %get3A_420] {strides = array<i32>} : memref<3x80x128xf32, #tpu.memory_space<vmem>>, vector<1x1x16xf32>,
          %get3A_422 = vector.shape_cast %get3A_421 : vector<1x1x16xf32> to vector<16xf32>
          %get3A_423 = arith.index_cast %rem3A_367 : i32 to index
          %get3A_424 = arith.index_cast %while3A_384 : i32 to index
          %get3A_425 = arith.constant 96 : index
          %get3A_426 = tpu.vector_load %arg6[%get3A_423, %get3A_424, %get3A_425] {strides = array<i32>} : memref<3x80x128xf32, #tpu.memory_space<vmem>>, vector<1x1x16xf32>,
          %get3A_427 = vector.shape_cast %get3A_426 : vector<1x1x16xf32> to vector<16xf32>
          %get3A_428 = arith.index_cast %rem3A_367 : i32 to index
          %get3A_429 = arith.index_cast %while3A_384 : i32 to index
          %get3A_430 = arith.constant 112 : index
          %get3A_431 = tpu.vector_load %arg6[%get3A_428, %get3A_429, %get3A_430] {strides = array<i32>} : memref<3x80x128xf32, #tpu.memory_space<vmem>>, vector<1x1x16xf32>,
          %get3A_432 = vector.shape_cast %get3A_431 : vector<1x1x16xf32> to vector<16xf32>
          %sub3A_433 = arith.subf %get3A_397, %get3A_189 : vector<16xf32>
          %exp3A = math.exp %sub3A_433 : vector<16xf32>
          %add3A_434 = arith.constant 9.99999974E-6 : f32
          %add3A_435 = vector.broadcast %add3A_434 : f32 to vector<16xf32>
          %add3A_436 = arith.addf %exp3A, %add3A_435 : vector<16xf32>
          %add3A_437 = arith.addf %while3A_385, %add3A_436 : vector<16xf32>
          %sub3A_438 = arith.subf %get3A_402, %get3A_193 : vector<16xf32>
          %exp3A_439 = math.exp %sub3A_438 : vector<16xf32>
          %add3A_440 = arith.constant 9.99999974E-6 : f32
          %add3A_441 = vector.broadcast %add3A_440 : f32 to vector<16xf32>
          %add3A_442 = arith.addf %exp3A_439, %add3A_441 : vector<16xf32>
          %add3A_443 = arith.addf %while3A_386, %add3A_442 : vector<16xf32>
          %sub3A_444 = arith.subf %get3A_407, %get3A_197 : vector<16xf32>
          %exp3A_445 = math.exp %sub3A_444 : vector<16xf32>
          %add3A_446 = arith.constant 9.99999974E-6 : f32
          %add3A_447 = vector.broadcast %add3A_446 : f32 to vector<16xf32>
          %add3A_448 = arith.addf %exp3A_445, %add3A_447 : vector<16xf32>
          %add3A_449 = arith.addf %while3A_387, %add3A_448 : vector<16xf32>
          %sub3A_450 = arith.subf %get3A_412, %get3A_201 : vector<16xf32>
          %exp3A_451 = math.exp %sub3A_450 : vector<16xf32>
          %add3A_452 = arith.constant 9.99999974E-6 : f32
          %add3A_453 = vector.broadcast %add3A_452 : f32 to vector<16xf32>
          %add3A_454 = arith.addf %exp3A_451, %add3A_453 : vector<16xf32>
          %add3A_455 = arith.addf %while3A_388, %add3A_454 : vector<16xf32>
          %sub3A_456 = arith.subf %get3A_417, %get3A_205 : vector<16xf32>
          %exp3A_457 = math.exp %sub3A_456 : vector<16xf32>
          %add3A_458 = arith.constant 9.99999974E-6 : f32
          %add3A_459 = vector.broadcast %add3A_458 : f32 to vector<16xf32>
          %add3A_460 = arith.addf %exp3A_457, %add3A_459 : vector<16xf32>
          %add3A_461 = arith.addf %while3A_389, %add3A_460 : vector<16xf32>
          %sub3A_462 = arith.subf %get3A_422, %get3A_209 : vector<16xf32>
          %exp3A_463 = math.exp %sub3A_462 : vector<16xf32>
          %add3A_464 = arith.constant 9.99999974E-6 : f32
          %add3A_465 = vector.broadcast %add3A_464 : f32 to vector<16xf32>
          %add3A_466 = arith.addf %exp3A_463, %add3A_465 : vector<16xf32>
          %add3A_467 = arith.addf %while3A_390, %add3A_466 : vector<16xf32>
          %sub3A_468 = arith.subf %get3A_427, %get3A_213 : vector<16xf32>
          %exp3A_469 = math.exp %sub3A_468 : vector<16xf32>
          %add3A_470 = arith.constant 9.99999974E-6 : f32
          %add3A_471 = vector.broadcast %add3A_470 : f32 to vector<16xf32>
          %add3A_472 = arith.addf %exp3A_469, %add3A_471 : vector<16xf32>
          %add3A_473 = arith.addf %while3A_391, %add3A_472 : vector<16xf32>
          %sub3A_474 = arith.subf %get3A_432, %get3A_217 : vector<16xf32>
          %exp3A_475 = math.exp %sub3A_474 : vector<16xf32>
          %add3A_476 = arith.constant 9.99999974E-6 : f32
          %add3A_477 = vector.broadcast %add3A_476 : f32 to vector<16xf32>
          %add3A_478 = arith.addf %exp3A_475, %add3A_477 : vector<16xf32>
          %add3A_479 = arith.addf %while3A_392, %add3A_478 : vector<16xf32>
          scf.yield %add3A_437, %add3A_443, %add3A_449, %add3A_455, %add3A_461, %add3A_467, %add3A_473, %add3A_479 : vector<16xf32>, vector<16xf32>, vector<16xf32>, vector<16xf32>, vector<16xf32>, vector<16xf32>, vector<16xf32>, vector<16xf32>
        }
        %while3A_382 = arith.constant 1 : i32
        %while3A_383:8 = scf.for %while3A_384 = %while3A_379 to %while3A_375 step %while3A_382 iter_args(%while3A_385 = %while3A_381#0, %while3A_386 = %while3A_381#1, %while3A_387 = %while3A_381#2, %while3A_388 = %while3A_381#3, %while3A_389 = %while3A_381#4, %while3A_390 = %while3A_381#5, %while3A_391 = %while3A_381#6, %while3A_392 = %while3A_381#7) -> (vector<16xf32>, vector<16xf32>, vector<16xf32>, vector<16xf32>, vector<16xf32>, vector<16xf32>, vector<16xf32>, vector<16xf32>)  : i32 {
          %get3A_393 = arith.index_cast %rem3A_367 : i32 to index
          %get3A_394 = arith.index_cast %while3A_384 : i32 to index
          %get3A_395 = arith.constant 0 : index
          %get3A_396 = tpu.vector_load %arg6[%get3A_393, %get3A_394, %get3A_395] {strides = array<i32>} : memref<3x80x128xf32, #tpu.memory_space<vmem>>, vector<1x1x16xf32>,
          %get3A_397 = vector.shape_cast %get3A_396 : vector<1x1x16xf32> to vector<16xf32>
          %get3A_398 = arith.index_cast %rem3A_367 : i32 to index
          %get3A_399 = arith.index_cast %while3A_384 : i32 to index
          %get3A_400 = arith.constant 16 : index
          %get3A_401 = tpu.vector_load %arg6[%get3A_398, %get3A_399, %get3A_400] {strides = array<i32>} : memref<3x80x128xf32, #tpu.memory_space<vmem>>, vector<1x1x16xf32>,
          %get3A_402 = vector.shape_cast %get3A_401 : vector<1x1x16xf32> to vector<16xf32>
          %get3A_403 = arith.index_cast %rem3A_367 : i32 to index
          %get3A_404 = arith.index_cast %while3A_384 : i32 to index
          %get3A_405 = arith.constant 32 : index
          %get3A_406 = tpu.vector_load %arg6[%get3A_403, %get3A_404, %get3A_405] {strides = array<i32>} : memref<3x80x128xf32, #tpu.memory_space<vmem>>, vector<1x1x16xf32>,
          %get3A_407 = vector.shape_cast %get3A_406 : vector<1x1x16xf32> to vector<16xf32>
          %get3A_408 = arith.index_cast %rem3A_367 : i32 to index
          %get3A_409 = arith.index_cast %while3A_384 : i32 to index
          %get3A_410 = arith.constant 48 : index
          %get3A_411 = tpu.vector_load %arg6[%get3A_408, %get3A_409, %get3A_410] {strides = array<i32>} : memref<3x80x128xf32, #tpu.memory_space<vmem>>, vector<1x1x16xf32>,
          %get3A_412 = vector.shape_cast %get3A_411 : vector<1x1x16xf32> to vector<16xf32>
          %get3A_413 = arith.index_cast %rem3A_367 : i32 to index
          %get3A_414 = arith.index_cast %while3A_384 : i32 to index
          %get3A_415 = arith.constant 64 : index
          %get3A_416 = tpu.vector_load %arg6[%get3A_413, %get3A_414, %get3A_415] {strides = array<i32>} : memref<3x80x128xf32, #tpu.memory_space<vmem>>, vector<1x1x16xf32>,
          %get3A_417 = vector.shape_cast %get3A_416 : vector<1x1x16xf32> to vector<16xf32>
          %get3A_418 = arith.index_cast %rem3A_367 : i32 to index
          %get3A_419 = arith.index_cast %while3A_384 : i32 to index
          %get3A_420 = arith.constant 80 : index
          %get3A_421 = tpu.vector_load %arg6[%get3A_418, %get3A_419, %get3A_420] {strides = array<i32>} : memref<3x80x128xf32, #tpu.memory_space<vmem>>, vector<1x1x16xf32>,
          %get3A_422 = vector.shape_cast %get3A_421 : vector<1x1x16xf32> to vector<16xf32>
          %get3A_423 = arith.index_cast %rem3A_367 : i32 to index
          %get3A_424 = arith.index_cast %while3A_384 : i32 to index
          %get3A_425 = arith.constant 96 : index
          %get3A_426 = tpu.vector_load %arg6[%get3A_423, %get3A_424, %get3A_425] {strides = array<i32>} : memref<3x80x128xf32, #tpu.memory_space<vmem>>, vector<1x1x16xf32>,
          %get3A_427 = vector.shape_cast %get3A_426 : vector<1x1x16xf32> to vector<16xf32>
          %get3A_428 = arith.index_cast %rem3A_367 : i32 to index
          %get3A_429 = arith.index_cast %while3A_384 : i32 to index
          %get3A_430 = arith.constant 112 : index
          %get3A_431 = tpu.vector_load %arg6[%get3A_428, %get3A_429, %get3A_430] {strides = array<i32>} : memref<3x80x128xf32, #tpu.memory_space<vmem>>, vector<1x1x16xf32>,
          %get3A_432 = vector.shape_cast %get3A_431 : vector<1x1x16xf32> to vector<16xf32>
          %sub3A_433 = arith.subf %get3A_397, %get3A_189 : vector<16xf32>
          %exp3A = math.exp %sub3A_433 : vector<16xf32>
          %add3A_434 = arith.constant 9.99999974E-6 : f32
          %add3A_435 = vector.broadcast %add3A_434 : f32 to vector<16xf32>
          %add3A_436 = arith.addf %exp3A, %add3A_435 : vector<16xf32>
          %add3A_437 = arith.addf %while3A_385, %add3A_436 : vector<16xf32>
          %sub3A_438 = arith.subf %get3A_402, %get3A_193 : vector<16xf32>
          %exp3A_439 = math.exp %sub3A_438 : vector<16xf32>
          %add3A_440 = arith.constant 9.99999974E-6 : f32
          %add3A_441 = vector.broadcast %add3A_440 : f32 to vector<16xf32>
          %add3A_442 = arith.addf %exp3A_439, %add3A_441 : vector<16xf32>
          %add3A_443 = arith.addf %while3A_386, %add3A_442 : vector<16xf32>
          %sub3A_444 = arith.subf %get3A_407, %get3A_197 : vector<16xf32>
          %exp3A_445 = math.exp %sub3A_444 : vector<16xf32>
          %add3A_446 = arith.constant 9.99999974E-6 : f32
          %add3A_447 = vector.broadcast %add3A_446 : f32 to vector<16xf32>
          %add3A_448 = arith.addf %exp3A_445, %add3A_447 : vector<16xf32>
          %add3A_449 = arith.addf %while3A_387, %add3A_448 : vector<16xf32>
          %sub3A_450 = arith.subf %get3A_412, %get3A_201 : vector<16xf32>
          %exp3A_451 = math.exp %sub3A_450 : vector<16xf32>
          %add3A_452 = arith.constant 9.99999974E-6 : f32
          %add3A_453 = vector.broadcast %add3A_452 : f32 to vector<16xf32>
          %add3A_454 = arith.addf %exp3A_451, %add3A_453 : vector<16xf32>
          %add3A_455 = arith.addf %while3A_388, %add3A_454 : vector<16xf32>
          %sub3A_456 = arith.subf %get3A_417, %get3A_205 : vector<16xf32>
          %exp3A_457 = math.exp %sub3A_456 : vector<16xf32>
          %add3A_458 = arith.constant 9.99999974E-6 : f32
          %add3A_459 = vector.broadcast %add3A_458 : f32 to vector<16xf32>
          %add3A_460 = arith.addf %exp3A_457, %add3A_459 : vector<16xf32>
          %add3A_461 = arith.addf %while3A_389, %add3A_460 : vector<16xf32>
          %sub3A_462 = arith.subf %get3A_422, %get3A_209 : vector<16xf32>
          %exp3A_463 = math.exp %sub3A_462 : vector<16xf32>
          %add3A_464 = arith.constant 9.99999974E-6 : f32
          %add3A_465 = vector.broadcast %add3A_464 : f32 to vector<16xf32>
          %add3A_466 = arith.addf %exp3A_463, %add3A_465 : vector<16xf32>
          %add3A_467 = arith.addf %while3A_390, %add3A_466 : vector<16xf32>
          %sub3A_468 = arith.subf %get3A_427, %get3A_213 : vector<16xf32>
          %exp3A_469 = math.exp %sub3A_468 : vector<16xf32>
          %add3A_470 = arith.constant 9.99999974E-6 : f32
          %add3A_471 = vector.broadcast %add3A_470 : f32 to vector<16xf32>
          %add3A_472 = arith.addf %exp3A_469, %add3A_471 : vector<16xf32>
          %add3A_473 = arith.addf %while3A_391, %add3A_472 : vector<16xf32>
          %sub3A_474 = arith.subf %get3A_432, %get3A_217 : vector<16xf32>
          %exp3A_475 = math.exp %sub3A_474 : vector<16xf32>
          %add3A_476 = arith.constant 9.99999974E-6 : f32
          %add3A_477 = vector.broadcast %add3A_476 : f32 to vector<16xf32>
          %add3A_478 = arith.addf %exp3A_475, %add3A_477 : vector<16xf32>
          %add3A_479 = arith.addf %while3A_392, %add3A_478 : vector<16xf32>
          scf.yield %add3A_437, %add3A_443, %add3A_449, %add3A_455, %add3A_461, %add3A_467, %add3A_473, %add3A_479 : vector<16xf32>, vector<16xf32>, vector<16xf32>, vector<16xf32>, vector<16xf32>, vector<16xf32>, vector<16xf32>, vector<16xf32>
        }
        scf.yield %while3A_344, %while3A_383#0, %while3A_383#1, %while3A_383#2, %while3A_383#3, %while3A_383#4, %while3A_383#5, %while3A_383#6, %while3A_383#7 : i32, vector<16xf32>, vector<16xf32>, vector<16xf32>, vector<16xf32>, vector<16xf32>, vector<16xf32>, vector<16xf32>, vector<16xf32>
      }
      %div3A_280 = arith.constant 1.000000e+00 : f32
      %div3A_281 = vector.broadcast %div3A_280 : f32 to vector<16xf32>
      %div3A_282 = arith.divf %div3A_281, %while3A_279#1 : vector<16xf32>
      %swap3A_283 = arith.index_cast %while3A_168 : i32 to index
      %swap3A_284 = arith.constant 0 : index
      %swap3A_285 = tpu.vector_load %arg9[%swap3A_283, %swap3A_284] {strides = array<i32>} : memref<315x128xf32, #tpu.memory_space<vmem>>, vector<1x16xf32>,
      %swap3A_286 = vector.shape_cast %swap3A_285 : vector<1x16xf32> to vector<16xf32>
      %swap3A_287 = vector.shape_cast %div3A_282 : vector<16xf32> to vector<1x16xf32>
      tpu.vector_store %arg9[%swap3A_283, %swap3A_284], %swap3A_287 {strides = array<i32>} : memref<315x128xf32, #tpu.memory_space<vmem>>, vector<1x16xf32>,
      %div3A_288 = arith.constant 1.000000e+00 : f32
      %div3A_289 = vector.broadcast %div3A_288 : f32 to vector<16xf32>
      %div3A_290 = arith.divf %div3A_289, %while3A_279#2 : vector<16xf32>
      %swap3A_291 = arith.index_cast %while3A_168 : i32 to index
      %swap3A_292 = arith.constant 16 : index
      %swap3A_293 = tpu.vector_load %arg9[%swap3A_291, %swap3A_292] {strides = array<i32>} : memref<315x128xf32, #tpu.memory_space<vmem>>, vector<1x16xf32>,
      %swap3A_294 = vector.shape_cast %swap3A_293 : vector<1x16xf32> to vector<16xf32>
      %swap3A_295 = vector.shape_cast %div3A_290 : vector<16xf32> to vector<1x16xf32>
      tpu.vector_store %arg9[%swap3A_291, %swap3A_292], %swap3A_295 {strides = array<i32>} : memref<315x128xf32, #tpu.memory_space<vmem>>, vector<1x16xf32>,
      %div3A_296 = arith.constant 1.000000e+00 : f32
      %div3A_297 = vector.broadcast %div3A_296 : f32 to vector<16xf32>
      %div3A_298 = arith.divf %div3A_297, %while3A_279#3 : vector<16xf32>
      %swap3A_299 = arith.index_cast %while3A_168 : i32 to index
      %swap3A_300 = arith.constant 32 : index
      %swap3A_301 = tpu.vector_load %arg9[%swap3A_299, %swap3A_300] {strides = array<i32>} : memref<315x128xf32, #tpu.memory_space<vmem>>, vector<1x16xf32>,
      %swap3A_302 = vector.shape_cast %swap3A_301 : vector<1x16xf32> to vector<16xf32>
      %swap3A_303 = vector.shape_cast %div3A_298 : vector<16xf32> to vector<1x16xf32>
      tpu.vector_store %arg9[%swap3A_299, %swap3A_300], %swap3A_303 {strides = array<i32>} : memref<315x128xf32, #tpu.memory_space<vmem>>, vector<1x16xf32>,
      %div3A_304 = arith.constant 1.000000e+00 : f32
      %div3A_305 = vector.broadcast %div3A_304 : f32 to vector<16xf32>
      %div3A_306 = arith.divf %div3A_305, %while3A_279#4 : vector<16xf32>
      %swap3A_307 = arith.index_cast %while3A_168 : i32 to index
      %swap3A_308 = arith.constant 48 : index
      %swap3A_309 = tpu.vector_load %arg9[%swap3A_307, %swap3A_308] {strides = array<i32>} : memref<315x128xf32, #tpu.memory_space<vmem>>, vector<1x16xf32>,
      %swap3A_310 = vector.shape_cast %swap3A_309 : vector<1x16xf32> to vector<16xf32>
      %swap3A_311 = vector.shape_cast %div3A_306 : vector<16xf32> to vector<1x16xf32>
      tpu.vector_store %arg9[%swap3A_307, %swap3A_308], %swap3A_311 {strides = array<i32>} : memref<315x128xf32, #tpu.memory_space<vmem>>, vector<1x16xf32>,
      %div3A_312 = arith.constant 1.000000e+00 : f32
      %div3A_313 = vector.broadcast %div3A_312 : f32 to vector<16xf32>
      %div3A_314 = arith.divf %div3A_313, %while3A_279#5 : vector<16xf32>
      %swap3A_315 = arith.index_cast %while3A_168 : i32 to index
      %swap3A_316 = arith.constant 64 : index
      %swap3A_317 = tpu.vector_load %arg9[%swap3A_315, %swap3A_316] {strides = array<i32>} : memref<315x128xf32, #tpu.memory_space<vmem>>, vector<1x16xf32>,
      %swap3A_318 = vector.shape_cast %swap3A_317 : vector<1x16xf32> to vector<16xf32>
      %swap3A_319 = vector.shape_cast %div3A_314 : vector<16xf32> to vector<1x16xf32>
      tpu.vector_store %arg9[%swap3A_315, %swap3A_316], %swap3A_319 {strides = array<i32>} : memref<315x128xf32, #tpu.memory_space<vmem>>, vector<1x16xf32>,
      %div3A_320 = arith.constant 1.000000e+00 : f32
      %div3A_321 = vector.broadcast %div3A_320 : f32 to vector<16xf32>
      %div3A_322 = arith.divf %div3A_321, %while3A_279#6 : vector<16xf32>
      %swap3A_323 = arith.index_cast %while3A_168 : i32 to index
      %swap3A_324 = arith.constant 80 : index
      %swap3A_325 = tpu.vector_load %arg9[%swap3A_323, %swap3A_324] {strides = array<i32>} : memref<315x128xf32, #tpu.memory_space<vmem>>, vector<1x16xf32>,
      %swap3A_326 = vector.shape_cast %swap3A_325 : vector<1x16xf32> to vector<16xf32>
      %swap3A_327 = vector.shape_cast %div3A_322 : vector<16xf32> to vector<1x16xf32>
      tpu.vector_store %arg9[%swap3A_323, %swap3A_324], %swap3A_327 {strides = array<i32>} : memref<315x128xf32, #tpu.memory_space<vmem>>, vector<1x16xf32>,
      %div3A_328 = arith.constant 1.000000e+00 : f32
      %div3A_329 = vector.broadcast %div3A_328 : f32 to vector<16xf32>
      %div3A_330 = arith.divf %div3A_329, %while3A_279#7 : vector<16xf32>
      %swap3A_331 = arith.index_cast %while3A_168 : i32 to index
      %swap3A_332 = arith.constant 96 : index
      %swap3A_333 = tpu.vector_load %arg9[%swap3A_331, %swap3A_332] {strides = array<i32>} : memref<315x128xf32, #tpu.memory_space<vmem>>, vector<1x16xf32>,
      %swap3A_334 = vector.shape_cast %swap3A_333 : vector<1x16xf32> to vector<16xf32>
      %swap3A_335 = vector.shape_cast %div3A_330 : vector<16xf32> to vector<1x16xf32>
      tpu.vector_store %arg9[%swap3A_331, %swap3A_332], %swap3A_335 {strides = array<i32>} : memref<315x128xf32, #tpu.memory_space<vmem>>, vector<1x16xf32>,
      %div3A_336 = arith.constant 1.000000e+00 : f32
      %div3A_337 = vector.broadcast %div3A_336 : f32 to vector<16xf32>
      %div3A_338 = arith.divf %div3A_337, %while3A_279#8 : vector<16xf32>
      %swap3A_339 = arith.index_cast %while3A_168 : i32 to index
      %swap3A_340 = arith.constant 112 : index
      %swap3A_341 = tpu.vector_load %arg9[%swap3A_339, %swap3A_340] {strides = array<i32>} : memref<315x128xf32, #tpu.memory_space<vmem>>, vector<1x16xf32>,
      %swap3A_342 = vector.shape_cast %swap3A_341 : vector<1x16xf32> to vector<16xf32>
      %swap3A_343 = vector.shape_cast %div3A_338 : vector<16xf32> to vector<1x16xf32>
      tpu.vector_store %arg9[%swap3A_339, %swap3A_340], %swap3A_343 {strides = array<i32>} : memref<315x128xf32, #tpu.memory_space<vmem>>, vector<1x16xf32>,
      scf.yield %while3A_279#0 : i32
    }
    %while3A_89 = arith.constant 1 : i32
    %while3A_90 = scf.for %while3A_168 = %while3A_86 to %while3A_82 step %while3A_89 iter_args(%while3A_169 = %while3A_88) -> (i32)  : i32 {
      %mul3A_170 = arith.constant 16 : i32
      %mul3A_171 = arith.muli %while3A_168, %mul3A_170 : i32
      %get3A_172 = arith.index_cast %mul3A_171 : i32 to index
      %get3A_173 = tpu.vector_load %arg10[%get3A_172] {strides = array<i32>} : memref<5056xi32, #tpu.memory_space<vmem>>, vector<16xi32>,
      %get3A_174 = vector.shape_cast %get3A_173 : vector<16xi32> to vector<16xi32>
      %slice3A_175 = vector.extract_strided_slice %get3A_174 {offsets = [0], sizes = [1], strides = [1]} : vector<16xi32> to vector<1xi32>
      %squeeze3A_176 = vector.extract %slice3A_175[0] : i32 from vector<1xi32>
      %add3A_177 = arith.constant 1 : i32
      %add3A_178 = arith.addi %while3A_168, %add3A_177 : i32
      %mul3A_179 = arith.constant 16 : i32
      %mul3A_180 = arith.muli %add3A_178, %mul3A_179 : i32
      %get3A_181 = arith.index_cast %mul3A_180 : i32 to index
      %get3A_182 = tpu.vector_load %arg10[%get3A_181] {strides = array<i32>} : memref<5056xi32, #tpu.memory_space<vmem>>, vector<16xi32>,
      %get3A_183 = vector.shape_cast %get3A_182 : vector<16xi32> to vector<16xi32>
      %slice3A_184 = vector.extract_strided_slice %get3A_183 {offsets = [0], sizes = [1], strides = [1]} : vector<16xi32> to vector<1xi32>
      %squeeze3A_185 = vector.extract %slice3A_184[0] : i32 from vector<1xi32>
      %get3A_186 = arith.index_cast %while3A_168 : i32 to index
      %get3A_187 = arith.constant 0 : index
      %get3A_188 = tpu.vector_load %arg8[%get3A_186, %get3A_187] {strides = array<i32>} : memref<315x128xf32, #tpu.memory_space<vmem>>, vector<1x16xf32>,
      %get3A_189 = vector.shape_cast %get3A_188 : vector<1x16xf32> to vector<16xf32>
      %get3A_190 = arith.index_cast %while3A_168 : i32 to index
      %get3A_191 = arith.constant 16 : index
      %get3A_192 = tpu.vector_load %arg8[%get3A_190, %get3A_191] {strides = array<i32>} : memref<315x128xf32, #tpu.memory_space<vmem>>, vector<1x16xf32>,
      %get3A_193 = vector.shape_cast %get3A_192 : vector<1x16xf32> to vector<16xf32>
      %get3A_194 = arith.index_cast %while3A_168 : i32 to index
      %get3A_195 = arith.constant 32 : index
      %get3A_196 = tpu.vector_load %arg8[%get3A_194, %get3A_195] {strides = array<i32>} : memref<315x128xf32, #tpu.memory_space<vmem>>, vector<1x16xf32>,
      %get3A_197 = vector.shape_cast %get3A_196 : vector<1x16xf32> to vector<16xf32>
      %get3A_198 = arith.index_cast %while3A_168 : i32 to index
      %get3A_199 = arith.constant 48 : index
      %get3A_200 = tpu.vector_load %arg8[%get3A_198, %get3A_199] {strides = array<i32>} : memref<315x128xf32, #tpu.memory_space<vmem>>, vector<1x16xf32>,
      %get3A_201 = vector.shape_cast %get3A_200 : vector<1x16xf32> to vector<16xf32>
      %get3A_202 = arith.index_cast %while3A_168 : i32 to index
      %get3A_203 = arith.constant 64 : index
      %get3A_204 = tpu.vector_load %arg8[%get3A_202, %get3A_203] {strides = array<i32>} : memref<315x128xf32, #tpu.memory_space<vmem>>, vector<1x16xf32>,
      %get3A_205 = vector.shape_cast %get3A_204 : vector<1x16xf32> to vector<16xf32>
      %get3A_206 = arith.index_cast %while3A_168 : i32 to index
      %get3A_207 = arith.constant 80 : index
      %get3A_208 = tpu.vector_load %arg8[%get3A_206, %get3A_207] {strides = array<i32>} : memref<315x128xf32, #tpu.memory_space<vmem>>, vector<1x16xf32>,
      %get3A_209 = vector.shape_cast %get3A_208 : vector<1x16xf32> to vector<16xf32>
      %get3A_210 = arith.index_cast %while3A_168 : i32 to index
      %get3A_211 = arith.constant 96 : index
      %get3A_212 = tpu.vector_load %arg8[%get3A_210, %get3A_211] {strides = array<i32>} : memref<315x128xf32, #tpu.memory_space<vmem>>, vector<1x16xf32>,
      %get3A_213 = vector.shape_cast %get3A_212 : vector<1x16xf32> to vector<16xf32>
      %get3A_214 = arith.index_cast %while3A_168 : i32 to index
      %get3A_215 = arith.constant 112 : index
      %get3A_216 = tpu.vector_load %arg8[%get3A_214, %get3A_215] {strides = array<i32>} : memref<315x128xf32, #tpu.memory_space<vmem>>, vector<1x16xf32>,
      %get3A_217 = vector.shape_cast %get3A_216 : vector<1x16xf32> to vector<16xf32>
      %jit3A_218 = arith.constant 80 : i32
      %div3A_219 = arith.divsi %squeeze3A_176, %jit3A_218 : i32
      %sign3A_220 = arith.constant 0 : i32
      %sign3A_221 = arith.cmpi sgt, %squeeze3A_176, %sign3A_220 : i32
      %sign3A_222 = arith.extui %sign3A_221 : i1 to i32
      %sign3A_223 = arith.constant 0 : i32
      %sign3A_224 = arith.cmpi slt, %squeeze3A_176, %sign3A_223 : i32
      %sign3A_225 = arith.extui %sign3A_224 : i1 to i32
      %sign3A_226 = arith.subi %sign3A_222, %sign3A_225 : i32
      %sign3A_227 = arith.constant 0 : i32
      %sign3A_228 = arith.cmpi sgt, %jit3A_218, %sign3A_227 : i32
      %sign3A_229 = arith.extui %sign3A_228 : i1 to i32
      %sign3A_230 = arith.constant 0 : i32
      %sign3A_231 = arith.cmpi slt, %jit3A_218, %sign3A_230 : i32
      %sign3A_232 = arith.extui %sign3A_231 : i1 to i32
      %sign3A_233 = arith.subi %sign3A_229, %sign3A_232 : i32
      %ne3A_234 = arith.cmpi ne, %sign3A_226, %sign3A_233 : i32
      %rem3A_235 = arith.remsi %squeeze3A_176, %jit3A_218 : i32
      %ne3A_236 = arith.constant 0 : i32
      %ne3A_237 = arith.cmpi ne, %rem3A_235, %ne3A_236 : i32
      %and3A_238 = arith.andi %ne3A_234, %ne3A_237 : i1
      %sub3A_239 = arith.constant 1 : i32
      %sub3A_240 = arith.subi %div3A_219, %sub3A_239 : i32
      %select_n3A_241 = arith.select %and3A_238, %sub3A_240, %div3A_219 : i32
      %add3A_242 = arith.constant 80 : i32
      %add3A_243 = arith.addi %squeeze3A_185, %add3A_242 : i32
      %sub3A_244 = arith.constant 1 : i32
      %sub3A_245 = arith.subi %add3A_243, %sub3A_244 : i32
      %jit3A_246 = arith.constant 80 : i32
      %div3A_247 = arith.divsi %sub3A_245, %jit3A_246 : i32
      %sign3A_248 = arith.constant 0 : i32
      %sign3A_249 = arith.cmpi sgt, %sub3A_245, %sign3A_248 : i32
      %sign3A_250 = arith.extui %sign3A_249 : i1 to i32
      %sign3A_251 = arith.constant 0 : i32
      %sign3A_252 = arith.cmpi slt, %sub3A_245, %sign3A_251 : i32
      %sign3A_253 = arith.extui %sign3A_252 : i1 to i32
      %sign3A_254 = arith.subi %sign3A_250, %sign3A_253 : i32
      %sign3A_255 = arith.constant 0 : i32
      %sign3A_256 = arith.cmpi sgt, %jit3A_246, %sign3A_255 : i32
      %sign3A_257 = arith.extui %sign3A_256 : i1 to i32
      %sign3A_258 = arith.constant 0 : i32
      %sign3A_259 = arith.cmpi slt, %jit3A_246, %sign3A_258 : i32
      %sign3A_260 = arith.extui %sign3A_259 : i1 to i32
      %sign3A_261 = arith.subi %sign3A_257, %sign3A_260 : i32
      %ne3A_262 = arith.cmpi ne, %sign3A_254, %sign3A_261 : i32
      %rem3A_263 = arith.remsi %sub3A_245, %jit3A_246 : i32
      %ne3A_264 = arith.constant 0 : i32
      %ne3A_265 = arith.cmpi ne, %rem3A_263, %ne3A_264 : i32
      %and3A_266 = arith.andi %ne3A_262, %ne3A_265 : i1
      %sub3A_267 = arith.constant 1 : i32
      %sub3A_268 = arith.subi %div3A_247, %sub3A_267 : i32
      %select_n3A_269 = arith.select %and3A_266, %sub3A_268, %div3A_247 : i32
      %while3A_270 = arith.subi %select_n3A_269, %select_n3A_241 : i32
      %while3A_271 = arith.addi %select_n3A_241, %while3A_270 : i32
      %while3A_272 = arith.constant 1 : i32
      %while3A_273 = arith.divsi %while3A_270, %while3A_272 : i32
      %while3A_274 = arith.muli %while3A_273, %while3A_272 : i32
      %while3A_275 = arith.addi %select_n3A_241, %while3A_274 : i32
      %while3A_276 = arith.constant 1 : i32
      %while3A_277:9 = scf.for %while3A_344 = %select_n3A_241 to %while3A_275 step %while3A_276 iter_args(%while3A_345 = %while3A_169, %while3A_346 = %broadcast_in_dim3A_49, %while3A_347 = %broadcast_in_dim3A_49, %while3A_348 = %broadcast_in_dim3A_49, %while3A_349 = %broadcast_in_dim3A_49, %while3A_350 = %broadcast_in_dim3A_49, %while3A_351 = %broadcast_in_dim3A_49, %while3A_352 = %broadcast_in_dim3A_49, %while3A_353 = %broadcast_in_dim3A_49) -> (i32, vector<16xf32>, vector<16xf32>, vector<16xf32>, vector<16xf32>, vector<16xf32>, vector<16xf32>, vector<16xf32>, vector<16xf32>)  : i32 {
        %ne3A_354 = arith.cmpi ne, %while3A_344, %while3A_345 : i32
        %convert_element_type3A_355 = arith.extui %ne3A_354 : i1 to i32
        %cond3A_356 = arith.constant 0 : i32
        %cond3A_357 = arith.cmpi ne, %convert_element_type3A_355, %cond3A_356 : i32
        scf.if %cond3A_357 {
          %rem3A_384 = arith.constant 3 : i32
          %rem3A_385 = arith.remsi %while3A_344, %rem3A_384 : i32
          %mul3A_386 = arith.constant 80 : i32
          %mul3A_387 = arith.muli %while3A_344, %mul3A_386 : i32
          %dma_wait3A = arith.constant 0 : i32
          %dma_wait3A_388 = arith.constant 0 : i32
          %dma_wait3A_389 = tpu.memref_slice %arg6[%rem3A_385, %dma_wait3A, %dma_wait3A_388] : memref<3x80x128xf32, #tpu.memory_space<vmem>> -> memref<1x80x128xf32, #tpu.memory_space<vmem>>
          %dma_wait3A_390 = tpu.memref_squeeze %dma_wait3A_389 : memref<1x80x128xf32, #tpu.memory_space<vmem>> -> memref<80x128xf32, #tpu.memory_space<vmem>>
          %dma_wait3A_391 = arith.constant 0 : i32
          %dma_wait3A_392 = tpu.memref_slice %arg2[%mul3A_387, %dma_wait3A_391] : memref<320000x128xf32, #tpu.memory_space<hbm>> -> memref<80x128xf32, #tpu.memory_space<hbm>>
          %dma_wait3A_393 = tpu.memref_slice %arg12[%rem3A_385] : memref<3x!tpu.dma_semaphore, #tpu.memory_space<semaphore_mem>> -> memref<1x!tpu.dma_semaphore, #tpu.memory_space<semaphore_mem>>
          %dma_wait3A_394 = tpu.memref_squeeze %dma_wait3A_393 : memref<1x!tpu.dma_semaphore, #tpu.memory_space<semaphore_mem>> -> memref<!tpu.dma_semaphore, #tpu.memory_space<semaphore_mem>>
          %dma_wait3A_395 = arith.constant 0 : i32
          %dma_wait3A_396 = arith.constant 0 : i32
          %dma_wait3A_397 = tpu.memref_slice %arg6[%rem3A_385, %dma_wait3A_395, %dma_wait3A_396] : memref<3x80x128xf32, #tpu.memory_space<vmem>> -> memref<1x80x128xf32, #tpu.memory_space<vmem>>
          %dma_wait3A_398 = tpu.memref_squeeze %dma_wait3A_397 : memref<1x80x128xf32, #tpu.memory_space<vmem>> -> memref<80x128xf32, #tpu.memory_space<vmem>>
          %dma_wait3A_399 = arith.constant 0 : i32
          %dma_wait3A_400 = tpu.memref_slice %arg2[%mul3A_387, %dma_wait3A_399] : memref<320000x128xf32, #tpu.memory_space<hbm>> -> memref<80x128xf32, #tpu.memory_space<hbm>>
          tpu.wait_dma2 semaphore(%dma_wait3A_394 : memref<!tpu.dma_semaphore, #tpu.memory_space<semaphore_mem>>) src(%dma_wait3A_400 : memref<80x128xf32, #tpu.memory_space<hbm>>) dst(%dma_wait3A_398 : memref<80x128xf32, #tpu.memory_space<vmem>>)
        } else {
        }
        %ne3A_358 = arith.cmpi ne, %while3A_344, %while3A_345 : i32
        %add3A_359 = arith.constant 1 : i32
        %add3A_360 = arith.addi %while3A_344, %add3A_359 : i32
        %lt3A_361 = arith.cmpi slt, %add3A_360, %select_n3A_48 : i32
        %and3A_362 = arith.andi %ne3A_358, %lt3A_361 : i1
        %convert_element_type3A_363 = arith.extui %and3A_362 : i1 to i32
        %cond3A_364 = arith.constant 0 : i32
        %cond3A_365 = arith.cmpi ne, %convert_element_type3A_363, %cond3A_364 : i32
        scf.if %cond3A_365 {
          %add3A_384 = arith.constant 1 : i32
          %add3A_385 = arith.addi %while3A_344, %add3A_384 : i32
          %rem3A_386 = arith.constant 3 : i32
          %rem3A_387 = arith.remsi %add3A_385, %rem3A_386 : i32
          %mul3A_388 = arith.constant 80 : i32
          %mul3A_389 = arith.muli %add3A_385, %mul3A_388 : i32
          %dma_start3A = arith.constant 0 : i32
          %dma_start3A_390 = arith.constant 0 : i32
          %dma_start3A_391 = tpu.memref_slice %arg6[%rem3A_387, %dma_start3A, %dma_start3A_390] : memref<3x80x128xf32, #tpu.memory_space<vmem>> -> memref<1x80x128xf32, #tpu.memory_space<vmem>>
          %dma_start3A_392 = tpu.memref_squeeze %dma_start3A_391 : memref<1x80x128xf32, #tpu.memory_space<vmem>> -> memref<80x128xf32, #tpu.memory_space<vmem>>
          %dma_start3A_393 = arith.constant 0 : i32
          %dma_start3A_394 = tpu.memref_slice %arg2[%mul3A_389, %dma_start3A_393] : memref<320000x128xf32, #tpu.memory_space<hbm>> -> memref<80x128xf32, #tpu.memory_space<hbm>>
          %dma_start3A_395 = tpu.memref_slice %arg12[%rem3A_387] : memref<3x!tpu.dma_semaphore, #tpu.memory_space<semaphore_mem>> -> memref<1x!tpu.dma_semaphore, #tpu.memory_space<semaphore_mem>>
          %dma_start3A_396 = tpu.memref_squeeze %dma_start3A_395 : memref<1x!tpu.dma_semaphore, #tpu.memory_space<semaphore_mem>> -> memref<!tpu.dma_semaphore, #tpu.memory_space<semaphore_mem>>
          %dma_start3A_397 = arith.constant 0 : i32
          %dma_start3A_398 = arith.constant 0 : i32
          %dma_start3A_399 = tpu.memref_slice %arg6[%rem3A_387, %dma_start3A_397, %dma_start3A_398] : memref<3x80x128xf32, #tpu.memory_space<vmem>> -> memref<1x80x128xf32, #tpu.memory_space<vmem>>
          %dma_start3A_400 = tpu.memref_squeeze %dma_start3A_399 : memref<1x80x128xf32, #tpu.memory_space<vmem>> -> memref<80x128xf32, #tpu.memory_space<vmem>>
          %dma_start3A_401 = arith.constant 0 : i32
          %dma_start3A_402 = tpu.memref_slice %arg2[%mul3A_389, %dma_start3A_401] : memref<320000x128xf32, #tpu.memory_space<hbm>> -> memref<80x128xf32, #tpu.memory_space<hbm>>
          tpu.enqueue_dma source(%dma_start3A_402 : memref<80x128xf32, #tpu.memory_space<hbm>>) target(%dma_start3A_400 : memref<80x128xf32, #tpu.memory_space<vmem>>) target_semaphore(%dma_start3A_396 : memref<!tpu.dma_semaphore, #tpu.memory_space<semaphore_mem>>)
        } else {
        }
        %rem3A_366 = arith.constant 3 : i32
        %rem3A_367 = arith.remsi %while3A_344, %rem3A_366 : i32
        %mul3A_368 = arith.constant 80 : i32
        %mul3A_369 = arith.muli %while3A_344, %mul3A_368 : i32
        %sub3A_370 = arith.subi %squeeze3A_176, %mul3A_369 : i32
        %max3A = arith.constant 0 : i32
        %max3A_371 = arith.maxsi %sub3A_370, %max3A : i32
        %sub3A_372 = arith.subi %squeeze3A_185, %mul3A_369 : i32
        %min3A = arith.constant 80 : i32
        %min3A_373 = arith.minsi %sub3A_372, %min3A : i32
        %while3A_374 = arith.subi %min3A_373, %max3A_371 : i32
        %while3A_375 = arith.addi %max3A_371, %while3A_374 : i32
        %while3A_376 = arith.constant 1 : i32
        %while3A_377 = arith.divsi %while3A_374, %while3A_376 : i32
        %while3A_378 = arith.muli %while3A_377, %while3A_376 : i32
        %while3A_379 = arith.addi %max3A_371, %while3A_378 : i32
        %while3A_380 = arith.constant 1 : i32
        %while3A_381:8 = scf.for %while3A_384 = %max3A_371 to %while3A_379 step %while3A_380 iter_args(%while3A_385 = %while3A_346, %while3A_386 = %while3A_347, %while3A_387 = %while3A_348, %while3A_388 = %while3A_349, %while3A_389 = %while3A_350, %while3A_390 = %while3A_351, %while3A_391 = %while3A_352, %while3A_392 = %while3A_353) -> (vector<16xf32>, vector<16xf32>, vector<16xf32>, vector<16xf32>, vector<16xf32>, vector<16xf32>, vector<16xf32>, vector<16xf32>)  : i32 {
          %get3A_393 = arith.index_cast %rem3A_367 : i32 to index
          %get3A_394 = arith.index_cast %while3A_384 : i32 to index
          %get3A_395 = arith.constant 0 : index
          %get3A_396 = tpu.vector_load %arg6[%get3A_393, %get3A_394, %get3A_395] {strides = array<i32>} : memref<3x80x128xf32, #tpu.memory_space<vmem>>, vector<1x1x16xf32>,
          %get3A_397 = vector.shape_cast %get3A_396 : vector<1x1x16xf32> to vector<16xf32>
          %get3A_398 = arith.index_cast %rem3A_367 : i32 to index
          %get3A_399 = arith.index_cast %while3A_384 : i32 to index
          %get3A_400 = arith.constant 16 : index
          %get3A_401 = tpu.vector_load %arg6[%get3A_398, %get3A_399, %get3A_400] {strides = array<i32>} : memref<3x80x128xf32, #tpu.memory_space<vmem>>, vector<1x1x16xf32>,
          %get3A_402 = vector.shape_cast %get3A_401 : vector<1x1x16xf32> to vector<16xf32>
          %get3A_403 = arith.index_cast %rem3A_367 : i32 to index
          %get3A_404 = arith.index_cast %while3A_384 : i32 to index
          %get3A_405 = arith.constant 32 : index
          %get3A_406 = tpu.vector_load %arg6[%get3A_403, %get3A_404, %get3A_405] {strides = array<i32>} : memref<3x80x128xf32, #tpu.memory_space<vmem>>, vector<1x1x16xf32>,
          %get3A_407 = vector.shape_cast %get3A_406 : vector<1x1x16xf32> to vector<16xf32>
          %get3A_408 = arith.index_cast %rem3A_367 : i32 to index
          %get3A_409 = arith.index_cast %while3A_384 : i32 to index
          %get3A_410 = arith.constant 48 : index
          %get3A_411 = tpu.vector_load %arg6[%get3A_408, %get3A_409, %get3A_410] {strides = array<i32>} : memref<3x80x128xf32, #tpu.memory_space<vmem>>, vector<1x1x16xf32>,
          %get3A_412 = vector.shape_cast %get3A_411 : vector<1x1x16xf32> to vector<16xf32>
          %get3A_413 = arith.index_cast %rem3A_367 : i32 to index
          %get3A_414 = arith.index_cast %while3A_384 : i32 to index
          %get3A_415 = arith.constant 64 : index
          %get3A_416 = tpu.vector_load %arg6[%get3A_413, %get3A_414, %get3A_415] {strides = array<i32>} : memref<3x80x128xf32, #tpu.memory_space<vmem>>, vector<1x1x16xf32>,
          %get3A_417 = vector.shape_cast %get3A_416 : vector<1x1x16xf32> to vector<16xf32>
          %get3A_418 = arith.index_cast %rem3A_367 : i32 to index
          %get3A_419 = arith.index_cast %while3A_384 : i32 to index
          %get3A_420 = arith.constant 80 : index
          %get3A_421 = tpu.vector_load %arg6[%get3A_418, %get3A_419, %get3A_420] {strides = array<i32>} : memref<3x80x128xf32, #tpu.memory_space<vmem>>, vector<1x1x16xf32>,
          %get3A_422 = vector.shape_cast %get3A_421 : vector<1x1x16xf32> to vector<16xf32>
          %get3A_423 = arith.index_cast %rem3A_367 : i32 to index
          %get3A_424 = arith.index_cast %while3A_384 : i32 to index
          %get3A_425 = arith.constant 96 : index
          %get3A_426 = tpu.vector_load %arg6[%get3A_423, %get3A_424, %get3A_425] {strides = array<i32>} : memref<3x80x128xf32, #tpu.memory_space<vmem>>, vector<1x1x16xf32>,
          %get3A_427 = vector.shape_cast %get3A_426 : vector<1x1x16xf32> to vector<16xf32>
          %get3A_428 = arith.index_cast %rem3A_367 : i32 to index
          %get3A_429 = arith.index_cast %while3A_384 : i32 to index
          %get3A_430 = arith.constant 112 : index
          %get3A_431 = tpu.vector_load %arg6[%get3A_428, %get3A_429, %get3A_430] {strides = array<i32>} : memref<3x80x128xf32, #tpu.memory_space<vmem>>, vector<1x1x16xf32>,
          %get3A_432 = vector.shape_cast %get3A_431 : vector<1x1x16xf32> to vector<16xf32>
          %sub3A_433 = arith.subf %get3A_397, %get3A_189 : vector<16xf32>
          %exp3A = math.exp %sub3A_433 : vector<16xf32>
          %add3A_434 = arith.constant 9.99999974E-6 : f32
          %add3A_435 = vector.broadcast %add3A_434 : f32 to vector<16xf32>
          %add3A_436 = arith.addf %exp3A, %add3A_435 : vector<16xf32>
          %add3A_437 = arith.addf %while3A_385, %add3A_436 : vector<16xf32>
          %sub3A_438 = arith.subf %get3A_402, %get3A_193 : vector<16xf32>
          %exp3A_439 = math.exp %sub3A_438 : vector<16xf32>
          %add3A_440 = arith.constant 9.99999974E-6 : f32
          %add3A_441 = vector.broadcast %add3A_440 : f32 to vector<16xf32>
          %add3A_442 = arith.addf %exp3A_439, %add3A_441 : vector<16xf32>
          %add3A_443 = arith.addf %while3A_386, %add3A_442 : vector<16xf32>
          %sub3A_444 = arith.subf %get3A_407, %get3A_197 : vector<16xf32>
          %exp3A_445 = math.exp %sub3A_444 : vector<16xf32>
          %add3A_446 = arith.constant 9.99999974E-6 : f32
          %add3A_447 = vector.broadcast %add3A_446 : f32 to vector<16xf32>
          %add3A_448 = arith.addf %exp3A_445, %add3A_447 : vector<16xf32>
          %add3A_449 = arith.addf %while3A_387, %add3A_448 : vector<16xf32>
          %sub3A_450 = arith.subf %get3A_412, %get3A_201 : vector<16xf32>
          %exp3A_451 = math.exp %sub3A_450 : vector<16xf32>
          %add3A_452 = arith.constant 9.99999974E-6 : f32
          %add3A_453 = vector.broadcast %add3A_452 : f32 to vector<16xf32>
          %add3A_454 = arith.addf %exp3A_451, %add3A_453 : vector<16xf32>
          %add3A_455 = arith.addf %while3A_388, %add3A_454 : vector<16xf32>
          %sub3A_456 = arith.subf %get3A_417, %get3A_205 : vector<16xf32>
          %exp3A_457 = math.exp %sub3A_456 : vector<16xf32>
          %add3A_458 = arith.constant 9.99999974E-6 : f32
          %add3A_459 = vector.broadcast %add3A_458 : f32 to vector<16xf32>
          %add3A_460 = arith.addf %exp3A_457, %add3A_459 : vector<16xf32>
          %add3A_461 = arith.addf %while3A_389, %add3A_460 : vector<16xf32>
          %sub3A_462 = arith.subf %get3A_422, %get3A_209 : vector<16xf32>
          %exp3A_463 = math.exp %sub3A_462 : vector<16xf32>
          %add3A_464 = arith.constant 9.99999974E-6 : f32
          %add3A_465 = vector.broadcast %add3A_464 : f32 to vector<16xf32>
          %add3A_466 = arith.addf %exp3A_463, %add3A_465 : vector<16xf32>
          %add3A_467 = arith.addf %while3A_390, %add3A_466 : vector<16xf32>
          %sub3A_468 = arith.subf %get3A_427, %get3A_213 : vector<16xf32>
          %exp3A_469 = math.exp %sub3A_468 : vector<16xf32>
          %add3A_470 = arith.constant 9.99999974E-6 : f32
          %add3A_471 = vector.broadcast %add3A_470 : f32 to vector<16xf32>
          %add3A_472 = arith.addf %exp3A_469, %add3A_471 : vector<16xf32>
          %add3A_473 = arith.addf %while3A_391, %add3A_472 : vector<16xf32>
          %sub3A_474 = arith.subf %get3A_432, %get3A_217 : vector<16xf32>
          %exp3A_475 = math.exp %sub3A_474 : vector<16xf32>
          %add3A_476 = arith.constant 9.99999974E-6 : f32
          %add3A_477 = vector.broadcast %add3A_476 : f32 to vector<16xf32>
          %add3A_478 = arith.addf %exp3A_475, %add3A_477 : vector<16xf32>
          %add3A_479 = arith.addf %while3A_392, %add3A_478 : vector<16xf32>
          scf.yield %add3A_437, %add3A_443, %add3A_449, %add3A_455, %add3A_461, %add3A_467, %add3A_473, %add3A_479 : vector<16xf32>, vector<16xf32>, vector<16xf32>, vector<16xf32>, vector<16xf32>, vector<16xf32>, vector<16xf32>, vector<16xf32>
        }
        %while3A_382 = arith.constant 1 : i32
        %while3A_383:8 = scf.for %while3A_384 = %while3A_379 to %while3A_375 step %while3A_382 iter_args(%while3A_385 = %while3A_381#0, %while3A_386 = %while3A_381#1, %while3A_387 = %while3A_381#2, %while3A_388 = %while3A_381#3, %while3A_389 = %while3A_381#4, %while3A_390 = %while3A_381#5, %while3A_391 = %while3A_381#6, %while3A_392 = %while3A_381#7) -> (vector<16xf32>, vector<16xf32>, vector<16xf32>, vector<16xf32>, vector<16xf32>, vector<16xf32>, vector<16xf32>, vector<16xf32>)  : i32 {
          %get3A_393 = arith.index_cast %rem3A_367 : i32 to index
          %get3A_394 = arith.index_cast %while3A_384 : i32 to index
          %get3A_395 = arith.constant 0 : index
          %get3A_396 = tpu.vector_load %arg6[%get3A_393, %get3A_394, %get3A_395] {strides = array<i32>} : memref<3x80x128xf32, #tpu.memory_space<vmem>>, vector<1x1x16xf32>,
          %get3A_397 = vector.shape_cast %get3A_396 : vector<1x1x16xf32> to vector<16xf32>
          %get3A_398 = arith.index_cast %rem3A_367 : i32 to index
          %get3A_399 = arith.index_cast %while3A_384 : i32 to index
          %get3A_400 = arith.constant 16 : index
          %get3A_401 = tpu.vector_load %arg6[%get3A_398, %get3A_399, %get3A_400] {strides = array<i32>} : memref<3x80x128xf32, #tpu.memory_space<vmem>>, vector<1x1x16xf32>,
          %get3A_402 = vector.shape_cast %get3A_401 : vector<1x1x16xf32> to vector<16xf32>
          %get3A_403 = arith.index_cast %rem3A_367 : i32 to index
          %get3A_404 = arith.index_cast %while3A_384 : i32 to index
          %get3A_405 = arith.constant 32 : index
          %get3A_406 = tpu.vector_load %arg6[%get3A_403, %get3A_404, %get3A_405] {strides = array<i32>} : memref<3x80x128xf32, #tpu.memory_space<vmem>>, vector<1x1x16xf32>,
          %get3A_407 = vector.shape_cast %get3A_406 : vector<1x1x16xf32> to vector<16xf32>
          %get3A_408 = arith.index_cast %rem3A_367 : i32 to index
          %get3A_409 = arith.index_cast %while3A_384 : i32 to index
          %get3A_410 = arith.constant 48 : index
          %get3A_411 = tpu.vector_load %arg6[%get3A_408, %get3A_409, %get3A_410] {strides = array<i32>} : memref<3x80x128xf32, #tpu.memory_space<vmem>>, vector<1x1x16xf32>,
          %get3A_412 = vector.shape_cast %get3A_411 : vector<1x1x16xf32> to vector<16xf32>
          %get3A_413 = arith.index_cast %rem3A_367 : i32 to index
          %get3A_414 = arith.index_cast %while3A_384 : i32 to index
          %get3A_415 = arith.constant 64 : index
          %get3A_416 = tpu.vector_load %arg6[%get3A_413, %get3A_414, %get3A_415] {strides = array<i32>} : memref<3x80x128xf32, #tpu.memory_space<vmem>>, vector<1x1x16xf32>,
          %get3A_417 = vector.shape_cast %get3A_416 : vector<1x1x16xf32> to vector<16xf32>
          %get3A_418 = arith.index_cast %rem3A_367 : i32 to index
          %get3A_419 = arith.index_cast %while3A_384 : i32 to index
          %get3A_420 = arith.constant 80 : index
          %get3A_421 = tpu.vector_load %arg6[%get3A_418, %get3A_419, %get3A_420] {strides = array<i32>} : memref<3x80x128xf32, #tpu.memory_space<vmem>>, vector<1x1x16xf32>,
          %get3A_422 = vector.shape_cast %get3A_421 : vector<1x1x16xf32> to vector<16xf32>
          %get3A_423 = arith.index_cast %rem3A_367 : i32 to index
          %get3A_424 = arith.index_cast %while3A_384 : i32 to index
          %get3A_425 = arith.constant 96 : index
          %get3A_426 = tpu.vector_load %arg6[%get3A_423, %get3A_424, %get3A_425] {strides = array<i32>} : memref<3x80x128xf32, #tpu.memory_space<vmem>>, vector<1x1x16xf32>,
          %get3A_427 = vector.shape_cast %get3A_426 : vector<1x1x16xf32> to vector<16xf32>
          %get3A_428 = arith.index_cast %rem3A_367 : i32 to index
          %get3A_429 = arith.index_cast %while3A_384 : i32 to index
          %get3A_430 = arith.constant 112 : index
          %get3A_431 = tpu.vector_load %arg6[%get3A_428, %get3A_429, %get3A_430] {strides = array<i32>} : memref<3x80x128xf32, #tpu.memory_space<vmem>>, vector<1x1x16xf32>,
          %get3A_432 = vector.shape_cast %get3A_431 : vector<1x1x16xf32> to vector<16xf32>
          %sub3A_433 = arith.subf %get3A_397, %get3A_189 : vector<16xf32>
          %exp3A = math.exp %sub3A_433 : vector<16xf32>
          %add3A_434 = arith.constant 9.99999974E-6 : f32
          %add3A_435 = vector.broadcast %add3A_434 : f32 to vector<16xf32>
          %add3A_436 = arith.addf %exp3A, %add3A_435 : vector<16xf32>
          %add3A_437 = arith.addf %while3A_385, %add3A_436 : vector<16xf32>
          %sub3A_438 = arith.subf %get3A_402, %get3A_193 : vector<16xf32>
          %exp3A_439 = math.exp %sub3A_438 : vector<16xf32>
          %add3A_440 = arith.constant 9.99999974E-6 : f32
          %add3A_441 = vector.broadcast %add3A_440 : f32 to vector<16xf32>
          %add3A_442 = arith.addf %exp3A_439, %add3A_441 : vector<16xf32>
          %add3A_443 = arith.addf %while3A_386, %add3A_442 : vector<16xf32>
          %sub3A_444 = arith.subf %get3A_407, %get3A_197 : vector<16xf32>
          %exp3A_445 = math.exp %sub3A_444 : vector<16xf32>
          %add3A_446 = arith.constant 9.99999974E-6 : f32
          %add3A_447 = vector.broadcast %add3A_446 : f32 to vector<16xf32>
          %add3A_448 = arith.addf %exp3A_445, %add3A_447 : vector<16xf32>
          %add3A_449 = arith.addf %while3A_387, %add3A_448 : vector<16xf32>
          %sub3A_450 = arith.subf %get3A_412, %get3A_201 : vector<16xf32>
          %exp3A_451 = math.exp %sub3A_450 : vector<16xf32>
          %add3A_452 = arith.constant 9.99999974E-6 : f32
          %add3A_453 = vector.broadcast %add3A_452 : f32 to vector<16xf32>
          %add3A_454 = arith.addf %exp3A_451, %add3A_453 : vector<16xf32>
          %add3A_455 = arith.addf %while3A_388, %add3A_454 : vector<16xf32>
          %sub3A_456 = arith.subf %get3A_417, %get3A_205 : vector<16xf32>
          %exp3A_457 = math.exp %sub3A_456 : vector<16xf32>
          %add3A_458 = arith.constant 9.99999974E-6 : f32
          %add3A_459 = vector.broadcast %add3A_458 : f32 to vector<16xf32>
          %add3A_460 = arith.addf %exp3A_457, %add3A_459 : vector<16xf32>
          %add3A_461 = arith.addf %while3A_389, %add3A_460 : vector<16xf32>
          %sub3A_462 = arith.subf %get3A_422, %get3A_209 : vector<16xf32>
          %exp3A_463 = math.exp %sub3A_462 : vector<16xf32>
          %add3A_464 = arith.constant 9.99999974E-6 : f32
          %add3A_465 = vector.broadcast %add3A_464 : f32 to vector<16xf32>
          %add3A_466 = arith.addf %exp3A_463, %add3A_465 : vector<16xf32>
          %add3A_467 = arith.addf %while3A_390, %add3A_466 : vector<16xf32>
          %sub3A_468 = arith.subf %get3A_427, %get3A_213 : vector<16xf32>
          %exp3A_469 = math.exp %sub3A_468 : vector<16xf32>
          %add3A_470 = arith.constant 9.99999974E-6 : f32
          %add3A_471 = vector.broadcast %add3A_470 : f32 to vector<16xf32>
          %add3A_472 = arith.addf %exp3A_469, %add3A_471 : vector<16xf32>
          %add3A_473 = arith.addf %while3A_391, %add3A_472 : vector<16xf32>
          %sub3A_474 = arith.subf %get3A_432, %get3A_217 : vector<16xf32>
          %exp3A_475 = math.exp %sub3A_474 : vector<16xf32>
          %add3A_476 = arith.constant 9.99999974E-6 : f32
          %add3A_477 = vector.broadcast %add3A_476 : f32 to vector<16xf32>
          %add3A_478 = arith.addf %exp3A_475, %add3A_477 : vector<16xf32>
          %add3A_479 = arith.addf %while3A_392, %add3A_478 : vector<16xf32>
          scf.yield %add3A_437, %add3A_443, %add3A_449, %add3A_455, %add3A_461, %add3A_467, %add3A_473, %add3A_479 : vector<16xf32>, vector<16xf32>, vector<16xf32>, vector<16xf32>, vector<16xf32>, vector<16xf32>, vector<16xf32>, vector<16xf32>
        }
        scf.yield %while3A_344, %while3A_383#0, %while3A_383#1, %while3A_383#2, %while3A_383#3, %while3A_383#4, %while3A_383#5, %while3A_383#6, %while3A_383#7 : i32, vector<16xf32>, vector<16xf32>, vector<16xf32>, vector<16xf32>, vector<16xf32>, vector<16xf32>, vector<16xf32>, vector<16xf32>
      }
      %while3A_278 = arith.constant 1 : i32
      %while3A_279:9 = scf.for %while3A_344 = %while3A_275 to %while3A_271 step %while3A_278 iter_args(%while3A_345 = %while3A_277#0, %while3A_346 = %while3A_277#1, %while3A_347 = %while3A_277#2, %while3A_348 = %while3A_277#3, %while3A_349 = %while3A_277#4, %while3A_350 = %while3A_277#5, %while3A_351 = %while3A_277#6, %while3A_352 = %while3A_277#7, %while3A_353 = %while3A_277#8) -> (i32, vector<16xf32>, vector<16xf32>, vector<16xf32>, vector<16xf32>, vector<16xf32>, vector<16xf32>, vector<16xf32>, vector<16xf32>)  : i32 {
        %ne3A_354 = arith.cmpi ne, %while3A_344, %while3A_345 : i32
        %convert_element_type3A_355 = arith.extui %ne3A_354 : i1 to i32
        %cond3A_356 = arith.constant 0 : i32
        %cond3A_357 = arith.cmpi ne, %convert_element_type3A_355, %cond3A_356 : i32
        scf.if %cond3A_357 {
          %rem3A_384 = arith.constant 3 : i32
          %rem3A_385 = arith.remsi %while3A_344, %rem3A_384 : i32
          %mul3A_386 = arith.constant 80 : i32
          %mul3A_387 = arith.muli %while3A_344, %mul3A_386 : i32
          %dma_wait3A = arith.constant 0 : i32
          %dma_wait3A_388 = arith.constant 0 : i32
          %dma_wait3A_389 = tpu.memref_slice %arg6[%rem3A_385, %dma_wait3A, %dma_wait3A_388] : memref<3x80x128xf32, #tpu.memory_space<vmem>> -> memref<1x80x128xf32, #tpu.memory_space<vmem>>
          %dma_wait3A_390 = tpu.memref_squeeze %dma_wait3A_389 : memref<1x80x128xf32, #tpu.memory_space<vmem>> -> memref<80x128xf32, #tpu.memory_space<vmem>>
          %dma_wait3A_391 = arith.constant 0 : i32
          %dma_wait3A_392 = tpu.memref_slice %arg2[%mul3A_387, %dma_wait3A_391] : memref<320000x128xf32, #tpu.memory_space<hbm>> -> memref<80x128xf32, #tpu.memory_space<hbm>>
          %dma_wait3A_393 = tpu.memref_slice %arg12[%rem3A_385] : memref<3x!tpu.dma_semaphore, #tpu.memory_space<semaphore_mem>> -> memref<1x!tpu.dma_semaphore, #tpu.memory_space<semaphore_mem>>
          %dma_wait3A_394 = tpu.memref_squeeze %dma_wait3A_393 : memref<1x!tpu.dma_semaphore, #tpu.memory_space<semaphore_mem>> -> memref<!tpu.dma_semaphore, #tpu.memory_space<semaphore_mem>>
          %dma_wait3A_395 = arith.constant 0 : i32
          %dma_wait3A_396 = arith.constant 0 : i32
          %dma_wait3A_397 = tpu.memref_slice %arg6[%rem3A_385, %dma_wait3A_395, %dma_wait3A_396] : memref<3x80x128xf32, #tpu.memory_space<vmem>> -> memref<1x80x128xf32, #tpu.memory_space<vmem>>
          %dma_wait3A_398 = tpu.memref_squeeze %dma_wait3A_397 : memref<1x80x128xf32, #tpu.memory_space<vmem>> -> memref<80x128xf32, #tpu.memory_space<vmem>>
          %dma_wait3A_399 = arith.constant 0 : i32
          %dma_wait3A_400 = tpu.memref_slice %arg2[%mul3A_387, %dma_wait3A_399] : memref<320000x128xf32, #tpu.memory_space<hbm>> -> memref<80x128xf32, #tpu.memory_space<hbm>>
          tpu.wait_dma2 semaphore(%dma_wait3A_394 : memref<!tpu.dma_semaphore, #tpu.memory_space<semaphore_mem>>) src(%dma_wait3A_400 : memref<80x128xf32, #tpu.memory_space<hbm>>) dst(%dma_wait3A_398 : memref<80x128xf32, #tpu.memory_space<vmem>>)
        } else {
        }
        %ne3A_358 = arith.cmpi ne, %while3A_344, %while3A_345 : i32
        %add3A_359 = arith.constant 1 : i32
        %add3A_360 = arith.addi %while3A_344, %add3A_359 : i32
        %lt3A_361 = arith.cmpi slt, %add3A_360, %select_n3A_48 : i32
        %and3A_362 = arith.andi %ne3A_358, %lt3A_361 : i1
        %convert_element_type3A_363 = arith.extui %and3A_362 : i1 to i32
        %cond3A_364 = arith.constant 0 : i32
        %cond3A_365 = arith.cmpi ne, %convert_element_type3A_363, %cond3A_364 : i32
        scf.if %cond3A_365 {
          %add3A_384 = arith.constant 1 : i32
          %add3A_385 = arith.addi %while3A_344, %add3A_384 : i32
          %rem3A_386 = arith.constant 3 : i32
          %rem3A_387 = arith.remsi %add3A_385, %rem3A_386 : i32
          %mul3A_388 = arith.constant 80 : i32
          %mul3A_389 = arith.muli %add3A_385, %mul3A_388 : i32
          %dma_start3A = arith.constant 0 : i32
          %dma_start3A_390 = arith.constant 0 : i32
          %dma_start3A_391 = tpu.memref_slice %arg6[%rem3A_387, %dma_start3A, %dma_start3A_390] : memref<3x80x128xf32, #tpu.memory_space<vmem>> -> memref<1x80x128xf32, #tpu.memory_space<vmem>>
          %dma_start3A_392 = tpu.memref_squeeze %dma_start3A_391 : memref<1x80x128xf32, #tpu.memory_space<vmem>> -> memref<80x128xf32, #tpu.memory_space<vmem>>
          %dma_start3A_393 = arith.constant 0 : i32
          %dma_start3A_394 = tpu.memref_slice %arg2[%mul3A_389, %dma_start3A_393] : memref<320000x128xf32, #tpu.memory_space<hbm>> -> memref<80x128xf32, #tpu.memory_space<hbm>>
          %dma_start3A_395 = tpu.memref_slice %arg12[%rem3A_387] : memref<3x!tpu.dma_semaphore, #tpu.memory_space<semaphore_mem>> -> memref<1x!tpu.dma_semaphore, #tpu.memory_space<semaphore_mem>>
          %dma_start3A_396 = tpu.memref_squeeze %dma_start3A_395 : memref<1x!tpu.dma_semaphore, #tpu.memory_space<semaphore_mem>> -> memref<!tpu.dma_semaphore, #tpu.memory_space<semaphore_mem>>
          %dma_start3A_397 = arith.constant 0 : i32
          %dma_start3A_398 = arith.constant 0 : i32
          %dma_start3A_399 = tpu.memref_slice %arg6[%rem3A_387, %dma_start3A_397, %dma_start3A_398] : memref<3x80x128xf32, #tpu.memory_space<vmem>> -> memref<1x80x128xf32, #tpu.memory_space<vmem>>
          %dma_start3A_400 = tpu.memref_squeeze %dma_start3A_399 : memref<1x80x128xf32, #tpu.memory_space<vmem>> -> memref<80x128xf32, #tpu.memory_space<vmem>>
          %dma_start3A_401 = arith.constant 0 : i32
          %dma_start3A_402 = tpu.memref_slice %arg2[%mul3A_389, %dma_start3A_401] : memref<320000x128xf32, #tpu.memory_space<hbm>> -> memref<80x128xf32, #tpu.memory_space<hbm>>
          tpu.enqueue_dma source(%dma_start3A_402 : memref<80x128xf32, #tpu.memory_space<hbm>>) target(%dma_start3A_400 : memref<80x128xf32, #tpu.memory_space<vmem>>) target_semaphore(%dma_start3A_396 : memref<!tpu.dma_semaphore, #tpu.memory_space<semaphore_mem>>)
        } else {
        }
        %rem3A_366 = arith.constant 3 : i32
        %rem3A_367 = arith.remsi %while3A_344, %rem3A_366 : i32
        %mul3A_368 = arith.constant 80 : i32
        %mul3A_369 = arith.muli %while3A_344, %mul3A_368 : i32
        %sub3A_370 = arith.subi %squeeze3A_176, %mul3A_369 : i32
        %max3A = arith.constant 0 : i32
        %max3A_371 = arith.maxsi %sub3A_370, %max3A : i32
        %sub3A_372 = arith.subi %squeeze3A_185, %mul3A_369 : i32
        %min3A = arith.constant 80 : i32
        %min3A_373 = arith.minsi %sub3A_372, %min3A : i32
        %while3A_374 = arith.subi %min3A_373, %max3A_371 : i32
        %while3A_375 = arith.addi %max3A_371, %while3A_374 : i32
        %while3A_376 = arith.constant 1 : i32
        %while3A_377 = arith.divsi %while3A_374, %while3A_376 : i32
        %while3A_378 = arith.muli %while3A_377, %while3A_376 : i32
        %while3A_379 = arith.addi %max3A_371, %while3A_378 : i32
        %while3A_380 = arith.constant 1 : i32
        %while3A_381:8 = scf.for %while3A_384 = %max3A_371 to %while3A_379 step %while3A_380 iter_args(%while3A_385 = %while3A_346, %while3A_386 = %while3A_347, %while3A_387 = %while3A_348, %while3A_388 = %while3A_349, %while3A_389 = %while3A_350, %while3A_390 = %while3A_351, %while3A_391 = %while3A_352, %while3A_392 = %while3A_353) -> (vector<16xf32>, vector<16xf32>, vector<16xf32>, vector<16xf32>, vector<16xf32>, vector<16xf32>, vector<16xf32>, vector<16xf32>)  : i32 {
          %get3A_393 = arith.index_cast %rem3A_367 : i32 to index
          %get3A_394 = arith.index_cast %while3A_384 : i32 to index
          %get3A_395 = arith.constant 0 : index
          %get3A_396 = tpu.vector_load %arg6[%get3A_393, %get3A_394, %get3A_395] {strides = array<i32>} : memref<3x80x128xf32, #tpu.memory_space<vmem>>, vector<1x1x16xf32>,
          %get3A_397 = vector.shape_cast %get3A_396 : vector<1x1x16xf32> to vector<16xf32>
          %get3A_398 = arith.index_cast %rem3A_367 : i32 to index
          %get3A_399 = arith.index_cast %while3A_384 : i32 to index
          %get3A_400 = arith.constant 16 : index
          %get3A_401 = tpu.vector_load %arg6[%get3A_398, %get3A_399, %get3A_400] {strides = array<i32>} : memref<3x80x128xf32, #tpu.memory_space<vmem>>, vector<1x1x16xf32>,
          %get3A_402 = vector.shape_cast %get3A_401 : vector<1x1x16xf32> to vector<16xf32>
          %get3A_403 = arith.index_cast %rem3A_367 : i32 to index
          %get3A_404 = arith.index_cast %while3A_384 : i32 to index
          %get3A_405 = arith.constant 32 : index
          %get3A_406 = tpu.vector_load %arg6[%get3A_403, %get3A_404, %get3A_405] {strides = array<i32>} : memref<3x80x128xf32, #tpu.memory_space<vmem>>, vector<1x1x16xf32>,
          %get3A_407 = vector.shape_cast %get3A_406 : vector<1x1x16xf32> to vector<16xf32>
          %get3A_408 = arith.index_cast %rem3A_367 : i32 to index
          %get3A_409 = arith.index_cast %while3A_384 : i32 to index
          %get3A_410 = arith.constant 48 : index
          %get3A_411 = tpu.vector_load %arg6[%get3A_408, %get3A_409, %get3A_410] {strides = array<i32>} : memref<3x80x128xf32, #tpu.memory_space<vmem>>, vector<1x1x16xf32>,
          %get3A_412 = vector.shape_cast %get3A_411 : vector<1x1x16xf32> to vector<16xf32>
          %get3A_413 = arith.index_cast %rem3A_367 : i32 to index
          %get3A_414 = arith.index_cast %while3A_384 : i32 to index
          %get3A_415 = arith.constant 64 : index
          %get3A_416 = tpu.vector_load %arg6[%get3A_413, %get3A_414, %get3A_415] {strides = array<i32>} : memref<3x80x128xf32, #tpu.memory_space<vmem>>, vector<1x1x16xf32>,
          %get3A_417 = vector.shape_cast %get3A_416 : vector<1x1x16xf32> to vector<16xf32>
          %get3A_418 = arith.index_cast %rem3A_367 : i32 to index
          %get3A_419 = arith.index_cast %while3A_384 : i32 to index
          %get3A_420 = arith.constant 80 : index
          %get3A_421 = tpu.vector_load %arg6[%get3A_418, %get3A_419, %get3A_420] {strides = array<i32>} : memref<3x80x128xf32, #tpu.memory_space<vmem>>, vector<1x1x16xf32>,
          %get3A_422 = vector.shape_cast %get3A_421 : vector<1x1x16xf32> to vector<16xf32>
          %get3A_423 = arith.index_cast %rem3A_367 : i32 to index
          %get3A_424 = arith.index_cast %while3A_384 : i32 to index
          %get3A_425 = arith.constant 96 : index
          %get3A_426 = tpu.vector_load %arg6[%get3A_423, %get3A_424, %get3A_425] {strides = array<i32>} : memref<3x80x128xf32, #tpu.memory_space<vmem>>, vector<1x1x16xf32>,
          %get3A_427 = vector.shape_cast %get3A_426 : vector<1x1x16xf32> to vector<16xf32>
          %get3A_428 = arith.index_cast %rem3A_367 : i32 to index
          %get3A_429 = arith.index_cast %while3A_384 : i32 to index
          %get3A_430 = arith.constant 112 : index
          %get3A_431 = tpu.vector_load %arg6[%get3A_428, %get3A_429, %get3A_430] {strides = array<i32>} : memref<3x80x128xf32, #tpu.memory_space<vmem>>, vector<1x1x16xf32>,
          %get3A_432 = vector.shape_cast %get3A_431 : vector<1x1x16xf32> to vector<16xf32>
          %sub3A_433 = arith.subf %get3A_397, %get3A_189 : vector<16xf32>
          %exp3A = math.exp %sub3A_433 : vector<16xf32>
          %add3A_434 = arith.constant 9.99999974E-6 : f32
          %add3A_435 = vector.broadcast %add3A_434 : f32 to vector<16xf32>
          %add3A_436 = arith.addf %exp3A, %add3A_435 : vector<16xf32>
          %add3A_437 = arith.addf %while3A_385, %add3A_436 : vector<16xf32>
          %sub3A_438 = arith.subf %get3A_402, %get3A_193 : vector<16xf32>
          %exp3A_439 = math.exp %sub3A_438 : vector<16xf32>
          %add3A_440 = arith.constant 9.99999974E-6 : f32
          %add3A_441 = vector.broadcast %add3A_440 : f32 to vector<16xf32>
          %add3A_442 = arith.addf %exp3A_439, %add3A_441 : vector<16xf32>
          %add3A_443 = arith.addf %while3A_386, %add3A_442 : vector<16xf32>
          %sub3A_444 = arith.subf %get3A_407, %get3A_197 : vector<16xf32>
          %exp3A_445 = math.exp %sub3A_444 : vector<16xf32>
          %add3A_446 = arith.constant 9.99999974E-6 : f32
          %add3A_447 = vector.broadcast %add3A_446 : f32 to vector<16xf32>
          %add3A_448 = arith.addf %exp3A_445, %add3A_447 : vector<16xf32>
          %add3A_449 = arith.addf %while3A_387, %add3A_448 : vector<16xf32>
          %sub3A_450 = arith.subf %get3A_412, %get3A_201 : vector<16xf32>
          %exp3A_451 = math.exp %sub3A_450 : vector<16xf32>
          %add3A_452 = arith.constant 9.99999974E-6 : f32
          %add3A_453 = vector.broadcast %add3A_452 : f32 to vector<16xf32>
          %add3A_454 = arith.addf %exp3A_451, %add3A_453 : vector<16xf32>
          %add3A_455 = arith.addf %while3A_388, %add3A_454 : vector<16xf32>
          %sub3A_456 = arith.subf %get3A_417, %get3A_205 : vector<16xf32>
          %exp3A_457 = math.exp %sub3A_456 : vector<16xf32>
          %add3A_458 = arith.constant 9.99999974E-6 : f32
          %add3A_459 = vector.broadcast %add3A_458 : f32 to vector<16xf32>
          %add3A_460 = arith.addf %exp3A_457, %add3A_459 : vector<16xf32>
          %add3A_461 = arith.addf %while3A_389, %add3A_460 : vector<16xf32>
          %sub3A_462 = arith.subf %get3A_422, %get3A_209 : vector<16xf32>
          %exp3A_463 = math.exp %sub3A_462 : vector<16xf32>
          %add3A_464 = arith.constant 9.99999974E-6 : f32
          %add3A_465 = vector.broadcast %add3A_464 : f32 to vector<16xf32>
          %add3A_466 = arith.addf %exp3A_463, %add3A_465 : vector<16xf32>
          %add3A_467 = arith.addf %while3A_390, %add3A_466 : vector<16xf32>
          %sub3A_468 = arith.subf %get3A_427, %get3A_213 : vector<16xf32>
          %exp3A_469 = math.exp %sub3A_468 : vector<16xf32>
          %add3A_470 = arith.constant 9.99999974E-6 : f32
          %add3A_471 = vector.broadcast %add3A_470 : f32 to vector<16xf32>
          %add3A_472 = arith.addf %exp3A_469, %add3A_471 : vector<16xf32>
          %add3A_473 = arith.addf %while3A_391, %add3A_472 : vector<16xf32>
          %sub3A_474 = arith.subf %get3A_432, %get3A_217 : vector<16xf32>
          %exp3A_475 = math.exp %sub3A_474 : vector<16xf32>
          %add3A_476 = arith.constant 9.99999974E-6 : f32
          %add3A_477 = vector.broadcast %add3A_476 : f32 to vector<16xf32>
          %add3A_478 = arith.addf %exp3A_475, %add3A_477 : vector<16xf32>
          %add3A_479 = arith.addf %while3A_392, %add3A_478 : vector<16xf32>
          scf.yield %add3A_437, %add3A_443, %add3A_449, %add3A_455, %add3A_461, %add3A_467, %add3A_473, %add3A_479 : vector<16xf32>, vector<16xf32>, vector<16xf32>, vector<16xf32>, vector<16xf32>, vector<16xf32>, vector<16xf32>, vector<16xf32>
        }
        %while3A_382 = arith.constant 1 : i32
        %while3A_383:8 = scf.for %while3A_384 = %while3A_379 to %while3A_375 step %while3A_382 iter_args(%while3A_385 = %while3A_381#0, %while3A_386 = %while3A_381#1, %while3A_387 = %while3A_381#2, %while3A_388 = %while3A_381#3, %while3A_389 = %while3A_381#4, %while3A_390 = %while3A_381#5, %while3A_391 = %while3A_381#6, %while3A_392 = %while3A_381#7) -> (vector<16xf32>, vector<16xf32>, vector<16xf32>, vector<16xf32>, vector<16xf32>, vector<16xf32>, vector<16xf32>, vector<16xf32>)  : i32 {
          %get3A_393 = arith.index_cast %rem3A_367 : i32 to index
          %get3A_394 = arith.index_cast %while3A_384 : i32 to index
          %get3A_395 = arith.constant 0 : index
          %get3A_396 = tpu.vector_load %arg6[%get3A_393, %get3A_394, %get3A_395] {strides = array<i32>} : memref<3x80x128xf32, #tpu.memory_space<vmem>>, vector<1x1x16xf32>,
          %get3A_397 = vector.shape_cast %get3A_396 : vector<1x1x16xf32> to vector<16xf32>
          %get3A_398 = arith.index_cast %rem3A_367 : i32 to index
          %get3A_399 = arith.index_cast %while3A_384 : i32 to index
          %get3A_400 = arith.constant 16 : index
          %get3A_401 = tpu.vector_load %arg6[%get3A_398, %get3A_399, %get3A_400] {strides = array<i32>} : memref<3x80x128xf32, #tpu.memory_space<vmem>>, vector<1x1x16xf32>,
          %get3A_402 = vector.shape_cast %get3A_401 : vector<1x1x16xf32> to vector<16xf32>
          %get3A_403 = arith.index_cast %rem3A_367 : i32 to index
          %get3A_404 = arith.index_cast %while3A_384 : i32 to index
          %get3A_405 = arith.constant 32 : index
          %get3A_406 = tpu.vector_load %arg6[%get3A_403, %get3A_404, %get3A_405] {strides = array<i32>} : memref<3x80x128xf32, #tpu.memory_space<vmem>>, vector<1x1x16xf32>,
          %get3A_407 = vector.shape_cast %get3A_406 : vector<1x1x16xf32> to vector<16xf32>
          %get3A_408 = arith.index_cast %rem3A_367 : i32 to index
          %get3A_409 = arith.index_cast %while3A_384 : i32 to index
          %get3A_410 = arith.constant 48 : index
          %get3A_411 = tpu.vector_load %arg6[%get3A_408, %get3A_409, %get3A_410] {strides = array<i32>} : memref<3x80x128xf32, #tpu.memory_space<vmem>>, vector<1x1x16xf32>,
          %get3A_412 = vector.shape_cast %get3A_411 : vector<1x1x16xf32> to vector<16xf32>
          %get3A_413 = arith.index_cast %rem3A_367 : i32 to index
          %get3A_414 = arith.index_cast %while3A_384 : i32 to index
          %get3A_415 = arith.constant 64 : index
          %get3A_416 = tpu.vector_load %arg6[%get3A_413, %get3A_414, %get3A_415] {strides = array<i32>} : memref<3x80x128xf32, #tpu.memory_space<vmem>>, vector<1x1x16xf32>,
          %get3A_417 = vector.shape_cast %get3A_416 : vector<1x1x16xf32> to vector<16xf32>
          %get3A_418 = arith.index_cast %rem3A_367 : i32 to index
          %get3A_419 = arith.index_cast %while3A_384 : i32 to index
          %get3A_420 = arith.constant 80 : index
          %get3A_421 = tpu.vector_load %arg6[%get3A_418, %get3A_419, %get3A_420] {strides = array<i32>} : memref<3x80x128xf32, #tpu.memory_space<vmem>>, vector<1x1x16xf32>,
          %get3A_422 = vector.shape_cast %get3A_421 : vector<1x1x16xf32> to vector<16xf32>
          %get3A_423 = arith.index_cast %rem3A_367 : i32 to index
          %get3A_424 = arith.index_cast %while3A_384 : i32 to index
          %get3A_425 = arith.constant 96 : index
          %get3A_426 = tpu.vector_load %arg6[%get3A_423, %get3A_424, %get3A_425] {strides = array<i32>} : memref<3x80x128xf32, #tpu.memory_space<vmem>>, vector<1x1x16xf32>,
          %get3A_427 = vector.shape_cast %get3A_426 : vector<1x1x16xf32> to vector<16xf32>
          %get3A_428 = arith.index_cast %rem3A_367 : i32 to index
          %get3A_429 = arith.index_cast %while3A_384 : i32 to index
          %get3A_430 = arith.constant 112 : index
          %get3A_431 = tpu.vector_load %arg6[%get3A_428, %get3A_429, %get3A_430] {strides = array<i32>} : memref<3x80x128xf32, #tpu.memory_space<vmem>>, vector<1x1x16xf32>,
          %get3A_432 = vector.shape_cast %get3A_431 : vector<1x1x16xf32> to vector<16xf32>
          %sub3A_433 = arith.subf %get3A_397, %get3A_189 : vector<16xf32>
          %exp3A = math.exp %sub3A_433 : vector<16xf32>
          %add3A_434 = arith.constant 9.99999974E-6 : f32
          %add3A_435 = vector.broadcast %add3A_434 : f32 to vector<16xf32>
          %add3A_436 = arith.addf %exp3A, %add3A_435 : vector<16xf32>
          %add3A_437 = arith.addf %while3A_385, %add3A_436 : vector<16xf32>
          %sub3A_438 = arith.subf %get3A_402, %get3A_193 : vector<16xf32>
          %exp3A_439 = math.exp %sub3A_438 : vector<16xf32>
          %add3A_440 = arith.constant 9.99999974E-6 : f32
          %add3A_441 = vector.broadcast %add3A_440 : f32 to vector<16xf32>
          %add3A_442 = arith.addf %exp3A_439, %add3A_441 : vector<16xf32>
          %add3A_443 = arith.addf %while3A_386, %add3A_442 : vector<16xf32>
          %sub3A_444 = arith.subf %get3A_407, %get3A_197 : vector<16xf32>
          %exp3A_445 = math.exp %sub3A_444 : vector<16xf32>
          %add3A_446 = arith.constant 9.99999974E-6 : f32
          %add3A_447 = vector.broadcast %add3A_446 : f32 to vector<16xf32>
          %add3A_448 = arith.addf %exp3A_445, %add3A_447 : vector<16xf32>
          %add3A_449 = arith.addf %while3A_387, %add3A_448 : vector<16xf32>
          %sub3A_450 = arith.subf %get3A_412, %get3A_201 : vector<16xf32>
          %exp3A_451 = math.exp %sub3A_450 : vector<16xf32>
          %add3A_452 = arith.constant 9.99999974E-6 : f32
          %add3A_453 = vector.broadcast %add3A_452 : f32 to vector<16xf32>
          %add3A_454 = arith.addf %exp3A_451, %add3A_453 : vector<16xf32>
          %add3A_455 = arith.addf %while3A_388, %add3A_454 : vector<16xf32>
          %sub3A_456 = arith.subf %get3A_417, %get3A_205 : vector<16xf32>
          %exp3A_457 = math.exp %sub3A_456 : vector<16xf32>
          %add3A_458 = arith.constant 9.99999974E-6 : f32
          %add3A_459 = vector.broadcast %add3A_458 : f32 to vector<16xf32>
          %add3A_460 = arith.addf %exp3A_457, %add3A_459 : vector<16xf32>
          %add3A_461 = arith.addf %while3A_389, %add3A_460 : vector<16xf32>
          %sub3A_462 = arith.subf %get3A_422, %get3A_209 : vector<16xf32>
          %exp3A_463 = math.exp %sub3A_462 : vector<16xf32>
          %add3A_464 = arith.constant 9.99999974E-6 : f32
          %add3A_465 = vector.broadcast %add3A_464 : f32 to vector<16xf32>
          %add3A_466 = arith.addf %exp3A_463, %add3A_465 : vector<16xf32>
          %add3A_467 = arith.addf %while3A_390, %add3A_466 : vector<16xf32>
          %sub3A_468 = arith.subf %get3A_427, %get3A_213 : vector<16xf32>
          %exp3A_469 = math.exp %sub3A_468 : vector<16xf32>
          %add3A_470 = arith.constant 9.99999974E-6 : f32
          %add3A_471 = vector.broadcast %add3A_470 : f32 to vector<16xf32>
          %add3A_472 = arith.addf %exp3A_469, %add3A_471 : vector<16xf32>
          %add3A_473 = arith.addf %while3A_391, %add3A_472 : vector<16xf32>
          %sub3A_474 = arith.subf %get3A_432, %get3A_217 : vector<16xf32>
          %exp3A_475 = math.exp %sub3A_474 : vector<16xf32>
          %add3A_476 = arith.constant 9.99999974E-6 : f32
          %add3A_477 = vector.broadcast %add3A_476 : f32 to vector<16xf32>
          %add3A_478 = arith.addf %exp3A_475, %add3A_477 : vector<16xf32>
          %add3A_479 = arith.addf %while3A_392, %add3A_478 : vector<16xf32>
          scf.yield %add3A_437, %add3A_443, %add3A_449, %add3A_455, %add3A_461, %add3A_467, %add3A_473, %add3A_479 : vector<16xf32>, vector<16xf32>, vector<16xf32>, vector<16xf32>, vector<16xf32>, vector<16xf32>, vector<16xf32>, vector<16xf32>
        }
        scf.yield %while3A_344, %while3A_383#0, %while3A_383#1, %while3A_383#2, %while3A_383#3, %while3A_383#4, %while3A_383#5, %while3A_383#6, %while3A_383#7 : i32, vector<16xf32>, vector<16xf32>, vector<16xf32>, vector<16xf32>, vector<16xf32>, vector<16xf32>, vector<16xf32>, vector<16xf32>
      }
      %div3A_280 = arith.constant 1.000000e+00 : f32
      %div3A_281 = vector.broadcast %div3A_280 : f32 to vector<16xf32>
      %div3A_282 = arith.divf %div3A_281, %while3A_279#1 : vector<16xf32>
      %swap3A_283 = arith.index_cast %while3A_168 : i32 to index
      %swap3A_284 = arith.constant 0 : index
      %swap3A_285 = tpu.vector_load %arg9[%swap3A_283, %swap3A_284] {strides = array<i32>} : memref<315x128xf32, #tpu.memory_space<vmem>>, vector<1x16xf32>,
      %swap3A_286 = vector.shape_cast %swap3A_285 : vector<1x16xf32> to vector<16xf32>
      %swap3A_287 = vector.shape_cast %div3A_282 : vector<16xf32> to vector<1x16xf32>
      tpu.vector_store %arg9[%swap3A_283, %swap3A_284], %swap3A_287 {strides = array<i32>} : memref<315x128xf32, #tpu.memory_space<vmem>>, vector<1x16xf32>,
      %div3A_288 = arith.constant 1.000000e+00 : f32
      %div3A_289 = vector.broadcast %div3A_288 : f32 to vector<16xf32>
      %div3A_290 = arith.divf %div3A_289, %while3A_279#2 : vector<16xf32>
      %swap3A_291 = arith.index_cast %while3A_168 : i32 to index
      %swap3A_292 = arith.constant 16 : index
      %swap3A_293 = tpu.vector_load %arg9[%swap3A_291, %swap3A_292] {strides = array<i32>} : memref<315x128xf32, #tpu.memory_space<vmem>>, vector<1x16xf32>,
      %swap3A_294 = vector.shape_cast %swap3A_293 : vector<1x16xf32> to vector<16xf32>
      %swap3A_295 = vector.shape_cast %div3A_290 : vector<16xf32> to vector<1x16xf32>
      tpu.vector_store %arg9[%swap3A_291, %swap3A_292], %swap3A_295 {strides = array<i32>} : memref<315x128xf32, #tpu.memory_space<vmem>>, vector<1x16xf32>,
      %div3A_296 = arith.constant 1.000000e+00 : f32
      %div3A_297 = vector.broadcast %div3A_296 : f32 to vector<16xf32>
      %div3A_298 = arith.divf %div3A_297, %while3A_279#3 : vector<16xf32>
      %swap3A_299 = arith.index_cast %while3A_168 : i32 to index
      %swap3A_300 = arith.constant 32 : index
      %swap3A_301 = tpu.vector_load %arg9[%swap3A_299, %swap3A_300] {strides = array<i32>} : memref<315x128xf32, #tpu.memory_space<vmem>>, vector<1x16xf32>,
      %swap3A_302 = vector.shape_cast %swap3A_301 : vector<1x16xf32> to vector<16xf32>
      %swap3A_303 = vector.shape_cast %div3A_298 : vector<16xf32> to vector<1x16xf32>
      tpu.vector_store %arg9[%swap3A_299, %swap3A_300], %swap3A_303 {strides = array<i32>} : memref<315x128xf32, #tpu.memory_space<vmem>>, vector<1x16xf32>,
      %div3A_304 = arith.constant 1.000000e+00 : f32
      %div3A_305 = vector.broadcast %div3A_304 : f32 to vector<16xf32>
      %div3A_306 = arith.divf %div3A_305, %while3A_279#4 : vector<16xf32>
      %swap3A_307 = arith.index_cast %while3A_168 : i32 to index
      %swap3A_308 = arith.constant 48 : index
      %swap3A_309 = tpu.vector_load %arg9[%swap3A_307, %swap3A_308] {strides = array<i32>} : memref<315x128xf32, #tpu.memory_space<vmem>>, vector<1x16xf32>,
      %swap3A_310 = vector.shape_cast %swap3A_309 : vector<1x16xf32> to vector<16xf32>
      %swap3A_311 = vector.shape_cast %div3A_306 : vector<16xf32> to vector<1x16xf32>
      tpu.vector_store %arg9[%swap3A_307, %swap3A_308], %swap3A_311 {strides = array<i32>} : memref<315x128xf32, #tpu.memory_space<vmem>>, vector<1x16xf32>,
      %div3A_312 = arith.constant 1.000000e+00 : f32
      %div3A_313 = vector.broadcast %div3A_312 : f32 to vector<16xf32>
      %div3A_314 = arith.divf %div3A_313, %while3A_279#5 : vector<16xf32>
      %swap3A_315 = arith.index_cast %while3A_168 : i32 to index
      %swap3A_316 = arith.constant 64 : index
      %swap3A_317 = tpu.vector_load %arg9[%swap3A_315, %swap3A_316] {strides = array<i32>} : memref<315x128xf32, #tpu.memory_space<vmem>>, vector<1x16xf32>,
      %swap3A_318 = vector.shape_cast %swap3A_317 : vector<1x16xf32> to vector<16xf32>
      %swap3A_319 = vector.shape_cast %div3A_314 : vector<16xf32> to vector<1x16xf32>
      tpu.vector_store %arg9[%swap3A_315, %swap3A_316], %swap3A_319 {strides = array<i32>} : memref<315x128xf32, #tpu.memory_space<vmem>>, vector<1x16xf32>,
      %div3A_320 = arith.constant 1.000000e+00 : f32
      %div3A_321 = vector.broadcast %div3A_320 : f32 to vector<16xf32>
      %div3A_322 = arith.divf %div3A_321, %while3A_279#6 : vector<16xf32>
      %swap3A_323 = arith.index_cast %while3A_168 : i32 to index
      %swap3A_324 = arith.constant 80 : index
      %swap3A_325 = tpu.vector_load %arg9[%swap3A_323, %swap3A_324] {strides = array<i32>} : memref<315x128xf32, #tpu.memory_space<vmem>>, vector<1x16xf32>,
      %swap3A_326 = vector.shape_cast %swap3A_325 : vector<1x16xf32> to vector<16xf32>
      %swap3A_327 = vector.shape_cast %div3A_322 : vector<16xf32> to vector<1x16xf32>
      tpu.vector_store %arg9[%swap3A_323, %swap3A_324], %swap3A_327 {strides = array<i32>} : memref<315x128xf32, #tpu.memory_space<vmem>>, vector<1x16xf32>,
      %div3A_328 = arith.constant 1.000000e+00 : f32
      %div3A_329 = vector.broadcast %div3A_328 : f32 to vector<16xf32>
      %div3A_330 = arith.divf %div3A_329, %while3A_279#7 : vector<16xf32>
      %swap3A_331 = arith.index_cast %while3A_168 : i32 to index
      %swap3A_332 = arith.constant 96 : index
      %swap3A_333 = tpu.vector_load %arg9[%swap3A_331, %swap3A_332] {strides = array<i32>} : memref<315x128xf32, #tpu.memory_space<vmem>>, vector<1x16xf32>,
      %swap3A_334 = vector.shape_cast %swap3A_333 : vector<1x16xf32> to vector<16xf32>
      %swap3A_335 = vector.shape_cast %div3A_330 : vector<16xf32> to vector<1x16xf32>
      tpu.vector_store %arg9[%swap3A_331, %swap3A_332], %swap3A_335 {strides = array<i32>} : memref<315x128xf32, #tpu.memory_space<vmem>>, vector<1x16xf32>,
      %div3A_336 = arith.constant 1.000000e+00 : f32
      %div3A_337 = vector.broadcast %div3A_336 : f32 to vector<16xf32>
      %div3A_338 = arith.divf %div3A_337, %while3A_279#8 : vector<16xf32>
      %swap3A_339 = arith.index_cast %while3A_168 : i32 to index
      %swap3A_340 = arith.constant 112 : index
      %swap3A_341 = tpu.vector_load %arg9[%swap3A_339, %swap3A_340] {strides = array<i32>} : memref<315x128xf32, #tpu.memory_space<vmem>>, vector<1x16xf32>,
      %swap3A_342 = vector.shape_cast %swap3A_341 : vector<1x16xf32> to vector<16xf32>
      %swap3A_343 = vector.shape_cast %div3A_338 : vector<16xf32> to vector<1x16xf32>
      tpu.vector_store %arg9[%swap3A_339, %swap3A_340], %swap3A_343 {strides = array<i32>} : memref<315x128xf32, #tpu.memory_space<vmem>>, vector<1x16xf32>,
      scf.yield %while3A_279#0 : i32
    }
    %lt3A_91 = arith.cmpi slt, %select_n3A, %select_n3A_48 : i32
    %convert_element_type3A_92 = arith.extui %lt3A_91 : i1 to i32
    %cond3A_93 = arith.constant 0 : i32
    %cond3A_94 = arith.cmpi ne, %convert_element_type3A_92, %cond3A_93 : i32
    scf.if %cond3A_94 {
      %rem3A_168 = arith.constant 3 : i32
      %rem3A_169 = arith.remsi %select_n3A, %rem3A_168 : i32
      %mul3A_170 = arith.constant 80 : i32
      %mul3A_171 = arith.muli %select_n3A, %mul3A_170 : i32
      %dma_start3A = arith.constant 0 : i32
      %dma_start3A_172 = arith.constant 0 : i32
      %dma_start3A_173 = tpu.memref_slice %arg6[%rem3A_169, %dma_start3A, %dma_start3A_172] : memref<3x80x128xf32, #tpu.memory_space<vmem>> -> memref<1x80x128xf32, #tpu.memory_space<vmem>>
      %dma_start3A_174 = tpu.memref_squeeze %dma_start3A_173 : memref<1x80x128xf32, #tpu.memory_space<vmem>> -> memref<80x128xf32, #tpu.memory_space<vmem>>
      %dma_start3A_175 = arith.constant 0 : i32
      %dma_start3A_176 = tpu.memref_slice %arg2[%mul3A_171, %dma_start3A_175] : memref<320000x128xf32, #tpu.memory_space<hbm>> -> memref<80x128xf32, #tpu.memory_space<hbm>>
      %dma_start3A_177 = tpu.memref_slice %arg12[%rem3A_169] : memref<3x!tpu.dma_semaphore, #tpu.memory_space<semaphore_mem>> -> memref<1x!tpu.dma_semaphore, #tpu.memory_space<semaphore_mem>>
      %dma_start3A_178 = tpu.memref_squeeze %dma_start3A_177 : memref<1x!tpu.dma_semaphore, #tpu.memory_space<semaphore_mem>> -> memref<!tpu.dma_semaphore, #tpu.memory_space<semaphore_mem>>
      %dma_start3A_179 = arith.constant 0 : i32
      %dma_start3A_180 = arith.constant 0 : i32
      %dma_start3A_181 = tpu.memref_slice %arg6[%rem3A_169, %dma_start3A_179, %dma_start3A_180] : memref<3x80x128xf32, #tpu.memory_space<vmem>> -> memref<1x80x128xf32, #tpu.memory_space<vmem>>
      %dma_start3A_182 = tpu.memref_squeeze %dma_start3A_181 : memref<1x80x128xf32, #tpu.memory_space<vmem>> -> memref<80x128xf32, #tpu.memory_space<vmem>>
      %dma_start3A_183 = arith.constant 0 : i32
      %dma_start3A_184 = tpu.memref_slice %arg2[%mul3A_171, %dma_start3A_183] : memref<320000x128xf32, #tpu.memory_space<hbm>> -> memref<80x128xf32, #tpu.memory_space<hbm>>
      tpu.enqueue_dma source(%dma_start3A_184 : memref<80x128xf32, #tpu.memory_space<hbm>>) target(%dma_start3A_182 : memref<80x128xf32, #tpu.memory_space<vmem>>) target_semaphore(%dma_start3A_178 : memref<!tpu.dma_semaphore, #tpu.memory_space<semaphore_mem>>)
    } else {
    }
    %add3A_95 = arith.constant 1 : i32
    %add3A_96 = arith.addi %while3A_61#0, %add3A_95 : i32
    %while3A_97 = arith.constant 1 : i32
    %while3A_98 = arith.constant -1 : i32
    %while3A_99 = arith.subi %add3A_96, %while3A_97 : i32
    %while3A_100 = arith.addi %while3A_97, %while3A_99 : i32
    %while3A_101 = arith.constant 1 : i32
    %while3A_102 = arith.divsi %while3A_99, %while3A_101 : i32
    %while3A_103 = arith.muli %while3A_102, %while3A_101 : i32
    %while3A_104 = arith.addi %while3A_97, %while3A_103 : i32
    %while3A_105 = arith.constant 1 : i32
    %while3A_106 = scf.for %while3A_168 = %while3A_97 to %while3A_104 step %while3A_105 iter_args(%while3A_169 = %while3A_98) -> (i32)  : i32 {
      %mul3A_170 = arith.constant 16 : i32
      %mul3A_171 = arith.muli %while3A_168, %mul3A_170 : i32
      %get3A_172 = arith.index_cast %mul3A_171 : i32 to index
      %get3A_173 = tpu.vector_load %arg10[%get3A_172] {strides = array<i32>} : memref<5056xi32, #tpu.memory_space<vmem>>, vector<16xi32>,
      %get3A_174 = vector.shape_cast %get3A_173 : vector<16xi32> to vector<16xi32>
      %slice3A_175 = vector.extract_strided_slice %get3A_174 {offsets = [0], sizes = [1], strides = [1]} : vector<16xi32> to vector<1xi32>
      %squeeze3A_176 = vector.extract %slice3A_175[0] : i32 from vector<1xi32>
      %add3A_177 = arith.constant 1 : i32
      %add3A_178 = arith.addi %while3A_168, %add3A_177 : i32
      %mul3A_179 = arith.constant 16 : i32
      %mul3A_180 = arith.muli %add3A_178, %mul3A_179 : i32
      %get3A_181 = arith.index_cast %mul3A_180 : i32 to index
      %get3A_182 = tpu.vector_load %arg10[%get3A_181] {strides = array<i32>} : memref<5056xi32, #tpu.memory_space<vmem>>, vector<16xi32>,
      %get3A_183 = vector.shape_cast %get3A_182 : vector<16xi32> to vector<16xi32>
      %slice3A_184 = vector.extract_strided_slice %get3A_183 {offsets = [0], sizes = [1], strides = [1]} : vector<16xi32> to vector<1xi32>
      %squeeze3A_185 = vector.extract %slice3A_184[0] : i32 from vector<1xi32>
      %get3A_186 = arith.index_cast %while3A_168 : i32 to index
      %get3A_187 = arith.constant 0 : index
      %get3A_188 = tpu.vector_load %arg8[%get3A_186, %get3A_187] {strides = array<i32>} : memref<315x128xf32, #tpu.memory_space<vmem>>, vector<1x16xf32>,
      %get3A_189 = vector.shape_cast %get3A_188 : vector<1x16xf32> to vector<16xf32>
      %get3A_190 = arith.index_cast %while3A_168 : i32 to index
      %get3A_191 = arith.constant 16 : index
      %get3A_192 = tpu.vector_load %arg8[%get3A_190, %get3A_191] {strides = array<i32>} : memref<315x128xf32, #tpu.memory_space<vmem>>, vector<1x16xf32>,
      %get3A_193 = vector.shape_cast %get3A_192 : vector<1x16xf32> to vector<16xf32>
      %get3A_194 = arith.index_cast %while3A_168 : i32 to index
      %get3A_195 = arith.constant 32 : index
      %get3A_196 = tpu.vector_load %arg8[%get3A_194, %get3A_195] {strides = array<i32>} : memref<315x128xf32, #tpu.memory_space<vmem>>, vector<1x16xf32>,
      %get3A_197 = vector.shape_cast %get3A_196 : vector<1x16xf32> to vector<16xf32>
      %get3A_198 = arith.index_cast %while3A_168 : i32 to index
      %get3A_199 = arith.constant 48 : index
      %get3A_200 = tpu.vector_load %arg8[%get3A_198, %get3A_199] {strides = array<i32>} : memref<315x128xf32, #tpu.memory_space<vmem>>, vector<1x16xf32>,
      %get3A_201 = vector.shape_cast %get3A_200 : vector<1x16xf32> to vector<16xf32>
      %get3A_202 = arith.index_cast %while3A_168 : i32 to index
      %get3A_203 = arith.constant 64 : index
      %get3A_204 = tpu.vector_load %arg8[%get3A_202, %get3A_203] {strides = array<i32>} : memref<315x128xf32, #tpu.memory_space<vmem>>, vector<1x16xf32>,
      %get3A_205 = vector.shape_cast %get3A_204 : vector<1x16xf32> to vector<16xf32>
      %get3A_206 = arith.index_cast %while3A_168 : i32 to index
      %get3A_207 = arith.constant 80 : index
      %get3A_208 = tpu.vector_load %arg8[%get3A_206, %get3A_207] {strides = array<i32>} : memref<315x128xf32, #tpu.memory_space<vmem>>, vector<1x16xf32>,
      %get3A_209 = vector.shape_cast %get3A_208 : vector<1x16xf32> to vector<16xf32>
      %get3A_210 = arith.index_cast %while3A_168 : i32 to index
      %get3A_211 = arith.constant 96 : index
      %get3A_212 = tpu.vector_load %arg8[%get3A_210, %get3A_211] {strides = array<i32>} : memref<315x128xf32, #tpu.memory_space<vmem>>, vector<1x16xf32>,
      %get3A_213 = vector.shape_cast %get3A_212 : vector<1x16xf32> to vector<16xf32>
      %get3A_214 = arith.index_cast %while3A_168 : i32 to index
      %get3A_215 = arith.constant 112 : index
      %get3A_216 = tpu.vector_load %arg8[%get3A_214, %get3A_215] {strides = array<i32>} : memref<315x128xf32, #tpu.memory_space<vmem>>, vector<1x16xf32>,
      %get3A_217 = vector.shape_cast %get3A_216 : vector<1x16xf32> to vector<16xf32>
      %get3A_218 = arith.index_cast %while3A_168 : i32 to index
      %get3A_219 = arith.constant 0 : index
      %get3A_220 = tpu.vector_load %arg9[%get3A_218, %get3A_219] {strides = array<i32>} : memref<315x128xf32, #tpu.memory_space<vmem>>, vector<1x16xf32>,
      %get3A_221 = vector.shape_cast %get3A_220 : vector<1x16xf32> to vector<16xf32>
      %get3A_222 = arith.index_cast %while3A_168 : i32 to index
      %get3A_223 = arith.constant 16 : index
      %get3A_224 = tpu.vector_load %arg9[%get3A_222, %get3A_223] {strides = array<i32>} : memref<315x128xf32, #tpu.memory_space<vmem>>, vector<1x16xf32>,
      %get3A_225 = vector.shape_cast %get3A_224 : vector<1x16xf32> to vector<16xf32>
      %get3A_226 = arith.index_cast %while3A_168 : i32 to index
      %get3A_227 = arith.constant 32 : index
      %get3A_228 = tpu.vector_load %arg9[%get3A_226, %get3A_227] {strides = array<i32>} : memref<315x128xf32, #tpu.memory_space<vmem>>, vector<1x16xf32>,
      %get3A_229 = vector.shape_cast %get3A_228 : vector<1x16xf32> to vector<16xf32>
      %get3A_230 = arith.index_cast %while3A_168 : i32 to index
      %get3A_231 = arith.constant 48 : index
      %get3A_232 = tpu.vector_load %arg9[%get3A_230, %get3A_231] {strides = array<i32>} : memref<315x128xf32, #tpu.memory_space<vmem>>, vector<1x16xf32>,
      %get3A_233 = vector.shape_cast %get3A_232 : vector<1x16xf32> to vector<16xf32>
      %get3A_234 = arith.index_cast %while3A_168 : i32 to index
      %get3A_235 = arith.constant 64 : index
      %get3A_236 = tpu.vector_load %arg9[%get3A_234, %get3A_235] {strides = array<i32>} : memref<315x128xf32, #tpu.memory_space<vmem>>, vector<1x16xf32>,
      %get3A_237 = vector.shape_cast %get3A_236 : vector<1x16xf32> to vector<16xf32>
      %get3A_238 = arith.index_cast %while3A_168 : i32 to index
      %get3A_239 = arith.constant 80 : index
      %get3A_240 = tpu.vector_load %arg9[%get3A_238, %get3A_239] {strides = array<i32>} : memref<315x128xf32, #tpu.memory_space<vmem>>, vector<1x16xf32>,
      %get3A_241 = vector.shape_cast %get3A_240 : vector<1x16xf32> to vector<16xf32>
      %get3A_242 = arith.index_cast %while3A_168 : i32 to index
      %get3A_243 = arith.constant 96 : index
      %get3A_244 = tpu.vector_load %arg9[%get3A_242, %get3A_243] {strides = array<i32>} : memref<315x128xf32, #tpu.memory_space<vmem>>, vector<1x16xf32>,
      %get3A_245 = vector.shape_cast %get3A_244 : vector<1x16xf32> to vector<16xf32>
      %get3A_246 = arith.index_cast %while3A_168 : i32 to index
      %get3A_247 = arith.constant 112 : index
      %get3A_248 = tpu.vector_load %arg9[%get3A_246, %get3A_247] {strides = array<i32>} : memref<315x128xf32, #tpu.memory_space<vmem>>, vector<1x16xf32>,
      %get3A_249 = vector.shape_cast %get3A_248 : vector<1x16xf32> to vector<16xf32>
      %jit3A_250 = arith.constant 80 : i32
      %div3A_251 = arith.divsi %squeeze3A_176, %jit3A_250 : i32
      %sign3A_252 = arith.constant 0 : i32
      %sign3A_253 = arith.cmpi sgt, %squeeze3A_176, %sign3A_252 : i32
      %sign3A_254 = arith.extui %sign3A_253 : i1 to i32
      %sign3A_255 = arith.constant 0 : i32
      %sign3A_256 = arith.cmpi slt, %squeeze3A_176, %sign3A_255 : i32
      %sign3A_257 = arith.extui %sign3A_256 : i1 to i32
      %sign3A_258 = arith.subi %sign3A_254, %sign3A_257 : i32
      %sign3A_259 = arith.constant 0 : i32
      %sign3A_260 = arith.cmpi sgt, %jit3A_250, %sign3A_259 : i32
      %sign3A_261 = arith.extui %sign3A_260 : i1 to i32
      %sign3A_262 = arith.constant 0 : i32
      %sign3A_263 = arith.cmpi slt, %jit3A_250, %sign3A_262 : i32
      %sign3A_264 = arith.extui %sign3A_263 : i1 to i32
      %sign3A_265 = arith.subi %sign3A_261, %sign3A_264 : i32
      %ne3A_266 = arith.cmpi ne, %sign3A_258, %sign3A_265 : i32
      %rem3A_267 = arith.remsi %squeeze3A_176, %jit3A_250 : i32
      %ne3A_268 = arith.constant 0 : i32
      %ne3A_269 = arith.cmpi ne, %rem3A_267, %ne3A_268 : i32
      %and3A_270 = arith.andi %ne3A_266, %ne3A_269 : i1
      %sub3A_271 = arith.constant 1 : i32
      %sub3A_272 = arith.subi %div3A_251, %sub3A_271 : i32
      %select_n3A_273 = arith.select %and3A_270, %sub3A_272, %div3A_251 : i32
      %add3A_274 = arith.constant 80 : i32
      %add3A_275 = arith.addi %squeeze3A_185, %add3A_274 : i32
      %sub3A_276 = arith.constant 1 : i32
      %sub3A_277 = arith.subi %add3A_275, %sub3A_276 : i32
      %jit3A_278 = arith.constant 80 : i32
      %div3A_279 = arith.divsi %sub3A_277, %jit3A_278 : i32
      %sign3A_280 = arith.constant 0 : i32
      %sign3A_281 = arith.cmpi sgt, %sub3A_277, %sign3A_280 : i32
      %sign3A_282 = arith.extui %sign3A_281 : i1 to i32
      %sign3A_283 = arith.constant 0 : i32
      %sign3A_284 = arith.cmpi slt, %sub3A_277, %sign3A_283 : i32
      %sign3A_285 = arith.extui %sign3A_284 : i1 to i32
      %sign3A_286 = arith.subi %sign3A_282, %sign3A_285 : i32
      %sign3A_287 = arith.constant 0 : i32
      %sign3A_288 = arith.cmpi sgt, %jit3A_278, %sign3A_287 : i32
      %sign3A_289 = arith.extui %sign3A_288 : i1 to i32
      %sign3A_290 = arith.constant 0 : i32
      %sign3A_291 = arith.cmpi slt, %jit3A_278, %sign3A_290 : i32
      %sign3A_292 = arith.extui %sign3A_291 : i1 to i32
      %sign3A_293 = arith.subi %sign3A_289, %sign3A_292 : i32
      %ne3A_294 = arith.cmpi ne, %sign3A_286, %sign3A_293 : i32
      %rem3A_295 = arith.remsi %sub3A_277, %jit3A_278 : i32
      %ne3A_296 = arith.constant 0 : i32
      %ne3A_297 = arith.cmpi ne, %rem3A_295, %ne3A_296 : i32
      %and3A_298 = arith.andi %ne3A_294, %ne3A_297 : i1
      %sub3A_299 = arith.constant 1 : i32
      %sub3A_300 = arith.subi %div3A_279, %sub3A_299 : i32
      %select_n3A_301 = arith.select %and3A_298, %sub3A_300, %div3A_279 : i32
      %while3A_302 = arith.subi %select_n3A_301, %select_n3A_273 : i32
      %while3A_303 = arith.addi %select_n3A_273, %while3A_302 : i32
      %while3A_304 = arith.constant 1 : i32
      %while3A_305 = arith.divsi %while3A_302, %while3A_304 : i32
      %while3A_306 = arith.muli %while3A_305, %while3A_304 : i32
      %while3A_307 = arith.addi %select_n3A_273, %while3A_306 : i32
      %while3A_308 = arith.constant 1 : i32
      %while3A_309 = scf.for %while3A_312 = %select_n3A_273 to %while3A_307 step %while3A_308 iter_args(%while3A_313 = %while3A_169) -> (i32)  : i32 {
        %ne3A_314 = arith.cmpi ne, %while3A_312, %while3A_313 : i32
        %ge3A_315 = arith.constant 0 : i32
        %ge3A_316 = arith.cmpi sge, %while3A_313, %ge3A_315 : i32
        %and3A_317 = arith.andi %ne3A_314, %ge3A_316 : i1
        %mul3A_318 = arith.constant 80 : i32
        %mul3A_319 = arith.muli %while3A_313, %mul3A_318 : i32
        %ge3A_320 = arith.cmpi sge, %mul3A_319, %squeeze3A : i32
        %add3A_321 = arith.constant 80 : i32
        %add3A_322 = arith.addi %mul3A_319, %add3A_321 : i32
        %le3A_323 = arith.cmpi sle, %add3A_322, %squeeze3A_4 : i32
        %and3A_324 = arith.andi %ge3A_320, %le3A_323 : i1
        %and3A_325 = arith.andi %and3A_317, %and3A_324 : i1
        %convert_element_type3A_326 = arith.extui %and3A_325 : i1 to i32
        %cond3A_327 = arith.constant 0 : i32
        %cond3A_328 = arith.cmpi ne, %convert_element_type3A_326, %cond3A_327 : i32
        scf.if %cond3A_328 {
          %rem3A_386 = arith.constant 3 : i32
          %rem3A_387 = arith.remsi %while3A_313, %rem3A_386 : i32
          %mul3A_388 = arith.constant 80 : i32
          %mul3A_389 = arith.muli %while3A_313, %mul3A_388 : i32
          %dma_start3A = arith.constant 0 : i32
          %dma_start3A_390 = arith.constant 0 : i32
          %dma_start3A_391 = tpu.memref_slice %arg6[%rem3A_387, %dma_start3A, %dma_start3A_390] : memref<3x80x128xf32, #tpu.memory_space<vmem>> -> memref<1x80x128xf32, #tpu.memory_space<vmem>>
          %dma_start3A_392 = tpu.memref_squeeze %dma_start3A_391 : memref<1x80x128xf32, #tpu.memory_space<vmem>> -> memref<80x128xf32, #tpu.memory_space<vmem>>
          %dma_start3A_393 = arith.constant 0 : i32
          %dma_start3A_394 = tpu.memref_slice %arg5[%mul3A_389, %dma_start3A_393] : memref<320000x128xf32, #tpu.memory_space<hbm>> -> memref<80x128xf32, #tpu.memory_space<hbm>>
          %dma_start3A_395 = tpu.memref_slice %arg14[%rem3A_387] : memref<3x!tpu.dma_semaphore, #tpu.memory_space<semaphore_mem>> -> memref<1x!tpu.dma_semaphore, #tpu.memory_space<semaphore_mem>>
          %dma_start3A_396 = tpu.memref_squeeze %dma_start3A_395 : memref<1x!tpu.dma_semaphore, #tpu.memory_space<semaphore_mem>> -> memref<!tpu.dma_semaphore, #tpu.memory_space<semaphore_mem>>
          %dma_start3A_397 = arith.constant 0 : i32
          %dma_start3A_398 = tpu.memref_slice %arg5[%mul3A_389, %dma_start3A_397] : memref<320000x128xf32, #tpu.memory_space<hbm>> -> memref<80x128xf32, #tpu.memory_space<hbm>>
          %dma_start3A_399 = arith.constant 0 : i32
          %dma_start3A_400 = arith.constant 0 : i32
          %dma_start3A_401 = tpu.memref_slice %arg6[%rem3A_387, %dma_start3A_399, %dma_start3A_400] : memref<3x80x128xf32, #tpu.memory_space<vmem>> -> memref<1x80x128xf32, #tpu.memory_space<vmem>>
          %dma_start3A_402 = tpu.memref_squeeze %dma_start3A_401 : memref<1x80x128xf32, #tpu.memory_space<vmem>> -> memref<80x128xf32, #tpu.memory_space<vmem>>
          tpu.enqueue_dma source(%dma_start3A_402 : memref<80x128xf32, #tpu.memory_space<vmem>>) target(%dma_start3A_398 : memref<80x128xf32, #tpu.memory_space<hbm>>) target_semaphore(%dma_start3A_396 : memref<!tpu.dma_semaphore, #tpu.memory_space<semaphore_mem>>)
        } else {
        }
        %mul3A_329 = arith.constant 80 : i32
        %mul3A_330 = arith.muli %while3A_313, %mul3A_329 : i32
        %ge3A_331 = arith.cmpi sge, %mul3A_330, %squeeze3A : i32
        %add3A_332 = arith.constant 80 : i32
        %add3A_333 = arith.addi %mul3A_330, %add3A_332 : i32
        %le3A_334 = arith.cmpi sle, %add3A_333, %squeeze3A_4 : i32
        %and3A_335 = arith.andi %ge3A_331, %le3A_334 : i1
        %not3A_336 = arith.constant true
        %not3A_337 = arith.xori %and3A_335, %not3A_336 : i1
        %and3A_338 = arith.andi %and3A_317, %not3A_337 : i1
        %convert_element_type3A_339 = arith.extui %and3A_338 : i1 to i32
        %cond3A_340 = arith.constant 0 : i32
        %cond3A_341 = arith.cmpi ne, %convert_element_type3A_339, %cond3A_340 : i32
        scf.if %cond3A_341 {
          %mul3A_386 = arith.constant 80 : i32
          %mul3A_387 = arith.muli %while3A_313, %mul3A_386 : i32
          %rem3A_388 = arith.constant 3 : i32
          %rem3A_389 = arith.remsi %while3A_313, %rem3A_388 : i32
          %sub3A_390 = arith.subi %squeeze3A, %mul3A_387 : i32
          %max3A_391 = arith.constant 0 : i32
          %max3A_392 = arith.maxsi %sub3A_390, %max3A_391 : i32
          %sub3A_393 = arith.subi %squeeze3A_4, %mul3A_387 : i32
          %min3A_394 = arith.constant 80 : i32
          %min3A_395 = arith.minsi %sub3A_393, %min3A_394 : i32
          %max3A_396 = arith.maxsi %min3A_395, %max3A_392 : i32
          %while3A_397 = arith.constant 0 : i32
          %while3A_398 = arith.subi %max3A_396, %max3A_392 : i32
          %while3A_399 = arith.addi %max3A_392, %while3A_398 : i32
          %while3A_400 = arith.constant 1 : i32
          %while3A_401 = arith.divsi %while3A_398, %while3A_400 : i32
          %while3A_402 = arith.muli %while3A_401, %while3A_400 : i32
          %while3A_403 = arith.addi %max3A_392, %while3A_402 : i32
          %while3A_404 = arith.constant 1 : i32
          %while3A_405 = scf.for %while3A_408 = %max3A_392 to %while3A_403 step %while3A_404 iter_args(%while3A_409 = %while3A_397) -> (i32)  : i32 {
            %add3A_410 = arith.addi %mul3A_387, %while3A_408 : i32
            "tpu.region"() ({
              %run_scoped3A = tpu.sem_alloc : memref<!tpu.dma_semaphore, #tpu.memory_space<semaphore_mem>>
              %dma_start3A = arith.constant 0 : i32
              %dma_start3A_412 = tpu.memref_slice %arg6[%rem3A_389, %while3A_408, %dma_start3A] : memref<3x80x128xf32, #tpu.memory_space<vmem>> -> memref<1x1x128xf32, #tpu.memory_space<vmem>>
              %dma_start3A_413 = tpu.memref_squeeze %dma_start3A_412 : memref<1x1x128xf32, #tpu.memory_space<vmem>> -> memref<1x128xf32, #tpu.memory_space<vmem>>
              %dma_start3A_414 = arith.constant 0 : i32
              %dma_start3A_415 = tpu.memref_slice %arg5[%add3A_410, %dma_start3A_414] : memref<320000x128xf32, #tpu.memory_space<hbm>> -> memref<1x128xf32, #tpu.memory_space<hbm>>
              %dma_start3A_416 = arith.constant 0 : i32
              %dma_start3A_417 = tpu.memref_slice %arg5[%add3A_410, %dma_start3A_416] : memref<320000x128xf32, #tpu.memory_space<hbm>> -> memref<1x128xf32, #tpu.memory_space<hbm>>
              %dma_start3A_418 = arith.constant 0 : i32
              %dma_start3A_419 = tpu.memref_slice %arg6[%rem3A_389, %while3A_408, %dma_start3A_418] : memref<3x80x128xf32, #tpu.memory_space<vmem>> -> memref<1x1x128xf32, #tpu.memory_space<vmem>>
              %dma_start3A_420 = tpu.memref_squeeze %dma_start3A_419 : memref<1x1x128xf32, #tpu.memory_space<vmem>> -> memref<1x128xf32, #tpu.memory_space<vmem>>
              tpu.enqueue_dma source(%dma_start3A_420 : memref<1x128xf32, #tpu.memory_space<vmem>>) target(%dma_start3A_417 : memref<1x128xf32, #tpu.memory_space<hbm>>) target_semaphore(%run_scoped3A : memref<!tpu.dma_semaphore, #tpu.memory_space<semaphore_mem>>)
              %dma_wait3A = arith.constant 0 : i32
              %dma_wait3A_421 = tpu.memref_slice %arg6[%rem3A_389, %while3A_408, %dma_wait3A] : memref<3x80x128xf32, #tpu.memory_space<vmem>> -> memref<1x1x128xf32, #tpu.memory_space<vmem>>
              %dma_wait3A_422 = tpu.memref_squeeze %dma_wait3A_421 : memref<1x1x128xf32, #tpu.memory_space<vmem>> -> memref<1x128xf32, #tpu.memory_space<vmem>>
              %dma_wait3A_423 = arith.constant 0 : i32
              %dma_wait3A_424 = tpu.memref_slice %arg5[%add3A_410, %dma_wait3A_423] : memref<320000x128xf32, #tpu.memory_space<hbm>> -> memref<1x128xf32, #tpu.memory_space<hbm>>
              %dma_wait3A_425 = arith.constant 0 : i32
              %dma_wait3A_426 = tpu.memref_slice %arg5[%add3A_410, %dma_wait3A_425] : memref<320000x128xf32, #tpu.memory_space<hbm>> -> memref<1x128xf32, #tpu.memory_space<hbm>>
              %dma_wait3A_427 = arith.constant 0 : i32
              %dma_wait3A_428 = tpu.memref_slice %arg6[%rem3A_389, %while3A_408, %dma_wait3A_427] : memref<3x80x128xf32, #tpu.memory_space<vmem>> -> memref<1x1x128xf32, #tpu.memory_space<vmem>>
              %dma_wait3A_429 = tpu.memref_squeeze %dma_wait3A_428 : memref<1x1x128xf32, #tpu.memory_space<vmem>> -> memref<1x128xf32, #tpu.memory_space<vmem>>
              tpu.wait_dma2 semaphore(%run_scoped3A : memref<!tpu.dma_semaphore, #tpu.memory_space<semaphore_mem>>) src(%dma_wait3A_429 : memref<1x128xf32, #tpu.memory_space<vmem>>) dst(%dma_wait3A_426 : memref<1x128xf32, #tpu.memory_space<hbm>>)
              tpu.yield
            }) : () -> ()
            %while3A_411 = arith.constant 0 : i32
            scf.yield %while3A_411 : i32
          }
          %while3A_406 = arith.constant 1 : i32
          %while3A_407 = scf.for %while3A_408 = %while3A_403 to %while3A_399 step %while3A_406 iter_args(%while3A_409 = %while3A_405) -> (i32)  : i32 {
            %add3A_410 = arith.addi %mul3A_387, %while3A_408 : i32
            "tpu.region"() ({
              %run_scoped3A = tpu.sem_alloc : memref<!tpu.dma_semaphore, #tpu.memory_space<semaphore_mem>>
              %dma_start3A = arith.constant 0 : i32
              %dma_start3A_412 = tpu.memref_slice %arg6[%rem3A_389, %while3A_408, %dma_start3A] : memref<3x80x128xf32, #tpu.memory_space<vmem>> -> memref<1x1x128xf32, #tpu.memory_space<vmem>>
              %dma_start3A_413 = tpu.memref_squeeze %dma_start3A_412 : memref<1x1x128xf32, #tpu.memory_space<vmem>> -> memref<1x128xf32, #tpu.memory_space<vmem>>
              %dma_start3A_414 = arith.constant 0 : i32
              %dma_start3A_415 = tpu.memref_slice %arg5[%add3A_410, %dma_start3A_414] : memref<320000x128xf32, #tpu.memory_space<hbm>> -> memref<1x128xf32, #tpu.memory_space<hbm>>
              %dma_start3A_416 = arith.constant 0 : i32
              %dma_start3A_417 = tpu.memref_slice %arg5[%add3A_410, %dma_start3A_416] : memref<320000x128xf32, #tpu.memory_space<hbm>> -> memref<1x128xf32, #tpu.memory_space<hbm>>
              %dma_start3A_418 = arith.constant 0 : i32
              %dma_start3A_419 = tpu.memref_slice %arg6[%rem3A_389, %while3A_408, %dma_start3A_418] : memref<3x80x128xf32, #tpu.memory_space<vmem>> -> memref<1x1x128xf32, #tpu.memory_space<vmem>>
              %dma_start3A_420 = tpu.memref_squeeze %dma_start3A_419 : memref<1x1x128xf32, #tpu.memory_space<vmem>> -> memref<1x128xf32, #tpu.memory_space<vmem>>
              tpu.enqueue_dma source(%dma_start3A_420 : memref<1x128xf32, #tpu.memory_space<vmem>>) target(%dma_start3A_417 : memref<1x128xf32, #tpu.memory_space<hbm>>) target_semaphore(%run_scoped3A : memref<!tpu.dma_semaphore, #tpu.memory_space<semaphore_mem>>)
              %dma_wait3A = arith.constant 0 : i32
              %dma_wait3A_421 = tpu.memref_slice %arg6[%rem3A_389, %while3A_408, %dma_wait3A] : memref<3x80x128xf32, #tpu.memory_space<vmem>> -> memref<1x1x128xf32, #tpu.memory_space<vmem>>
              %dma_wait3A_422 = tpu.memref_squeeze %dma_wait3A_421 : memref<1x1x128xf32, #tpu.memory_space<vmem>> -> memref<1x128xf32, #tpu.memory_space<vmem>>
              %dma_wait3A_423 = arith.constant 0 : i32
              %dma_wait3A_424 = tpu.memref_slice %arg5[%add3A_410, %dma_wait3A_423] : memref<320000x128xf32, #tpu.memory_space<hbm>> -> memref<1x128xf32, #tpu.memory_space<hbm>>
              %dma_wait3A_425 = arith.constant 0 : i32
              %dma_wait3A_426 = tpu.memref_slice %arg5[%add3A_410, %dma_wait3A_425] : memref<320000x128xf32, #tpu.memory_space<hbm>> -> memref<1x128xf32, #tpu.memory_space<hbm>>
              %dma_wait3A_427 = arith.constant 0 : i32
              %dma_wait3A_428 = tpu.memref_slice %arg6[%rem3A_389, %while3A_408, %dma_wait3A_427] : memref<3x80x128xf32, #tpu.memory_space<vmem>> -> memref<1x1x128xf32, #tpu.memory_space<vmem>>
              %dma_wait3A_429 = tpu.memref_squeeze %dma_wait3A_428 : memref<1x1x128xf32, #tpu.memory_space<vmem>> -> memref<1x128xf32, #tpu.memory_space<vmem>>
              tpu.wait_dma2 semaphore(%run_scoped3A : memref<!tpu.dma_semaphore, #tpu.memory_space<semaphore_mem>>) src(%dma_wait3A_429 : memref<1x128xf32, #tpu.memory_space<vmem>>) dst(%dma_wait3A_426 : memref<1x128xf32, #tpu.memory_space<hbm>>)
              tpu.yield
            }) : () -> ()
            %while3A_411 = arith.constant 0 : i32
            scf.yield %while3A_411 : i32
          }
        } else {
        }
        %convert_element_type3A_342 = arith.extui %ne3A_314 : i1 to i32
        %cond3A_343 = arith.constant 0 : i32
        %cond3A_344 = arith.cmpi ne, %convert_element_type3A_342, %cond3A_343 : i32
        scf.if %cond3A_344 {
          %rem3A_386 = arith.constant 3 : i32
          %rem3A_387 = arith.remsi %while3A_312, %rem3A_386 : i32
          %mul3A_388 = arith.constant 80 : i32
          %mul3A_389 = arith.muli %while3A_312, %mul3A_388 : i32
          %dma_wait3A = arith.constant 0 : i32
          %dma_wait3A_390 = arith.constant 0 : i32
          %dma_wait3A_391 = tpu.memref_slice %arg6[%rem3A_387, %dma_wait3A, %dma_wait3A_390] : memref<3x80x128xf32, #tpu.memory_space<vmem>> -> memref<1x80x128xf32, #tpu.memory_space<vmem>>
          %dma_wait3A_392 = tpu.memref_squeeze %dma_wait3A_391 : memref<1x80x128xf32, #tpu.memory_space<vmem>> -> memref<80x128xf32, #tpu.memory_space<vmem>>
          %dma_wait3A_393 = arith.constant 0 : i32
          %dma_wait3A_394 = tpu.memref_slice %arg2[%mul3A_389, %dma_wait3A_393] : memref<320000x128xf32, #tpu.memory_space<hbm>> -> memref<80x128xf32, #tpu.memory_space<hbm>>
          %dma_wait3A_395 = tpu.memref_slice %arg12[%rem3A_387] : memref<3x!tpu.dma_semaphore, #tpu.memory_space<semaphore_mem>> -> memref<1x!tpu.dma_semaphore, #tpu.memory_space<semaphore_mem>>
          %dma_wait3A_396 = tpu.memref_squeeze %dma_wait3A_395 : memref<1x!tpu.dma_semaphore, #tpu.memory_space<semaphore_mem>> -> memref<!tpu.dma_semaphore, #tpu.memory_space<semaphore_mem>>
          %dma_wait3A_397 = arith.constant 0 : i32
          %dma_wait3A_398 = arith.constant 0 : i32
          %dma_wait3A_399 = tpu.memref_slice %arg6[%rem3A_387, %dma_wait3A_397, %dma_wait3A_398] : memref<3x80x128xf32, #tpu.memory_space<vmem>> -> memref<1x80x128xf32, #tpu.memory_space<vmem>>
          %dma_wait3A_400 = tpu.memref_squeeze %dma_wait3A_399 : memref<1x80x128xf32, #tpu.memory_space<vmem>> -> memref<80x128xf32, #tpu.memory_space<vmem>>
          %dma_wait3A_401 = arith.constant 0 : i32
          %dma_wait3A_402 = tpu.memref_slice %arg2[%mul3A_389, %dma_wait3A_401] : memref<320000x128xf32, #tpu.memory_space<hbm>> -> memref<80x128xf32, #tpu.memory_space<hbm>>
          tpu.wait_dma2 semaphore(%dma_wait3A_396 : memref<!tpu.dma_semaphore, #tpu.memory_space<semaphore_mem>>) src(%dma_wait3A_402 : memref<80x128xf32, #tpu.memory_space<hbm>>) dst(%dma_wait3A_400 : memref<80x128xf32, #tpu.memory_space<vmem>>)
        } else {
        }
        %add3A_345 = arith.constant 1 : i32
        %add3A_346 = arith.addi %while3A_312, %add3A_345 : i32
        %lt3A_347 = arith.cmpi slt, %add3A_346, %select_n3A_48 : i32
        %and3A_348 = arith.andi %ne3A_314, %lt3A_347 : i1
        %sub3A_349 = arith.constant 2 : i32
        %sub3A_350 = arith.subi %while3A_312, %sub3A_349 : i32
        %ge3A_351 = arith.cmpi sge, %sub3A_350, %select_n3A : i32
        %sub3A_352 = arith.constant 2 : i32
        %sub3A_353 = arith.subi %while3A_312, %sub3A_352 : i32
        %mul3A_354 = arith.constant 80 : i32
        %mul3A_355 = arith.muli %sub3A_353, %mul3A_354 : i32
        %ge3A_356 = arith.cmpi sge, %mul3A_355, %squeeze3A : i32
        %add3A_357 = arith.constant 80 : i32
        %add3A_358 = arith.addi %mul3A_355, %add3A_357 : i32
        %le3A_359 = arith.cmpi sle, %add3A_358, %squeeze3A_4 : i32
        %and3A_360 = arith.andi %ge3A_356, %le3A_359 : i1
        %and3A_361 = arith.andi %ge3A_351, %and3A_360 : i1
        %and3A_362 = arith.andi %and3A_348, %and3A_361 : i1
        %convert_element_type3A_363 = arith.extui %and3A_362 : i1 to i32
        %cond3A_364 = arith.constant 0 : i32
        %cond3A_365 = arith.cmpi ne, %convert_element_type3A_363, %cond3A_364 : i32
        scf.if %cond3A_365 {
          %sub3A_386 = arith.constant 2 : i32
          %sub3A_387 = arith.subi %while3A_312, %sub3A_386 : i32
          %rem3A_388 = arith.constant 3 : i32
          %rem3A_389 = arith.remsi %sub3A_387, %rem3A_388 : i32
          %mul3A_390 = arith.constant 80 : i32
          %mul3A_391 = arith.muli %sub3A_387, %mul3A_390 : i32
          %dma_wait3A = arith.constant 0 : i32
          %dma_wait3A_392 = arith.constant 0 : i32
          %dma_wait3A_393 = tpu.memref_slice %arg6[%rem3A_389, %dma_wait3A, %dma_wait3A_392] : memref<3x80x128xf32, #tpu.memory_space<vmem>> -> memref<1x80x128xf32, #tpu.memory_space<vmem>>
          %dma_wait3A_394 = tpu.memref_squeeze %dma_wait3A_393 : memref<1x80x128xf32, #tpu.memory_space<vmem>> -> memref<80x128xf32, #tpu.memory_space<vmem>>
          %dma_wait3A_395 = arith.constant 0 : i32
          %dma_wait3A_396 = tpu.memref_slice %arg5[%mul3A_391, %dma_wait3A_395] : memref<320000x128xf32, #tpu.memory_space<hbm>> -> memref<80x128xf32, #tpu.memory_space<hbm>>
          %dma_wait3A_397 = tpu.memref_slice %arg14[%rem3A_389] : memref<3x!tpu.dma_semaphore, #tpu.memory_space<semaphore_mem>> -> memref<1x!tpu.dma_semaphore, #tpu.memory_space<semaphore_mem>>
          %dma_wait3A_398 = tpu.memref_squeeze %dma_wait3A_397 : memref<1x!tpu.dma_semaphore, #tpu.memory_space<semaphore_mem>> -> memref<!tpu.dma_semaphore, #tpu.memory_space<semaphore_mem>>
          %dma_wait3A_399 = arith.constant 0 : i32
          %dma_wait3A_400 = tpu.memref_slice %arg5[%mul3A_391, %dma_wait3A_399] : memref<320000x128xf32, #tpu.memory_space<hbm>> -> memref<80x128xf32, #tpu.memory_space<hbm>>
          %dma_wait3A_401 = arith.constant 0 : i32
          %dma_wait3A_402 = arith.constant 0 : i32
          %dma_wait3A_403 = tpu.memref_slice %arg6[%rem3A_389, %dma_wait3A_401, %dma_wait3A_402] : memref<3x80x128xf32, #tpu.memory_space<vmem>> -> memref<1x80x128xf32, #tpu.memory_space<vmem>>
          %dma_wait3A_404 = tpu.memref_squeeze %dma_wait3A_403 : memref<1x80x128xf32, #tpu.memory_space<vmem>> -> memref<80x128xf32, #tpu.memory_space<vmem>>
          tpu.wait_dma2 semaphore(%dma_wait3A_398 : memref<!tpu.dma_semaphore, #tpu.memory_space<semaphore_mem>>) src(%dma_wait3A_404 : memref<80x128xf32, #tpu.memory_space<vmem>>) dst(%dma_wait3A_400 : memref<80x128xf32, #tpu.memory_space<hbm>>)
        } else {
        }
        %convert_element_type3A_366 = arith.extui %and3A_348 : i1 to i32
        %cond3A_367 = arith.constant 0 : i32
        %cond3A_368 = arith.cmpi ne, %convert_element_type3A_366, %cond3A_367 : i32
        scf.if %cond3A_368 {
          %add3A_386 = arith.constant 1 : i32
          %add3A_387 = arith.addi %while3A_312, %add3A_386 : i32
          %rem3A_388 = arith.constant 3 : i32
          %rem3A_389 = arith.remsi %add3A_387, %rem3A_388 : i32
          %mul3A_390 = arith.constant 80 : i32
          %mul3A_391 = arith.muli %add3A_387, %mul3A_390 : i32
          %dma_start3A = arith.constant 0 : i32
          %dma_start3A_392 = arith.constant 0 : i32
          %dma_start3A_393 = tpu.memref_slice %arg6[%rem3A_389, %dma_start3A, %dma_start3A_392] : memref<3x80x128xf32, #tpu.memory_space<vmem>> -> memref<1x80x128xf32, #tpu.memory_space<vmem>>
          %dma_start3A_394 = tpu.memref_squeeze %dma_start3A_393 : memref<1x80x128xf32, #tpu.memory_space<vmem>> -> memref<80x128xf32, #tpu.memory_space<vmem>>
          %dma_start3A_395 = arith.constant 0 : i32
          %dma_start3A_396 = tpu.memref_slice %arg2[%mul3A_391, %dma_start3A_395] : memref<320000x128xf32, #tpu.memory_space<hbm>> -> memref<80x128xf32, #tpu.memory_space<hbm>>
          %dma_start3A_397 = tpu.memref_slice %arg12[%rem3A_389] : memref<3x!tpu.dma_semaphore, #tpu.memory_space<semaphore_mem>> -> memref<1x!tpu.dma_semaphore, #tpu.memory_space<semaphore_mem>>
          %dma_start3A_398 = tpu.memref_squeeze %dma_start3A_397 : memref<1x!tpu.dma_semaphore, #tpu.memory_space<semaphore_mem>> -> memref<!tpu.dma_semaphore, #tpu.memory_space<semaphore_mem>>
          %dma_start3A_399 = arith.constant 0 : i32
          %dma_start3A_400 = arith.constant 0 : i32
          %dma_start3A_401 = tpu.memref_slice %arg6[%rem3A_389, %dma_start3A_399, %dma_start3A_400] : memref<3x80x128xf32, #tpu.memory_space<vmem>> -> memref<1x80x128xf32, #tpu.memory_space<vmem>>
          %dma_start3A_402 = tpu.memref_squeeze %dma_start3A_401 : memref<1x80x128xf32, #tpu.memory_space<vmem>> -> memref<80x128xf32, #tpu.memory_space<vmem>>
          %dma_start3A_403 = arith.constant 0 : i32
          %dma_start3A_404 = tpu.memref_slice %arg2[%mul3A_391, %dma_start3A_403] : memref<320000x128xf32, #tpu.memory_space<hbm>> -> memref<80x128xf32, #tpu.memory_space<hbm>>
          tpu.enqueue_dma source(%dma_start3A_404 : memref<80x128xf32, #tpu.memory_space<hbm>>) target(%dma_start3A_402 : memref<80x128xf32, #tpu.memory_space<vmem>>) target_semaphore(%dma_start3A_398 : memref<!tpu.dma_semaphore, #tpu.memory_space<semaphore_mem>>)
        } else {
        }
        %rem3A_369 = arith.constant 3 : i32
        %rem3A_370 = arith.remsi %while3A_312, %rem3A_369 : i32
        %mul3A_371 = arith.constant 80 : i32
        %mul3A_372 = arith.muli %while3A_312, %mul3A_371 : i32
        %sub3A_373 = arith.subi %squeeze3A_176, %mul3A_372 : i32
        %max3A = arith.constant 0 : i32
        %max3A_374 = arith.maxsi %sub3A_373, %max3A : i32
        %sub3A_375 = arith.subi %squeeze3A_185, %mul3A_372 : i32
        %min3A = arith.constant 80 : i32
        %min3A_376 = arith.minsi %sub3A_375, %min3A : i32
        %while3A_377 = arith.constant 0 : i32
        %while3A_378 = arith.subi %min3A_376, %max3A_374 : i32
        %while3A_379 = arith.addi %max3A_374, %while3A_378 : i32
        %while3A_380 = arith.constant 1 : i32
        %while3A_381 = arith.divsi %while3A_378, %while3A_380 : i32
        %while3A_382 = arith.muli %while3A_381, %while3A_380 : i32
        %while3A_383 = arith.addi %max3A_374, %while3A_382 : i32
        %while3A_384 = arith.constant 1 : i32
        scf.for %while3A_386 = %max3A_374 to %while3A_383 step %while3A_384  : i32 {
          %get3A_387 = arith.index_cast %rem3A_370 : i32 to index
          %get3A_388 = arith.index_cast %while3A_386 : i32 to index
          %get3A_389 = arith.constant 0 : index
          %get3A_390 = tpu.vector_load %arg6[%get3A_387, %get3A_388, %get3A_389] {strides = array<i32>} : memref<3x80x128xf32, #tpu.memory_space<vmem>>, vector<1x1x16xf32>,
          %get3A_391 = vector.shape_cast %get3A_390 : vector<1x1x16xf32> to vector<16xf32>
          %get3A_392 = arith.index_cast %rem3A_370 : i32 to index
          %get3A_393 = arith.index_cast %while3A_386 : i32 to index
          %get3A_394 = arith.constant 16 : index
          %get3A_395 = tpu.vector_load %arg6[%get3A_392, %get3A_393, %get3A_394] {strides = array<i32>} : memref<3x80x128xf32, #tpu.memory_space<vmem>>, vector<1x1x16xf32>,
          %get3A_396 = vector.shape_cast %get3A_395 : vector<1x1x16xf32> to vector<16xf32>
          %get3A_397 = arith.index_cast %rem3A_370 : i32 to index
          %get3A_398 = arith.index_cast %while3A_386 : i32 to index
          %get3A_399 = arith.constant 32 : index
          %get3A_400 = tpu.vector_load %arg6[%get3A_397, %get3A_398, %get3A_399] {strides = array<i32>} : memref<3x80x128xf32, #tpu.memory_space<vmem>>, vector<1x1x16xf32>,
          %get3A_401 = vector.shape_cast %get3A_400 : vector<1x1x16xf32> to vector<16xf32>
          %get3A_402 = arith.index_cast %rem3A_370 : i32 to index
          %get3A_403 = arith.index_cast %while3A_386 : i32 to index
          %get3A_404 = arith.constant 48 : index
          %get3A_405 = tpu.vector_load %arg6[%get3A_402, %get3A_403, %get3A_404] {strides = array<i32>} : memref<3x80x128xf32, #tpu.memory_space<vmem>>, vector<1x1x16xf32>,
          %get3A_406 = vector.shape_cast %get3A_405 : vector<1x1x16xf32> to vector<16xf32>
          %get3A_407 = arith.index_cast %rem3A_370 : i32 to index
          %get3A_408 = arith.index_cast %while3A_386 : i32 to index
          %get3A_409 = arith.constant 64 : index
          %get3A_410 = tpu.vector_load %arg6[%get3A_407, %get3A_408, %get3A_409] {strides = array<i32>} : memref<3x80x128xf32, #tpu.memory_space<vmem>>, vector<1x1x16xf32>,
          %get3A_411 = vector.shape_cast %get3A_410 : vector<1x1x16xf32> to vector<16xf32>
          %get3A_412 = arith.index_cast %rem3A_370 : i32 to index
          %get3A_413 = arith.index_cast %while3A_386 : i32 to index
          %get3A_414 = arith.constant 80 : index
          %get3A_415 = tpu.vector_load %arg6[%get3A_412, %get3A_413, %get3A_414] {strides = array<i32>} : memref<3x80x128xf32, #tpu.memory_space<vmem>>, vector<1x1x16xf32>,
          %get3A_416 = vector.shape_cast %get3A_415 : vector<1x1x16xf32> to vector<16xf32>
          %get3A_417 = arith.index_cast %rem3A_370 : i32 to index
          %get3A_418 = arith.index_cast %while3A_386 : i32 to index
          %get3A_419 = arith.constant 96 : index
          %get3A_420 = tpu.vector_load %arg6[%get3A_417, %get3A_418, %get3A_419] {strides = array<i32>} : memref<3x80x128xf32, #tpu.memory_space<vmem>>, vector<1x1x16xf32>,
          %get3A_421 = vector.shape_cast %get3A_420 : vector<1x1x16xf32> to vector<16xf32>
          %get3A_422 = arith.index_cast %rem3A_370 : i32 to index
          %get3A_423 = arith.index_cast %while3A_386 : i32 to index
          %get3A_424 = arith.constant 112 : index
          %get3A_425 = tpu.vector_load %arg6[%get3A_422, %get3A_423, %get3A_424] {strides = array<i32>} : memref<3x80x128xf32, #tpu.memory_space<vmem>>, vector<1x1x16xf32>,
          %get3A_426 = vector.shape_cast %get3A_425 : vector<1x1x16xf32> to vector<16xf32>
          %sub3A_427 = arith.subf %get3A_391, %get3A_189 : vector<16xf32>
          %exp3A = math.exp %sub3A_427 : vector<16xf32>
          %add3A_428 = arith.constant 9.99999974E-6 : f32
          %add3A_429 = vector.broadcast %add3A_428 : f32 to vector<16xf32>
          %add3A_430 = arith.addf %exp3A, %add3A_429 : vector<16xf32>
          %mul3A_431 = arith.mulf %add3A_430, %get3A_221 : vector<16xf32>
          %swap3A_432 = arith.index_cast %rem3A_370 : i32 to index
          %swap3A_433 = arith.index_cast %while3A_386 : i32 to index
          %swap3A_434 = arith.constant 0 : index
          %swap3A_435 = tpu.vector_load %arg6[%swap3A_432, %swap3A_433, %swap3A_434] {strides = array<i32>} : memref<3x80x128xf32, #tpu.memory_space<vmem>>, vector<1x1x16xf32>,
          %swap3A_436 = vector.shape_cast %swap3A_435 : vector<1x1x16xf32> to vector<16xf32>
          %swap3A_437 = vector.shape_cast %mul3A_431 : vector<16xf32> to vector<1x1x16xf32>
          tpu.vector_store %arg6[%swap3A_432, %swap3A_433, %swap3A_434], %swap3A_437 {strides = array<i32>} : memref<3x80x128xf32, #tpu.memory_space<vmem>>, vector<1x1x16xf32>,
          %sub3A_438 = arith.subf %get3A_396, %get3A_193 : vector<16xf32>
          %exp3A_439 = math.exp %sub3A_438 : vector<16xf32>
          %add3A_440 = arith.constant 9.99999974E-6 : f32
          %add3A_441 = vector.broadcast %add3A_440 : f32 to vector<16xf32>
          %add3A_442 = arith.addf %exp3A_439, %add3A_441 : vector<16xf32>
          %mul3A_443 = arith.mulf %add3A_442, %get3A_225 : vector<16xf32>
          %swap3A_444 = arith.index_cast %rem3A_370 : i32 to index
          %swap3A_445 = arith.index_cast %while3A_386 : i32 to index
          %swap3A_446 = arith.constant 16 : index
          %swap3A_447 = tpu.vector_load %arg6[%swap3A_444, %swap3A_445, %swap3A_446] {strides = array<i32>} : memref<3x80x128xf32, #tpu.memory_space<vmem>>, vector<1x1x16xf32>,
          %swap3A_448 = vector.shape_cast %swap3A_447 : vector<1x1x16xf32> to vector<16xf32>
          %swap3A_449 = vector.shape_cast %mul3A_443 : vector<16xf32> to vector<1x1x16xf32>
          tpu.vector_store %arg6[%swap3A_444, %swap3A_445, %swap3A_446], %swap3A_449 {strides = array<i32>} : memref<3x80x128xf32, #tpu.memory_space<vmem>>, vector<1x1x16xf32>,
          %sub3A_450 = arith.subf %get3A_401, %get3A_197 : vector<16xf32>
          %exp3A_451 = math.exp %sub3A_450 : vector<16xf32>
          %add3A_452 = arith.constant 9.99999974E-6 : f32
          %add3A_453 = vector.broadcast %add3A_452 : f32 to vector<16xf32>
          %add3A_454 = arith.addf %exp3A_451, %add3A_453 : vector<16xf32>
          %mul3A_455 = arith.mulf %add3A_454, %get3A_229 : vector<16xf32>
          %swap3A_456 = arith.index_cast %rem3A_370 : i32 to index
          %swap3A_457 = arith.index_cast %while3A_386 : i32 to index
          %swap3A_458 = arith.constant 32 : index
          %swap3A_459 = tpu.vector_load %arg6[%swap3A_456, %swap3A_457, %swap3A_458] {strides = array<i32>} : memref<3x80x128xf32, #tpu.memory_space<vmem>>, vector<1x1x16xf32>,
          %swap3A_460 = vector.shape_cast %swap3A_459 : vector<1x1x16xf32> to vector<16xf32>
          %swap3A_461 = vector.shape_cast %mul3A_455 : vector<16xf32> to vector<1x1x16xf32>
          tpu.vector_store %arg6[%swap3A_456, %swap3A_457, %swap3A_458], %swap3A_461 {strides = array<i32>} : memref<3x80x128xf32, #tpu.memory_space<vmem>>, vector<1x1x16xf32>,
          %sub3A_462 = arith.subf %get3A_406, %get3A_201 : vector<16xf32>
          %exp3A_463 = math.exp %sub3A_462 : vector<16xf32>
          %add3A_464 = arith.constant 9.99999974E-6 : f32
          %add3A_465 = vector.broadcast %add3A_464 : f32 to vector<16xf32>
          %add3A_466 = arith.addf %exp3A_463, %add3A_465 : vector<16xf32>
          %mul3A_467 = arith.mulf %add3A_466, %get3A_233 : vector<16xf32>
          %swap3A_468 = arith.index_cast %rem3A_370 : i32 to index
          %swap3A_469 = arith.index_cast %while3A_386 : i32 to index
          %swap3A_470 = arith.constant 48 : index
          %swap3A_471 = tpu.vector_load %arg6[%swap3A_468, %swap3A_469, %swap3A_470] {strides = array<i32>} : memref<3x80x128xf32, #tpu.memory_space<vmem>>, vector<1x1x16xf32>,
          %swap3A_472 = vector.shape_cast %swap3A_471 : vector<1x1x16xf32> to vector<16xf32>
          %swap3A_473 = vector.shape_cast %mul3A_467 : vector<16xf32> to vector<1x1x16xf32>
          tpu.vector_store %arg6[%swap3A_468, %swap3A_469, %swap3A_470], %swap3A_473 {strides = array<i32>} : memref<3x80x128xf32, #tpu.memory_space<vmem>>, vector<1x1x16xf32>,
          %sub3A_474 = arith.subf %get3A_411, %get3A_205 : vector<16xf32>
          %exp3A_475 = math.exp %sub3A_474 : vector<16xf32>
          %add3A_476 = arith.constant 9.99999974E-6 : f32
          %add3A_477 = vector.broadcast %add3A_476 : f32 to vector<16xf32>
          %add3A_478 = arith.addf %exp3A_475, %add3A_477 : vector<16xf32>
          %mul3A_479 = arith.mulf %add3A_478, %get3A_237 : vector<16xf32>
          %swap3A_480 = arith.index_cast %rem3A_370 : i32 to index
          %swap3A_481 = arith.index_cast %while3A_386 : i32 to index
          %swap3A_482 = arith.constant 64 : index
          %swap3A_483 = tpu.vector_load %arg6[%swap3A_480, %swap3A_481, %swap3A_482] {strides = array<i32>} : memref<3x80x128xf32, #tpu.memory_space<vmem>>, vector<1x1x16xf32>,
          %swap3A_484 = vector.shape_cast %swap3A_483 : vector<1x1x16xf32> to vector<16xf32>
          %swap3A_485 = vector.shape_cast %mul3A_479 : vector<16xf32> to vector<1x1x16xf32>
          tpu.vector_store %arg6[%swap3A_480, %swap3A_481, %swap3A_482], %swap3A_485 {strides = array<i32>} : memref<3x80x128xf32, #tpu.memory_space<vmem>>, vector<1x1x16xf32>,
          %sub3A_486 = arith.subf %get3A_416, %get3A_209 : vector<16xf32>
          %exp3A_487 = math.exp %sub3A_486 : vector<16xf32>
          %add3A_488 = arith.constant 9.99999974E-6 : f32
          %add3A_489 = vector.broadcast %add3A_488 : f32 to vector<16xf32>
          %add3A_490 = arith.addf %exp3A_487, %add3A_489 : vector<16xf32>
          %mul3A_491 = arith.mulf %add3A_490, %get3A_241 : vector<16xf32>
          %swap3A_492 = arith.index_cast %rem3A_370 : i32 to index
          %swap3A_493 = arith.index_cast %while3A_386 : i32 to index
          %swap3A_494 = arith.constant 80 : index
          %swap3A_495 = tpu.vector_load %arg6[%swap3A_492, %swap3A_493, %swap3A_494] {strides = array<i32>} : memref<3x80x128xf32, #tpu.memory_space<vmem>>, vector<1x1x16xf32>,
          %swap3A_496 = vector.shape_cast %swap3A_495 : vector<1x1x16xf32> to vector<16xf32>
          %swap3A_497 = vector.shape_cast %mul3A_491 : vector<16xf32> to vector<1x1x16xf32>
          tpu.vector_store %arg6[%swap3A_492, %swap3A_493, %swap3A_494], %swap3A_497 {strides = array<i32>} : memref<3x80x128xf32, #tpu.memory_space<vmem>>, vector<1x1x16xf32>,
          %sub3A_498 = arith.subf %get3A_421, %get3A_213 : vector<16xf32>
          %exp3A_499 = math.exp %sub3A_498 : vector<16xf32>
          %add3A_500 = arith.constant 9.99999974E-6 : f32
          %add3A_501 = vector.broadcast %add3A_500 : f32 to vector<16xf32>
          %add3A_502 = arith.addf %exp3A_499, %add3A_501 : vector<16xf32>
          %mul3A_503 = arith.mulf %add3A_502, %get3A_245 : vector<16xf32>
          %swap3A_504 = arith.index_cast %rem3A_370 : i32 to index
          %swap3A_505 = arith.index_cast %while3A_386 : i32 to index
          %swap3A_506 = arith.constant 96 : index
          %swap3A_507 = tpu.vector_load %arg6[%swap3A_504, %swap3A_505, %swap3A_506] {strides = array<i32>} : memref<3x80x128xf32, #tpu.memory_space<vmem>>, vector<1x1x16xf32>,
          %swap3A_508 = vector.shape_cast %swap3A_507 : vector<1x1x16xf32> to vector<16xf32>
          %swap3A_509 = vector.shape_cast %mul3A_503 : vector<16xf32> to vector<1x1x16xf32>
          tpu.vector_store %arg6[%swap3A_504, %swap3A_505, %swap3A_506], %swap3A_509 {strides = array<i32>} : memref<3x80x128xf32, #tpu.memory_space<vmem>>, vector<1x1x16xf32>,
          %sub3A_510 = arith.subf %get3A_426, %get3A_217 : vector<16xf32>
          %exp3A_511 = math.exp %sub3A_510 : vector<16xf32>
          %add3A_512 = arith.constant 9.99999974E-6 : f32
          %add3A_513 = vector.broadcast %add3A_512 : f32 to vector<16xf32>
          %add3A_514 = arith.addf %exp3A_511, %add3A_513 : vector<16xf32>
          %mul3A_515 = arith.mulf %add3A_514, %get3A_249 : vector<16xf32>
          %swap3A_516 = arith.index_cast %rem3A_370 : i32 to index
          %swap3A_517 = arith.index_cast %while3A_386 : i32 to index
          %swap3A_518 = arith.constant 112 : index
          %swap3A_519 = tpu.vector_load %arg6[%swap3A_516, %swap3A_517, %swap3A_518] {strides = array<i32>} : memref<3x80x128xf32, #tpu.memory_space<vmem>>, vector<1x1x16xf32>,
          %swap3A_520 = vector.shape_cast %swap3A_519 : vector<1x1x16xf32> to vector<16xf32>
          %swap3A_521 = vector.shape_cast %mul3A_515 : vector<16xf32> to vector<1x1x16xf32>
          tpu.vector_store %arg6[%swap3A_516, %swap3A_517, %swap3A_518], %swap3A_521 {strides = array<i32>} : memref<3x80x128xf32, #tpu.memory_space<vmem>>, vector<1x1x16xf32>,
        }
        %while3A_385 = arith.constant 1 : i32
        scf.for %while3A_386 = %while3A_383 to %while3A_379 step %while3A_385  : i32 {
          %get3A_387 = arith.index_cast %rem3A_370 : i32 to index
          %get3A_388 = arith.index_cast %while3A_386 : i32 to index
          %get3A_389 = arith.constant 0 : index
          %get3A_390 = tpu.vector_load %arg6[%get3A_387, %get3A_388, %get3A_389] {strides = array<i32>} : memref<3x80x128xf32, #tpu.memory_space<vmem>>, vector<1x1x16xf32>,
          %get3A_391 = vector.shape_cast %get3A_390 : vector<1x1x16xf32> to vector<16xf32>
          %get3A_392 = arith.index_cast %rem3A_370 : i32 to index
          %get3A_393 = arith.index_cast %while3A_386 : i32 to index
          %get3A_394 = arith.constant 16 : index
          %get3A_395 = tpu.vector_load %arg6[%get3A_392, %get3A_393, %get3A_394] {strides = array<i32>} : memref<3x80x128xf32, #tpu.memory_space<vmem>>, vector<1x1x16xf32>,
          %get3A_396 = vector.shape_cast %get3A_395 : vector<1x1x16xf32> to vector<16xf32>
          %get3A_397 = arith.index_cast %rem3A_370 : i32 to index
          %get3A_398 = arith.index_cast %while3A_386 : i32 to index
          %get3A_399 = arith.constant 32 : index
          %get3A_400 = tpu.vector_load %arg6[%get3A_397, %get3A_398, %get3A_399] {strides = array<i32>} : memref<3x80x128xf32, #tpu.memory_space<vmem>>, vector<1x1x16xf32>,
          %get3A_401 = vector.shape_cast %get3A_400 : vector<1x1x16xf32> to vector<16xf32>
          %get3A_402 = arith.index_cast %rem3A_370 : i32 to index
          %get3A_403 = arith.index_cast %while3A_386 : i32 to index
          %get3A_404 = arith.constant 48 : index
          %get3A_405 = tpu.vector_load %arg6[%get3A_402, %get3A_403, %get3A_404] {strides = array<i32>} : memref<3x80x128xf32, #tpu.memory_space<vmem>>, vector<1x1x16xf32>,
          %get3A_406 = vector.shape_cast %get3A_405 : vector<1x1x16xf32> to vector<16xf32>
          %get3A_407 = arith.index_cast %rem3A_370 : i32 to index
          %get3A_408 = arith.index_cast %while3A_386 : i32 to index
          %get3A_409 = arith.constant 64 : index
          %get3A_410 = tpu.vector_load %arg6[%get3A_407, %get3A_408, %get3A_409] {strides = array<i32>} : memref<3x80x128xf32, #tpu.memory_space<vmem>>, vector<1x1x16xf32>,
          %get3A_411 = vector.shape_cast %get3A_410 : vector<1x1x16xf32> to vector<16xf32>
          %get3A_412 = arith.index_cast %rem3A_370 : i32 to index
          %get3A_413 = arith.index_cast %while3A_386 : i32 to index
          %get3A_414 = arith.constant 80 : index
          %get3A_415 = tpu.vector_load %arg6[%get3A_412, %get3A_413, %get3A_414] {strides = array<i32>} : memref<3x80x128xf32, #tpu.memory_space<vmem>>, vector<1x1x16xf32>,
          %get3A_416 = vector.shape_cast %get3A_415 : vector<1x1x16xf32> to vector<16xf32>
          %get3A_417 = arith.index_cast %rem3A_370 : i32 to index
          %get3A_418 = arith.index_cast %while3A_386 : i32 to index
          %get3A_419 = arith.constant 96 : index
          %get3A_420 = tpu.vector_load %arg6[%get3A_417, %get3A_418, %get3A_419] {strides = array<i32>} : memref<3x80x128xf32, #tpu.memory_space<vmem>>, vector<1x1x16xf32>,
          %get3A_421 = vector.shape_cast %get3A_420 : vector<1x1x16xf32> to vector<16xf32>
          %get3A_422 = arith.index_cast %rem3A_370 : i32 to index
          %get3A_423 = arith.index_cast %while3A_386 : i32 to index
          %get3A_424 = arith.constant 112 : index
          %get3A_425 = tpu.vector_load %arg6[%get3A_422, %get3A_423, %get3A_424] {strides = array<i32>} : memref<3x80x128xf32, #tpu.memory_space<vmem>>, vector<1x1x16xf32>,
          %get3A_426 = vector.shape_cast %get3A_425 : vector<1x1x16xf32> to vector<16xf32>
          %sub3A_427 = arith.subf %get3A_391, %get3A_189 : vector<16xf32>
          %exp3A = math.exp %sub3A_427 : vector<16xf32>
          %add3A_428 = arith.constant 9.99999974E-6 : f32
          %add3A_429 = vector.broadcast %add3A_428 : f32 to vector<16xf32>
          %add3A_430 = arith.addf %exp3A, %add3A_429 : vector<16xf32>
          %mul3A_431 = arith.mulf %add3A_430, %get3A_221 : vector<16xf32>
          %swap3A_432 = arith.index_cast %rem3A_370 : i32 to index
          %swap3A_433 = arith.index_cast %while3A_386 : i32 to index
          %swap3A_434 = arith.constant 0 : index
          %swap3A_435 = tpu.vector_load %arg6[%swap3A_432, %swap3A_433, %swap3A_434] {strides = array<i32>} : memref<3x80x128xf32, #tpu.memory_space<vmem>>, vector<1x1x16xf32>,
          %swap3A_436 = vector.shape_cast %swap3A_435 : vector<1x1x16xf32> to vector<16xf32>
          %swap3A_437 = vector.shape_cast %mul3A_431 : vector<16xf32> to vector<1x1x16xf32>
          tpu.vector_store %arg6[%swap3A_432, %swap3A_433, %swap3A_434], %swap3A_437 {strides = array<i32>} : memref<3x80x128xf32, #tpu.memory_space<vmem>>, vector<1x1x16xf32>,
          %sub3A_438 = arith.subf %get3A_396, %get3A_193 : vector<16xf32>
          %exp3A_439 = math.exp %sub3A_438 : vector<16xf32>
          %add3A_440 = arith.constant 9.99999974E-6 : f32
          %add3A_441 = vector.broadcast %add3A_440 : f32 to vector<16xf32>
          %add3A_442 = arith.addf %exp3A_439, %add3A_441 : vector<16xf32>
          %mul3A_443 = arith.mulf %add3A_442, %get3A_225 : vector<16xf32>
          %swap3A_444 = arith.index_cast %rem3A_370 : i32 to index
          %swap3A_445 = arith.index_cast %while3A_386 : i32 to index
          %swap3A_446 = arith.constant 16 : index
          %swap3A_447 = tpu.vector_load %arg6[%swap3A_444, %swap3A_445, %swap3A_446] {strides = array<i32>} : memref<3x80x128xf32, #tpu.memory_space<vmem>>, vector<1x1x16xf32>,
          %swap3A_448 = vector.shape_cast %swap3A_447 : vector<1x1x16xf32> to vector<16xf32>
          %swap3A_449 = vector.shape_cast %mul3A_443 : vector<16xf32> to vector<1x1x16xf32>
          tpu.vector_store %arg6[%swap3A_444, %swap3A_445, %swap3A_446], %swap3A_449 {strides = array<i32>} : memref<3x80x128xf32, #tpu.memory_space<vmem>>, vector<1x1x16xf32>,
          %sub3A_450 = arith.subf %get3A_401, %get3A_197 : vector<16xf32>
          %exp3A_451 = math.exp %sub3A_450 : vector<16xf32>
          %add3A_452 = arith.constant 9.99999974E-6 : f32
          %add3A_453 = vector.broadcast %add3A_452 : f32 to vector<16xf32>
          %add3A_454 = arith.addf %exp3A_451, %add3A_453 : vector<16xf32>
          %mul3A_455 = arith.mulf %add3A_454, %get3A_229 : vector<16xf32>
          %swap3A_456 = arith.index_cast %rem3A_370 : i32 to index
          %swap3A_457 = arith.index_cast %while3A_386 : i32 to index
          %swap3A_458 = arith.constant 32 : index
          %swap3A_459 = tpu.vector_load %arg6[%swap3A_456, %swap3A_457, %swap3A_458] {strides = array<i32>} : memref<3x80x128xf32, #tpu.memory_space<vmem>>, vector<1x1x16xf32>,
          %swap3A_460 = vector.shape_cast %swap3A_459 : vector<1x1x16xf32> to vector<16xf32>
          %swap3A_461 = vector.shape_cast %mul3A_455 : vector<16xf32> to vector<1x1x16xf32>
          tpu.vector_store %arg6[%swap3A_456, %swap3A_457, %swap3A_458], %swap3A_461 {strides = array<i32>} : memref<3x80x128xf32, #tpu.memory_space<vmem>>, vector<1x1x16xf32>,
          %sub3A_462 = arith.subf %get3A_406, %get3A_201 : vector<16xf32>
          %exp3A_463 = math.exp %sub3A_462 : vector<16xf32>
          %add3A_464 = arith.constant 9.99999974E-6 : f32
          %add3A_465 = vector.broadcast %add3A_464 : f32 to vector<16xf32>
          %add3A_466 = arith.addf %exp3A_463, %add3A_465 : vector<16xf32>
          %mul3A_467 = arith.mulf %add3A_466, %get3A_233 : vector<16xf32>
          %swap3A_468 = arith.index_cast %rem3A_370 : i32 to index
          %swap3A_469 = arith.index_cast %while3A_386 : i32 to index
          %swap3A_470 = arith.constant 48 : index
          %swap3A_471 = tpu.vector_load %arg6[%swap3A_468, %swap3A_469, %swap3A_470] {strides = array<i32>} : memref<3x80x128xf32, #tpu.memory_space<vmem>>, vector<1x1x16xf32>,
          %swap3A_472 = vector.shape_cast %swap3A_471 : vector<1x1x16xf32> to vector<16xf32>
          %swap3A_473 = vector.shape_cast %mul3A_467 : vector<16xf32> to vector<1x1x16xf32>
          tpu.vector_store %arg6[%swap3A_468, %swap3A_469, %swap3A_470], %swap3A_473 {strides = array<i32>} : memref<3x80x128xf32, #tpu.memory_space<vmem>>, vector<1x1x16xf32>,
          %sub3A_474 = arith.subf %get3A_411, %get3A_205 : vector<16xf32>
          %exp3A_475 = math.exp %sub3A_474 : vector<16xf32>
          %add3A_476 = arith.constant 9.99999974E-6 : f32
          %add3A_477 = vector.broadcast %add3A_476 : f32 to vector<16xf32>
          %add3A_478 = arith.addf %exp3A_475, %add3A_477 : vector<16xf32>
          %mul3A_479 = arith.mulf %add3A_478, %get3A_237 : vector<16xf32>
          %swap3A_480 = arith.index_cast %rem3A_370 : i32 to index
          %swap3A_481 = arith.index_cast %while3A_386 : i32 to index
          %swap3A_482 = arith.constant 64 : index
          %swap3A_483 = tpu.vector_load %arg6[%swap3A_480, %swap3A_481, %swap3A_482] {strides = array<i32>} : memref<3x80x128xf32, #tpu.memory_space<vmem>>, vector<1x1x16xf32>,
          %swap3A_484 = vector.shape_cast %swap3A_483 : vector<1x1x16xf32> to vector<16xf32>
          %swap3A_485 = vector.shape_cast %mul3A_479 : vector<16xf32> to vector<1x1x16xf32>
          tpu.vector_store %arg6[%swap3A_480, %swap3A_481, %swap3A_482], %swap3A_485 {strides = array<i32>} : memref<3x80x128xf32, #tpu.memory_space<vmem>>, vector<1x1x16xf32>,
          %sub3A_486 = arith.subf %get3A_416, %get3A_209 : vector<16xf32>
          %exp3A_487 = math.exp %sub3A_486 : vector<16xf32>
          %add3A_488 = arith.constant 9.99999974E-6 : f32
          %add3A_489 = vector.broadcast %add3A_488 : f32 to vector<16xf32>
          %add3A_490 = arith.addf %exp3A_487, %add3A_489 : vector<16xf32>
          %mul3A_491 = arith.mulf %add3A_490, %get3A_241 : vector<16xf32>
          %swap3A_492 = arith.index_cast %rem3A_370 : i32 to index
          %swap3A_493 = arith.index_cast %while3A_386 : i32 to index
          %swap3A_494 = arith.constant 80 : index
          %swap3A_495 = tpu.vector_load %arg6[%swap3A_492, %swap3A_493, %swap3A_494] {strides = array<i32>} : memref<3x80x128xf32, #tpu.memory_space<vmem>>, vector<1x1x16xf32>,
          %swap3A_496 = vector.shape_cast %swap3A_495 : vector<1x1x16xf32> to vector<16xf32>
          %swap3A_497 = vector.shape_cast %mul3A_491 : vector<16xf32> to vector<1x1x16xf32>
          tpu.vector_store %arg6[%swap3A_492, %swap3A_493, %swap3A_494], %swap3A_497 {strides = array<i32>} : memref<3x80x128xf32, #tpu.memory_space<vmem>>, vector<1x1x16xf32>,
          %sub3A_498 = arith.subf %get3A_421, %get3A_213 : vector<16xf32>
          %exp3A_499 = math.exp %sub3A_498 : vector<16xf32>
          %add3A_500 = arith.constant 9.99999974E-6 : f32
          %add3A_501 = vector.broadcast %add3A_500 : f32 to vector<16xf32>
          %add3A_502 = arith.addf %exp3A_499, %add3A_501 : vector<16xf32>
          %mul3A_503 = arith.mulf %add3A_502, %get3A_245 : vector<16xf32>
          %swap3A_504 = arith.index_cast %rem3A_370 : i32 to index
          %swap3A_505 = arith.index_cast %while3A_386 : i32 to index
          %swap3A_506 = arith.constant 96 : index
          %swap3A_507 = tpu.vector_load %arg6[%swap3A_504, %swap3A_505, %swap3A_506] {strides = array<i32>} : memref<3x80x128xf32, #tpu.memory_space<vmem>>, vector<1x1x16xf32>,
          %swap3A_508 = vector.shape_cast %swap3A_507 : vector<1x1x16xf32> to vector<16xf32>
          %swap3A_509 = vector.shape_cast %mul3A_503 : vector<16xf32> to vector<1x1x16xf32>
          tpu.vector_store %arg6[%swap3A_504, %swap3A_505, %swap3A_506], %swap3A_509 {strides = array<i32>} : memref<3x80x128xf32, #tpu.memory_space<vmem>>, vector<1x1x16xf32>,
          %sub3A_510 = arith.subf %get3A_426, %get3A_217 : vector<16xf32>
          %exp3A_511 = math.exp %sub3A_510 : vector<16xf32>
          %add3A_512 = arith.constant 9.99999974E-6 : f32
          %add3A_513 = vector.broadcast %add3A_512 : f32 to vector<16xf32>
          %add3A_514 = arith.addf %exp3A_511, %add3A_513 : vector<16xf32>
          %mul3A_515 = arith.mulf %add3A_514, %get3A_249 : vector<16xf32>
          %swap3A_516 = arith.index_cast %rem3A_370 : i32 to index
          %swap3A_517 = arith.index_cast %while3A_386 : i32 to index
          %swap3A_518 = arith.constant 112 : index
          %swap3A_519 = tpu.vector_load %arg6[%swap3A_516, %swap3A_517, %swap3A_518] {strides = array<i32>} : memref<3x80x128xf32, #tpu.memory_space<vmem>>, vector<1x1x16xf32>,
          %swap3A_520 = vector.shape_cast %swap3A_519 : vector<1x1x16xf32> to vector<16xf32>
          %swap3A_521 = vector.shape_cast %mul3A_515 : vector<16xf32> to vector<1x1x16xf32>
          tpu.vector_store %arg6[%swap3A_516, %swap3A_517, %swap3A_518], %swap3A_521 {strides = array<i32>} : memref<3x80x128xf32, #tpu.memory_space<vmem>>, vector<1x1x16xf32>,
        }
        scf.yield %while3A_312 : i32
      }
      %while3A_310 = arith.constant 1 : i32
      %while3A_311 = scf.for %while3A_312 = %while3A_307 to %while3A_303 step %while3A_310 iter_args(%while3A_313 = %while3A_309) -> (i32)  : i32 {
        %ne3A_314 = arith.cmpi ne, %while3A_312, %while3A_313 : i32
        %ge3A_315 = arith.constant 0 : i32
        %ge3A_316 = arith.cmpi sge, %while3A_313, %ge3A_315 : i32
        %and3A_317 = arith.andi %ne3A_314, %ge3A_316 : i1
        %mul3A_318 = arith.constant 80 : i32
        %mul3A_319 = arith.muli %while3A_313, %mul3A_318 : i32
        %ge3A_320 = arith.cmpi sge, %mul3A_319, %squeeze3A : i32
        %add3A_321 = arith.constant 80 : i32
        %add3A_322 = arith.addi %mul3A_319, %add3A_321 : i32
        %le3A_323 = arith.cmpi sle, %add3A_322, %squeeze3A_4 : i32
        %and3A_324 = arith.andi %ge3A_320, %le3A_323 : i1
        %and3A_325 = arith.andi %and3A_317, %and3A_324 : i1
        %convert_element_type3A_326 = arith.extui %and3A_325 : i1 to i32
        %cond3A_327 = arith.constant 0 : i32
        %cond3A_328 = arith.cmpi ne, %convert_element_type3A_326, %cond3A_327 : i32
        scf.if %cond3A_328 {
          %rem3A_386 = arith.constant 3 : i32
          %rem3A_387 = arith.remsi %while3A_313, %rem3A_386 : i32
          %mul3A_388 = arith.constant 80 : i32
          %mul3A_389 = arith.muli %while3A_313, %mul3A_388 : i32
          %dma_start3A = arith.constant 0 : i32
          %dma_start3A_390 = arith.constant 0 : i32
          %dma_start3A_391 = tpu.memref_slice %arg6[%rem3A_387, %dma_start3A, %dma_start3A_390] : memref<3x80x128xf32, #tpu.memory_space<vmem>> -> memref<1x80x128xf32, #tpu.memory_space<vmem>>
          %dma_start3A_392 = tpu.memref_squeeze %dma_start3A_391 : memref<1x80x128xf32, #tpu.memory_space<vmem>> -> memref<80x128xf32, #tpu.memory_space<vmem>>
          %dma_start3A_393 = arith.constant 0 : i32
          %dma_start3A_394 = tpu.memref_slice %arg5[%mul3A_389, %dma_start3A_393] : memref<320000x128xf32, #tpu.memory_space<hbm>> -> memref<80x128xf32, #tpu.memory_space<hbm>>
          %dma_start3A_395 = tpu.memref_slice %arg14[%rem3A_387] : memref<3x!tpu.dma_semaphore, #tpu.memory_space<semaphore_mem>> -> memref<1x!tpu.dma_semaphore, #tpu.memory_space<semaphore_mem>>
          %dma_start3A_396 = tpu.memref_squeeze %dma_start3A_395 : memref<1x!tpu.dma_semaphore, #tpu.memory_space<semaphore_mem>> -> memref<!tpu.dma_semaphore, #tpu.memory_space<semaphore_mem>>
          %dma_start3A_397 = arith.constant 0 : i32
          %dma_start3A_398 = tpu.memref_slice %arg5[%mul3A_389, %dma_start3A_397] : memref<320000x128xf32, #tpu.memory_space<hbm>> -> memref<80x128xf32, #tpu.memory_space<hbm>>
          %dma_start3A_399 = arith.constant 0 : i32
          %dma_start3A_400 = arith.constant 0 : i32
          %dma_start3A_401 = tpu.memref_slice %arg6[%rem3A_387, %dma_start3A_399, %dma_start3A_400] : memref<3x80x128xf32, #tpu.memory_space<vmem>> -> memref<1x80x128xf32, #tpu.memory_space<vmem>>
          %dma_start3A_402 = tpu.memref_squeeze %dma_start3A_401 : memref<1x80x128xf32, #tpu.memory_space<vmem>> -> memref<80x128xf32, #tpu.memory_space<vmem>>
          tpu.enqueue_dma source(%dma_start3A_402 : memref<80x128xf32, #tpu.memory_space<vmem>>) target(%dma_start3A_398 : memref<80x128xf32, #tpu.memory_space<hbm>>) target_semaphore(%dma_start3A_396 : memref<!tpu.dma_semaphore, #tpu.memory_space<semaphore_mem>>)
        } else {
        }
        %mul3A_329 = arith.constant 80 : i32
        %mul3A_330 = arith.muli %while3A_313, %mul3A_329 : i32
        %ge3A_331 = arith.cmpi sge, %mul3A_330, %squeeze3A : i32
        %add3A_332 = arith.constant 80 : i32
        %add3A_333 = arith.addi %mul3A_330, %add3A_332 : i32
        %le3A_334 = arith.cmpi sle, %add3A_333, %squeeze3A_4 : i32
        %and3A_335 = arith.andi %ge3A_331, %le3A_334 : i1
        %not3A_336 = arith.constant true
        %not3A_337 = arith.xori %and3A_335, %not3A_336 : i1
        %and3A_338 = arith.andi %and3A_317, %not3A_337 : i1
        %convert_element_type3A_339 = arith.extui %and3A_338 : i1 to i32
        %cond3A_340 = arith.constant 0 : i32
        %cond3A_341 = arith.cmpi ne, %convert_element_type3A_339, %cond3A_340 : i32
        scf.if %cond3A_341 {
          %mul3A_386 = arith.constant 80 : i32
          %mul3A_387 = arith.muli %while3A_313, %mul3A_386 : i32
          %rem3A_388 = arith.constant 3 : i32
          %rem3A_389 = arith.remsi %while3A_313, %rem3A_388 : i32
          %sub3A_390 = arith.subi %squeeze3A, %mul3A_387 : i32
          %max3A_391 = arith.constant 0 : i32
          %max3A_392 = arith.maxsi %sub3A_390, %max3A_391 : i32
          %sub3A_393 = arith.subi %squeeze3A_4, %mul3A_387 : i32
          %min3A_394 = arith.constant 80 : i32
          %min3A_395 = arith.minsi %sub3A_393, %min3A_394 : i32
          %max3A_396 = arith.maxsi %min3A_395, %max3A_392 : i32
          %while3A_397 = arith.constant 0 : i32
          %while3A_398 = arith.subi %max3A_396, %max3A_392 : i32
          %while3A_399 = arith.addi %max3A_392, %while3A_398 : i32
          %while3A_400 = arith.constant 1 : i32
          %while3A_401 = arith.divsi %while3A_398, %while3A_400 : i32
          %while3A_402 = arith.muli %while3A_401, %while3A_400 : i32
          %while3A_403 = arith.addi %max3A_392, %while3A_402 : i32
          %while3A_404 = arith.constant 1 : i32
          %while3A_405 = scf.for %while3A_408 = %max3A_392 to %while3A_403 step %while3A_404 iter_args(%while3A_409 = %while3A_397) -> (i32)  : i32 {
            %add3A_410 = arith.addi %mul3A_387, %while3A_408 : i32
            "tpu.region"() ({
              %run_scoped3A = tpu.sem_alloc : memref<!tpu.dma_semaphore, #tpu.memory_space<semaphore_mem>>
              %dma_start3A = arith.constant 0 : i32
              %dma_start3A_412 = tpu.memref_slice %arg6[%rem3A_389, %while3A_408, %dma_start3A] : memref<3x80x128xf32, #tpu.memory_space<vmem>> -> memref<1x1x128xf32, #tpu.memory_space<vmem>>
              %dma_start3A_413 = tpu.memref_squeeze %dma_start3A_412 : memref<1x1x128xf32, #tpu.memory_space<vmem>> -> memref<1x128xf32, #tpu.memory_space<vmem>>
              %dma_start3A_414 = arith.constant 0 : i32
              %dma_start3A_415 = tpu.memref_slice %arg5[%add3A_410, %dma_start3A_414] : memref<320000x128xf32, #tpu.memory_space<hbm>> -> memref<1x128xf32, #tpu.memory_space<hbm>>
              %dma_start3A_416 = arith.constant 0 : i32
              %dma_start3A_417 = tpu.memref_slice %arg5[%add3A_410, %dma_start3A_416] : memref<320000x128xf32, #tpu.memory_space<hbm>> -> memref<1x128xf32, #tpu.memory_space<hbm>>
              %dma_start3A_418 = arith.constant 0 : i32
              %dma_start3A_419 = tpu.memref_slice %arg6[%rem3A_389, %while3A_408, %dma_start3A_418] : memref<3x80x128xf32, #tpu.memory_space<vmem>> -> memref<1x1x128xf32, #tpu.memory_space<vmem>>
              %dma_start3A_420 = tpu.memref_squeeze %dma_start3A_419 : memref<1x1x128xf32, #tpu.memory_space<vmem>> -> memref<1x128xf32, #tpu.memory_space<vmem>>
              tpu.enqueue_dma source(%dma_start3A_420 : memref<1x128xf32, #tpu.memory_space<vmem>>) target(%dma_start3A_417 : memref<1x128xf32, #tpu.memory_space<hbm>>) target_semaphore(%run_scoped3A : memref<!tpu.dma_semaphore, #tpu.memory_space<semaphore_mem>>)
              %dma_wait3A = arith.constant 0 : i32
              %dma_wait3A_421 = tpu.memref_slice %arg6[%rem3A_389, %while3A_408, %dma_wait3A] : memref<3x80x128xf32, #tpu.memory_space<vmem>> -> memref<1x1x128xf32, #tpu.memory_space<vmem>>
              %dma_wait3A_422 = tpu.memref_squeeze %dma_wait3A_421 : memref<1x1x128xf32, #tpu.memory_space<vmem>> -> memref<1x128xf32, #tpu.memory_space<vmem>>
              %dma_wait3A_423 = arith.constant 0 : i32
              %dma_wait3A_424 = tpu.memref_slice %arg5[%add3A_410, %dma_wait3A_423] : memref<320000x128xf32, #tpu.memory_space<hbm>> -> memref<1x128xf32, #tpu.memory_space<hbm>>
              %dma_wait3A_425 = arith.constant 0 : i32
              %dma_wait3A_426 = tpu.memref_slice %arg5[%add3A_410, %dma_wait3A_425] : memref<320000x128xf32, #tpu.memory_space<hbm>> -> memref<1x128xf32, #tpu.memory_space<hbm>>
              %dma_wait3A_427 = arith.constant 0 : i32
              %dma_wait3A_428 = tpu.memref_slice %arg6[%rem3A_389, %while3A_408, %dma_wait3A_427] : memref<3x80x128xf32, #tpu.memory_space<vmem>> -> memref<1x1x128xf32, #tpu.memory_space<vmem>>
              %dma_wait3A_429 = tpu.memref_squeeze %dma_wait3A_428 : memref<1x1x128xf32, #tpu.memory_space<vmem>> -> memref<1x128xf32, #tpu.memory_space<vmem>>
              tpu.wait_dma2 semaphore(%run_scoped3A : memref<!tpu.dma_semaphore, #tpu.memory_space<semaphore_mem>>) src(%dma_wait3A_429 : memref<1x128xf32, #tpu.memory_space<vmem>>) dst(%dma_wait3A_426 : memref<1x128xf32, #tpu.memory_space<hbm>>)
              tpu.yield
            }) : () -> ()
            %while3A_411 = arith.constant 0 : i32
            scf.yield %while3A_411 : i32
          }
          %while3A_406 = arith.constant 1 : i32
          %while3A_407 = scf.for %while3A_408 = %while3A_403 to %while3A_399 step %while3A_406 iter_args(%while3A_409 = %while3A_405) -> (i32)  : i32 {
            %add3A_410 = arith.addi %mul3A_387, %while3A_408 : i32
            "tpu.region"() ({
              %run_scoped3A = tpu.sem_alloc : memref<!tpu.dma_semaphore, #tpu.memory_space<semaphore_mem>>
              %dma_start3A = arith.constant 0 : i32
              %dma_start3A_412 = tpu.memref_slice %arg6[%rem3A_389, %while3A_408, %dma_start3A] : memref<3x80x128xf32, #tpu.memory_space<vmem>> -> memref<1x1x128xf32, #tpu.memory_space<vmem>>
              %dma_start3A_413 = tpu.memref_squeeze %dma_start3A_412 : memref<1x1x128xf32, #tpu.memory_space<vmem>> -> memref<1x128xf32, #tpu.memory_space<vmem>>
              %dma_start3A_414 = arith.constant 0 : i32
              %dma_start3A_415 = tpu.memref_slice %arg5[%add3A_410, %dma_start3A_414] : memref<320000x128xf32, #tpu.memory_space<hbm>> -> memref<1x128xf32, #tpu.memory_space<hbm>>
              %dma_start3A_416 = arith.constant 0 : i32
              %dma_start3A_417 = tpu.memref_slice %arg5[%add3A_410, %dma_start3A_416] : memref<320000x128xf32, #tpu.memory_space<hbm>> -> memref<1x128xf32, #tpu.memory_space<hbm>>
              %dma_start3A_418 = arith.constant 0 : i32
              %dma_start3A_419 = tpu.memref_slice %arg6[%rem3A_389, %while3A_408, %dma_start3A_418] : memref<3x80x128xf32, #tpu.memory_space<vmem>> -> memref<1x1x128xf32, #tpu.memory_space<vmem>>
              %dma_start3A_420 = tpu.memref_squeeze %dma_start3A_419 : memref<1x1x128xf32, #tpu.memory_space<vmem>> -> memref<1x128xf32, #tpu.memory_space<vmem>>
              tpu.enqueue_dma source(%dma_start3A_420 : memref<1x128xf32, #tpu.memory_space<vmem>>) target(%dma_start3A_417 : memref<1x128xf32, #tpu.memory_space<hbm>>) target_semaphore(%run_scoped3A : memref<!tpu.dma_semaphore, #tpu.memory_space<semaphore_mem>>)
              %dma_wait3A = arith.constant 0 : i32
              %dma_wait3A_421 = tpu.memref_slice %arg6[%rem3A_389, %while3A_408, %dma_wait3A] : memref<3x80x128xf32, #tpu.memory_space<vmem>> -> memref<1x1x128xf32, #tpu.memory_space<vmem>>
              %dma_wait3A_422 = tpu.memref_squeeze %dma_wait3A_421 : memref<1x1x128xf32, #tpu.memory_space<vmem>> -> memref<1x128xf32, #tpu.memory_space<vmem>>
              %dma_wait3A_423 = arith.constant 0 : i32
              %dma_wait3A_424 = tpu.memref_slice %arg5[%add3A_410, %dma_wait3A_423] : memref<320000x128xf32, #tpu.memory_space<hbm>> -> memref<1x128xf32, #tpu.memory_space<hbm>>
              %dma_wait3A_425 = arith.constant 0 : i32
              %dma_wait3A_426 = tpu.memref_slice %arg5[%add3A_410, %dma_wait3A_425] : memref<320000x128xf32, #tpu.memory_space<hbm>> -> memref<1x128xf32, #tpu.memory_space<hbm>>
              %dma_wait3A_427 = arith.constant 0 : i32
              %dma_wait3A_428 = tpu.memref_slice %arg6[%rem3A_389, %while3A_408, %dma_wait3A_427] : memref<3x80x128xf32, #tpu.memory_space<vmem>> -> memref<1x1x128xf32, #tpu.memory_space<vmem>>
              %dma_wait3A_429 = tpu.memref_squeeze %dma_wait3A_428 : memref<1x1x128xf32, #tpu.memory_space<vmem>> -> memref<1x128xf32, #tpu.memory_space<vmem>>
              tpu.wait_dma2 semaphore(%run_scoped3A : memref<!tpu.dma_semaphore, #tpu.memory_space<semaphore_mem>>) src(%dma_wait3A_429 : memref<1x128xf32, #tpu.memory_space<vmem>>) dst(%dma_wait3A_426 : memref<1x128xf32, #tpu.memory_space<hbm>>)
              tpu.yield
            }) : () -> ()
            %while3A_411 = arith.constant 0 : i32
            scf.yield %while3A_411 : i32
          }
        } else {
        }
        %convert_element_type3A_342 = arith.extui %ne3A_314 : i1 to i32
        %cond3A_343 = arith.constant 0 : i32
        %cond3A_344 = arith.cmpi ne, %convert_element_type3A_342, %cond3A_343 : i32
        scf.if %cond3A_344 {
          %rem3A_386 = arith.constant 3 : i32
          %rem3A_387 = arith.remsi %while3A_312, %rem3A_386 : i32
          %mul3A_388 = arith.constant 80 : i32
          %mul3A_389 = arith.muli %while3A_312, %mul3A_388 : i32
          %dma_wait3A = arith.constant 0 : i32
          %dma_wait3A_390 = arith.constant 0 : i32
          %dma_wait3A_391 = tpu.memref_slice %arg6[%rem3A_387, %dma_wait3A, %dma_wait3A_390] : memref<3x80x128xf32, #tpu.memory_space<vmem>> -> memref<1x80x128xf32, #tpu.memory_space<vmem>>
          %dma_wait3A_392 = tpu.memref_squeeze %dma_wait3A_391 : memref<1x80x128xf32, #tpu.memory_space<vmem>> -> memref<80x128xf32, #tpu.memory_space<vmem>>
          %dma_wait3A_393 = arith.constant 0 : i32
          %dma_wait3A_394 = tpu.memref_slice %arg2[%mul3A_389, %dma_wait3A_393] : memref<320000x128xf32, #tpu.memory_space<hbm>> -> memref<80x128xf32, #tpu.memory_space<hbm>>
          %dma_wait3A_395 = tpu.memref_slice %arg12[%rem3A_387] : memref<3x!tpu.dma_semaphore, #tpu.memory_space<semaphore_mem>> -> memref<1x!tpu.dma_semaphore, #tpu.memory_space<semaphore_mem>>
          %dma_wait3A_396 = tpu.memref_squeeze %dma_wait3A_395 : memref<1x!tpu.dma_semaphore, #tpu.memory_space<semaphore_mem>> -> memref<!tpu.dma_semaphore, #tpu.memory_space<semaphore_mem>>
          %dma_wait3A_397 = arith.constant 0 : i32
          %dma_wait3A_398 = arith.constant 0 : i32
          %dma_wait3A_399 = tpu.memref_slice %arg6[%rem3A_387, %dma_wait3A_397, %dma_wait3A_398] : memref<3x80x128xf32, #tpu.memory_space<vmem>> -> memref<1x80x128xf32, #tpu.memory_space<vmem>>
          %dma_wait3A_400 = tpu.memref_squeeze %dma_wait3A_399 : memref<1x80x128xf32, #tpu.memory_space<vmem>> -> memref<80x128xf32, #tpu.memory_space<vmem>>
          %dma_wait3A_401 = arith.constant 0 : i32
          %dma_wait3A_402 = tpu.memref_slice %arg2[%mul3A_389, %dma_wait3A_401] : memref<320000x128xf32, #tpu.memory_space<hbm>> -> memref<80x128xf32, #tpu.memory_space<hbm>>
          tpu.wait_dma2 semaphore(%dma_wait3A_396 : memref<!tpu.dma_semaphore, #tpu.memory_space<semaphore_mem>>) src(%dma_wait3A_402 : memref<80x128xf32, #tpu.memory_space<hbm>>) dst(%dma_wait3A_400 : memref<80x128xf32, #tpu.memory_space<vmem>>)
        } else {
        }
        %add3A_345 = arith.constant 1 : i32
        %add3A_346 = arith.addi %while3A_312, %add3A_345 : i32
        %lt3A_347 = arith.cmpi slt, %add3A_346, %select_n3A_48 : i32
        %and3A_348 = arith.andi %ne3A_314, %lt3A_347 : i1
        %sub3A_349 = arith.constant 2 : i32
        %sub3A_350 = arith.subi %while3A_312, %sub3A_349 : i32
        %ge3A_351 = arith.cmpi sge, %sub3A_350, %select_n3A : i32
        %sub3A_352 = arith.constant 2 : i32
        %sub3A_353 = arith.subi %while3A_312, %sub3A_352 : i32
        %mul3A_354 = arith.constant 80 : i32
        %mul3A_355 = arith.muli %sub3A_353, %mul3A_354 : i32
        %ge3A_356 = arith.cmpi sge, %mul3A_355, %squeeze3A : i32
        %add3A_357 = arith.constant 80 : i32
        %add3A_358 = arith.addi %mul3A_355, %add3A_357 : i32
        %le3A_359 = arith.cmpi sle, %add3A_358, %squeeze3A_4 : i32
        %and3A_360 = arith.andi %ge3A_356, %le3A_359 : i1
        %and3A_361 = arith.andi %ge3A_351, %and3A_360 : i1
        %and3A_362 = arith.andi %and3A_348, %and3A_361 : i1
        %convert_element_type3A_363 = arith.extui %and3A_362 : i1 to i32
        %cond3A_364 = arith.constant 0 : i32
        %cond3A_365 = arith.cmpi ne, %convert_element_type3A_363, %cond3A_364 : i32
        scf.if %cond3A_365 {
          %sub3A_386 = arith.constant 2 : i32
          %sub3A_387 = arith.subi %while3A_312, %sub3A_386 : i32
          %rem3A_388 = arith.constant 3 : i32
          %rem3A_389 = arith.remsi %sub3A_387, %rem3A_388 : i32
          %mul3A_390 = arith.constant 80 : i32
          %mul3A_391 = arith.muli %sub3A_387, %mul3A_390 : i32
          %dma_wait3A = arith.constant 0 : i32
          %dma_wait3A_392 = arith.constant 0 : i32
          %dma_wait3A_393 = tpu.memref_slice %arg6[%rem3A_389, %dma_wait3A, %dma_wait3A_392] : memref<3x80x128xf32, #tpu.memory_space<vmem>> -> memref<1x80x128xf32, #tpu.memory_space<vmem>>
          %dma_wait3A_394 = tpu.memref_squeeze %dma_wait3A_393 : memref<1x80x128xf32, #tpu.memory_space<vmem>> -> memref<80x128xf32, #tpu.memory_space<vmem>>
          %dma_wait3A_395 = arith.constant 0 : i32
          %dma_wait3A_396 = tpu.memref_slice %arg5[%mul3A_391, %dma_wait3A_395] : memref<320000x128xf32, #tpu.memory_space<hbm>> -> memref<80x128xf32, #tpu.memory_space<hbm>>
          %dma_wait3A_397 = tpu.memref_slice %arg14[%rem3A_389] : memref<3x!tpu.dma_semaphore, #tpu.memory_space<semaphore_mem>> -> memref<1x!tpu.dma_semaphore, #tpu.memory_space<semaphore_mem>>
          %dma_wait3A_398 = tpu.memref_squeeze %dma_wait3A_397 : memref<1x!tpu.dma_semaphore, #tpu.memory_space<semaphore_mem>> -> memref<!tpu.dma_semaphore, #tpu.memory_space<semaphore_mem>>
          %dma_wait3A_399 = arith.constant 0 : i32
          %dma_wait3A_400 = tpu.memref_slice %arg5[%mul3A_391, %dma_wait3A_399] : memref<320000x128xf32, #tpu.memory_space<hbm>> -> memref<80x128xf32, #tpu.memory_space<hbm>>
          %dma_wait3A_401 = arith.constant 0 : i32
          %dma_wait3A_402 = arith.constant 0 : i32
          %dma_wait3A_403 = tpu.memref_slice %arg6[%rem3A_389, %dma_wait3A_401, %dma_wait3A_402] : memref<3x80x128xf32, #tpu.memory_space<vmem>> -> memref<1x80x128xf32, #tpu.memory_space<vmem>>
          %dma_wait3A_404 = tpu.memref_squeeze %dma_wait3A_403 : memref<1x80x128xf32, #tpu.memory_space<vmem>> -> memref<80x128xf32, #tpu.memory_space<vmem>>
          tpu.wait_dma2 semaphore(%dma_wait3A_398 : memref<!tpu.dma_semaphore, #tpu.memory_space<semaphore_mem>>) src(%dma_wait3A_404 : memref<80x128xf32, #tpu.memory_space<vmem>>) dst(%dma_wait3A_400 : memref<80x128xf32, #tpu.memory_space<hbm>>)
        } else {
        }
        %convert_element_type3A_366 = arith.extui %and3A_348 : i1 to i32
        %cond3A_367 = arith.constant 0 : i32
        %cond3A_368 = arith.cmpi ne, %convert_element_type3A_366, %cond3A_367 : i32
        scf.if %cond3A_368 {
          %add3A_386 = arith.constant 1 : i32
          %add3A_387 = arith.addi %while3A_312, %add3A_386 : i32
          %rem3A_388 = arith.constant 3 : i32
          %rem3A_389 = arith.remsi %add3A_387, %rem3A_388 : i32
          %mul3A_390 = arith.constant 80 : i32
          %mul3A_391 = arith.muli %add3A_387, %mul3A_390 : i32
          %dma_start3A = arith.constant 0 : i32
          %dma_start3A_392 = arith.constant 0 : i32
          %dma_start3A_393 = tpu.memref_slice %arg6[%rem3A_389, %dma_start3A, %dma_start3A_392] : memref<3x80x128xf32, #tpu.memory_space<vmem>> -> memref<1x80x128xf32, #tpu.memory_space<vmem>>
          %dma_start3A_394 = tpu.memref_squeeze %dma_start3A_393 : memref<1x80x128xf32, #tpu.memory_space<vmem>> -> memref<80x128xf32, #tpu.memory_space<vmem>>
          %dma_start3A_395 = arith.constant 0 : i32
          %dma_start3A_396 = tpu.memref_slice %arg2[%mul3A_391, %dma_start3A_395] : memref<320000x128xf32, #tpu.memory_space<hbm>> -> memref<80x128xf32, #tpu.memory_space<hbm>>
          %dma_start3A_397 = tpu.memref_slice %arg12[%rem3A_389] : memref<3x!tpu.dma_semaphore, #tpu.memory_space<semaphore_mem>> -> memref<1x!tpu.dma_semaphore, #tpu.memory_space<semaphore_mem>>
          %dma_start3A_398 = tpu.memref_squeeze %dma_start3A_397 : memref<1x!tpu.dma_semaphore, #tpu.memory_space<semaphore_mem>> -> memref<!tpu.dma_semaphore, #tpu.memory_space<semaphore_mem>>
          %dma_start3A_399 = arith.constant 0 : i32
          %dma_start3A_400 = arith.constant 0 : i32
          %dma_start3A_401 = tpu.memref_slice %arg6[%rem3A_389, %dma_start3A_399, %dma_start3A_400] : memref<3x80x128xf32, #tpu.memory_space<vmem>> -> memref<1x80x128xf32, #tpu.memory_space<vmem>>
          %dma_start3A_402 = tpu.memref_squeeze %dma_start3A_401 : memref<1x80x128xf32, #tpu.memory_space<vmem>> -> memref<80x128xf32, #tpu.memory_space<vmem>>
          %dma_start3A_403 = arith.constant 0 : i32
          %dma_start3A_404 = tpu.memref_slice %arg2[%mul3A_391, %dma_start3A_403] : memref<320000x128xf32, #tpu.memory_space<hbm>> -> memref<80x128xf32, #tpu.memory_space<hbm>>
          tpu.enqueue_dma source(%dma_start3A_404 : memref<80x128xf32, #tpu.memory_space<hbm>>) target(%dma_start3A_402 : memref<80x128xf32, #tpu.memory_space<vmem>>) target_semaphore(%dma_start3A_398 : memref<!tpu.dma_semaphore, #tpu.memory_space<semaphore_mem>>)
        } else {
        }
        %rem3A_369 = arith.constant 3 : i32
        %rem3A_370 = arith.remsi %while3A_312, %rem3A_369 : i32
        %mul3A_371 = arith.constant 80 : i32
        %mul3A_372 = arith.muli %while3A_312, %mul3A_371 : i32
        %sub3A_373 = arith.subi %squeeze3A_176, %mul3A_372 : i32
        %max3A = arith.constant 0 : i32
        %max3A_374 = arith.maxsi %sub3A_373, %max3A : i32
        %sub3A_375 = arith.subi %squeeze3A_185, %mul3A_372 : i32
        %min3A = arith.constant 80 : i32
        %min3A_376 = arith.minsi %sub3A_375, %min3A : i32
        %while3A_377 = arith.constant 0 : i32
        %while3A_378 = arith.subi %min3A_376, %max3A_374 : i32
        %while3A_379 = arith.addi %max3A_374, %while3A_378 : i32
        %while3A_380 = arith.constant 1 : i32
        %while3A_381 = arith.divsi %while3A_378, %while3A_380 : i32
        %while3A_382 = arith.muli %while3A_381, %while3A_380 : i32
        %while3A_383 = arith.addi %max3A_374, %while3A_382 : i32
        %while3A_384 = arith.constant 1 : i32
        scf.for %while3A_386 = %max3A_374 to %while3A_383 step %while3A_384  : i32 {
          %get3A_387 = arith.index_cast %rem3A_370 : i32 to index
          %get3A_388 = arith.index_cast %while3A_386 : i32 to index
          %get3A_389 = arith.constant 0 : index
          %get3A_390 = tpu.vector_load %arg6[%get3A_387, %get3A_388, %get3A_389] {strides = array<i32>} : memref<3x80x128xf32, #tpu.memory_space<vmem>>, vector<1x1x16xf32>,
          %get3A_391 = vector.shape_cast %get3A_390 : vector<1x1x16xf32> to vector<16xf32>
          %get3A_392 = arith.index_cast %rem3A_370 : i32 to index
          %get3A_393 = arith.index_cast %while3A_386 : i32 to index
          %get3A_394 = arith.constant 16 : index
          %get3A_395 = tpu.vector_load %arg6[%get3A_392, %get3A_393, %get3A_394] {strides = array<i32>} : memref<3x80x128xf32, #tpu.memory_space<vmem>>, vector<1x1x16xf32>,
          %get3A_396 = vector.shape_cast %get3A_395 : vector<1x1x16xf32> to vector<16xf32>
          %get3A_397 = arith.index_cast %rem3A_370 : i32 to index
          %get3A_398 = arith.index_cast %while3A_386 : i32 to index
          %get3A_399 = arith.constant 32 : index
          %get3A_400 = tpu.vector_load %arg6[%get3A_397, %get3A_398, %get3A_399] {strides = array<i32>} : memref<3x80x128xf32, #tpu.memory_space<vmem>>, vector<1x1x16xf32>,
          %get3A_401 = vector.shape_cast %get3A_400 : vector<1x1x16xf32> to vector<16xf32>
          %get3A_402 = arith.index_cast %rem3A_370 : i32 to index
          %get3A_403 = arith.index_cast %while3A_386 : i32 to index
          %get3A_404 = arith.constant 48 : index
          %get3A_405 = tpu.vector_load %arg6[%get3A_402, %get3A_403, %get3A_404] {strides = array<i32>} : memref<3x80x128xf32, #tpu.memory_space<vmem>>, vector<1x1x16xf32>,
          %get3A_406 = vector.shape_cast %get3A_405 : vector<1x1x16xf32> to vector<16xf32>
          %get3A_407 = arith.index_cast %rem3A_370 : i32 to index
          %get3A_408 = arith.index_cast %while3A_386 : i32 to index
          %get3A_409 = arith.constant 64 : index
          %get3A_410 = tpu.vector_load %arg6[%get3A_407, %get3A_408, %get3A_409] {strides = array<i32>} : memref<3x80x128xf32, #tpu.memory_space<vmem>>, vector<1x1x16xf32>,
          %get3A_411 = vector.shape_cast %get3A_410 : vector<1x1x16xf32> to vector<16xf32>
          %get3A_412 = arith.index_cast %rem3A_370 : i32 to index
          %get3A_413 = arith.index_cast %while3A_386 : i32 to index
          %get3A_414 = arith.constant 80 : index
          %get3A_415 = tpu.vector_load %arg6[%get3A_412, %get3A_413, %get3A_414] {strides = array<i32>} : memref<3x80x128xf32, #tpu.memory_space<vmem>>, vector<1x1x16xf32>,
          %get3A_416 = vector.shape_cast %get3A_415 : vector<1x1x16xf32> to vector<16xf32>
          %get3A_417 = arith.index_cast %rem3A_370 : i32 to index
          %get3A_418 = arith.index_cast %while3A_386 : i32 to index
          %get3A_419 = arith.constant 96 : index
          %get3A_420 = tpu.vector_load %arg6[%get3A_417, %get3A_418, %get3A_419] {strides = array<i32>} : memref<3x80x128xf32, #tpu.memory_space<vmem>>, vector<1x1x16xf32>,
          %get3A_421 = vector.shape_cast %get3A_420 : vector<1x1x16xf32> to vector<16xf32>
          %get3A_422 = arith.index_cast %rem3A_370 : i32 to index
          %get3A_423 = arith.index_cast %while3A_386 : i32 to index
          %get3A_424 = arith.constant 112 : index
          %get3A_425 = tpu.vector_load %arg6[%get3A_422, %get3A_423, %get3A_424] {strides = array<i32>} : memref<3x80x128xf32, #tpu.memory_space<vmem>>, vector<1x1x16xf32>,
          %get3A_426 = vector.shape_cast %get3A_425 : vector<1x1x16xf32> to vector<16xf32>
          %sub3A_427 = arith.subf %get3A_391, %get3A_189 : vector<16xf32>
          %exp3A = math.exp %sub3A_427 : vector<16xf32>
          %add3A_428 = arith.constant 9.99999974E-6 : f32
          %add3A_429 = vector.broadcast %add3A_428 : f32 to vector<16xf32>
          %add3A_430 = arith.addf %exp3A, %add3A_429 : vector<16xf32>
          %mul3A_431 = arith.mulf %add3A_430, %get3A_221 : vector<16xf32>
          %swap3A_432 = arith.index_cast %rem3A_370 : i32 to index
          %swap3A_433 = arith.index_cast %while3A_386 : i32 to index
          %swap3A_434 = arith.constant 0 : index
          %swap3A_435 = tpu.vector_load %arg6[%swap3A_432, %swap3A_433, %swap3A_434] {strides = array<i32>} : memref<3x80x128xf32, #tpu.memory_space<vmem>>, vector<1x1x16xf32>,
          %swap3A_436 = vector.shape_cast %swap3A_435 : vector<1x1x16xf32> to vector<16xf32>
          %swap3A_437 = vector.shape_cast %mul3A_431 : vector<16xf32> to vector<1x1x16xf32>
          tpu.vector_store %arg6[%swap3A_432, %swap3A_433, %swap3A_434], %swap3A_437 {strides = array<i32>} : memref<3x80x128xf32, #tpu.memory_space<vmem>>, vector<1x1x16xf32>,
          %sub3A_438 = arith.subf %get3A_396, %get3A_193 : vector<16xf32>
          %exp3A_439 = math.exp %sub3A_438 : vector<16xf32>
          %add3A_440 = arith.constant 9.99999974E-6 : f32
          %add3A_441 = vector.broadcast %add3A_440 : f32 to vector<16xf32>
          %add3A_442 = arith.addf %exp3A_439, %add3A_441 : vector<16xf32>
          %mul3A_443 = arith.mulf %add3A_442, %get3A_225 : vector<16xf32>
          %swap3A_444 = arith.index_cast %rem3A_370 : i32 to index
          %swap3A_445 = arith.index_cast %while3A_386 : i32 to index
          %swap3A_446 = arith.constant 16 : index
          %swap3A_447 = tpu.vector_load %arg6[%swap3A_444, %swap3A_445, %swap3A_446] {strides = array<i32>} : memref<3x80x128xf32, #tpu.memory_space<vmem>>, vector<1x1x16xf32>,
          %swap3A_448 = vector.shape_cast %swap3A_447 : vector<1x1x16xf32> to vector<16xf32>
          %swap3A_449 = vector.shape_cast %mul3A_443 : vector<16xf32> to vector<1x1x16xf32>
          tpu.vector_store %arg6[%swap3A_444, %swap3A_445, %swap3A_446], %swap3A_449 {strides = array<i32>} : memref<3x80x128xf32, #tpu.memory_space<vmem>>, vector<1x1x16xf32>,
          %sub3A_450 = arith.subf %get3A_401, %get3A_197 : vector<16xf32>
          %exp3A_451 = math.exp %sub3A_450 : vector<16xf32>
          %add3A_452 = arith.constant 9.99999974E-6 : f32
          %add3A_453 = vector.broadcast %add3A_452 : f32 to vector<16xf32>
          %add3A_454 = arith.addf %exp3A_451, %add3A_453 : vector<16xf32>
          %mul3A_455 = arith.mulf %add3A_454, %get3A_229 : vector<16xf32>
          %swap3A_456 = arith.index_cast %rem3A_370 : i32 to index
          %swap3A_457 = arith.index_cast %while3A_386 : i32 to index
          %swap3A_458 = arith.constant 32 : index
          %swap3A_459 = tpu.vector_load %arg6[%swap3A_456, %swap3A_457, %swap3A_458] {strides = array<i32>} : memref<3x80x128xf32, #tpu.memory_space<vmem>>, vector<1x1x16xf32>,
          %swap3A_460 = vector.shape_cast %swap3A_459 : vector<1x1x16xf32> to vector<16xf32>
          %swap3A_461 = vector.shape_cast %mul3A_455 : vector<16xf32> to vector<1x1x16xf32>
          tpu.vector_store %arg6[%swap3A_456, %swap3A_457, %swap3A_458], %swap3A_461 {strides = array<i32>} : memref<3x80x128xf32, #tpu.memory_space<vmem>>, vector<1x1x16xf32>,
          %sub3A_462 = arith.subf %get3A_406, %get3A_201 : vector<16xf32>
          %exp3A_463 = math.exp %sub3A_462 : vector<16xf32>
          %add3A_464 = arith.constant 9.99999974E-6 : f32
          %add3A_465 = vector.broadcast %add3A_464 : f32 to vector<16xf32>
          %add3A_466 = arith.addf %exp3A_463, %add3A_465 : vector<16xf32>
          %mul3A_467 = arith.mulf %add3A_466, %get3A_233 : vector<16xf32>
          %swap3A_468 = arith.index_cast %rem3A_370 : i32 to index
          %swap3A_469 = arith.index_cast %while3A_386 : i32 to index
          %swap3A_470 = arith.constant 48 : index
          %swap3A_471 = tpu.vector_load %arg6[%swap3A_468, %swap3A_469, %swap3A_470] {strides = array<i32>} : memref<3x80x128xf32, #tpu.memory_space<vmem>>, vector<1x1x16xf32>,
          %swap3A_472 = vector.shape_cast %swap3A_471 : vector<1x1x16xf32> to vector<16xf32>
          %swap3A_473 = vector.shape_cast %mul3A_467 : vector<16xf32> to vector<1x1x16xf32>
          tpu.vector_store %arg6[%swap3A_468, %swap3A_469, %swap3A_470], %swap3A_473 {strides = array<i32>} : memref<3x80x128xf32, #tpu.memory_space<vmem>>, vector<1x1x16xf32>,
          %sub3A_474 = arith.subf %get3A_411, %get3A_205 : vector<16xf32>
          %exp3A_475 = math.exp %sub3A_474 : vector<16xf32>
          %add3A_476 = arith.constant 9.99999974E-6 : f32
          %add3A_477 = vector.broadcast %add3A_476 : f32 to vector<16xf32>
          %add3A_478 = arith.addf %exp3A_475, %add3A_477 : vector<16xf32>
          %mul3A_479 = arith.mulf %add3A_478, %get3A_237 : vector<16xf32>
          %swap3A_480 = arith.index_cast %rem3A_370 : i32 to index
          %swap3A_481 = arith.index_cast %while3A_386 : i32 to index
          %swap3A_482 = arith.constant 64 : index
          %swap3A_483 = tpu.vector_load %arg6[%swap3A_480, %swap3A_481, %swap3A_482] {strides = array<i32>} : memref<3x80x128xf32, #tpu.memory_space<vmem>>, vector<1x1x16xf32>,
          %swap3A_484 = vector.shape_cast %swap3A_483 : vector<1x1x16xf32> to vector<16xf32>
          %swap3A_485 = vector.shape_cast %mul3A_479 : vector<16xf32> to vector<1x1x16xf32>
          tpu.vector_store %arg6[%swap3A_480, %swap3A_481, %swap3A_482], %swap3A_485 {strides = array<i32>} : memref<3x80x128xf32, #tpu.memory_space<vmem>>, vector<1x1x16xf32>,
          %sub3A_486 = arith.subf %get3A_416, %get3A_209 : vector<16xf32>
          %exp3A_487 = math.exp %sub3A_486 : vector<16xf32>
          %add3A_488 = arith.constant 9.99999974E-6 : f32
          %add3A_489 = vector.broadcast %add3A_488 : f32 to vector<16xf32>
          %add3A_490 = arith.addf %exp3A_487, %add3A_489 : vector<16xf32>
          %mul3A_491 = arith.mulf %add3A_490, %get3A_241 : vector<16xf32>
          %swap3A_492 = arith.index_cast %rem3A_370 : i32 to index
          %swap3A_493 = arith.index_cast %while3A_386 : i32 to index
          %swap3A_494 = arith.constant 80 : index
          %swap3A_495 = tpu.vector_load %arg6[%swap3A_492, %swap3A_493, %swap3A_494] {strides = array<i32>} : memref<3x80x128xf32, #tpu.memory_space<vmem>>, vector<1x1x16xf32>,
          %swap3A_496 = vector.shape_cast %swap3A_495 : vector<1x1x16xf32> to vector<16xf32>
          %swap3A_497 = vector.shape_cast %mul3A_491 : vector<16xf32> to vector<1x1x16xf32>
          tpu.vector_store %arg6[%swap3A_492, %swap3A_493, %swap3A_494], %swap3A_497 {strides = array<i32>} : memref<3x80x128xf32, #tpu.memory_space<vmem>>, vector<1x1x16xf32>,
          %sub3A_498 = arith.subf %get3A_421, %get3A_213 : vector<16xf32>
          %exp3A_499 = math.exp %sub3A_498 : vector<16xf32>
          %add3A_500 = arith.constant 9.99999974E-6 : f32
          %add3A_501 = vector.broadcast %add3A_500 : f32 to vector<16xf32>
          %add3A_502 = arith.addf %exp3A_499, %add3A_501 : vector<16xf32>
          %mul3A_503 = arith.mulf %add3A_502, %get3A_245 : vector<16xf32>
          %swap3A_504 = arith.index_cast %rem3A_370 : i32 to index
          %swap3A_505 = arith.index_cast %while3A_386 : i32 to index
          %swap3A_506 = arith.constant 96 : index
          %swap3A_507 = tpu.vector_load %arg6[%swap3A_504, %swap3A_505, %swap3A_506] {strides = array<i32>} : memref<3x80x128xf32, #tpu.memory_space<vmem>>, vector<1x1x16xf32>,
          %swap3A_508 = vector.shape_cast %swap3A_507 : vector<1x1x16xf32> to vector<16xf32>
          %swap3A_509 = vector.shape_cast %mul3A_503 : vector<16xf32> to vector<1x1x16xf32>
          tpu.vector_store %arg6[%swap3A_504, %swap3A_505, %swap3A_506], %swap3A_509 {strides = array<i32>} : memref<3x80x128xf32, #tpu.memory_space<vmem>>, vector<1x1x16xf32>,
          %sub3A_510 = arith.subf %get3A_426, %get3A_217 : vector<16xf32>
          %exp3A_511 = math.exp %sub3A_510 : vector<16xf32>
          %add3A_512 = arith.constant 9.99999974E-6 : f32
          %add3A_513 = vector.broadcast %add3A_512 : f32 to vector<16xf32>
          %add3A_514 = arith.addf %exp3A_511, %add3A_513 : vector<16xf32>
          %mul3A_515 = arith.mulf %add3A_514, %get3A_249 : vector<16xf32>
          %swap3A_516 = arith.index_cast %rem3A_370 : i32 to index
          %swap3A_517 = arith.index_cast %while3A_386 : i32 to index
          %swap3A_518 = arith.constant 112 : index
          %swap3A_519 = tpu.vector_load %arg6[%swap3A_516, %swap3A_517, %swap3A_518] {strides = array<i32>} : memref<3x80x128xf32, #tpu.memory_space<vmem>>, vector<1x1x16xf32>,
          %swap3A_520 = vector.shape_cast %swap3A_519 : vector<1x1x16xf32> to vector<16xf32>
          %swap3A_521 = vector.shape_cast %mul3A_515 : vector<16xf32> to vector<1x1x16xf32>
          tpu.vector_store %arg6[%swap3A_516, %swap3A_517, %swap3A_518], %swap3A_521 {strides = array<i32>} : memref<3x80x128xf32, #tpu.memory_space<vmem>>, vector<1x1x16xf32>,
        }
        %while3A_385 = arith.constant 1 : i32
        scf.for %while3A_386 = %while3A_383 to %while3A_379 step %while3A_385  : i32 {
          %get3A_387 = arith.index_cast %rem3A_370 : i32 to index
          %get3A_388 = arith.index_cast %while3A_386 : i32 to index
          %get3A_389 = arith.constant 0 : index
          %get3A_390 = tpu.vector_load %arg6[%get3A_387, %get3A_388, %get3A_389] {strides = array<i32>} : memref<3x80x128xf32, #tpu.memory_space<vmem>>, vector<1x1x16xf32>,
          %get3A_391 = vector.shape_cast %get3A_390 : vector<1x1x16xf32> to vector<16xf32>
          %get3A_392 = arith.index_cast %rem3A_370 : i32 to index
          %get3A_393 = arith.index_cast %while3A_386 : i32 to index
          %get3A_394 = arith.constant 16 : index
          %get3A_395 = tpu.vector_load %arg6[%get3A_392, %get3A_393, %get3A_394] {strides = array<i32>} : memref<3x80x128xf32, #tpu.memory_space<vmem>>, vector<1x1x16xf32>,
          %get3A_396 = vector.shape_cast %get3A_395 : vector<1x1x16xf32> to vector<16xf32>
          %get3A_397 = arith.index_cast %rem3A_370 : i32 to index
          %get3A_398 = arith.index_cast %while3A_386 : i32 to index
          %get3A_399 = arith.constant 32 : index
          %get3A_400 = tpu.vector_load %arg6[%get3A_397, %get3A_398, %get3A_399] {strides = array<i32>} : memref<3x80x128xf32, #tpu.memory_space<vmem>>, vector<1x1x16xf32>,
          %get3A_401 = vector.shape_cast %get3A_400 : vector<1x1x16xf32> to vector<16xf32>
          %get3A_402 = arith.index_cast %rem3A_370 : i32 to index
          %get3A_403 = arith.index_cast %while3A_386 : i32 to index
          %get3A_404 = arith.constant 48 : index
          %get3A_405 = tpu.vector_load %arg6[%get3A_402, %get3A_403, %get3A_404] {strides = array<i32>} : memref<3x80x128xf32, #tpu.memory_space<vmem>>, vector<1x1x16xf32>,
          %get3A_406 = vector.shape_cast %get3A_405 : vector<1x1x16xf32> to vector<16xf32>
          %get3A_407 = arith.index_cast %rem3A_370 : i32 to index
          %get3A_408 = arith.index_cast %while3A_386 : i32 to index
          %get3A_409 = arith.constant 64 : index
          %get3A_410 = tpu.vector_load %arg6[%get3A_407, %get3A_408, %get3A_409] {strides = array<i32>} : memref<3x80x128xf32, #tpu.memory_space<vmem>>, vector<1x1x16xf32>,
          %get3A_411 = vector.shape_cast %get3A_410 : vector<1x1x16xf32> to vector<16xf32>
          %get3A_412 = arith.index_cast %rem3A_370 : i32 to index
          %get3A_413 = arith.index_cast %while3A_386 : i32 to index
          %get3A_414 = arith.constant 80 : index
          %get3A_415 = tpu.vector_load %arg6[%get3A_412, %get3A_413, %get3A_414] {strides = array<i32>} : memref<3x80x128xf32, #tpu.memory_space<vmem>>, vector<1x1x16xf32>,
          %get3A_416 = vector.shape_cast %get3A_415 : vector<1x1x16xf32> to vector<16xf32>
          %get3A_417 = arith.index_cast %rem3A_370 : i32 to index
          %get3A_418 = arith.index_cast %while3A_386 : i32 to index
          %get3A_419 = arith.constant 96 : index
          %get3A_420 = tpu.vector_load %arg6[%get3A_417, %get3A_418, %get3A_419] {strides = array<i32>} : memref<3x80x128xf32, #tpu.memory_space<vmem>>, vector<1x1x16xf32>,
          %get3A_421 = vector.shape_cast %get3A_420 : vector<1x1x16xf32> to vector<16xf32>
          %get3A_422 = arith.index_cast %rem3A_370 : i32 to index
          %get3A_423 = arith.index_cast %while3A_386 : i32 to index
          %get3A_424 = arith.constant 112 : index
          %get3A_425 = tpu.vector_load %arg6[%get3A_422, %get3A_423, %get3A_424] {strides = array<i32>} : memref<3x80x128xf32, #tpu.memory_space<vmem>>, vector<1x1x16xf32>,
          %get3A_426 = vector.shape_cast %get3A_425 : vector<1x1x16xf32> to vector<16xf32>
          %sub3A_427 = arith.subf %get3A_391, %get3A_189 : vector<16xf32>
          %exp3A = math.exp %sub3A_427 : vector<16xf32>
          %add3A_428 = arith.constant 9.99999974E-6 : f32
          %add3A_429 = vector.broadcast %add3A_428 : f32 to vector<16xf32>
          %add3A_430 = arith.addf %exp3A, %add3A_429 : vector<16xf32>
          %mul3A_431 = arith.mulf %add3A_430, %get3A_221 : vector<16xf32>
          %swap3A_432 = arith.index_cast %rem3A_370 : i32 to index
          %swap3A_433 = arith.index_cast %while3A_386 : i32 to index
          %swap3A_434 = arith.constant 0 : index
          %swap3A_435 = tpu.vector_load %arg6[%swap3A_432, %swap3A_433, %swap3A_434] {strides = array<i32>} : memref<3x80x128xf32, #tpu.memory_space<vmem>>, vector<1x1x16xf32>,
          %swap3A_436 = vector.shape_cast %swap3A_435 : vector<1x1x16xf32> to vector<16xf32>
          %swap3A_437 = vector.shape_cast %mul3A_431 : vector<16xf32> to vector<1x1x16xf32>
          tpu.vector_store %arg6[%swap3A_432, %swap3A_433, %swap3A_434], %swap3A_437 {strides = array<i32>} : memref<3x80x128xf32, #tpu.memory_space<vmem>>, vector<1x1x16xf32>,
          %sub3A_438 = arith.subf %get3A_396, %get3A_193 : vector<16xf32>
          %exp3A_439 = math.exp %sub3A_438 : vector<16xf32>
          %add3A_440 = arith.constant 9.99999974E-6 : f32
          %add3A_441 = vector.broadcast %add3A_440 : f32 to vector<16xf32>
          %add3A_442 = arith.addf %exp3A_439, %add3A_441 : vector<16xf32>
          %mul3A_443 = arith.mulf %add3A_442, %get3A_225 : vector<16xf32>
          %swap3A_444 = arith.index_cast %rem3A_370 : i32 to index
          %swap3A_445 = arith.index_cast %while3A_386 : i32 to index
          %swap3A_446 = arith.constant 16 : index
          %swap3A_447 = tpu.vector_load %arg6[%swap3A_444, %swap3A_445, %swap3A_446] {strides = array<i32>} : memref<3x80x128xf32, #tpu.memory_space<vmem>>, vector<1x1x16xf32>,
          %swap3A_448 = vector.shape_cast %swap3A_447 : vector<1x1x16xf32> to vector<16xf32>
          %swap3A_449 = vector.shape_cast %mul3A_443 : vector<16xf32> to vector<1x1x16xf32>
          tpu.vector_store %arg6[%swap3A_444, %swap3A_445, %swap3A_446], %swap3A_449 {strides = array<i32>} : memref<3x80x128xf32, #tpu.memory_space<vmem>>, vector<1x1x16xf32>,
          %sub3A_450 = arith.subf %get3A_401, %get3A_197 : vector<16xf32>
          %exp3A_451 = math.exp %sub3A_450 : vector<16xf32>
          %add3A_452 = arith.constant 9.99999974E-6 : f32
          %add3A_453 = vector.broadcast %add3A_452 : f32 to vector<16xf32>
          %add3A_454 = arith.addf %exp3A_451, %add3A_453 : vector<16xf32>
          %mul3A_455 = arith.mulf %add3A_454, %get3A_229 : vector<16xf32>
          %swap3A_456 = arith.index_cast %rem3A_370 : i32 to index
          %swap3A_457 = arith.index_cast %while3A_386 : i32 to index
          %swap3A_458 = arith.constant 32 : index
          %swap3A_459 = tpu.vector_load %arg6[%swap3A_456, %swap3A_457, %swap3A_458] {strides = array<i32>} : memref<3x80x128xf32, #tpu.memory_space<vmem>>, vector<1x1x16xf32>,
          %swap3A_460 = vector.shape_cast %swap3A_459 : vector<1x1x16xf32> to vector<16xf32>
          %swap3A_461 = vector.shape_cast %mul3A_455 : vector<16xf32> to vector<1x1x16xf32>
          tpu.vector_store %arg6[%swap3A_456, %swap3A_457, %swap3A_458], %swap3A_461 {strides = array<i32>} : memref<3x80x128xf32, #tpu.memory_space<vmem>>, vector<1x1x16xf32>,
          %sub3A_462 = arith.subf %get3A_406, %get3A_201 : vector<16xf32>
          %exp3A_463 = math.exp %sub3A_462 : vector<16xf32>
          %add3A_464 = arith.constant 9.99999974E-6 : f32
          %add3A_465 = vector.broadcast %add3A_464 : f32 to vector<16xf32>
          %add3A_466 = arith.addf %exp3A_463, %add3A_465 : vector<16xf32>
          %mul3A_467 = arith.mulf %add3A_466, %get3A_233 : vector<16xf32>
          %swap3A_468 = arith.index_cast %rem3A_370 : i32 to index
          %swap3A_469 = arith.index_cast %while3A_386 : i32 to index
          %swap3A_470 = arith.constant 48 : index
          %swap3A_471 = tpu.vector_load %arg6[%swap3A_468, %swap3A_469, %swap3A_470] {strides = array<i32>} : memref<3x80x128xf32, #tpu.memory_space<vmem>>, vector<1x1x16xf32>,
          %swap3A_472 = vector.shape_cast %swap3A_471 : vector<1x1x16xf32> to vector<16xf32>
          %swap3A_473 = vector.shape_cast %mul3A_467 : vector<16xf32> to vector<1x1x16xf32>
          tpu.vector_store %arg6[%swap3A_468, %swap3A_469, %swap3A_470], %swap3A_473 {strides = array<i32>} : memref<3x80x128xf32, #tpu.memory_space<vmem>>, vector<1x1x16xf32>,
          %sub3A_474 = arith.subf %get3A_411, %get3A_205 : vector<16xf32>
          %exp3A_475 = math.exp %sub3A_474 : vector<16xf32>
          %add3A_476 = arith.constant 9.99999974E-6 : f32
          %add3A_477 = vector.broadcast %add3A_476 : f32 to vector<16xf32>
          %add3A_478 = arith.addf %exp3A_475, %add3A_477 : vector<16xf32>
          %mul3A_479 = arith.mulf %add3A_478, %get3A_237 : vector<16xf32>
          %swap3A_480 = arith.index_cast %rem3A_370 : i32 to index
          %swap3A_481 = arith.index_cast %while3A_386 : i32 to index
          %swap3A_482 = arith.constant 64 : index
          %swap3A_483 = tpu.vector_load %arg6[%swap3A_480, %swap3A_481, %swap3A_482] {strides = array<i32>} : memref<3x80x128xf32, #tpu.memory_space<vmem>>, vector<1x1x16xf32>,
          %swap3A_484 = vector.shape_cast %swap3A_483 : vector<1x1x16xf32> to vector<16xf32>
          %swap3A_485 = vector.shape_cast %mul3A_479 : vector<16xf32> to vector<1x1x16xf32>
          tpu.vector_store %arg6[%swap3A_480, %swap3A_481, %swap3A_482], %swap3A_485 {strides = array<i32>} : memref<3x80x128xf32, #tpu.memory_space<vmem>>, vector<1x1x16xf32>,
          %sub3A_486 = arith.subf %get3A_416, %get3A_209 : vector<16xf32>
          %exp3A_487 = math.exp %sub3A_486 : vector<16xf32>
          %add3A_488 = arith.constant 9.99999974E-6 : f32
          %add3A_489 = vector.broadcast %add3A_488 : f32 to vector<16xf32>
          %add3A_490 = arith.addf %exp3A_487, %add3A_489 : vector<16xf32>
          %mul3A_491 = arith.mulf %add3A_490, %get3A_241 : vector<16xf32>
          %swap3A_492 = arith.index_cast %rem3A_370 : i32 to index
          %swap3A_493 = arith.index_cast %while3A_386 : i32 to index
          %swap3A_494 = arith.constant 80 : index
          %swap3A_495 = tpu.vector_load %arg6[%swap3A_492, %swap3A_493, %swap3A_494] {strides = array<i32>} : memref<3x80x128xf32, #tpu.memory_space<vmem>>, vector<1x1x16xf32>,
          %swap3A_496 = vector.shape_cast %swap3A_495 : vector<1x1x16xf32> to vector<16xf32>
          %swap3A_497 = vector.shape_cast %mul3A_491 : vector<16xf32> to vector<1x1x16xf32>
          tpu.vector_store %arg6[%swap3A_492, %swap3A_493, %swap3A_494], %swap3A_497 {strides = array<i32>} : memref<3x80x128xf32, #tpu.memory_space<vmem>>, vector<1x1x16xf32>,
          %sub3A_498 = arith.subf %get3A_421, %get3A_213 : vector<16xf32>
          %exp3A_499 = math.exp %sub3A_498 : vector<16xf32>
          %add3A_500 = arith.constant 9.99999974E-6 : f32
          %add3A_501 = vector.broadcast %add3A_500 : f32 to vector<16xf32>
          %add3A_502 = arith.addf %exp3A_499, %add3A_501 : vector<16xf32>
          %mul3A_503 = arith.mulf %add3A_502, %get3A_245 : vector<16xf32>
          %swap3A_504 = arith.index_cast %rem3A_370 : i32 to index
          %swap3A_505 = arith.index_cast %while3A_386 : i32 to index
          %swap3A_506 = arith.constant 96 : index
          %swap3A_507 = tpu.vector_load %arg6[%swap3A_504, %swap3A_505, %swap3A_506] {strides = array<i32>} : memref<3x80x128xf32, #tpu.memory_space<vmem>>, vector<1x1x16xf32>,
          %swap3A_508 = vector.shape_cast %swap3A_507 : vector<1x1x16xf32> to vector<16xf32>
          %swap3A_509 = vector.shape_cast %mul3A_503 : vector<16xf32> to vector<1x1x16xf32>
          tpu.vector_store %arg6[%swap3A_504, %swap3A_505, %swap3A_506], %swap3A_509 {strides = array<i32>} : memref<3x80x128xf32, #tpu.memory_space<vmem>>, vector<1x1x16xf32>,
          %sub3A_510 = arith.subf %get3A_426, %get3A_217 : vector<16xf32>
          %exp3A_511 = math.exp %sub3A_510 : vector<16xf32>
          %add3A_512 = arith.constant 9.99999974E-6 : f32
          %add3A_513 = vector.broadcast %add3A_512 : f32 to vector<16xf32>
          %add3A_514 = arith.addf %exp3A_511, %add3A_513 : vector<16xf32>
          %mul3A_515 = arith.mulf %add3A_514, %get3A_249 : vector<16xf32>
          %swap3A_516 = arith.index_cast %rem3A_370 : i32 to index
          %swap3A_517 = arith.index_cast %while3A_386 : i32 to index
          %swap3A_518 = arith.constant 112 : index
          %swap3A_519 = tpu.vector_load %arg6[%swap3A_516, %swap3A_517, %swap3A_518] {strides = array<i32>} : memref<3x80x128xf32, #tpu.memory_space<vmem>>, vector<1x1x16xf32>,
          %swap3A_520 = vector.shape_cast %swap3A_519 : vector<1x1x16xf32> to vector<16xf32>
          %swap3A_521 = vector.shape_cast %mul3A_515 : vector<16xf32> to vector<1x1x16xf32>
          tpu.vector_store %arg6[%swap3A_516, %swap3A_517, %swap3A_518], %swap3A_521 {strides = array<i32>} : memref<3x80x128xf32, #tpu.memory_space<vmem>>, vector<1x1x16xf32>,
        }
        scf.yield %while3A_312 : i32
      }
      scf.yield %while3A_311 : i32
    }
    %while3A_107 = arith.constant 1 : i32
    %while3A_108 = scf.for %while3A_168 = %while3A_104 to %while3A_100 step %while3A_107 iter_args(%while3A_169 = %while3A_106) -> (i32)  : i32 {
      %mul3A_170 = arith.constant 16 : i32
      %mul3A_171 = arith.muli %while3A_168, %mul3A_170 : i32
      %get3A_172 = arith.index_cast %mul3A_171 : i32 to index
      %get3A_173 = tpu.vector_load %arg10[%get3A_172] {strides = array<i32>} : memref<5056xi32, #tpu.memory_space<vmem>>, vector<16xi32>,
      %get3A_174 = vector.shape_cast %get3A_173 : vector<16xi32> to vector<16xi32>
      %slice3A_175 = vector.extract_strided_slice %get3A_174 {offsets = [0], sizes = [1], strides = [1]} : vector<16xi32> to vector<1xi32>
      %squeeze3A_176 = vector.extract %slice3A_175[0] : i32 from vector<1xi32>
      %add3A_177 = arith.constant 1 : i32
      %add3A_178 = arith.addi %while3A_168, %add3A_177 : i32
      %mul3A_179 = arith.constant 16 : i32
      %mul3A_180 = arith.muli %add3A_178, %mul3A_179 : i32
      %get3A_181 = arith.index_cast %mul3A_180 : i32 to index
      %get3A_182 = tpu.vector_load %arg10[%get3A_181] {strides = array<i32>} : memref<5056xi32, #tpu.memory_space<vmem>>, vector<16xi32>,
      %get3A_183 = vector.shape_cast %get3A_182 : vector<16xi32> to vector<16xi32>
      %slice3A_184 = vector.extract_strided_slice %get3A_183 {offsets = [0], sizes = [1], strides = [1]} : vector<16xi32> to vector<1xi32>
      %squeeze3A_185 = vector.extract %slice3A_184[0] : i32 from vector<1xi32>
      %get3A_186 = arith.index_cast %while3A_168 : i32 to index
      %get3A_187 = arith.constant 0 : index
      %get3A_188 = tpu.vector_load %arg8[%get3A_186, %get3A_187] {strides = array<i32>} : memref<315x128xf32, #tpu.memory_space<vmem>>, vector<1x16xf32>,
      %get3A_189 = vector.shape_cast %get3A_188 : vector<1x16xf32> to vector<16xf32>
      %get3A_190 = arith.index_cast %while3A_168 : i32 to index
      %get3A_191 = arith.constant 16 : index
      %get3A_192 = tpu.vector_load %arg8[%get3A_190, %get3A_191] {strides = array<i32>} : memref<315x128xf32, #tpu.memory_space<vmem>>, vector<1x16xf32>,
      %get3A_193 = vector.shape_cast %get3A_192 : vector<1x16xf32> to vector<16xf32>
      %get3A_194 = arith.index_cast %while3A_168 : i32 to index
      %get3A_195 = arith.constant 32 : index
      %get3A_196 = tpu.vector_load %arg8[%get3A_194, %get3A_195] {strides = array<i32>} : memref<315x128xf32, #tpu.memory_space<vmem>>, vector<1x16xf32>,
      %get3A_197 = vector.shape_cast %get3A_196 : vector<1x16xf32> to vector<16xf32>
      %get3A_198 = arith.index_cast %while3A_168 : i32 to index
      %get3A_199 = arith.constant 48 : index
      %get3A_200 = tpu.vector_load %arg8[%get3A_198, %get3A_199] {strides = array<i32>} : memref<315x128xf32, #tpu.memory_space<vmem>>, vector<1x16xf32>,
      %get3A_201 = vector.shape_cast %get3A_200 : vector<1x16xf32> to vector<16xf32>
      %get3A_202 = arith.index_cast %while3A_168 : i32 to index
      %get3A_203 = arith.constant 64 : index
      %get3A_204 = tpu.vector_load %arg8[%get3A_202, %get3A_203] {strides = array<i32>} : memref<315x128xf32, #tpu.memory_space<vmem>>, vector<1x16xf32>,
      %get3A_205 = vector.shape_cast %get3A_204 : vector<1x16xf32> to vector<16xf32>
      %get3A_206 = arith.index_cast %while3A_168 : i32 to index
      %get3A_207 = arith.constant 80 : index
      %get3A_208 = tpu.vector_load %arg8[%get3A_206, %get3A_207] {strides = array<i32>} : memref<315x128xf32, #tpu.memory_space<vmem>>, vector<1x16xf32>,
      %get3A_209 = vector.shape_cast %get3A_208 : vector<1x16xf32> to vector<16xf32>
      %get3A_210 = arith.index_cast %while3A_168 : i32 to index
      %get3A_211 = arith.constant 96 : index
      %get3A_212 = tpu.vector_load %arg8[%get3A_210, %get3A_211] {strides = array<i32>} : memref<315x128xf32, #tpu.memory_space<vmem>>, vector<1x16xf32>,
      %get3A_213 = vector.shape_cast %get3A_212 : vector<1x16xf32> to vector<16xf32>
      %get3A_214 = arith.index_cast %while3A_168 : i32 to index
      %get3A_215 = arith.constant 112 : index
      %get3A_216 = tpu.vector_load %arg8[%get3A_214, %get3A_215] {strides = array<i32>} : memref<315x128xf32, #tpu.memory_space<vmem>>, vector<1x16xf32>,
      %get3A_217 = vector.shape_cast %get3A_216 : vector<1x16xf32> to vector<16xf32>
      %get3A_218 = arith.index_cast %while3A_168 : i32 to index
      %get3A_219 = arith.constant 0 : index
      %get3A_220 = tpu.vector_load %arg9[%get3A_218, %get3A_219] {strides = array<i32>} : memref<315x128xf32, #tpu.memory_space<vmem>>, vector<1x16xf32>,
      %get3A_221 = vector.shape_cast %get3A_220 : vector<1x16xf32> to vector<16xf32>
      %get3A_222 = arith.index_cast %while3A_168 : i32 to index
      %get3A_223 = arith.constant 16 : index
      %get3A_224 = tpu.vector_load %arg9[%get3A_222, %get3A_223] {strides = array<i32>} : memref<315x128xf32, #tpu.memory_space<vmem>>, vector<1x16xf32>,
      %get3A_225 = vector.shape_cast %get3A_224 : vector<1x16xf32> to vector<16xf32>
      %get3A_226 = arith.index_cast %while3A_168 : i32 to index
      %get3A_227 = arith.constant 32 : index
      %get3A_228 = tpu.vector_load %arg9[%get3A_226, %get3A_227] {strides = array<i32>} : memref<315x128xf32, #tpu.memory_space<vmem>>, vector<1x16xf32>,
      %get3A_229 = vector.shape_cast %get3A_228 : vector<1x16xf32> to vector<16xf32>
      %get3A_230 = arith.index_cast %while3A_168 : i32 to index
      %get3A_231 = arith.constant 48 : index
      %get3A_232 = tpu.vector_load %arg9[%get3A_230, %get3A_231] {strides = array<i32>} : memref<315x128xf32, #tpu.memory_space<vmem>>, vector<1x16xf32>,
      %get3A_233 = vector.shape_cast %get3A_232 : vector<1x16xf32> to vector<16xf32>
      %get3A_234 = arith.index_cast %while3A_168 : i32 to index
      %get3A_235 = arith.constant 64 : index
      %get3A_236 = tpu.vector_load %arg9[%get3A_234, %get3A_235] {strides = array<i32>} : memref<315x128xf32, #tpu.memory_space<vmem>>, vector<1x16xf32>,
      %get3A_237 = vector.shape_cast %get3A_236 : vector<1x16xf32> to vector<16xf32>
      %get3A_238 = arith.index_cast %while3A_168 : i32 to index
      %get3A_239 = arith.constant 80 : index
      %get3A_240 = tpu.vector_load %arg9[%get3A_238, %get3A_239] {strides = array<i32>} : memref<315x128xf32, #tpu.memory_space<vmem>>, vector<1x16xf32>,
      %get3A_241 = vector.shape_cast %get3A_240 : vector<1x16xf32> to vector<16xf32>
      %get3A_242 = arith.index_cast %while3A_168 : i32 to index
      %get3A_243 = arith.constant 96 : index
      %get3A_244 = tpu.vector_load %arg9[%get3A_242, %get3A_243] {strides = array<i32>} : memref<315x128xf32, #tpu.memory_space<vmem>>, vector<1x16xf32>,
      %get3A_245 = vector.shape_cast %get3A_244 : vector<1x16xf32> to vector<16xf32>
      %get3A_246 = arith.index_cast %while3A_168 : i32 to index
      %get3A_247 = arith.constant 112 : index
      %get3A_248 = tpu.vector_load %arg9[%get3A_246, %get3A_247] {strides = array<i32>} : memref<315x128xf32, #tpu.memory_space<vmem>>, vector<1x16xf32>,
      %get3A_249 = vector.shape_cast %get3A_248 : vector<1x16xf32> to vector<16xf32>
      %jit3A_250 = arith.constant 80 : i32
      %div3A_251 = arith.divsi %squeeze3A_176, %jit3A_250 : i32
      %sign3A_252 = arith.constant 0 : i32
      %sign3A_253 = arith.cmpi sgt, %squeeze3A_176, %sign3A_252 : i32
      %sign3A_254 = arith.extui %sign3A_253 : i1 to i32
      %sign3A_255 = arith.constant 0 : i32
      %sign3A_256 = arith.cmpi slt, %squeeze3A_176, %sign3A_255 : i32
      %sign3A_257 = arith.extui %sign3A_256 : i1 to i32
      %sign3A_258 = arith.subi %sign3A_254, %sign3A_257 : i32
      %sign3A_259 = arith.constant 0 : i32
      %sign3A_260 = arith.cmpi sgt, %jit3A_250, %sign3A_259 : i32
      %sign3A_261 = arith.extui %sign3A_260 : i1 to i32
      %sign3A_262 = arith.constant 0 : i32
      %sign3A_263 = arith.cmpi slt, %jit3A_250, %sign3A_262 : i32
      %sign3A_264 = arith.extui %sign3A_263 : i1 to i32
      %sign3A_265 = arith.subi %sign3A_261, %sign3A_264 : i32
      %ne3A_266 = arith.cmpi ne, %sign3A_258, %sign3A_265 : i32
      %rem3A_267 = arith.remsi %squeeze3A_176, %jit3A_250 : i32
      %ne3A_268 = arith.constant 0 : i32
      %ne3A_269 = arith.cmpi ne, %rem3A_267, %ne3A_268 : i32
      %and3A_270 = arith.andi %ne3A_266, %ne3A_269 : i1
      %sub3A_271 = arith.constant 1 : i32
      %sub3A_272 = arith.subi %div3A_251, %sub3A_271 : i32
      %select_n3A_273 = arith.select %and3A_270, %sub3A_272, %div3A_251 : i32
      %add3A_274 = arith.constant 80 : i32
      %add3A_275 = arith.addi %squeeze3A_185, %add3A_274 : i32
      %sub3A_276 = arith.constant 1 : i32
      %sub3A_277 = arith.subi %add3A_275, %sub3A_276 : i32
      %jit3A_278 = arith.constant 80 : i32
      %div3A_279 = arith.divsi %sub3A_277, %jit3A_278 : i32
      %sign3A_280 = arith.constant 0 : i32
      %sign3A_281 = arith.cmpi sgt, %sub3A_277, %sign3A_280 : i32
      %sign3A_282 = arith.extui %sign3A_281 : i1 to i32
      %sign3A_283 = arith.constant 0 : i32
      %sign3A_284 = arith.cmpi slt, %sub3A_277, %sign3A_283 : i32
      %sign3A_285 = arith.extui %sign3A_284 : i1 to i32
      %sign3A_286 = arith.subi %sign3A_282, %sign3A_285 : i32
      %sign3A_287 = arith.constant 0 : i32
      %sign3A_288 = arith.cmpi sgt, %jit3A_278, %sign3A_287 : i32
      %sign3A_289 = arith.extui %sign3A_288 : i1 to i32
      %sign3A_290 = arith.constant 0 : i32
      %sign3A_291 = arith.cmpi slt, %jit3A_278, %sign3A_290 : i32
      %sign3A_292 = arith.extui %sign3A_291 : i1 to i32
      %sign3A_293 = arith.subi %sign3A_289, %sign3A_292 : i32
      %ne3A_294 = arith.cmpi ne, %sign3A_286, %sign3A_293 : i32
      %rem3A_295 = arith.remsi %sub3A_277, %jit3A_278 : i32
      %ne3A_296 = arith.constant 0 : i32
      %ne3A_297 = arith.cmpi ne, %rem3A_295, %ne3A_296 : i32
      %and3A_298 = arith.andi %ne3A_294, %ne3A_297 : i1
      %sub3A_299 = arith.constant 1 : i32
      %sub3A_300 = arith.subi %div3A_279, %sub3A_299 : i32
      %select_n3A_301 = arith.select %and3A_298, %sub3A_300, %div3A_279 : i32
      %while3A_302 = arith.subi %select_n3A_301, %select_n3A_273 : i32
      %while3A_303 = arith.addi %select_n3A_273, %while3A_302 : i32
      %while3A_304 = arith.constant 1 : i32
      %while3A_305 = arith.divsi %while3A_302, %while3A_304 : i32
      %while3A_306 = arith.muli %while3A_305, %while3A_304 : i32
      %while3A_307 = arith.addi %select_n3A_273, %while3A_306 : i32
      %while3A_308 = arith.constant 1 : i32
      %while3A_309 = scf.for %while3A_312 = %select_n3A_273 to %while3A_307 step %while3A_308 iter_args(%while3A_313 = %while3A_169) -> (i32)  : i32 {
        %ne3A_314 = arith.cmpi ne, %while3A_312, %while3A_313 : i32
        %ge3A_315 = arith.constant 0 : i32
        %ge3A_316 = arith.cmpi sge, %while3A_313, %ge3A_315 : i32
        %and3A_317 = arith.andi %ne3A_314, %ge3A_316 : i1
        %mul3A_318 = arith.constant 80 : i32
        %mul3A_319 = arith.muli %while3A_313, %mul3A_318 : i32
        %ge3A_320 = arith.cmpi sge, %mul3A_319, %squeeze3A : i32
        %add3A_321 = arith.constant 80 : i32
        %add3A_322 = arith.addi %mul3A_319, %add3A_321 : i32
        %le3A_323 = arith.cmpi sle, %add3A_322, %squeeze3A_4 : i32
        %and3A_324 = arith.andi %ge3A_320, %le3A_323 : i1
        %and3A_325 = arith.andi %and3A_317, %and3A_324 : i1
        %convert_element_type3A_326 = arith.extui %and3A_325 : i1 to i32
        %cond3A_327 = arith.constant 0 : i32
        %cond3A_328 = arith.cmpi ne, %convert_element_type3A_326, %cond3A_327 : i32
        scf.if %cond3A_328 {
          %rem3A_386 = arith.constant 3 : i32
          %rem3A_387 = arith.remsi %while3A_313, %rem3A_386 : i32
          %mul3A_388 = arith.constant 80 : i32
          %mul3A_389 = arith.muli %while3A_313, %mul3A_388 : i32
          %dma_start3A = arith.constant 0 : i32
          %dma_start3A_390 = arith.constant 0 : i32
          %dma_start3A_391 = tpu.memref_slice %arg6[%rem3A_387, %dma_start3A, %dma_start3A_390] : memref<3x80x128xf32, #tpu.memory_space<vmem>> -> memref<1x80x128xf32, #tpu.memory_space<vmem>>
          %dma_start3A_392 = tpu.memref_squeeze %dma_start3A_391 : memref<1x80x128xf32, #tpu.memory_space<vmem>> -> memref<80x128xf32, #tpu.memory_space<vmem>>
          %dma_start3A_393 = arith.constant 0 : i32
          %dma_start3A_394 = tpu.memref_slice %arg5[%mul3A_389, %dma_start3A_393] : memref<320000x128xf32, #tpu.memory_space<hbm>> -> memref<80x128xf32, #tpu.memory_space<hbm>>
          %dma_start3A_395 = tpu.memref_slice %arg14[%rem3A_387] : memref<3x!tpu.dma_semaphore, #tpu.memory_space<semaphore_mem>> -> memref<1x!tpu.dma_semaphore, #tpu.memory_space<semaphore_mem>>
          %dma_start3A_396 = tpu.memref_squeeze %dma_start3A_395 : memref<1x!tpu.dma_semaphore, #tpu.memory_space<semaphore_mem>> -> memref<!tpu.dma_semaphore, #tpu.memory_space<semaphore_mem>>
          %dma_start3A_397 = arith.constant 0 : i32
          %dma_start3A_398 = tpu.memref_slice %arg5[%mul3A_389, %dma_start3A_397] : memref<320000x128xf32, #tpu.memory_space<hbm>> -> memref<80x128xf32, #tpu.memory_space<hbm>>
          %dma_start3A_399 = arith.constant 0 : i32
          %dma_start3A_400 = arith.constant 0 : i32
          %dma_start3A_401 = tpu.memref_slice %arg6[%rem3A_387, %dma_start3A_399, %dma_start3A_400] : memref<3x80x128xf32, #tpu.memory_space<vmem>> -> memref<1x80x128xf32, #tpu.memory_space<vmem>>
          %dma_start3A_402 = tpu.memref_squeeze %dma_start3A_401 : memref<1x80x128xf32, #tpu.memory_space<vmem>> -> memref<80x128xf32, #tpu.memory_space<vmem>>
          tpu.enqueue_dma source(%dma_start3A_402 : memref<80x128xf32, #tpu.memory_space<vmem>>) target(%dma_start3A_398 : memref<80x128xf32, #tpu.memory_space<hbm>>) target_semaphore(%dma_start3A_396 : memref<!tpu.dma_semaphore, #tpu.memory_space<semaphore_mem>>)
        } else {
        }
        %mul3A_329 = arith.constant 80 : i32
        %mul3A_330 = arith.muli %while3A_313, %mul3A_329 : i32
        %ge3A_331 = arith.cmpi sge, %mul3A_330, %squeeze3A : i32
        %add3A_332 = arith.constant 80 : i32
        %add3A_333 = arith.addi %mul3A_330, %add3A_332 : i32
        %le3A_334 = arith.cmpi sle, %add3A_333, %squeeze3A_4 : i32
        %and3A_335 = arith.andi %ge3A_331, %le3A_334 : i1
        %not3A_336 = arith.constant true
        %not3A_337 = arith.xori %and3A_335, %not3A_336 : i1
        %and3A_338 = arith.andi %and3A_317, %not3A_337 : i1
        %convert_element_type3A_339 = arith.extui %and3A_338 : i1 to i32
        %cond3A_340 = arith.constant 0 : i32
        %cond3A_341 = arith.cmpi ne, %convert_element_type3A_339, %cond3A_340 : i32
        scf.if %cond3A_341 {
          %mul3A_386 = arith.constant 80 : i32
          %mul3A_387 = arith.muli %while3A_313, %mul3A_386 : i32
          %rem3A_388 = arith.constant 3 : i32
          %rem3A_389 = arith.remsi %while3A_313, %rem3A_388 : i32
          %sub3A_390 = arith.subi %squeeze3A, %mul3A_387 : i32
          %max3A_391 = arith.constant 0 : i32
          %max3A_392 = arith.maxsi %sub3A_390, %max3A_391 : i32
          %sub3A_393 = arith.subi %squeeze3A_4, %mul3A_387 : i32
          %min3A_394 = arith.constant 80 : i32
          %min3A_395 = arith.minsi %sub3A_393, %min3A_394 : i32
          %max3A_396 = arith.maxsi %min3A_395, %max3A_392 : i32
          %while3A_397 = arith.constant 0 : i32
          %while3A_398 = arith.subi %max3A_396, %max3A_392 : i32
          %while3A_399 = arith.addi %max3A_392, %while3A_398 : i32
          %while3A_400 = arith.constant 1 : i32
          %while3A_401 = arith.divsi %while3A_398, %while3A_400 : i32
          %while3A_402 = arith.muli %while3A_401, %while3A_400 : i32
          %while3A_403 = arith.addi %max3A_392, %while3A_402 : i32
          %while3A_404 = arith.constant 1 : i32
          %while3A_405 = scf.for %while3A_408 = %max3A_392 to %while3A_403 step %while3A_404 iter_args(%while3A_409 = %while3A_397) -> (i32)  : i32 {
            %add3A_410 = arith.addi %mul3A_387, %while3A_408 : i32
            "tpu.region"() ({
              %run_scoped3A = tpu.sem_alloc : memref<!tpu.dma_semaphore, #tpu.memory_space<semaphore_mem>>
              %dma_start3A = arith.constant 0 : i32
              %dma_start3A_412 = tpu.memref_slice %arg6[%rem3A_389, %while3A_408, %dma_start3A] : memref<3x80x128xf32, #tpu.memory_space<vmem>> -> memref<1x1x128xf32, #tpu.memory_space<vmem>>
              %dma_start3A_413 = tpu.memref_squeeze %dma_start3A_412 : memref<1x1x128xf32, #tpu.memory_space<vmem>> -> memref<1x128xf32, #tpu.memory_space<vmem>>
              %dma_start3A_414 = arith.constant 0 : i32
              %dma_start3A_415 = tpu.memref_slice %arg5[%add3A_410, %dma_start3A_414] : memref<320000x128xf32, #tpu.memory_space<hbm>> -> memref<1x128xf32, #tpu.memory_space<hbm>>
              %dma_start3A_416 = arith.constant 0 : i32
              %dma_start3A_417 = tpu.memref_slice %arg5[%add3A_410, %dma_start3A_416] : memref<320000x128xf32, #tpu.memory_space<hbm>> -> memref<1x128xf32, #tpu.memory_space<hbm>>
              %dma_start3A_418 = arith.constant 0 : i32
              %dma_start3A_419 = tpu.memref_slice %arg6[%rem3A_389, %while3A_408, %dma_start3A_418] : memref<3x80x128xf32, #tpu.memory_space<vmem>> -> memref<1x1x128xf32, #tpu.memory_space<vmem>>
              %dma_start3A_420 = tpu.memref_squeeze %dma_start3A_419 : memref<1x1x128xf32, #tpu.memory_space<vmem>> -> memref<1x128xf32, #tpu.memory_space<vmem>>
              tpu.enqueue_dma source(%dma_start3A_420 : memref<1x128xf32, #tpu.memory_space<vmem>>) target(%dma_start3A_417 : memref<1x128xf32, #tpu.memory_space<hbm>>) target_semaphore(%run_scoped3A : memref<!tpu.dma_semaphore, #tpu.memory_space<semaphore_mem>>)
              %dma_wait3A = arith.constant 0 : i32
              %dma_wait3A_421 = tpu.memref_slice %arg6[%rem3A_389, %while3A_408, %dma_wait3A] : memref<3x80x128xf32, #tpu.memory_space<vmem>> -> memref<1x1x128xf32, #tpu.memory_space<vmem>>
              %dma_wait3A_422 = tpu.memref_squeeze %dma_wait3A_421 : memref<1x1x128xf32, #tpu.memory_space<vmem>> -> memref<1x128xf32, #tpu.memory_space<vmem>>
              %dma_wait3A_423 = arith.constant 0 : i32
              %dma_wait3A_424 = tpu.memref_slice %arg5[%add3A_410, %dma_wait3A_423] : memref<320000x128xf32, #tpu.memory_space<hbm>> -> memref<1x128xf32, #tpu.memory_space<hbm>>
              %dma_wait3A_425 = arith.constant 0 : i32
              %dma_wait3A_426 = tpu.memref_slice %arg5[%add3A_410, %dma_wait3A_425] : memref<320000x128xf32, #tpu.memory_space<hbm>> -> memref<1x128xf32, #tpu.memory_space<hbm>>
              %dma_wait3A_427 = arith.constant 0 : i32
              %dma_wait3A_428 = tpu.memref_slice %arg6[%rem3A_389, %while3A_408, %dma_wait3A_427] : memref<3x80x128xf32, #tpu.memory_space<vmem>> -> memref<1x1x128xf32, #tpu.memory_space<vmem>>
              %dma_wait3A_429 = tpu.memref_squeeze %dma_wait3A_428 : memref<1x1x128xf32, #tpu.memory_space<vmem>> -> memref<1x128xf32, #tpu.memory_space<vmem>>
              tpu.wait_dma2 semaphore(%run_scoped3A : memref<!tpu.dma_semaphore, #tpu.memory_space<semaphore_mem>>) src(%dma_wait3A_429 : memref<1x128xf32, #tpu.memory_space<vmem>>) dst(%dma_wait3A_426 : memref<1x128xf32, #tpu.memory_space<hbm>>)
              tpu.yield
            }) : () -> ()
            %while3A_411 = arith.constant 0 : i32
            scf.yield %while3A_411 : i32
          }
          %while3A_406 = arith.constant 1 : i32
          %while3A_407 = scf.for %while3A_408 = %while3A_403 to %while3A_399 step %while3A_406 iter_args(%while3A_409 = %while3A_405) -> (i32)  : i32 {
            %add3A_410 = arith.addi %mul3A_387, %while3A_408 : i32
            "tpu.region"() ({
              %run_scoped3A = tpu.sem_alloc : memref<!tpu.dma_semaphore, #tpu.memory_space<semaphore_mem>>
              %dma_start3A = arith.constant 0 : i32
              %dma_start3A_412 = tpu.memref_slice %arg6[%rem3A_389, %while3A_408, %dma_start3A] : memref<3x80x128xf32, #tpu.memory_space<vmem>> -> memref<1x1x128xf32, #tpu.memory_space<vmem>>
              %dma_start3A_413 = tpu.memref_squeeze %dma_start3A_412 : memref<1x1x128xf32, #tpu.memory_space<vmem>> -> memref<1x128xf32, #tpu.memory_space<vmem>>
              %dma_start3A_414 = arith.constant 0 : i32
              %dma_start3A_415 = tpu.memref_slice %arg5[%add3A_410, %dma_start3A_414] : memref<320000x128xf32, #tpu.memory_space<hbm>> -> memref<1x128xf32, #tpu.memory_space<hbm>>
              %dma_start3A_416 = arith.constant 0 : i32
              %dma_start3A_417 = tpu.memref_slice %arg5[%add3A_410, %dma_start3A_416] : memref<320000x128xf32, #tpu.memory_space<hbm>> -> memref<1x128xf32, #tpu.memory_space<hbm>>
              %dma_start3A_418 = arith.constant 0 : i32
              %dma_start3A_419 = tpu.memref_slice %arg6[%rem3A_389, %while3A_408, %dma_start3A_418] : memref<3x80x128xf32, #tpu.memory_space<vmem>> -> memref<1x1x128xf32, #tpu.memory_space<vmem>>
              %dma_start3A_420 = tpu.memref_squeeze %dma_start3A_419 : memref<1x1x128xf32, #tpu.memory_space<vmem>> -> memref<1x128xf32, #tpu.memory_space<vmem>>
              tpu.enqueue_dma source(%dma_start3A_420 : memref<1x128xf32, #tpu.memory_space<vmem>>) target(%dma_start3A_417 : memref<1x128xf32, #tpu.memory_space<hbm>>) target_semaphore(%run_scoped3A : memref<!tpu.dma_semaphore, #tpu.memory_space<semaphore_mem>>)
              %dma_wait3A = arith.constant 0 : i32
              %dma_wait3A_421 = tpu.memref_slice %arg6[%rem3A_389, %while3A_408, %dma_wait3A] : memref<3x80x128xf32, #tpu.memory_space<vmem>> -> memref<1x1x128xf32, #tpu.memory_space<vmem>>
              %dma_wait3A_422 = tpu.memref_squeeze %dma_wait3A_421 : memref<1x1x128xf32, #tpu.memory_space<vmem>> -> memref<1x128xf32, #tpu.memory_space<vmem>>
              %dma_wait3A_423 = arith.constant 0 : i32
              %dma_wait3A_424 = tpu.memref_slice %arg5[%add3A_410, %dma_wait3A_423] : memref<320000x128xf32, #tpu.memory_space<hbm>> -> memref<1x128xf32, #tpu.memory_space<hbm>>
              %dma_wait3A_425 = arith.constant 0 : i32
              %dma_wait3A_426 = tpu.memref_slice %arg5[%add3A_410, %dma_wait3A_425] : memref<320000x128xf32, #tpu.memory_space<hbm>> -> memref<1x128xf32, #tpu.memory_space<hbm>>
              %dma_wait3A_427 = arith.constant 0 : i32
              %dma_wait3A_428 = tpu.memref_slice %arg6[%rem3A_389, %while3A_408, %dma_wait3A_427] : memref<3x80x128xf32, #tpu.memory_space<vmem>> -> memref<1x1x128xf32, #tpu.memory_space<vmem>>
              %dma_wait3A_429 = tpu.memref_squeeze %dma_wait3A_428 : memref<1x1x128xf32, #tpu.memory_space<vmem>> -> memref<1x128xf32, #tpu.memory_space<vmem>>
              tpu.wait_dma2 semaphore(%run_scoped3A : memref<!tpu.dma_semaphore, #tpu.memory_space<semaphore_mem>>) src(%dma_wait3A_429 : memref<1x128xf32, #tpu.memory_space<vmem>>) dst(%dma_wait3A_426 : memref<1x128xf32, #tpu.memory_space<hbm>>)
              tpu.yield
            }) : () -> ()
            %while3A_411 = arith.constant 0 : i32
            scf.yield %while3A_411 : i32
          }
        } else {
        }
        %convert_element_type3A_342 = arith.extui %ne3A_314 : i1 to i32
        %cond3A_343 = arith.constant 0 : i32
        %cond3A_344 = arith.cmpi ne, %convert_element_type3A_342, %cond3A_343 : i32
        scf.if %cond3A_344 {
          %rem3A_386 = arith.constant 3 : i32
          %rem3A_387 = arith.remsi %while3A_312, %rem3A_386 : i32
          %mul3A_388 = arith.constant 80 : i32
          %mul3A_389 = arith.muli %while3A_312, %mul3A_388 : i32
          %dma_wait3A = arith.constant 0 : i32
          %dma_wait3A_390 = arith.constant 0 : i32
          %dma_wait3A_391 = tpu.memref_slice %arg6[%rem3A_387, %dma_wait3A, %dma_wait3A_390] : memref<3x80x128xf32, #tpu.memory_space<vmem>> -> memref<1x80x128xf32, #tpu.memory_space<vmem>>
          %dma_wait3A_392 = tpu.memref_squeeze %dma_wait3A_391 : memref<1x80x128xf32, #tpu.memory_space<vmem>> -> memref<80x128xf32, #tpu.memory_space<vmem>>
          %dma_wait3A_393 = arith.constant 0 : i32
          %dma_wait3A_394 = tpu.memref_slice %arg2[%mul3A_389, %dma_wait3A_393] : memref<320000x128xf32, #tpu.memory_space<hbm>> -> memref<80x128xf32, #tpu.memory_space<hbm>>
          %dma_wait3A_395 = tpu.memref_slice %arg12[%rem3A_387] : memref<3x!tpu.dma_semaphore, #tpu.memory_space<semaphore_mem>> -> memref<1x!tpu.dma_semaphore, #tpu.memory_space<semaphore_mem>>
          %dma_wait3A_396 = tpu.memref_squeeze %dma_wait3A_395 : memref<1x!tpu.dma_semaphore, #tpu.memory_space<semaphore_mem>> -> memref<!tpu.dma_semaphore, #tpu.memory_space<semaphore_mem>>
          %dma_wait3A_397 = arith.constant 0 : i32
          %dma_wait3A_398 = arith.constant 0 : i32
          %dma_wait3A_399 = tpu.memref_slice %arg6[%rem3A_387, %dma_wait3A_397, %dma_wait3A_398] : memref<3x80x128xf32, #tpu.memory_space<vmem>> -> memref<1x80x128xf32, #tpu.memory_space<vmem>>
          %dma_wait3A_400 = tpu.memref_squeeze %dma_wait3A_399 : memref<1x80x128xf32, #tpu.memory_space<vmem>> -> memref<80x128xf32, #tpu.memory_space<vmem>>
          %dma_wait3A_401 = arith.constant 0 : i32
          %dma_wait3A_402 = tpu.memref_slice %arg2[%mul3A_389, %dma_wait3A_401] : memref<320000x128xf32, #tpu.memory_space<hbm>> -> memref<80x128xf32, #tpu.memory_space<hbm>>
          tpu.wait_dma2 semaphore(%dma_wait3A_396 : memref<!tpu.dma_semaphore, #tpu.memory_space<semaphore_mem>>) src(%dma_wait3A_402 : memref<80x128xf32, #tpu.memory_space<hbm>>) dst(%dma_wait3A_400 : memref<80x128xf32, #tpu.memory_space<vmem>>)
        } else {
        }
        %add3A_345 = arith.constant 1 : i32
        %add3A_346 = arith.addi %while3A_312, %add3A_345 : i32
        %lt3A_347 = arith.cmpi slt, %add3A_346, %select_n3A_48 : i32
        %and3A_348 = arith.andi %ne3A_314, %lt3A_347 : i1
        %sub3A_349 = arith.constant 2 : i32
        %sub3A_350 = arith.subi %while3A_312, %sub3A_349 : i32
        %ge3A_351 = arith.cmpi sge, %sub3A_350, %select_n3A : i32
        %sub3A_352 = arith.constant 2 : i32
        %sub3A_353 = arith.subi %while3A_312, %sub3A_352 : i32
        %mul3A_354 = arith.constant 80 : i32
        %mul3A_355 = arith.muli %sub3A_353, %mul3A_354 : i32
        %ge3A_356 = arith.cmpi sge, %mul3A_355, %squeeze3A : i32
        %add3A_357 = arith.constant 80 : i32
        %add3A_358 = arith.addi %mul3A_355, %add3A_357 : i32
        %le3A_359 = arith.cmpi sle, %add3A_358, %squeeze3A_4 : i32
        %and3A_360 = arith.andi %ge3A_356, %le3A_359 : i1
        %and3A_361 = arith.andi %ge3A_351, %and3A_360 : i1
        %and3A_362 = arith.andi %and3A_348, %and3A_361 : i1
        %convert_element_type3A_363 = arith.extui %and3A_362 : i1 to i32
        %cond3A_364 = arith.constant 0 : i32
        %cond3A_365 = arith.cmpi ne, %convert_element_type3A_363, %cond3A_364 : i32
        scf.if %cond3A_365 {
          %sub3A_386 = arith.constant 2 : i32
          %sub3A_387 = arith.subi %while3A_312, %sub3A_386 : i32
          %rem3A_388 = arith.constant 3 : i32
          %rem3A_389 = arith.remsi %sub3A_387, %rem3A_388 : i32
          %mul3A_390 = arith.constant 80 : i32
          %mul3A_391 = arith.muli %sub3A_387, %mul3A_390 : i32
          %dma_wait3A = arith.constant 0 : i32
          %dma_wait3A_392 = arith.constant 0 : i32
          %dma_wait3A_393 = tpu.memref_slice %arg6[%rem3A_389, %dma_wait3A, %dma_wait3A_392] : memref<3x80x128xf32, #tpu.memory_space<vmem>> -> memref<1x80x128xf32, #tpu.memory_space<vmem>>
          %dma_wait3A_394 = tpu.memref_squeeze %dma_wait3A_393 : memref<1x80x128xf32, #tpu.memory_space<vmem>> -> memref<80x128xf32, #tpu.memory_space<vmem>>
          %dma_wait3A_395 = arith.constant 0 : i32
          %dma_wait3A_396 = tpu.memref_slice %arg5[%mul3A_391, %dma_wait3A_395] : memref<320000x128xf32, #tpu.memory_space<hbm>> -> memref<80x128xf32, #tpu.memory_space<hbm>>
          %dma_wait3A_397 = tpu.memref_slice %arg14[%rem3A_389] : memref<3x!tpu.dma_semaphore, #tpu.memory_space<semaphore_mem>> -> memref<1x!tpu.dma_semaphore, #tpu.memory_space<semaphore_mem>>
          %dma_wait3A_398 = tpu.memref_squeeze %dma_wait3A_397 : memref<1x!tpu.dma_semaphore, #tpu.memory_space<semaphore_mem>> -> memref<!tpu.dma_semaphore, #tpu.memory_space<semaphore_mem>>
          %dma_wait3A_399 = arith.constant 0 : i32
          %dma_wait3A_400 = tpu.memref_slice %arg5[%mul3A_391, %dma_wait3A_399] : memref<320000x128xf32, #tpu.memory_space<hbm>> -> memref<80x128xf32, #tpu.memory_space<hbm>>
          %dma_wait3A_401 = arith.constant 0 : i32
          %dma_wait3A_402 = arith.constant 0 : i32
          %dma_wait3A_403 = tpu.memref_slice %arg6[%rem3A_389, %dma_wait3A_401, %dma_wait3A_402] : memref<3x80x128xf32, #tpu.memory_space<vmem>> -> memref<1x80x128xf32, #tpu.memory_space<vmem>>
          %dma_wait3A_404 = tpu.memref_squeeze %dma_wait3A_403 : memref<1x80x128xf32, #tpu.memory_space<vmem>> -> memref<80x128xf32, #tpu.memory_space<vmem>>
          tpu.wait_dma2 semaphore(%dma_wait3A_398 : memref<!tpu.dma_semaphore, #tpu.memory_space<semaphore_mem>>) src(%dma_wait3A_404 : memref<80x128xf32, #tpu.memory_space<vmem>>) dst(%dma_wait3A_400 : memref<80x128xf32, #tpu.memory_space<hbm>>)
        } else {
        }
        %convert_element_type3A_366 = arith.extui %and3A_348 : i1 to i32
        %cond3A_367 = arith.constant 0 : i32
        %cond3A_368 = arith.cmpi ne, %convert_element_type3A_366, %cond3A_367 : i32
        scf.if %cond3A_368 {
          %add3A_386 = arith.constant 1 : i32
          %add3A_387 = arith.addi %while3A_312, %add3A_386 : i32
          %rem3A_388 = arith.constant 3 : i32
          %rem3A_389 = arith.remsi %add3A_387, %rem3A_388 : i32
          %mul3A_390 = arith.constant 80 : i32
          %mul3A_391 = arith.muli %add3A_387, %mul3A_390 : i32
          %dma_start3A = arith.constant 0 : i32
          %dma_start3A_392 = arith.constant 0 : i32
          %dma_start3A_393 = tpu.memref_slice %arg6[%rem3A_389, %dma_start3A, %dma_start3A_392] : memref<3x80x128xf32, #tpu.memory_space<vmem>> -> memref<1x80x128xf32, #tpu.memory_space<vmem>>
          %dma_start3A_394 = tpu.memref_squeeze %dma_start3A_393 : memref<1x80x128xf32, #tpu.memory_space<vmem>> -> memref<80x128xf32, #tpu.memory_space<vmem>>
          %dma_start3A_395 = arith.constant 0 : i32
          %dma_start3A_396 = tpu.memref_slice %arg2[%mul3A_391, %dma_start3A_395] : memref<320000x128xf32, #tpu.memory_space<hbm>> -> memref<80x128xf32, #tpu.memory_space<hbm>>
          %dma_start3A_397 = tpu.memref_slice %arg12[%rem3A_389] : memref<3x!tpu.dma_semaphore, #tpu.memory_space<semaphore_mem>> -> memref<1x!tpu.dma_semaphore, #tpu.memory_space<semaphore_mem>>
          %dma_start3A_398 = tpu.memref_squeeze %dma_start3A_397 : memref<1x!tpu.dma_semaphore, #tpu.memory_space<semaphore_mem>> -> memref<!tpu.dma_semaphore, #tpu.memory_space<semaphore_mem>>
          %dma_start3A_399 = arith.constant 0 : i32
          %dma_start3A_400 = arith.constant 0 : i32
          %dma_start3A_401 = tpu.memref_slice %arg6[%rem3A_389, %dma_start3A_399, %dma_start3A_400] : memref<3x80x128xf32, #tpu.memory_space<vmem>> -> memref<1x80x128xf32, #tpu.memory_space<vmem>>
          %dma_start3A_402 = tpu.memref_squeeze %dma_start3A_401 : memref<1x80x128xf32, #tpu.memory_space<vmem>> -> memref<80x128xf32, #tpu.memory_space<vmem>>
          %dma_start3A_403 = arith.constant 0 : i32
          %dma_start3A_404 = tpu.memref_slice %arg2[%mul3A_391, %dma_start3A_403] : memref<320000x128xf32, #tpu.memory_space<hbm>> -> memref<80x128xf32, #tpu.memory_space<hbm>>
          tpu.enqueue_dma source(%dma_start3A_404 : memref<80x128xf32, #tpu.memory_space<hbm>>) target(%dma_start3A_402 : memref<80x128xf32, #tpu.memory_space<vmem>>) target_semaphore(%dma_start3A_398 : memref<!tpu.dma_semaphore, #tpu.memory_space<semaphore_mem>>)
        } else {
        }
        %rem3A_369 = arith.constant 3 : i32
        %rem3A_370 = arith.remsi %while3A_312, %rem3A_369 : i32
        %mul3A_371 = arith.constant 80 : i32
        %mul3A_372 = arith.muli %while3A_312, %mul3A_371 : i32
        %sub3A_373 = arith.subi %squeeze3A_176, %mul3A_372 : i32
        %max3A = arith.constant 0 : i32
        %max3A_374 = arith.maxsi %sub3A_373, %max3A : i32
        %sub3A_375 = arith.subi %squeeze3A_185, %mul3A_372 : i32
        %min3A = arith.constant 80 : i32
        %min3A_376 = arith.minsi %sub3A_375, %min3A : i32
        %while3A_377 = arith.constant 0 : i32
        %while3A_378 = arith.subi %min3A_376, %max3A_374 : i32
        %while3A_379 = arith.addi %max3A_374, %while3A_378 : i32
        %while3A_380 = arith.constant 1 : i32
        %while3A_381 = arith.divsi %while3A_378, %while3A_380 : i32
        %while3A_382 = arith.muli %while3A_381, %while3A_380 : i32
        %while3A_383 = arith.addi %max3A_374, %while3A_382 : i32
        %while3A_384 = arith.constant 1 : i32
        scf.for %while3A_386 = %max3A_374 to %while3A_383 step %while3A_384  : i32 {
          %get3A_387 = arith.index_cast %rem3A_370 : i32 to index
          %get3A_388 = arith.index_cast %while3A_386 : i32 to index
          %get3A_389 = arith.constant 0 : index
          %get3A_390 = tpu.vector_load %arg6[%get3A_387, %get3A_388, %get3A_389] {strides = array<i32>} : memref<3x80x128xf32, #tpu.memory_space<vmem>>, vector<1x1x16xf32>,
          %get3A_391 = vector.shape_cast %get3A_390 : vector<1x1x16xf32> to vector<16xf32>
          %get3A_392 = arith.index_cast %rem3A_370 : i32 to index
          %get3A_393 = arith.index_cast %while3A_386 : i32 to index
          %get3A_394 = arith.constant 16 : index
          %get3A_395 = tpu.vector_load %arg6[%get3A_392, %get3A_393, %get3A_394] {strides = array<i32>} : memref<3x80x128xf32, #tpu.memory_space<vmem>>, vector<1x1x16xf32>,
          %get3A_396 = vector.shape_cast %get3A_395 : vector<1x1x16xf32> to vector<16xf32>
          %get3A_397 = arith.index_cast %rem3A_370 : i32 to index
          %get3A_398 = arith.index_cast %while3A_386 : i32 to index
          %get3A_399 = arith.constant 32 : index
          %get3A_400 = tpu.vector_load %arg6[%get3A_397, %get3A_398, %get3A_399] {strides = array<i32>} : memref<3x80x128xf32, #tpu.memory_space<vmem>>, vector<1x1x16xf32>,
          %get3A_401 = vector.shape_cast %get3A_400 : vector<1x1x16xf32> to vector<16xf32>
          %get3A_402 = arith.index_cast %rem3A_370 : i32 to index
          %get3A_403 = arith.index_cast %while3A_386 : i32 to index
          %get3A_404 = arith.constant 48 : index
          %get3A_405 = tpu.vector_load %arg6[%get3A_402, %get3A_403, %get3A_404] {strides = array<i32>} : memref<3x80x128xf32, #tpu.memory_space<vmem>>, vector<1x1x16xf32>,
          %get3A_406 = vector.shape_cast %get3A_405 : vector<1x1x16xf32> to vector<16xf32>
          %get3A_407 = arith.index_cast %rem3A_370 : i32 to index
          %get3A_408 = arith.index_cast %while3A_386 : i32 to index
          %get3A_409 = arith.constant 64 : index
          %get3A_410 = tpu.vector_load %arg6[%get3A_407, %get3A_408, %get3A_409] {strides = array<i32>} : memref<3x80x128xf32, #tpu.memory_space<vmem>>, vector<1x1x16xf32>,
          %get3A_411 = vector.shape_cast %get3A_410 : vector<1x1x16xf32> to vector<16xf32>
          %get3A_412 = arith.index_cast %rem3A_370 : i32 to index
          %get3A_413 = arith.index_cast %while3A_386 : i32 to index
          %get3A_414 = arith.constant 80 : index
          %get3A_415 = tpu.vector_load %arg6[%get3A_412, %get3A_413, %get3A_414] {strides = array<i32>} : memref<3x80x128xf32, #tpu.memory_space<vmem>>, vector<1x1x16xf32>,
          %get3A_416 = vector.shape_cast %get3A_415 : vector<1x1x16xf32> to vector<16xf32>
          %get3A_417 = arith.index_cast %rem3A_370 : i32 to index
          %get3A_418 = arith.index_cast %while3A_386 : i32 to index
          %get3A_419 = arith.constant 96 : index
          %get3A_420 = tpu.vector_load %arg6[%get3A_417, %get3A_418, %get3A_419] {strides = array<i32>} : memref<3x80x128xf32, #tpu.memory_space<vmem>>, vector<1x1x16xf32>,
          %get3A_421 = vector.shape_cast %get3A_420 : vector<1x1x16xf32> to vector<16xf32>
          %get3A_422 = arith.index_cast %rem3A_370 : i32 to index
          %get3A_423 = arith.index_cast %while3A_386 : i32 to index
          %get3A_424 = arith.constant 112 : index
          %get3A_425 = tpu.vector_load %arg6[%get3A_422, %get3A_423, %get3A_424] {strides = array<i32>} : memref<3x80x128xf32, #tpu.memory_space<vmem>>, vector<1x1x16xf32>,
          %get3A_426 = vector.shape_cast %get3A_425 : vector<1x1x16xf32> to vector<16xf32>
          %sub3A_427 = arith.subf %get3A_391, %get3A_189 : vector<16xf32>
          %exp3A = math.exp %sub3A_427 : vector<16xf32>
          %add3A_428 = arith.constant 9.99999974E-6 : f32
          %add3A_429 = vector.broadcast %add3A_428 : f32 to vector<16xf32>
          %add3A_430 = arith.addf %exp3A, %add3A_429 : vector<16xf32>
          %mul3A_431 = arith.mulf %add3A_430, %get3A_221 : vector<16xf32>
          %swap3A_432 = arith.index_cast %rem3A_370 : i32 to index
          %swap3A_433 = arith.index_cast %while3A_386 : i32 to index
          %swap3A_434 = arith.constant 0 : index
          %swap3A_435 = tpu.vector_load %arg6[%swap3A_432, %swap3A_433, %swap3A_434] {strides = array<i32>} : memref<3x80x128xf32, #tpu.memory_space<vmem>>, vector<1x1x16xf32>,
          %swap3A_436 = vector.shape_cast %swap3A_435 : vector<1x1x16xf32> to vector<16xf32>
          %swap3A_437 = vector.shape_cast %mul3A_431 : vector<16xf32> to vector<1x1x16xf32>
          tpu.vector_store %arg6[%swap3A_432, %swap3A_433, %swap3A_434], %swap3A_437 {strides = array<i32>} : memref<3x80x128xf32, #tpu.memory_space<vmem>>, vector<1x1x16xf32>,
          %sub3A_438 = arith.subf %get3A_396, %get3A_193 : vector<16xf32>
          %exp3A_439 = math.exp %sub3A_438 : vector<16xf32>
          %add3A_440 = arith.constant 9.99999974E-6 : f32
          %add3A_441 = vector.broadcast %add3A_440 : f32 to vector<16xf32>
          %add3A_442 = arith.addf %exp3A_439, %add3A_441 : vector<16xf32>
          %mul3A_443 = arith.mulf %add3A_442, %get3A_225 : vector<16xf32>
          %swap3A_444 = arith.index_cast %rem3A_370 : i32 to index
          %swap3A_445 = arith.index_cast %while3A_386 : i32 to index
          %swap3A_446 = arith.constant 16 : index
          %swap3A_447 = tpu.vector_load %arg6[%swap3A_444, %swap3A_445, %swap3A_446] {strides = array<i32>} : memref<3x80x128xf32, #tpu.memory_space<vmem>>, vector<1x1x16xf32>,
          %swap3A_448 = vector.shape_cast %swap3A_447 : vector<1x1x16xf32> to vector<16xf32>
          %swap3A_449 = vector.shape_cast %mul3A_443 : vector<16xf32> to vector<1x1x16xf32>
          tpu.vector_store %arg6[%swap3A_444, %swap3A_445, %swap3A_446], %swap3A_449 {strides = array<i32>} : memref<3x80x128xf32, #tpu.memory_space<vmem>>, vector<1x1x16xf32>,
          %sub3A_450 = arith.subf %get3A_401, %get3A_197 : vector<16xf32>
          %exp3A_451 = math.exp %sub3A_450 : vector<16xf32>
          %add3A_452 = arith.constant 9.99999974E-6 : f32
          %add3A_453 = vector.broadcast %add3A_452 : f32 to vector<16xf32>
          %add3A_454 = arith.addf %exp3A_451, %add3A_453 : vector<16xf32>
          %mul3A_455 = arith.mulf %add3A_454, %get3A_229 : vector<16xf32>
          %swap3A_456 = arith.index_cast %rem3A_370 : i32 to index
          %swap3A_457 = arith.index_cast %while3A_386 : i32 to index
          %swap3A_458 = arith.constant 32 : index
          %swap3A_459 = tpu.vector_load %arg6[%swap3A_456, %swap3A_457, %swap3A_458] {strides = array<i32>} : memref<3x80x128xf32, #tpu.memory_space<vmem>>, vector<1x1x16xf32>,
          %swap3A_460 = vector.shape_cast %swap3A_459 : vector<1x1x16xf32> to vector<16xf32>
          %swap3A_461 = vector.shape_cast %mul3A_455 : vector<16xf32> to vector<1x1x16xf32>
          tpu.vector_store %arg6[%swap3A_456, %swap3A_457, %swap3A_458], %swap3A_461 {strides = array<i32>} : memref<3x80x128xf32, #tpu.memory_space<vmem>>, vector<1x1x16xf32>,
          %sub3A_462 = arith.subf %get3A_406, %get3A_201 : vector<16xf32>
          %exp3A_463 = math.exp %sub3A_462 : vector<16xf32>
          %add3A_464 = arith.constant 9.99999974E-6 : f32
          %add3A_465 = vector.broadcast %add3A_464 : f32 to vector<16xf32>
          %add3A_466 = arith.addf %exp3A_463, %add3A_465 : vector<16xf32>
          %mul3A_467 = arith.mulf %add3A_466, %get3A_233 : vector<16xf32>
          %swap3A_468 = arith.index_cast %rem3A_370 : i32 to index
          %swap3A_469 = arith.index_cast %while3A_386 : i32 to index
          %swap3A_470 = arith.constant 48 : index
          %swap3A_471 = tpu.vector_load %arg6[%swap3A_468, %swap3A_469, %swap3A_470] {strides = array<i32>} : memref<3x80x128xf32, #tpu.memory_space<vmem>>, vector<1x1x16xf32>,
          %swap3A_472 = vector.shape_cast %swap3A_471 : vector<1x1x16xf32> to vector<16xf32>
          %swap3A_473 = vector.shape_cast %mul3A_467 : vector<16xf32> to vector<1x1x16xf32>
          tpu.vector_store %arg6[%swap3A_468, %swap3A_469, %swap3A_470], %swap3A_473 {strides = array<i32>} : memref<3x80x128xf32, #tpu.memory_space<vmem>>, vector<1x1x16xf32>,
          %sub3A_474 = arith.subf %get3A_411, %get3A_205 : vector<16xf32>
          %exp3A_475 = math.exp %sub3A_474 : vector<16xf32>
          %add3A_476 = arith.constant 9.99999974E-6 : f32
          %add3A_477 = vector.broadcast %add3A_476 : f32 to vector<16xf32>
          %add3A_478 = arith.addf %exp3A_475, %add3A_477 : vector<16xf32>
          %mul3A_479 = arith.mulf %add3A_478, %get3A_237 : vector<16xf32>
          %swap3A_480 = arith.index_cast %rem3A_370 : i32 to index
          %swap3A_481 = arith.index_cast %while3A_386 : i32 to index
          %swap3A_482 = arith.constant 64 : index
          %swap3A_483 = tpu.vector_load %arg6[%swap3A_480, %swap3A_481, %swap3A_482] {strides = array<i32>} : memref<3x80x128xf32, #tpu.memory_space<vmem>>, vector<1x1x16xf32>,
          %swap3A_484 = vector.shape_cast %swap3A_483 : vector<1x1x16xf32> to vector<16xf32>
          %swap3A_485 = vector.shape_cast %mul3A_479 : vector<16xf32> to vector<1x1x16xf32>
          tpu.vector_store %arg6[%swap3A_480, %swap3A_481, %swap3A_482], %swap3A_485 {strides = array<i32>} : memref<3x80x128xf32, #tpu.memory_space<vmem>>, vector<1x1x16xf32>,
          %sub3A_486 = arith.subf %get3A_416, %get3A_209 : vector<16xf32>
          %exp3A_487 = math.exp %sub3A_486 : vector<16xf32>
          %add3A_488 = arith.constant 9.99999974E-6 : f32
          %add3A_489 = vector.broadcast %add3A_488 : f32 to vector<16xf32>
          %add3A_490 = arith.addf %exp3A_487, %add3A_489 : vector<16xf32>
          %mul3A_491 = arith.mulf %add3A_490, %get3A_241 : vector<16xf32>
          %swap3A_492 = arith.index_cast %rem3A_370 : i32 to index
          %swap3A_493 = arith.index_cast %while3A_386 : i32 to index
          %swap3A_494 = arith.constant 80 : index
          %swap3A_495 = tpu.vector_load %arg6[%swap3A_492, %swap3A_493, %swap3A_494] {strides = array<i32>} : memref<3x80x128xf32, #tpu.memory_space<vmem>>, vector<1x1x16xf32>,
          %swap3A_496 = vector.shape_cast %swap3A_495 : vector<1x1x16xf32> to vector<16xf32>
          %swap3A_497 = vector.shape_cast %mul3A_491 : vector<16xf32> to vector<1x1x16xf32>
          tpu.vector_store %arg6[%swap3A_492, %swap3A_493, %swap3A_494], %swap3A_497 {strides = array<i32>} : memref<3x80x128xf32, #tpu.memory_space<vmem>>, vector<1x1x16xf32>,
          %sub3A_498 = arith.subf %get3A_421, %get3A_213 : vector<16xf32>
          %exp3A_499 = math.exp %sub3A_498 : vector<16xf32>
          %add3A_500 = arith.constant 9.99999974E-6 : f32
          %add3A_501 = vector.broadcast %add3A_500 : f32 to vector<16xf32>
          %add3A_502 = arith.addf %exp3A_499, %add3A_501 : vector<16xf32>
          %mul3A_503 = arith.mulf %add3A_502, %get3A_245 : vector<16xf32>
          %swap3A_504 = arith.index_cast %rem3A_370 : i32 to index
          %swap3A_505 = arith.index_cast %while3A_386 : i32 to index
          %swap3A_506 = arith.constant 96 : index
          %swap3A_507 = tpu.vector_load %arg6[%swap3A_504, %swap3A_505, %swap3A_506] {strides = array<i32>} : memref<3x80x128xf32, #tpu.memory_space<vmem>>, vector<1x1x16xf32>,
          %swap3A_508 = vector.shape_cast %swap3A_507 : vector<1x1x16xf32> to vector<16xf32>
          %swap3A_509 = vector.shape_cast %mul3A_503 : vector<16xf32> to vector<1x1x16xf32>
          tpu.vector_store %arg6[%swap3A_504, %swap3A_505, %swap3A_506], %swap3A_509 {strides = array<i32>} : memref<3x80x128xf32, #tpu.memory_space<vmem>>, vector<1x1x16xf32>,
          %sub3A_510 = arith.subf %get3A_426, %get3A_217 : vector<16xf32>
          %exp3A_511 = math.exp %sub3A_510 : vector<16xf32>
          %add3A_512 = arith.constant 9.99999974E-6 : f32
          %add3A_513 = vector.broadcast %add3A_512 : f32 to vector<16xf32>
          %add3A_514 = arith.addf %exp3A_511, %add3A_513 : vector<16xf32>
          %mul3A_515 = arith.mulf %add3A_514, %get3A_249 : vector<16xf32>
          %swap3A_516 = arith.index_cast %rem3A_370 : i32 to index
          %swap3A_517 = arith.index_cast %while3A_386 : i32 to index
          %swap3A_518 = arith.constant 112 : index
          %swap3A_519 = tpu.vector_load %arg6[%swap3A_516, %swap3A_517, %swap3A_518] {strides = array<i32>} : memref<3x80x128xf32, #tpu.memory_space<vmem>>, vector<1x1x16xf32>,
          %swap3A_520 = vector.shape_cast %swap3A_519 : vector<1x1x16xf32> to vector<16xf32>
          %swap3A_521 = vector.shape_cast %mul3A_515 : vector<16xf32> to vector<1x1x16xf32>
          tpu.vector_store %arg6[%swap3A_516, %swap3A_517, %swap3A_518], %swap3A_521 {strides = array<i32>} : memref<3x80x128xf32, #tpu.memory_space<vmem>>, vector<1x1x16xf32>,
        }
        %while3A_385 = arith.constant 1 : i32
        scf.for %while3A_386 = %while3A_383 to %while3A_379 step %while3A_385  : i32 {
          %get3A_387 = arith.index_cast %rem3A_370 : i32 to index
          %get3A_388 = arith.index_cast %while3A_386 : i32 to index
          %get3A_389 = arith.constant 0 : index
          %get3A_390 = tpu.vector_load %arg6[%get3A_387, %get3A_388, %get3A_389] {strides = array<i32>} : memref<3x80x128xf32, #tpu.memory_space<vmem>>, vector<1x1x16xf32>,
          %get3A_391 = vector.shape_cast %get3A_390 : vector<1x1x16xf32> to vector<16xf32>
          %get3A_392 = arith.index_cast %rem3A_370 : i32 to index
          %get3A_393 = arith.index_cast %while3A_386 : i32 to index
          %get3A_394 = arith.constant 16 : index
          %get3A_395 = tpu.vector_load %arg6[%get3A_392, %get3A_393, %get3A_394] {strides = array<i32>} : memref<3x80x128xf32, #tpu.memory_space<vmem>>, vector<1x1x16xf32>,
          %get3A_396 = vector.shape_cast %get3A_395 : vector<1x1x16xf32> to vector<16xf32>
          %get3A_397 = arith.index_cast %rem3A_370 : i32 to index
          %get3A_398 = arith.index_cast %while3A_386 : i32 to index
          %get3A_399 = arith.constant 32 : index
          %get3A_400 = tpu.vector_load %arg6[%get3A_397, %get3A_398, %get3A_399] {strides = array<i32>} : memref<3x80x128xf32, #tpu.memory_space<vmem>>, vector<1x1x16xf32>,
          %get3A_401 = vector.shape_cast %get3A_400 : vector<1x1x16xf32> to vector<16xf32>
          %get3A_402 = arith.index_cast %rem3A_370 : i32 to index
          %get3A_403 = arith.index_cast %while3A_386 : i32 to index
          %get3A_404 = arith.constant 48 : index
          %get3A_405 = tpu.vector_load %arg6[%get3A_402, %get3A_403, %get3A_404] {strides = array<i32>} : memref<3x80x128xf32, #tpu.memory_space<vmem>>, vector<1x1x16xf32>,
          %get3A_406 = vector.shape_cast %get3A_405 : vector<1x1x16xf32> to vector<16xf32>
          %get3A_407 = arith.index_cast %rem3A_370 : i32 to index
          %get3A_408 = arith.index_cast %while3A_386 : i32 to index
          %get3A_409 = arith.constant 64 : index
          %get3A_410 = tpu.vector_load %arg6[%get3A_407, %get3A_408, %get3A_409] {strides = array<i32>} : memref<3x80x128xf32, #tpu.memory_space<vmem>>, vector<1x1x16xf32>,
          %get3A_411 = vector.shape_cast %get3A_410 : vector<1x1x16xf32> to vector<16xf32>
          %get3A_412 = arith.index_cast %rem3A_370 : i32 to index
          %get3A_413 = arith.index_cast %while3A_386 : i32 to index
          %get3A_414 = arith.constant 80 : index
          %get3A_415 = tpu.vector_load %arg6[%get3A_412, %get3A_413, %get3A_414] {strides = array<i32>} : memref<3x80x128xf32, #tpu.memory_space<vmem>>, vector<1x1x16xf32>,
          %get3A_416 = vector.shape_cast %get3A_415 : vector<1x1x16xf32> to vector<16xf32>
          %get3A_417 = arith.index_cast %rem3A_370 : i32 to index
          %get3A_418 = arith.index_cast %while3A_386 : i32 to index
          %get3A_419 = arith.constant 96 : index
          %get3A_420 = tpu.vector_load %arg6[%get3A_417, %get3A_418, %get3A_419] {strides = array<i32>} : memref<3x80x128xf32, #tpu.memory_space<vmem>>, vector<1x1x16xf32>,
          %get3A_421 = vector.shape_cast %get3A_420 : vector<1x1x16xf32> to vector<16xf32>
          %get3A_422 = arith.index_cast %rem3A_370 : i32 to index
          %get3A_423 = arith.index_cast %while3A_386 : i32 to index
          %get3A_424 = arith.constant 112 : index
          %get3A_425 = tpu.vector_load %arg6[%get3A_422, %get3A_423, %get3A_424] {strides = array<i32>} : memref<3x80x128xf32, #tpu.memory_space<vmem>>, vector<1x1x16xf32>,
          %get3A_426 = vector.shape_cast %get3A_425 : vector<1x1x16xf32> to vector<16xf32>
          %sub3A_427 = arith.subf %get3A_391, %get3A_189 : vector<16xf32>
          %exp3A = math.exp %sub3A_427 : vector<16xf32>
          %add3A_428 = arith.constant 9.99999974E-6 : f32
          %add3A_429 = vector.broadcast %add3A_428 : f32 to vector<16xf32>
          %add3A_430 = arith.addf %exp3A, %add3A_429 : vector<16xf32>
          %mul3A_431 = arith.mulf %add3A_430, %get3A_221 : vector<16xf32>
          %swap3A_432 = arith.index_cast %rem3A_370 : i32 to index
          %swap3A_433 = arith.index_cast %while3A_386 : i32 to index
          %swap3A_434 = arith.constant 0 : index
          %swap3A_435 = tpu.vector_load %arg6[%swap3A_432, %swap3A_433, %swap3A_434] {strides = array<i32>} : memref<3x80x128xf32, #tpu.memory_space<vmem>>, vector<1x1x16xf32>,
          %swap3A_436 = vector.shape_cast %swap3A_435 : vector<1x1x16xf32> to vector<16xf32>
          %swap3A_437 = vector.shape_cast %mul3A_431 : vector<16xf32> to vector<1x1x16xf32>
          tpu.vector_store %arg6[%swap3A_432, %swap3A_433, %swap3A_434], %swap3A_437 {strides = array<i32>} : memref<3x80x128xf32, #tpu.memory_space<vmem>>, vector<1x1x16xf32>,
          %sub3A_438 = arith.subf %get3A_396, %get3A_193 : vector<16xf32>
          %exp3A_439 = math.exp %sub3A_438 : vector<16xf32>
          %add3A_440 = arith.constant 9.99999974E-6 : f32
          %add3A_441 = vector.broadcast %add3A_440 : f32 to vector<16xf32>
          %add3A_442 = arith.addf %exp3A_439, %add3A_441 : vector<16xf32>
          %mul3A_443 = arith.mulf %add3A_442, %get3A_225 : vector<16xf32>
          %swap3A_444 = arith.index_cast %rem3A_370 : i32 to index
          %swap3A_445 = arith.index_cast %while3A_386 : i32 to index
          %swap3A_446 = arith.constant 16 : index
          %swap3A_447 = tpu.vector_load %arg6[%swap3A_444, %swap3A_445, %swap3A_446] {strides = array<i32>} : memref<3x80x128xf32, #tpu.memory_space<vmem>>, vector<1x1x16xf32>,
          %swap3A_448 = vector.shape_cast %swap3A_447 : vector<1x1x16xf32> to vector<16xf32>
          %swap3A_449 = vector.shape_cast %mul3A_443 : vector<16xf32> to vector<1x1x16xf32>
          tpu.vector_store %arg6[%swap3A_444, %swap3A_445, %swap3A_446], %swap3A_449 {strides = array<i32>} : memref<3x80x128xf32, #tpu.memory_space<vmem>>, vector<1x1x16xf32>,
          %sub3A_450 = arith.subf %get3A_401, %get3A_197 : vector<16xf32>
          %exp3A_451 = math.exp %sub3A_450 : vector<16xf32>
          %add3A_452 = arith.constant 9.99999974E-6 : f32
          %add3A_453 = vector.broadcast %add3A_452 : f32 to vector<16xf32>
          %add3A_454 = arith.addf %exp3A_451, %add3A_453 : vector<16xf32>
          %mul3A_455 = arith.mulf %add3A_454, %get3A_229 : vector<16xf32>
          %swap3A_456 = arith.index_cast %rem3A_370 : i32 to index
          %swap3A_457 = arith.index_cast %while3A_386 : i32 to index
          %swap3A_458 = arith.constant 32 : index
          %swap3A_459 = tpu.vector_load %arg6[%swap3A_456, %swap3A_457, %swap3A_458] {strides = array<i32>} : memref<3x80x128xf32, #tpu.memory_space<vmem>>, vector<1x1x16xf32>,
          %swap3A_460 = vector.shape_cast %swap3A_459 : vector<1x1x16xf32> to vector<16xf32>
          %swap3A_461 = vector.shape_cast %mul3A_455 : vector<16xf32> to vector<1x1x16xf32>
          tpu.vector_store %arg6[%swap3A_456, %swap3A_457, %swap3A_458], %swap3A_461 {strides = array<i32>} : memref<3x80x128xf32, #tpu.memory_space<vmem>>, vector<1x1x16xf32>,
          %sub3A_462 = arith.subf %get3A_406, %get3A_201 : vector<16xf32>
          %exp3A_463 = math.exp %sub3A_462 : vector<16xf32>
          %add3A_464 = arith.constant 9.99999974E-6 : f32
          %add3A_465 = vector.broadcast %add3A_464 : f32 to vector<16xf32>
          %add3A_466 = arith.addf %exp3A_463, %add3A_465 : vector<16xf32>
          %mul3A_467 = arith.mulf %add3A_466, %get3A_233 : vector<16xf32>
          %swap3A_468 = arith.index_cast %rem3A_370 : i32 to index
          %swap3A_469 = arith.index_cast %while3A_386 : i32 to index
          %swap3A_470 = arith.constant 48 : index
          %swap3A_471 = tpu.vector_load %arg6[%swap3A_468, %swap3A_469, %swap3A_470] {strides = array<i32>} : memref<3x80x128xf32, #tpu.memory_space<vmem>>, vector<1x1x16xf32>,
          %swap3A_472 = vector.shape_cast %swap3A_471 : vector<1x1x16xf32> to vector<16xf32>
          %swap3A_473 = vector.shape_cast %mul3A_467 : vector<16xf32> to vector<1x1x16xf32>
          tpu.vector_store %arg6[%swap3A_468, %swap3A_469, %swap3A_470], %swap3A_473 {strides = array<i32>} : memref<3x80x128xf32, #tpu.memory_space<vmem>>, vector<1x1x16xf32>,
          %sub3A_474 = arith.subf %get3A_411, %get3A_205 : vector<16xf32>
          %exp3A_475 = math.exp %sub3A_474 : vector<16xf32>
          %add3A_476 = arith.constant 9.99999974E-6 : f32
          %add3A_477 = vector.broadcast %add3A_476 : f32 to vector<16xf32>
          %add3A_478 = arith.addf %exp3A_475, %add3A_477 : vector<16xf32>
          %mul3A_479 = arith.mulf %add3A_478, %get3A_237 : vector<16xf32>
          %swap3A_480 = arith.index_cast %rem3A_370 : i32 to index
          %swap3A_481 = arith.index_cast %while3A_386 : i32 to index
          %swap3A_482 = arith.constant 64 : index
          %swap3A_483 = tpu.vector_load %arg6[%swap3A_480, %swap3A_481, %swap3A_482] {strides = array<i32>} : memref<3x80x128xf32, #tpu.memory_space<vmem>>, vector<1x1x16xf32>,
          %swap3A_484 = vector.shape_cast %swap3A_483 : vector<1x1x16xf32> to vector<16xf32>
          %swap3A_485 = vector.shape_cast %mul3A_479 : vector<16xf32> to vector<1x1x16xf32>
          tpu.vector_store %arg6[%swap3A_480, %swap3A_481, %swap3A_482], %swap3A_485 {strides = array<i32>} : memref<3x80x128xf32, #tpu.memory_space<vmem>>, vector<1x1x16xf32>,
          %sub3A_486 = arith.subf %get3A_416, %get3A_209 : vector<16xf32>
          %exp3A_487 = math.exp %sub3A_486 : vector<16xf32>
          %add3A_488 = arith.constant 9.99999974E-6 : f32
          %add3A_489 = vector.broadcast %add3A_488 : f32 to vector<16xf32>
          %add3A_490 = arith.addf %exp3A_487, %add3A_489 : vector<16xf32>
          %mul3A_491 = arith.mulf %add3A_490, %get3A_241 : vector<16xf32>
          %swap3A_492 = arith.index_cast %rem3A_370 : i32 to index
          %swap3A_493 = arith.index_cast %while3A_386 : i32 to index
          %swap3A_494 = arith.constant 80 : index
          %swap3A_495 = tpu.vector_load %arg6[%swap3A_492, %swap3A_493, %swap3A_494] {strides = array<i32>} : memref<3x80x128xf32, #tpu.memory_space<vmem>>, vector<1x1x16xf32>,
          %swap3A_496 = vector.shape_cast %swap3A_495 : vector<1x1x16xf32> to vector<16xf32>
          %swap3A_497 = vector.shape_cast %mul3A_491 : vector<16xf32> to vector<1x1x16xf32>
          tpu.vector_store %arg6[%swap3A_492, %swap3A_493, %swap3A_494], %swap3A_497 {strides = array<i32>} : memref<3x80x128xf32, #tpu.memory_space<vmem>>, vector<1x1x16xf32>,
          %sub3A_498 = arith.subf %get3A_421, %get3A_213 : vector<16xf32>
          %exp3A_499 = math.exp %sub3A_498 : vector<16xf32>
          %add3A_500 = arith.constant 9.99999974E-6 : f32
          %add3A_501 = vector.broadcast %add3A_500 : f32 to vector<16xf32>
          %add3A_502 = arith.addf %exp3A_499, %add3A_501 : vector<16xf32>
          %mul3A_503 = arith.mulf %add3A_502, %get3A_245 : vector<16xf32>
          %swap3A_504 = arith.index_cast %rem3A_370 : i32 to index
          %swap3A_505 = arith.index_cast %while3A_386 : i32 to index
          %swap3A_506 = arith.constant 96 : index
          %swap3A_507 = tpu.vector_load %arg6[%swap3A_504, %swap3A_505, %swap3A_506] {strides = array<i32>} : memref<3x80x128xf32, #tpu.memory_space<vmem>>, vector<1x1x16xf32>,
          %swap3A_508 = vector.shape_cast %swap3A_507 : vector<1x1x16xf32> to vector<16xf32>
          %swap3A_509 = vector.shape_cast %mul3A_503 : vector<16xf32> to vector<1x1x16xf32>
          tpu.vector_store %arg6[%swap3A_504, %swap3A_505, %swap3A_506], %swap3A_509 {strides = array<i32>} : memref<3x80x128xf32, #tpu.memory_space<vmem>>, vector<1x1x16xf32>,
          %sub3A_510 = arith.subf %get3A_426, %get3A_217 : vector<16xf32>
          %exp3A_511 = math.exp %sub3A_510 : vector<16xf32>
          %add3A_512 = arith.constant 9.99999974E-6 : f32
          %add3A_513 = vector.broadcast %add3A_512 : f32 to vector<16xf32>
          %add3A_514 = arith.addf %exp3A_511, %add3A_513 : vector<16xf32>
          %mul3A_515 = arith.mulf %add3A_514, %get3A_249 : vector<16xf32>
          %swap3A_516 = arith.index_cast %rem3A_370 : i32 to index
          %swap3A_517 = arith.index_cast %while3A_386 : i32 to index
          %swap3A_518 = arith.constant 112 : index
          %swap3A_519 = tpu.vector_load %arg6[%swap3A_516, %swap3A_517, %swap3A_518] {strides = array<i32>} : memref<3x80x128xf32, #tpu.memory_space<vmem>>, vector<1x1x16xf32>,
          %swap3A_520 = vector.shape_cast %swap3A_519 : vector<1x1x16xf32> to vector<16xf32>
          %swap3A_521 = vector.shape_cast %mul3A_515 : vector<16xf32> to vector<1x1x16xf32>
          tpu.vector_store %arg6[%swap3A_516, %swap3A_517, %swap3A_518], %swap3A_521 {strides = array<i32>} : memref<3x80x128xf32, #tpu.memory_space<vmem>>, vector<1x1x16xf32>,
        }
        scf.yield %while3A_312 : i32
      }
      %while3A_310 = arith.constant 1 : i32
      %while3A_311 = scf.for %while3A_312 = %while3A_307 to %while3A_303 step %while3A_310 iter_args(%while3A_313 = %while3A_309) -> (i32)  : i32 {
        %ne3A_314 = arith.cmpi ne, %while3A_312, %while3A_313 : i32
        %ge3A_315 = arith.constant 0 : i32
        %ge3A_316 = arith.cmpi sge, %while3A_313, %ge3A_315 : i32
        %and3A_317 = arith.andi %ne3A_314, %ge3A_316 : i1
        %mul3A_318 = arith.constant 80 : i32
        %mul3A_319 = arith.muli %while3A_313, %mul3A_318 : i32
        %ge3A_320 = arith.cmpi sge, %mul3A_319, %squeeze3A : i32
        %add3A_321 = arith.constant 80 : i32
        %add3A_322 = arith.addi %mul3A_319, %add3A_321 : i32
        %le3A_323 = arith.cmpi sle, %add3A_322, %squeeze3A_4 : i32
        %and3A_324 = arith.andi %ge3A_320, %le3A_323 : i1
        %and3A_325 = arith.andi %and3A_317, %and3A_324 : i1
        %convert_element_type3A_326 = arith.extui %and3A_325 : i1 to i32
        %cond3A_327 = arith.constant 0 : i32
        %cond3A_328 = arith.cmpi ne, %convert_element_type3A_326, %cond3A_327 : i32
        scf.if %cond3A_328 {
          %rem3A_386 = arith.constant 3 : i32
          %rem3A_387 = arith.remsi %while3A_313, %rem3A_386 : i32
          %mul3A_388 = arith.constant 80 : i32
          %mul3A_389 = arith.muli %while3A_313, %mul3A_388 : i32
          %dma_start3A = arith.constant 0 : i32
          %dma_start3A_390 = arith.constant 0 : i32
          %dma_start3A_391 = tpu.memref_slice %arg6[%rem3A_387, %dma_start3A, %dma_start3A_390] : memref<3x80x128xf32, #tpu.memory_space<vmem>> -> memref<1x80x128xf32, #tpu.memory_space<vmem>>
          %dma_start3A_392 = tpu.memref_squeeze %dma_start3A_391 : memref<1x80x128xf32, #tpu.memory_space<vmem>> -> memref<80x128xf32, #tpu.memory_space<vmem>>
          %dma_start3A_393 = arith.constant 0 : i32
          %dma_start3A_394 = tpu.memref_slice %arg5[%mul3A_389, %dma_start3A_393] : memref<320000x128xf32, #tpu.memory_space<hbm>> -> memref<80x128xf32, #tpu.memory_space<hbm>>
          %dma_start3A_395 = tpu.memref_slice %arg14[%rem3A_387] : memref<3x!tpu.dma_semaphore, #tpu.memory_space<semaphore_mem>> -> memref<1x!tpu.dma_semaphore, #tpu.memory_space<semaphore_mem>>
          %dma_start3A_396 = tpu.memref_squeeze %dma_start3A_395 : memref<1x!tpu.dma_semaphore, #tpu.memory_space<semaphore_mem>> -> memref<!tpu.dma_semaphore, #tpu.memory_space<semaphore_mem>>
          %dma_start3A_397 = arith.constant 0 : i32
          %dma_start3A_398 = tpu.memref_slice %arg5[%mul3A_389, %dma_start3A_397] : memref<320000x128xf32, #tpu.memory_space<hbm>> -> memref<80x128xf32, #tpu.memory_space<hbm>>
          %dma_start3A_399 = arith.constant 0 : i32
          %dma_start3A_400 = arith.constant 0 : i32
          %dma_start3A_401 = tpu.memref_slice %arg6[%rem3A_387, %dma_start3A_399, %dma_start3A_400] : memref<3x80x128xf32, #tpu.memory_space<vmem>> -> memref<1x80x128xf32, #tpu.memory_space<vmem>>
          %dma_start3A_402 = tpu.memref_squeeze %dma_start3A_401 : memref<1x80x128xf32, #tpu.memory_space<vmem>> -> memref<80x128xf32, #tpu.memory_space<vmem>>
          tpu.enqueue_dma source(%dma_start3A_402 : memref<80x128xf32, #tpu.memory_space<vmem>>) target(%dma_start3A_398 : memref<80x128xf32, #tpu.memory_space<hbm>>) target_semaphore(%dma_start3A_396 : memref<!tpu.dma_semaphore, #tpu.memory_space<semaphore_mem>>)
        } else {
        }
        %mul3A_329 = arith.constant 80 : i32
        %mul3A_330 = arith.muli %while3A_313, %mul3A_329 : i32
        %ge3A_331 = arith.cmpi sge, %mul3A_330, %squeeze3A : i32
        %add3A_332 = arith.constant 80 : i32
        %add3A_333 = arith.addi %mul3A_330, %add3A_332 : i32
        %le3A_334 = arith.cmpi sle, %add3A_333, %squeeze3A_4 : i32
        %and3A_335 = arith.andi %ge3A_331, %le3A_334 : i1
        %not3A_336 = arith.constant true
        %not3A_337 = arith.xori %and3A_335, %not3A_336 : i1
        %and3A_338 = arith.andi %and3A_317, %not3A_337 : i1
        %convert_element_type3A_339 = arith.extui %and3A_338 : i1 to i32
        %cond3A_340 = arith.constant 0 : i32
        %cond3A_341 = arith.cmpi ne, %convert_element_type3A_339, %cond3A_340 : i32
        scf.if %cond3A_341 {
          %mul3A_386 = arith.constant 80 : i32
          %mul3A_387 = arith.muli %while3A_313, %mul3A_386 : i32
          %rem3A_388 = arith.constant 3 : i32
          %rem3A_389 = arith.remsi %while3A_313, %rem3A_388 : i32
          %sub3A_390 = arith.subi %squeeze3A, %mul3A_387 : i32
          %max3A_391 = arith.constant 0 : i32
          %max3A_392 = arith.maxsi %sub3A_390, %max3A_391 : i32
          %sub3A_393 = arith.subi %squeeze3A_4, %mul3A_387 : i32
          %min3A_394 = arith.constant 80 : i32
          %min3A_395 = arith.minsi %sub3A_393, %min3A_394 : i32
          %max3A_396 = arith.maxsi %min3A_395, %max3A_392 : i32
          %while3A_397 = arith.constant 0 : i32
          %while3A_398 = arith.subi %max3A_396, %max3A_392 : i32
          %while3A_399 = arith.addi %max3A_392, %while3A_398 : i32
          %while3A_400 = arith.constant 1 : i32
          %while3A_401 = arith.divsi %while3A_398, %while3A_400 : i32
          %while3A_402 = arith.muli %while3A_401, %while3A_400 : i32
          %while3A_403 = arith.addi %max3A_392, %while3A_402 : i32
          %while3A_404 = arith.constant 1 : i32
          %while3A_405 = scf.for %while3A_408 = %max3A_392 to %while3A_403 step %while3A_404 iter_args(%while3A_409 = %while3A_397) -> (i32)  : i32 {
            %add3A_410 = arith.addi %mul3A_387, %while3A_408 : i32
            "tpu.region"() ({
              %run_scoped3A = tpu.sem_alloc : memref<!tpu.dma_semaphore, #tpu.memory_space<semaphore_mem>>
              %dma_start3A = arith.constant 0 : i32
              %dma_start3A_412 = tpu.memref_slice %arg6[%rem3A_389, %while3A_408, %dma_start3A] : memref<3x80x128xf32, #tpu.memory_space<vmem>> -> memref<1x1x128xf32, #tpu.memory_space<vmem>>
              %dma_start3A_413 = tpu.memref_squeeze %dma_start3A_412 : memref<1x1x128xf32, #tpu.memory_space<vmem>> -> memref<1x128xf32, #tpu.memory_space<vmem>>
              %dma_start3A_414 = arith.constant 0 : i32
              %dma_start3A_415 = tpu.memref_slice %arg5[%add3A_410, %dma_start3A_414] : memref<320000x128xf32, #tpu.memory_space<hbm>> -> memref<1x128xf32, #tpu.memory_space<hbm>>
              %dma_start3A_416 = arith.constant 0 : i32
              %dma_start3A_417 = tpu.memref_slice %arg5[%add3A_410, %dma_start3A_416] : memref<320000x128xf32, #tpu.memory_space<hbm>> -> memref<1x128xf32, #tpu.memory_space<hbm>>
              %dma_start3A_418 = arith.constant 0 : i32
              %dma_start3A_419 = tpu.memref_slice %arg6[%rem3A_389, %while3A_408, %dma_start3A_418] : memref<3x80x128xf32, #tpu.memory_space<vmem>> -> memref<1x1x128xf32, #tpu.memory_space<vmem>>
              %dma_start3A_420 = tpu.memref_squeeze %dma_start3A_419 : memref<1x1x128xf32, #tpu.memory_space<vmem>> -> memref<1x128xf32, #tpu.memory_space<vmem>>
              tpu.enqueue_dma source(%dma_start3A_420 : memref<1x128xf32, #tpu.memory_space<vmem>>) target(%dma_start3A_417 : memref<1x128xf32, #tpu.memory_space<hbm>>) target_semaphore(%run_scoped3A : memref<!tpu.dma_semaphore, #tpu.memory_space<semaphore_mem>>)
              %dma_wait3A = arith.constant 0 : i32
              %dma_wait3A_421 = tpu.memref_slice %arg6[%rem3A_389, %while3A_408, %dma_wait3A] : memref<3x80x128xf32, #tpu.memory_space<vmem>> -> memref<1x1x128xf32, #tpu.memory_space<vmem>>
              %dma_wait3A_422 = tpu.memref_squeeze %dma_wait3A_421 : memref<1x1x128xf32, #tpu.memory_space<vmem>> -> memref<1x128xf32, #tpu.memory_space<vmem>>
              %dma_wait3A_423 = arith.constant 0 : i32
              %dma_wait3A_424 = tpu.memref_slice %arg5[%add3A_410, %dma_wait3A_423] : memref<320000x128xf32, #tpu.memory_space<hbm>> -> memref<1x128xf32, #tpu.memory_space<hbm>>
              %dma_wait3A_425 = arith.constant 0 : i32
              %dma_wait3A_426 = tpu.memref_slice %arg5[%add3A_410, %dma_wait3A_425] : memref<320000x128xf32, #tpu.memory_space<hbm>> -> memref<1x128xf32, #tpu.memory_space<hbm>>
              %dma_wait3A_427 = arith.constant 0 : i32
              %dma_wait3A_428 = tpu.memref_slice %arg6[%rem3A_389, %while3A_408, %dma_wait3A_427] : memref<3x80x128xf32, #tpu.memory_space<vmem>> -> memref<1x1x128xf32, #tpu.memory_space<vmem>>
              %dma_wait3A_429 = tpu.memref_squeeze %dma_wait3A_428 : memref<1x1x128xf32, #tpu.memory_space<vmem>> -> memref<1x128xf32, #tpu.memory_space<vmem>>
              tpu.wait_dma2 semaphore(%run_scoped3A : memref<!tpu.dma_semaphore, #tpu.memory_space<semaphore_mem>>) src(%dma_wait3A_429 : memref<1x128xf32, #tpu.memory_space<vmem>>) dst(%dma_wait3A_426 : memref<1x128xf32, #tpu.memory_space<hbm>>)
              tpu.yield
            }) : () -> ()
            %while3A_411 = arith.constant 0 : i32
            scf.yield %while3A_411 : i32
          }
          %while3A_406 = arith.constant 1 : i32
          %while3A_407 = scf.for %while3A_408 = %while3A_403 to %while3A_399 step %while3A_406 iter_args(%while3A_409 = %while3A_405) -> (i32)  : i32 {
            %add3A_410 = arith.addi %mul3A_387, %while3A_408 : i32
            "tpu.region"() ({
              %run_scoped3A = tpu.sem_alloc : memref<!tpu.dma_semaphore, #tpu.memory_space<semaphore_mem>>
              %dma_start3A = arith.constant 0 : i32
              %dma_start3A_412 = tpu.memref_slice %arg6[%rem3A_389, %while3A_408, %dma_start3A] : memref<3x80x128xf32, #tpu.memory_space<vmem>> -> memref<1x1x128xf32, #tpu.memory_space<vmem>>
              %dma_start3A_413 = tpu.memref_squeeze %dma_start3A_412 : memref<1x1x128xf32, #tpu.memory_space<vmem>> -> memref<1x128xf32, #tpu.memory_space<vmem>>
              %dma_start3A_414 = arith.constant 0 : i32
              %dma_start3A_415 = tpu.memref_slice %arg5[%add3A_410, %dma_start3A_414] : memref<320000x128xf32, #tpu.memory_space<hbm>> -> memref<1x128xf32, #tpu.memory_space<hbm>>
              %dma_start3A_416 = arith.constant 0 : i32
              %dma_start3A_417 = tpu.memref_slice %arg5[%add3A_410, %dma_start3A_416] : memref<320000x128xf32, #tpu.memory_space<hbm>> -> memref<1x128xf32, #tpu.memory_space<hbm>>
              %dma_start3A_418 = arith.constant 0 : i32
              %dma_start3A_419 = tpu.memref_slice %arg6[%rem3A_389, %while3A_408, %dma_start3A_418] : memref<3x80x128xf32, #tpu.memory_space<vmem>> -> memref<1x1x128xf32, #tpu.memory_space<vmem>>
              %dma_start3A_420 = tpu.memref_squeeze %dma_start3A_419 : memref<1x1x128xf32, #tpu.memory_space<vmem>> -> memref<1x128xf32, #tpu.memory_space<vmem>>
              tpu.enqueue_dma source(%dma_start3A_420 : memref<1x128xf32, #tpu.memory_space<vmem>>) target(%dma_start3A_417 : memref<1x128xf32, #tpu.memory_space<hbm>>) target_semaphore(%run_scoped3A : memref<!tpu.dma_semaphore, #tpu.memory_space<semaphore_mem>>)
              %dma_wait3A = arith.constant 0 : i32
              %dma_wait3A_421 = tpu.memref_slice %arg6[%rem3A_389, %while3A_408, %dma_wait3A] : memref<3x80x128xf32, #tpu.memory_space<vmem>> -> memref<1x1x128xf32, #tpu.memory_space<vmem>>
              %dma_wait3A_422 = tpu.memref_squeeze %dma_wait3A_421 : memref<1x1x128xf32, #tpu.memory_space<vmem>> -> memref<1x128xf32, #tpu.memory_space<vmem>>
              %dma_wait3A_423 = arith.constant 0 : i32
              %dma_wait3A_424 = tpu.memref_slice %arg5[%add3A_410, %dma_wait3A_423] : memref<320000x128xf32, #tpu.memory_space<hbm>> -> memref<1x128xf32, #tpu.memory_space<hbm>>
              %dma_wait3A_425 = arith.constant 0 : i32
              %dma_wait3A_426 = tpu.memref_slice %arg5[%add3A_410, %dma_wait3A_425] : memref<320000x128xf32, #tpu.memory_space<hbm>> -> memref<1x128xf32, #tpu.memory_space<hbm>>
              %dma_wait3A_427 = arith.constant 0 : i32
              %dma_wait3A_428 = tpu.memref_slice %arg6[%rem3A_389, %while3A_408, %dma_wait3A_427] : memref<3x80x128xf32, #tpu.memory_space<vmem>> -> memref<1x1x128xf32, #tpu.memory_space<vmem>>
              %dma_wait3A_429 = tpu.memref_squeeze %dma_wait3A_428 : memref<1x1x128xf32, #tpu.memory_space<vmem>> -> memref<1x128xf32, #tpu.memory_space<vmem>>
              tpu.wait_dma2 semaphore(%run_scoped3A : memref<!tpu.dma_semaphore, #tpu.memory_space<semaphore_mem>>) src(%dma_wait3A_429 : memref<1x128xf32, #tpu.memory_space<vmem>>) dst(%dma_wait3A_426 : memref<1x128xf32, #tpu.memory_space<hbm>>)
              tpu.yield
            }) : () -> ()
            %while3A_411 = arith.constant 0 : i32
            scf.yield %while3A_411 : i32
          }
        } else {
        }
        %convert_element_type3A_342 = arith.extui %ne3A_314 : i1 to i32
        %cond3A_343 = arith.constant 0 : i32
        %cond3A_344 = arith.cmpi ne, %convert_element_type3A_342, %cond3A_343 : i32
        scf.if %cond3A_344 {
          %rem3A_386 = arith.constant 3 : i32
          %rem3A_387 = arith.remsi %while3A_312, %rem3A_386 : i32
          %mul3A_388 = arith.constant 80 : i32
          %mul3A_389 = arith.muli %while3A_312, %mul3A_388 : i32
          %dma_wait3A = arith.constant 0 : i32
          %dma_wait3A_390 = arith.constant 0 : i32
          %dma_wait3A_391 = tpu.memref_slice %arg6[%rem3A_387, %dma_wait3A, %dma_wait3A_390] : memref<3x80x128xf32, #tpu.memory_space<vmem>> -> memref<1x80x128xf32, #tpu.memory_space<vmem>>
          %dma_wait3A_392 = tpu.memref_squeeze %dma_wait3A_391 : memref<1x80x128xf32, #tpu.memory_space<vmem>> -> memref<80x128xf32, #tpu.memory_space<vmem>>
          %dma_wait3A_393 = arith.constant 0 : i32
          %dma_wait3A_394 = tpu.memref_slice %arg2[%mul3A_389, %dma_wait3A_393] : memref<320000x128xf32, #tpu.memory_space<hbm>> -> memref<80x128xf32, #tpu.memory_space<hbm>>
          %dma_wait3A_395 = tpu.memref_slice %arg12[%rem3A_387] : memref<3x!tpu.dma_semaphore, #tpu.memory_space<semaphore_mem>> -> memref<1x!tpu.dma_semaphore, #tpu.memory_space<semaphore_mem>>
          %dma_wait3A_396 = tpu.memref_squeeze %dma_wait3A_395 : memref<1x!tpu.dma_semaphore, #tpu.memory_space<semaphore_mem>> -> memref<!tpu.dma_semaphore, #tpu.memory_space<semaphore_mem>>
          %dma_wait3A_397 = arith.constant 0 : i32
          %dma_wait3A_398 = arith.constant 0 : i32
          %dma_wait3A_399 = tpu.memref_slice %arg6[%rem3A_387, %dma_wait3A_397, %dma_wait3A_398] : memref<3x80x128xf32, #tpu.memory_space<vmem>> -> memref<1x80x128xf32, #tpu.memory_space<vmem>>
          %dma_wait3A_400 = tpu.memref_squeeze %dma_wait3A_399 : memref<1x80x128xf32, #tpu.memory_space<vmem>> -> memref<80x128xf32, #tpu.memory_space<vmem>>
          %dma_wait3A_401 = arith.constant 0 : i32
          %dma_wait3A_402 = tpu.memref_slice %arg2[%mul3A_389, %dma_wait3A_401] : memref<320000x128xf32, #tpu.memory_space<hbm>> -> memref<80x128xf32, #tpu.memory_space<hbm>>
          tpu.wait_dma2 semaphore(%dma_wait3A_396 : memref<!tpu.dma_semaphore, #tpu.memory_space<semaphore_mem>>) src(%dma_wait3A_402 : memref<80x128xf32, #tpu.memory_space<hbm>>) dst(%dma_wait3A_400 : memref<80x128xf32, #tpu.memory_space<vmem>>)
        } else {
        }
        %add3A_345 = arith.constant 1 : i32
        %add3A_346 = arith.addi %while3A_312, %add3A_345 : i32
        %lt3A_347 = arith.cmpi slt, %add3A_346, %select_n3A_48 : i32
        %and3A_348 = arith.andi %ne3A_314, %lt3A_347 : i1
        %sub3A_349 = arith.constant 2 : i32
        %sub3A_350 = arith.subi %while3A_312, %sub3A_349 : i32
        %ge3A_351 = arith.cmpi sge, %sub3A_350, %select_n3A : i32
        %sub3A_352 = arith.constant 2 : i32
        %sub3A_353 = arith.subi %while3A_312, %sub3A_352 : i32
        %mul3A_354 = arith.constant 80 : i32
        %mul3A_355 = arith.muli %sub3A_353, %mul3A_354 : i32
        %ge3A_356 = arith.cmpi sge, %mul3A_355, %squeeze3A : i32
        %add3A_357 = arith.constant 80 : i32
        %add3A_358 = arith.addi %mul3A_355, %add3A_357 : i32
        %le3A_359 = arith.cmpi sle, %add3A_358, %squeeze3A_4 : i32
        %and3A_360 = arith.andi %ge3A_356, %le3A_359 : i1
        %and3A_361 = arith.andi %ge3A_351, %and3A_360 : i1
        %and3A_362 = arith.andi %and3A_348, %and3A_361 : i1
        %convert_element_type3A_363 = arith.extui %and3A_362 : i1 to i32
        %cond3A_364 = arith.constant 0 : i32
        %cond3A_365 = arith.cmpi ne, %convert_element_type3A_363, %cond3A_364 : i32
        scf.if %cond3A_365 {
          %sub3A_386 = arith.constant 2 : i32
          %sub3A_387 = arith.subi %while3A_312, %sub3A_386 : i32
          %rem3A_388 = arith.constant 3 : i32
          %rem3A_389 = arith.remsi %sub3A_387, %rem3A_388 : i32
          %mul3A_390 = arith.constant 80 : i32
          %mul3A_391 = arith.muli %sub3A_387, %mul3A_390 : i32
          %dma_wait3A = arith.constant 0 : i32
          %dma_wait3A_392 = arith.constant 0 : i32
          %dma_wait3A_393 = tpu.memref_slice %arg6[%rem3A_389, %dma_wait3A, %dma_wait3A_392] : memref<3x80x128xf32, #tpu.memory_space<vmem>> -> memref<1x80x128xf32, #tpu.memory_space<vmem>>
          %dma_wait3A_394 = tpu.memref_squeeze %dma_wait3A_393 : memref<1x80x128xf32, #tpu.memory_space<vmem>> -> memref<80x128xf32, #tpu.memory_space<vmem>>
          %dma_wait3A_395 = arith.constant 0 : i32
          %dma_wait3A_396 = tpu.memref_slice %arg5[%mul3A_391, %dma_wait3A_395] : memref<320000x128xf32, #tpu.memory_space<hbm>> -> memref<80x128xf32, #tpu.memory_space<hbm>>
          %dma_wait3A_397 = tpu.memref_slice %arg14[%rem3A_389] : memref<3x!tpu.dma_semaphore, #tpu.memory_space<semaphore_mem>> -> memref<1x!tpu.dma_semaphore, #tpu.memory_space<semaphore_mem>>
          %dma_wait3A_398 = tpu.memref_squeeze %dma_wait3A_397 : memref<1x!tpu.dma_semaphore, #tpu.memory_space<semaphore_mem>> -> memref<!tpu.dma_semaphore, #tpu.memory_space<semaphore_mem>>
          %dma_wait3A_399 = arith.constant 0 : i32
          %dma_wait3A_400 = tpu.memref_slice %arg5[%mul3A_391, %dma_wait3A_399] : memref<320000x128xf32, #tpu.memory_space<hbm>> -> memref<80x128xf32, #tpu.memory_space<hbm>>
          %dma_wait3A_401 = arith.constant 0 : i32
          %dma_wait3A_402 = arith.constant 0 : i32
          %dma_wait3A_403 = tpu.memref_slice %arg6[%rem3A_389, %dma_wait3A_401, %dma_wait3A_402] : memref<3x80x128xf32, #tpu.memory_space<vmem>> -> memref<1x80x128xf32, #tpu.memory_space<vmem>>
          %dma_wait3A_404 = tpu.memref_squeeze %dma_wait3A_403 : memref<1x80x128xf32, #tpu.memory_space<vmem>> -> memref<80x128xf32, #tpu.memory_space<vmem>>
          tpu.wait_dma2 semaphore(%dma_wait3A_398 : memref<!tpu.dma_semaphore, #tpu.memory_space<semaphore_mem>>) src(%dma_wait3A_404 : memref<80x128xf32, #tpu.memory_space<vmem>>) dst(%dma_wait3A_400 : memref<80x128xf32, #tpu.memory_space<hbm>>)
        } else {
        }
        %convert_element_type3A_366 = arith.extui %and3A_348 : i1 to i32
        %cond3A_367 = arith.constant 0 : i32
        %cond3A_368 = arith.cmpi ne, %convert_element_type3A_366, %cond3A_367 : i32
        scf.if %cond3A_368 {
          %add3A_386 = arith.constant 1 : i32
          %add3A_387 = arith.addi %while3A_312, %add3A_386 : i32
          %rem3A_388 = arith.constant 3 : i32
          %rem3A_389 = arith.remsi %add3A_387, %rem3A_388 : i32
          %mul3A_390 = arith.constant 80 : i32
          %mul3A_391 = arith.muli %add3A_387, %mul3A_390 : i32
          %dma_start3A = arith.constant 0 : i32
          %dma_start3A_392 = arith.constant 0 : i32
          %dma_start3A_393 = tpu.memref_slice %arg6[%rem3A_389, %dma_start3A, %dma_start3A_392] : memref<3x80x128xf32, #tpu.memory_space<vmem>> -> memref<1x80x128xf32, #tpu.memory_space<vmem>>
          %dma_start3A_394 = tpu.memref_squeeze %dma_start3A_393 : memref<1x80x128xf32, #tpu.memory_space<vmem>> -> memref<80x128xf32, #tpu.memory_space<vmem>>
          %dma_start3A_395 = arith.constant 0 : i32
          %dma_start3A_396 = tpu.memref_slice %arg2[%mul3A_391, %dma_start3A_395] : memref<320000x128xf32, #tpu.memory_space<hbm>> -> memref<80x128xf32, #tpu.memory_space<hbm>>
          %dma_start3A_397 = tpu.memref_slice %arg12[%rem3A_389] : memref<3x!tpu.dma_semaphore, #tpu.memory_space<semaphore_mem>> -> memref<1x!tpu.dma_semaphore, #tpu.memory_space<semaphore_mem>>
          %dma_start3A_398 = tpu.memref_squeeze %dma_start3A_397 : memref<1x!tpu.dma_semaphore, #tpu.memory_space<semaphore_mem>> -> memref<!tpu.dma_semaphore, #tpu.memory_space<semaphore_mem>>
          %dma_start3A_399 = arith.constant 0 : i32
          %dma_start3A_400 = arith.constant 0 : i32
          %dma_start3A_401 = tpu.memref_slice %arg6[%rem3A_389, %dma_start3A_399, %dma_start3A_400] : memref<3x80x128xf32, #tpu.memory_space<vmem>> -> memref<1x80x128xf32, #tpu.memory_space<vmem>>
          %dma_start3A_402 = tpu.memref_squeeze %dma_start3A_401 : memref<1x80x128xf32, #tpu.memory_space<vmem>> -> memref<80x128xf32, #tpu.memory_space<vmem>>
          %dma_start3A_403 = arith.constant 0 : i32
          %dma_start3A_404 = tpu.memref_slice %arg2[%mul3A_391, %dma_start3A_403] : memref<320000x128xf32, #tpu.memory_space<hbm>> -> memref<80x128xf32, #tpu.memory_space<hbm>>
          tpu.enqueue_dma source(%dma_start3A_404 : memref<80x128xf32, #tpu.memory_space<hbm>>) target(%dma_start3A_402 : memref<80x128xf32, #tpu.memory_space<vmem>>) target_semaphore(%dma_start3A_398 : memref<!tpu.dma_semaphore, #tpu.memory_space<semaphore_mem>>)
        } else {
        }
        %rem3A_369 = arith.constant 3 : i32
        %rem3A_370 = arith.remsi %while3A_312, %rem3A_369 : i32
        %mul3A_371 = arith.constant 80 : i32
        %mul3A_372 = arith.muli %while3A_312, %mul3A_371 : i32
        %sub3A_373 = arith.subi %squeeze3A_176, %mul3A_372 : i32
        %max3A = arith.constant 0 : i32
        %max3A_374 = arith.maxsi %sub3A_373, %max3A : i32
        %sub3A_375 = arith.subi %squeeze3A_185, %mul3A_372 : i32
        %min3A = arith.constant 80 : i32
        %min3A_376 = arith.minsi %sub3A_375, %min3A : i32
        %while3A_377 = arith.constant 0 : i32
        %while3A_378 = arith.subi %min3A_376, %max3A_374 : i32
        %while3A_379 = arith.addi %max3A_374, %while3A_378 : i32
        %while3A_380 = arith.constant 1 : i32
        %while3A_381 = arith.divsi %while3A_378, %while3A_380 : i32
        %while3A_382 = arith.muli %while3A_381, %while3A_380 : i32
        %while3A_383 = arith.addi %max3A_374, %while3A_382 : i32
        %while3A_384 = arith.constant 1 : i32
        scf.for %while3A_386 = %max3A_374 to %while3A_383 step %while3A_384  : i32 {
          %get3A_387 = arith.index_cast %rem3A_370 : i32 to index
          %get3A_388 = arith.index_cast %while3A_386 : i32 to index
          %get3A_389 = arith.constant 0 : index
          %get3A_390 = tpu.vector_load %arg6[%get3A_387, %get3A_388, %get3A_389] {strides = array<i32>} : memref<3x80x128xf32, #tpu.memory_space<vmem>>, vector<1x1x16xf32>,
          %get3A_391 = vector.shape_cast %get3A_390 : vector<1x1x16xf32> to vector<16xf32>
          %get3A_392 = arith.index_cast %rem3A_370 : i32 to index
          %get3A_393 = arith.index_cast %while3A_386 : i32 to index
          %get3A_394 = arith.constant 16 : index
          %get3A_395 = tpu.vector_load %arg6[%get3A_392, %get3A_393, %get3A_394] {strides = array<i32>} : memref<3x80x128xf32, #tpu.memory_space<vmem>>, vector<1x1x16xf32>,
          %get3A_396 = vector.shape_cast %get3A_395 : vector<1x1x16xf32> to vector<16xf32>
          %get3A_397 = arith.index_cast %rem3A_370 : i32 to index
          %get3A_398 = arith.index_cast %while3A_386 : i32 to index
          %get3A_399 = arith.constant 32 : index
          %get3A_400 = tpu.vector_load %arg6[%get3A_397, %get3A_398, %get3A_399] {strides = array<i32>} : memref<3x80x128xf32, #tpu.memory_space<vmem>>, vector<1x1x16xf32>,
          %get3A_401 = vector.shape_cast %get3A_400 : vector<1x1x16xf32> to vector<16xf32>
          %get3A_402 = arith.index_cast %rem3A_370 : i32 to index
          %get3A_403 = arith.index_cast %while3A_386 : i32 to index
          %get3A_404 = arith.constant 48 : index
          %get3A_405 = tpu.vector_load %arg6[%get3A_402, %get3A_403, %get3A_404] {strides = array<i32>} : memref<3x80x128xf32, #tpu.memory_space<vmem>>, vector<1x1x16xf32>,
          %get3A_406 = vector.shape_cast %get3A_405 : vector<1x1x16xf32> to vector<16xf32>
          %get3A_407 = arith.index_cast %rem3A_370 : i32 to index
          %get3A_408 = arith.index_cast %while3A_386 : i32 to index
          %get3A_409 = arith.constant 64 : index
          %get3A_410 = tpu.vector_load %arg6[%get3A_407, %get3A_408, %get3A_409] {strides = array<i32>} : memref<3x80x128xf32, #tpu.memory_space<vmem>>, vector<1x1x16xf32>,
          %get3A_411 = vector.shape_cast %get3A_410 : vector<1x1x16xf32> to vector<16xf32>
          %get3A_412 = arith.index_cast %rem3A_370 : i32 to index
          %get3A_413 = arith.index_cast %while3A_386 : i32 to index
          %get3A_414 = arith.constant 80 : index
          %get3A_415 = tpu.vector_load %arg6[%get3A_412, %get3A_413, %get3A_414] {strides = array<i32>} : memref<3x80x128xf32, #tpu.memory_space<vmem>>, vector<1x1x16xf32>,
          %get3A_416 = vector.shape_cast %get3A_415 : vector<1x1x16xf32> to vector<16xf32>
          %get3A_417 = arith.index_cast %rem3A_370 : i32 to index
          %get3A_418 = arith.index_cast %while3A_386 : i32 to index
          %get3A_419 = arith.constant 96 : index
          %get3A_420 = tpu.vector_load %arg6[%get3A_417, %get3A_418, %get3A_419] {strides = array<i32>} : memref<3x80x128xf32, #tpu.memory_space<vmem>>, vector<1x1x16xf32>,
          %get3A_421 = vector.shape_cast %get3A_420 : vector<1x1x16xf32> to vector<16xf32>
          %get3A_422 = arith.index_cast %rem3A_370 : i32 to index
          %get3A_423 = arith.index_cast %while3A_386 : i32 to index
          %get3A_424 = arith.constant 112 : index
          %get3A_425 = tpu.vector_load %arg6[%get3A_422, %get3A_423, %get3A_424] {strides = array<i32>} : memref<3x80x128xf32, #tpu.memory_space<vmem>>, vector<1x1x16xf32>,
          %get3A_426 = vector.shape_cast %get3A_425 : vector<1x1x16xf32> to vector<16xf32>
          %sub3A_427 = arith.subf %get3A_391, %get3A_189 : vector<16xf32>
          %exp3A = math.exp %sub3A_427 : vector<16xf32>
          %add3A_428 = arith.constant 9.99999974E-6 : f32
          %add3A_429 = vector.broadcast %add3A_428 : f32 to vector<16xf32>
          %add3A_430 = arith.addf %exp3A, %add3A_429 : vector<16xf32>
          %mul3A_431 = arith.mulf %add3A_430, %get3A_221 : vector<16xf32>
          %swap3A_432 = arith.index_cast %rem3A_370 : i32 to index
          %swap3A_433 = arith.index_cast %while3A_386 : i32 to index
          %swap3A_434 = arith.constant 0 : index
          %swap3A_435 = tpu.vector_load %arg6[%swap3A_432, %swap3A_433, %swap3A_434] {strides = array<i32>} : memref<3x80x128xf32, #tpu.memory_space<vmem>>, vector<1x1x16xf32>,
          %swap3A_436 = vector.shape_cast %swap3A_435 : vector<1x1x16xf32> to vector<16xf32>
          %swap3A_437 = vector.shape_cast %mul3A_431 : vector<16xf32> to vector<1x1x16xf32>
          tpu.vector_store %arg6[%swap3A_432, %swap3A_433, %swap3A_434], %swap3A_437 {strides = array<i32>} : memref<3x80x128xf32, #tpu.memory_space<vmem>>, vector<1x1x16xf32>,
          %sub3A_438 = arith.subf %get3A_396, %get3A_193 : vector<16xf32>
          %exp3A_439 = math.exp %sub3A_438 : vector<16xf32>
          %add3A_440 = arith.constant 9.99999974E-6 : f32
          %add3A_441 = vector.broadcast %add3A_440 : f32 to vector<16xf32>
          %add3A_442 = arith.addf %exp3A_439, %add3A_441 : vector<16xf32>
          %mul3A_443 = arith.mulf %add3A_442, %get3A_225 : vector<16xf32>
          %swap3A_444 = arith.index_cast %rem3A_370 : i32 to index
          %swap3A_445 = arith.index_cast %while3A_386 : i32 to index
          %swap3A_446 = arith.constant 16 : index
          %swap3A_447 = tpu.vector_load %arg6[%swap3A_444, %swap3A_445, %swap3A_446] {strides = array<i32>} : memref<3x80x128xf32, #tpu.memory_space<vmem>>, vector<1x1x16xf32>,
          %swap3A_448 = vector.shape_cast %swap3A_447 : vector<1x1x16xf32> to vector<16xf32>
          %swap3A_449 = vector.shape_cast %mul3A_443 : vector<16xf32> to vector<1x1x16xf32>
          tpu.vector_store %arg6[%swap3A_444, %swap3A_445, %swap3A_446], %swap3A_449 {strides = array<i32>} : memref<3x80x128xf32, #tpu.memory_space<vmem>>, vector<1x1x16xf32>,
          %sub3A_450 = arith.subf %get3A_401, %get3A_197 : vector<16xf32>
          %exp3A_451 = math.exp %sub3A_450 : vector<16xf32>
          %add3A_452 = arith.constant 9.99999974E-6 : f32
          %add3A_453 = vector.broadcast %add3A_452 : f32 to vector<16xf32>
          %add3A_454 = arith.addf %exp3A_451, %add3A_453 : vector<16xf32>
          %mul3A_455 = arith.mulf %add3A_454, %get3A_229 : vector<16xf32>
          %swap3A_456 = arith.index_cast %rem3A_370 : i32 to index
          %swap3A_457 = arith.index_cast %while3A_386 : i32 to index
          %swap3A_458 = arith.constant 32 : index
          %swap3A_459 = tpu.vector_load %arg6[%swap3A_456, %swap3A_457, %swap3A_458] {strides = array<i32>} : memref<3x80x128xf32, #tpu.memory_space<vmem>>, vector<1x1x16xf32>,
          %swap3A_460 = vector.shape_cast %swap3A_459 : vector<1x1x16xf32> to vector<16xf32>
          %swap3A_461 = vector.shape_cast %mul3A_455 : vector<16xf32> to vector<1x1x16xf32>
          tpu.vector_store %arg6[%swap3A_456, %swap3A_457, %swap3A_458], %swap3A_461 {strides = array<i32>} : memref<3x80x128xf32, #tpu.memory_space<vmem>>, vector<1x1x16xf32>,
          %sub3A_462 = arith.subf %get3A_406, %get3A_201 : vector<16xf32>
          %exp3A_463 = math.exp %sub3A_462 : vector<16xf32>
          %add3A_464 = arith.constant 9.99999974E-6 : f32
          %add3A_465 = vector.broadcast %add3A_464 : f32 to vector<16xf32>
          %add3A_466 = arith.addf %exp3A_463, %add3A_465 : vector<16xf32>
          %mul3A_467 = arith.mulf %add3A_466, %get3A_233 : vector<16xf32>
          %swap3A_468 = arith.index_cast %rem3A_370 : i32 to index
          %swap3A_469 = arith.index_cast %while3A_386 : i32 to index
          %swap3A_470 = arith.constant 48 : index
          %swap3A_471 = tpu.vector_load %arg6[%swap3A_468, %swap3A_469, %swap3A_470] {strides = array<i32>} : memref<3x80x128xf32, #tpu.memory_space<vmem>>, vector<1x1x16xf32>,
          %swap3A_472 = vector.shape_cast %swap3A_471 : vector<1x1x16xf32> to vector<16xf32>
          %swap3A_473 = vector.shape_cast %mul3A_467 : vector<16xf32> to vector<1x1x16xf32>
          tpu.vector_store %arg6[%swap3A_468, %swap3A_469, %swap3A_470], %swap3A_473 {strides = array<i32>} : memref<3x80x128xf32, #tpu.memory_space<vmem>>, vector<1x1x16xf32>,
          %sub3A_474 = arith.subf %get3A_411, %get3A_205 : vector<16xf32>
          %exp3A_475 = math.exp %sub3A_474 : vector<16xf32>
          %add3A_476 = arith.constant 9.99999974E-6 : f32
          %add3A_477 = vector.broadcast %add3A_476 : f32 to vector<16xf32>
          %add3A_478 = arith.addf %exp3A_475, %add3A_477 : vector<16xf32>
          %mul3A_479 = arith.mulf %add3A_478, %get3A_237 : vector<16xf32>
          %swap3A_480 = arith.index_cast %rem3A_370 : i32 to index
          %swap3A_481 = arith.index_cast %while3A_386 : i32 to index
          %swap3A_482 = arith.constant 64 : index
          %swap3A_483 = tpu.vector_load %arg6[%swap3A_480, %swap3A_481, %swap3A_482] {strides = array<i32>} : memref<3x80x128xf32, #tpu.memory_space<vmem>>, vector<1x1x16xf32>,
          %swap3A_484 = vector.shape_cast %swap3A_483 : vector<1x1x16xf32> to vector<16xf32>
          %swap3A_485 = vector.shape_cast %mul3A_479 : vector<16xf32> to vector<1x1x16xf32>
          tpu.vector_store %arg6[%swap3A_480, %swap3A_481, %swap3A_482], %swap3A_485 {strides = array<i32>} : memref<3x80x128xf32, #tpu.memory_space<vmem>>, vector<1x1x16xf32>,
          %sub3A_486 = arith.subf %get3A_416, %get3A_209 : vector<16xf32>
          %exp3A_487 = math.exp %sub3A_486 : vector<16xf32>
          %add3A_488 = arith.constant 9.99999974E-6 : f32
          %add3A_489 = vector.broadcast %add3A_488 : f32 to vector<16xf32>
          %add3A_490 = arith.addf %exp3A_487, %add3A_489 : vector<16xf32>
          %mul3A_491 = arith.mulf %add3A_490, %get3A_241 : vector<16xf32>
          %swap3A_492 = arith.index_cast %rem3A_370 : i32 to index
          %swap3A_493 = arith.index_cast %while3A_386 : i32 to index
          %swap3A_494 = arith.constant 80 : index
          %swap3A_495 = tpu.vector_load %arg6[%swap3A_492, %swap3A_493, %swap3A_494] {strides = array<i32>} : memref<3x80x128xf32, #tpu.memory_space<vmem>>, vector<1x1x16xf32>,
          %swap3A_496 = vector.shape_cast %swap3A_495 : vector<1x1x16xf32> to vector<16xf32>
          %swap3A_497 = vector.shape_cast %mul3A_491 : vector<16xf32> to vector<1x1x16xf32>
          tpu.vector_store %arg6[%swap3A_492, %swap3A_493, %swap3A_494], %swap3A_497 {strides = array<i32>} : memref<3x80x128xf32, #tpu.memory_space<vmem>>, vector<1x1x16xf32>,
          %sub3A_498 = arith.subf %get3A_421, %get3A_213 : vector<16xf32>
          %exp3A_499 = math.exp %sub3A_498 : vector<16xf32>
          %add3A_500 = arith.constant 9.99999974E-6 : f32
          %add3A_501 = vector.broadcast %add3A_500 : f32 to vector<16xf32>
          %add3A_502 = arith.addf %exp3A_499, %add3A_501 : vector<16xf32>
          %mul3A_503 = arith.mulf %add3A_502, %get3A_245 : vector<16xf32>
          %swap3A_504 = arith.index_cast %rem3A_370 : i32 to index
          %swap3A_505 = arith.index_cast %while3A_386 : i32 to index
          %swap3A_506 = arith.constant 96 : index
          %swap3A_507 = tpu.vector_load %arg6[%swap3A_504, %swap3A_505, %swap3A_506] {strides = array<i32>} : memref<3x80x128xf32, #tpu.memory_space<vmem>>, vector<1x1x16xf32>,
          %swap3A_508 = vector.shape_cast %swap3A_507 : vector<1x1x16xf32> to vector<16xf32>
          %swap3A_509 = vector.shape_cast %mul3A_503 : vector<16xf32> to vector<1x1x16xf32>
          tpu.vector_store %arg6[%swap3A_504, %swap3A_505, %swap3A_506], %swap3A_509 {strides = array<i32>} : memref<3x80x128xf32, #tpu.memory_space<vmem>>, vector<1x1x16xf32>,
          %sub3A_510 = arith.subf %get3A_426, %get3A_217 : vector<16xf32>
          %exp3A_511 = math.exp %sub3A_510 : vector<16xf32>
          %add3A_512 = arith.constant 9.99999974E-6 : f32
          %add3A_513 = vector.broadcast %add3A_512 : f32 to vector<16xf32>
          %add3A_514 = arith.addf %exp3A_511, %add3A_513 : vector<16xf32>
          %mul3A_515 = arith.mulf %add3A_514, %get3A_249 : vector<16xf32>
          %swap3A_516 = arith.index_cast %rem3A_370 : i32 to index
          %swap3A_517 = arith.index_cast %while3A_386 : i32 to index
          %swap3A_518 = arith.constant 112 : index
          %swap3A_519 = tpu.vector_load %arg6[%swap3A_516, %swap3A_517, %swap3A_518] {strides = array<i32>} : memref<3x80x128xf32, #tpu.memory_space<vmem>>, vector<1x1x16xf32>,
          %swap3A_520 = vector.shape_cast %swap3A_519 : vector<1x1x16xf32> to vector<16xf32>
          %swap3A_521 = vector.shape_cast %mul3A_515 : vector<16xf32> to vector<1x1x16xf32>
          tpu.vector_store %arg6[%swap3A_516, %swap3A_517, %swap3A_518], %swap3A_521 {strides = array<i32>} : memref<3x80x128xf32, #tpu.memory_space<vmem>>, vector<1x1x16xf32>,
        }
        %while3A_385 = arith.constant 1 : i32
        scf.for %while3A_386 = %while3A_383 to %while3A_379 step %while3A_385  : i32 {
          %get3A_387 = arith.index_cast %rem3A_370 : i32 to index
          %get3A_388 = arith.index_cast %while3A_386 : i32 to index
          %get3A_389 = arith.constant 0 : index
          %get3A_390 = tpu.vector_load %arg6[%get3A_387, %get3A_388, %get3A_389] {strides = array<i32>} : memref<3x80x128xf32, #tpu.memory_space<vmem>>, vector<1x1x16xf32>,
          %get3A_391 = vector.shape_cast %get3A_390 : vector<1x1x16xf32> to vector<16xf32>
          %get3A_392 = arith.index_cast %rem3A_370 : i32 to index
          %get3A_393 = arith.index_cast %while3A_386 : i32 to index
          %get3A_394 = arith.constant 16 : index
          %get3A_395 = tpu.vector_load %arg6[%get3A_392, %get3A_393, %get3A_394] {strides = array<i32>} : memref<3x80x128xf32, #tpu.memory_space<vmem>>, vector<1x1x16xf32>,
          %get3A_396 = vector.shape_cast %get3A_395 : vector<1x1x16xf32> to vector<16xf32>
          %get3A_397 = arith.index_cast %rem3A_370 : i32 to index
          %get3A_398 = arith.index_cast %while3A_386 : i32 to index
          %get3A_399 = arith.constant 32 : index
          %get3A_400 = tpu.vector_load %arg6[%get3A_397, %get3A_398, %get3A_399] {strides = array<i32>} : memref<3x80x128xf32, #tpu.memory_space<vmem>>, vector<1x1x16xf32>,
          %get3A_401 = vector.shape_cast %get3A_400 : vector<1x1x16xf32> to vector<16xf32>
          %get3A_402 = arith.index_cast %rem3A_370 : i32 to index
          %get3A_403 = arith.index_cast %while3A_386 : i32 to index
          %get3A_404 = arith.constant 48 : index
          %get3A_405 = tpu.vector_load %arg6[%get3A_402, %get3A_403, %get3A_404] {strides = array<i32>} : memref<3x80x128xf32, #tpu.memory_space<vmem>>, vector<1x1x16xf32>,
          %get3A_406 = vector.shape_cast %get3A_405 : vector<1x1x16xf32> to vector<16xf32>
          %get3A_407 = arith.index_cast %rem3A_370 : i32 to index
          %get3A_408 = arith.index_cast %while3A_386 : i32 to index
          %get3A_409 = arith.constant 64 : index
          %get3A_410 = tpu.vector_load %arg6[%get3A_407, %get3A_408, %get3A_409] {strides = array<i32>} : memref<3x80x128xf32, #tpu.memory_space<vmem>>, vector<1x1x16xf32>,
          %get3A_411 = vector.shape_cast %get3A_410 : vector<1x1x16xf32> to vector<16xf32>
          %get3A_412 = arith.index_cast %rem3A_370 : i32 to index
          %get3A_413 = arith.index_cast %while3A_386 : i32 to index
          %get3A_414 = arith.constant 80 : index
          %get3A_415 = tpu.vector_load %arg6[%get3A_412, %get3A_413, %get3A_414] {strides = array<i32>} : memref<3x80x128xf32, #tpu.memory_space<vmem>>, vector<1x1x16xf32>,
          %get3A_416 = vector.shape_cast %get3A_415 : vector<1x1x16xf32> to vector<16xf32>
          %get3A_417 = arith.index_cast %rem3A_370 : i32 to index
          %get3A_418 = arith.index_cast %while3A_386 : i32 to index
          %get3A_419 = arith.constant 96 : index
          %get3A_420 = tpu.vector_load %arg6[%get3A_417, %get3A_418, %get3A_419] {strides = array<i32>} : memref<3x80x128xf32, #tpu.memory_space<vmem>>, vector<1x1x16xf32>,
          %get3A_421 = vector.shape_cast %get3A_420 : vector<1x1x16xf32> to vector<16xf32>
          %get3A_422 = arith.index_cast %rem3A_370 : i32 to index
          %get3A_423 = arith.index_cast %while3A_386 : i32 to index
          %get3A_424 = arith.constant 112 : index
          %get3A_425 = tpu.vector_load %arg6[%get3A_422, %get3A_423, %get3A_424] {strides = array<i32>} : memref<3x80x128xf32, #tpu.memory_space<vmem>>, vector<1x1x16xf32>,
          %get3A_426 = vector.shape_cast %get3A_425 : vector<1x1x16xf32> to vector<16xf32>
          %sub3A_427 = arith.subf %get3A_391, %get3A_189 : vector<16xf32>
          %exp3A = math.exp %sub3A_427 : vector<16xf32>
          %add3A_428 = arith.constant 9.99999974E-6 : f32
          %add3A_429 = vector.broadcast %add3A_428 : f32 to vector<16xf32>
          %add3A_430 = arith.addf %exp3A, %add3A_429 : vector<16xf32>
          %mul3A_431 = arith.mulf %add3A_430, %get3A_221 : vector<16xf32>
          %swap3A_432 = arith.index_cast %rem3A_370 : i32 to index
          %swap3A_433 = arith.index_cast %while3A_386 : i32 to index
          %swap3A_434 = arith.constant 0 : index
          %swap3A_435 = tpu.vector_load %arg6[%swap3A_432, %swap3A_433, %swap3A_434] {strides = array<i32>} : memref<3x80x128xf32, #tpu.memory_space<vmem>>, vector<1x1x16xf32>,
          %swap3A_436 = vector.shape_cast %swap3A_435 : vector<1x1x16xf32> to vector<16xf32>
          %swap3A_437 = vector.shape_cast %mul3A_431 : vector<16xf32> to vector<1x1x16xf32>
          tpu.vector_store %arg6[%swap3A_432, %swap3A_433, %swap3A_434], %swap3A_437 {strides = array<i32>} : memref<3x80x128xf32, #tpu.memory_space<vmem>>, vector<1x1x16xf32>,
          %sub3A_438 = arith.subf %get3A_396, %get3A_193 : vector<16xf32>
          %exp3A_439 = math.exp %sub3A_438 : vector<16xf32>
          %add3A_440 = arith.constant 9.99999974E-6 : f32
          %add3A_441 = vector.broadcast %add3A_440 : f32 to vector<16xf32>
          %add3A_442 = arith.addf %exp3A_439, %add3A_441 : vector<16xf32>
          %mul3A_443 = arith.mulf %add3A_442, %get3A_225 : vector<16xf32>
          %swap3A_444 = arith.index_cast %rem3A_370 : i32 to index
          %swap3A_445 = arith.index_cast %while3A_386 : i32 to index
          %swap3A_446 = arith.constant 16 : index
          %swap3A_447 = tpu.vector_load %arg6[%swap3A_444, %swap3A_445, %swap3A_446] {strides = array<i32>} : memref<3x80x128xf32, #tpu.memory_space<vmem>>, vector<1x1x16xf32>,
          %swap3A_448 = vector.shape_cast %swap3A_447 : vector<1x1x16xf32> to vector<16xf32>
          %swap3A_449 = vector.shape_cast %mul3A_443 : vector<16xf32> to vector<1x1x16xf32>
          tpu.vector_store %arg6[%swap3A_444, %swap3A_445, %swap3A_446], %swap3A_449 {strides = array<i32>} : memref<3x80x128xf32, #tpu.memory_space<vmem>>, vector<1x1x16xf32>,
          %sub3A_450 = arith.subf %get3A_401, %get3A_197 : vector<16xf32>
          %exp3A_451 = math.exp %sub3A_450 : vector<16xf32>
          %add3A_452 = arith.constant 9.99999974E-6 : f32
          %add3A_453 = vector.broadcast %add3A_452 : f32 to vector<16xf32>
          %add3A_454 = arith.addf %exp3A_451, %add3A_453 : vector<16xf32>
          %mul3A_455 = arith.mulf %add3A_454, %get3A_229 : vector<16xf32>
          %swap3A_456 = arith.index_cast %rem3A_370 : i32 to index
          %swap3A_457 = arith.index_cast %while3A_386 : i32 to index
          %swap3A_458 = arith.constant 32 : index
          %swap3A_459 = tpu.vector_load %arg6[%swap3A_456, %swap3A_457, %swap3A_458] {strides = array<i32>} : memref<3x80x128xf32, #tpu.memory_space<vmem>>, vector<1x1x16xf32>,
          %swap3A_460 = vector.shape_cast %swap3A_459 : vector<1x1x16xf32> to vector<16xf32>
          %swap3A_461 = vector.shape_cast %mul3A_455 : vector<16xf32> to vector<1x1x16xf32>
          tpu.vector_store %arg6[%swap3A_456, %swap3A_457, %swap3A_458], %swap3A_461 {strides = array<i32>} : memref<3x80x128xf32, #tpu.memory_space<vmem>>, vector<1x1x16xf32>,
          %sub3A_462 = arith.subf %get3A_406, %get3A_201 : vector<16xf32>
          %exp3A_463 = math.exp %sub3A_462 : vector<16xf32>
          %add3A_464 = arith.constant 9.99999974E-6 : f32
          %add3A_465 = vector.broadcast %add3A_464 : f32 to vector<16xf32>
          %add3A_466 = arith.addf %exp3A_463, %add3A_465 : vector<16xf32>
          %mul3A_467 = arith.mulf %add3A_466, %get3A_233 : vector<16xf32>
          %swap3A_468 = arith.index_cast %rem3A_370 : i32 to index
          %swap3A_469 = arith.index_cast %while3A_386 : i32 to index
          %swap3A_470 = arith.constant 48 : index
          %swap3A_471 = tpu.vector_load %arg6[%swap3A_468, %swap3A_469, %swap3A_470] {strides = array<i32>} : memref<3x80x128xf32, #tpu.memory_space<vmem>>, vector<1x1x16xf32>,
          %swap3A_472 = vector.shape_cast %swap3A_471 : vector<1x1x16xf32> to vector<16xf32>
          %swap3A_473 = vector.shape_cast %mul3A_467 : vector<16xf32> to vector<1x1x16xf32>
          tpu.vector_store %arg6[%swap3A_468, %swap3A_469, %swap3A_470], %swap3A_473 {strides = array<i32>} : memref<3x80x128xf32, #tpu.memory_space<vmem>>, vector<1x1x16xf32>,
          %sub3A_474 = arith.subf %get3A_411, %get3A_205 : vector<16xf32>
          %exp3A_475 = math.exp %sub3A_474 : vector<16xf32>
          %add3A_476 = arith.constant 9.99999974E-6 : f32
          %add3A_477 = vector.broadcast %add3A_476 : f32 to vector<16xf32>
          %add3A_478 = arith.addf %exp3A_475, %add3A_477 : vector<16xf32>
          %mul3A_479 = arith.mulf %add3A_478, %get3A_237 : vector<16xf32>
          %swap3A_480 = arith.index_cast %rem3A_370 : i32 to index
          %swap3A_481 = arith.index_cast %while3A_386 : i32 to index
          %swap3A_482 = arith.constant 64 : index
          %swap3A_483 = tpu.vector_load %arg6[%swap3A_480, %swap3A_481, %swap3A_482] {strides = array<i32>} : memref<3x80x128xf32, #tpu.memory_space<vmem>>, vector<1x1x16xf32>,
          %swap3A_484 = vector.shape_cast %swap3A_483 : vector<1x1x16xf32> to vector<16xf32>
          %swap3A_485 = vector.shape_cast %mul3A_479 : vector<16xf32> to vector<1x1x16xf32>
          tpu.vector_store %arg6[%swap3A_480, %swap3A_481, %swap3A_482], %swap3A_485 {strides = array<i32>} : memref<3x80x128xf32, #tpu.memory_space<vmem>>, vector<1x1x16xf32>,
          %sub3A_486 = arith.subf %get3A_416, %get3A_209 : vector<16xf32>
          %exp3A_487 = math.exp %sub3A_486 : vector<16xf32>
          %add3A_488 = arith.constant 9.99999974E-6 : f32
          %add3A_489 = vector.broadcast %add3A_488 : f32 to vector<16xf32>
          %add3A_490 = arith.addf %exp3A_487, %add3A_489 : vector<16xf32>
          %mul3A_491 = arith.mulf %add3A_490, %get3A_241 : vector<16xf32>
          %swap3A_492 = arith.index_cast %rem3A_370 : i32 to index
          %swap3A_493 = arith.index_cast %while3A_386 : i32 to index
          %swap3A_494 = arith.constant 80 : index
          %swap3A_495 = tpu.vector_load %arg6[%swap3A_492, %swap3A_493, %swap3A_494] {strides = array<i32>} : memref<3x80x128xf32, #tpu.memory_space<vmem>>, vector<1x1x16xf32>,
          %swap3A_496 = vector.shape_cast %swap3A_495 : vector<1x1x16xf32> to vector<16xf32>
          %swap3A_497 = vector.shape_cast %mul3A_491 : vector<16xf32> to vector<1x1x16xf32>
          tpu.vector_store %arg6[%swap3A_492, %swap3A_493, %swap3A_494], %swap3A_497 {strides = array<i32>} : memref<3x80x128xf32, #tpu.memory_space<vmem>>, vector<1x1x16xf32>,
          %sub3A_498 = arith.subf %get3A_421, %get3A_213 : vector<16xf32>
          %exp3A_499 = math.exp %sub3A_498 : vector<16xf32>
          %add3A_500 = arith.constant 9.99999974E-6 : f32
          %add3A_501 = vector.broadcast %add3A_500 : f32 to vector<16xf32>
          %add3A_502 = arith.addf %exp3A_499, %add3A_501 : vector<16xf32>
          %mul3A_503 = arith.mulf %add3A_502, %get3A_245 : vector<16xf32>
          %swap3A_504 = arith.index_cast %rem3A_370 : i32 to index
          %swap3A_505 = arith.index_cast %while3A_386 : i32 to index
          %swap3A_506 = arith.constant 96 : index
          %swap3A_507 = tpu.vector_load %arg6[%swap3A_504, %swap3A_505, %swap3A_506] {strides = array<i32>} : memref<3x80x128xf32, #tpu.memory_space<vmem>>, vector<1x1x16xf32>,
          %swap3A_508 = vector.shape_cast %swap3A_507 : vector<1x1x16xf32> to vector<16xf32>
          %swap3A_509 = vector.shape_cast %mul3A_503 : vector<16xf32> to vector<1x1x16xf32>
          tpu.vector_store %arg6[%swap3A_504, %swap3A_505, %swap3A_506], %swap3A_509 {strides = array<i32>} : memref<3x80x128xf32, #tpu.memory_space<vmem>>, vector<1x1x16xf32>,
          %sub3A_510 = arith.subf %get3A_426, %get3A_217 : vector<16xf32>
          %exp3A_511 = math.exp %sub3A_510 : vector<16xf32>
          %add3A_512 = arith.constant 9.99999974E-6 : f32
          %add3A_513 = vector.broadcast %add3A_512 : f32 to vector<16xf32>
          %add3A_514 = arith.addf %exp3A_511, %add3A_513 : vector<16xf32>
          %mul3A_515 = arith.mulf %add3A_514, %get3A_249 : vector<16xf32>
          %swap3A_516 = arith.index_cast %rem3A_370 : i32 to index
          %swap3A_517 = arith.index_cast %while3A_386 : i32 to index
          %swap3A_518 = arith.constant 112 : index
          %swap3A_519 = tpu.vector_load %arg6[%swap3A_516, %swap3A_517, %swap3A_518] {strides = array<i32>} : memref<3x80x128xf32, #tpu.memory_space<vmem>>, vector<1x1x16xf32>,
          %swap3A_520 = vector.shape_cast %swap3A_519 : vector<1x1x16xf32> to vector<16xf32>
          %swap3A_521 = vector.shape_cast %mul3A_515 : vector<16xf32> to vector<1x1x16xf32>
          tpu.vector_store %arg6[%swap3A_516, %swap3A_517, %swap3A_518], %swap3A_521 {strides = array<i32>} : memref<3x80x128xf32, #tpu.memory_space<vmem>>, vector<1x1x16xf32>,
        }
        scf.yield %while3A_312 : i32
      }
      scf.yield %while3A_311 : i32
    }
    %sub3A_109 = arith.constant 2 : i32
    %sub3A_110 = arith.subi %while3A_108, %sub3A_109 : i32
    %ge3A = arith.constant 0 : i32
    %ge3A_111 = arith.cmpi sge, %while3A_108, %ge3A : i32
    %ge3A_112 = arith.cmpi sge, %sub3A_110, %select_n3A : i32
    %mul3A_113 = arith.constant 80 : i32
    %mul3A_114 = arith.muli %sub3A_110, %mul3A_113 : i32
    %ge3A_115 = arith.cmpi sge, %mul3A_114, %squeeze3A : i32
    %add3A_116 = arith.constant 80 : i32
    %add3A_117 = arith.addi %mul3A_114, %add3A_116 : i32
    %le3A = arith.cmpi sle, %add3A_117, %squeeze3A_4 : i32
    %and3A_118 = arith.andi %ge3A_115, %le3A : i1
    %and3A_119 = arith.andi %ge3A_112, %and3A_118 : i1
    %and3A_120 = arith.andi %ge3A_111, %and3A_119 : i1
    %convert_element_type3A_121 = arith.extui %and3A_120 : i1 to i32
    %cond3A_122 = arith.constant 0 : i32
    %cond3A_123 = arith.cmpi ne, %convert_element_type3A_121, %cond3A_122 : i32
    scf.if %cond3A_123 {
      %rem3A_168 = arith.constant 3 : i32
      %rem3A_169 = arith.remsi %sub3A_110, %rem3A_168 : i32
      %mul3A_170 = arith.constant 80 : i32
      %mul3A_171 = arith.muli %sub3A_110, %mul3A_170 : i32
      %dma_wait3A = arith.constant 0 : i32
      %dma_wait3A_172 = arith.constant 0 : i32
      %dma_wait3A_173 = tpu.memref_slice %arg6[%rem3A_169, %dma_wait3A, %dma_wait3A_172] : memref<3x80x128xf32, #tpu.memory_space<vmem>> -> memref<1x80x128xf32, #tpu.memory_space<vmem>>
      %dma_wait3A_174 = tpu.memref_squeeze %dma_wait3A_173 : memref<1x80x128xf32, #tpu.memory_space<vmem>> -> memref<80x128xf32, #tpu.memory_space<vmem>>
      %dma_wait3A_175 = arith.constant 0 : i32
      %dma_wait3A_176 = tpu.memref_slice %arg5[%mul3A_171, %dma_wait3A_175] : memref<320000x128xf32, #tpu.memory_space<hbm>> -> memref<80x128xf32, #tpu.memory_space<hbm>>
      %dma_wait3A_177 = tpu.memref_slice %arg14[%rem3A_169] : memref<3x!tpu.dma_semaphore, #tpu.memory_space<semaphore_mem>> -> memref<1x!tpu.dma_semaphore, #tpu.memory_space<semaphore_mem>>
      %dma_wait3A_178 = tpu.memref_squeeze %dma_wait3A_177 : memref<1x!tpu.dma_semaphore, #tpu.memory_space<semaphore_mem>> -> memref<!tpu.dma_semaphore, #tpu.memory_space<semaphore_mem>>
      %dma_wait3A_179 = arith.constant 0 : i32
      %dma_wait3A_180 = tpu.memref_slice %arg5[%mul3A_171, %dma_wait3A_179] : memref<320000x128xf32, #tpu.memory_space<hbm>> -> memref<80x128xf32, #tpu.memory_space<hbm>>
      %dma_wait3A_181 = arith.constant 0 : i32
      %dma_wait3A_182 = arith.constant 0 : i32
      %dma_wait3A_183 = tpu.memref_slice %arg6[%rem3A_169, %dma_wait3A_181, %dma_wait3A_182] : memref<3x80x128xf32, #tpu.memory_space<vmem>> -> memref<1x80x128xf32, #tpu.memory_space<vmem>>
      %dma_wait3A_184 = tpu.memref_squeeze %dma_wait3A_183 : memref<1x80x128xf32, #tpu.memory_space<vmem>> -> memref<80x128xf32, #tpu.memory_space<vmem>>
      tpu.wait_dma2 semaphore(%dma_wait3A_178 : memref<!tpu.dma_semaphore, #tpu.memory_space<semaphore_mem>>) src(%dma_wait3A_184 : memref<80x128xf32, #tpu.memory_space<vmem>>) dst(%dma_wait3A_180 : memref<80x128xf32, #tpu.memory_space<hbm>>)
    } else {
    }
    %sub3A_124 = arith.constant 1 : i32
    %sub3A_125 = arith.subi %while3A_108, %sub3A_124 : i32
    %ge3A_126 = arith.constant 0 : i32
    %ge3A_127 = arith.cmpi sge, %while3A_108, %ge3A_126 : i32
    %ge3A_128 = arith.cmpi sge, %sub3A_125, %select_n3A : i32
    %mul3A_129 = arith.constant 80 : i32
    %mul3A_130 = arith.muli %sub3A_125, %mul3A_129 : i32
    %ge3A_131 = arith.cmpi sge, %mul3A_130, %squeeze3A : i32
    %add3A_132 = arith.constant 80 : i32
    %add3A_133 = arith.addi %mul3A_130, %add3A_132 : i32
    %le3A_134 = arith.cmpi sle, %add3A_133, %squeeze3A_4 : i32
    %and3A_135 = arith.andi %ge3A_131, %le3A_134 : i1
    %and3A_136 = arith.andi %ge3A_128, %and3A_135 : i1
    %and3A_137 = arith.andi %ge3A_127, %and3A_136 : i1
    %convert_element_type3A_138 = arith.extui %and3A_137 : i1 to i32
    %cond3A_139 = arith.constant 0 : i32
    %cond3A_140 = arith.cmpi ne, %convert_element_type3A_138, %cond3A_139 : i32
    scf.if %cond3A_140 {
      %rem3A_168 = arith.constant 3 : i32
      %rem3A_169 = arith.remsi %sub3A_125, %rem3A_168 : i32
      %mul3A_170 = arith.constant 80 : i32
      %mul3A_171 = arith.muli %sub3A_125, %mul3A_170 : i32
      %dma_wait3A = arith.constant 0 : i32
      %dma_wait3A_172 = arith.constant 0 : i32
      %dma_wait3A_173 = tpu.memref_slice %arg6[%rem3A_169, %dma_wait3A, %dma_wait3A_172] : memref<3x80x128xf32, #tpu.memory_space<vmem>> -> memref<1x80x128xf32, #tpu.memory_space<vmem>>
      %dma_wait3A_174 = tpu.memref_squeeze %dma_wait3A_173 : memref<1x80x128xf32, #tpu.memory_space<vmem>> -> memref<80x128xf32, #tpu.memory_space<vmem>>
      %dma_wait3A_175 = arith.constant 0 : i32
      %dma_wait3A_176 = tpu.memref_slice %arg5[%mul3A_171, %dma_wait3A_175] : memref<320000x128xf32, #tpu.memory_space<hbm>> -> memref<80x128xf32, #tpu.memory_space<hbm>>
      %dma_wait3A_177 = tpu.memref_slice %arg14[%rem3A_169] : memref<3x!tpu.dma_semaphore, #tpu.memory_space<semaphore_mem>> -> memref<1x!tpu.dma_semaphore, #tpu.memory_space<semaphore_mem>>
      %dma_wait3A_178 = tpu.memref_squeeze %dma_wait3A_177 : memref<1x!tpu.dma_semaphore, #tpu.memory_space<semaphore_mem>> -> memref<!tpu.dma_semaphore, #tpu.memory_space<semaphore_mem>>
      %dma_wait3A_179 = arith.constant 0 : i32
      %dma_wait3A_180 = tpu.memref_slice %arg5[%mul3A_171, %dma_wait3A_179] : memref<320000x128xf32, #tpu.memory_space<hbm>> -> memref<80x128xf32, #tpu.memory_space<hbm>>
      %dma_wait3A_181 = arith.constant 0 : i32
      %dma_wait3A_182 = arith.constant 0 : i32
      %dma_wait3A_183 = tpu.memref_slice %arg6[%rem3A_169, %dma_wait3A_181, %dma_wait3A_182] : memref<3x80x128xf32, #tpu.memory_space<vmem>> -> memref<1x80x128xf32, #tpu.memory_space<vmem>>
      %dma_wait3A_184 = tpu.memref_squeeze %dma_wait3A_183 : memref<1x80x128xf32, #tpu.memory_space<vmem>> -> memref<80x128xf32, #tpu.memory_space<vmem>>
      tpu.wait_dma2 semaphore(%dma_wait3A_178 : memref<!tpu.dma_semaphore, #tpu.memory_space<semaphore_mem>>) src(%dma_wait3A_184 : memref<80x128xf32, #tpu.memory_space<vmem>>) dst(%dma_wait3A_180 : memref<80x128xf32, #tpu.memory_space<hbm>>)
    } else {
    }
    %ge3A_141 = arith.constant 0 : i32
    %ge3A_142 = arith.cmpi sge, %while3A_108, %ge3A_141 : i32
    %mul3A_143 = arith.constant 80 : i32
    %mul3A_144 = arith.muli %while3A_108, %mul3A_143 : i32
    %ge3A_145 = arith.cmpi sge, %mul3A_144, %squeeze3A : i32
    %add3A_146 = arith.constant 80 : i32
    %add3A_147 = arith.addi %mul3A_144, %add3A_146 : i32
    %le3A_148 = arith.cmpi sle, %add3A_147, %squeeze3A_4 : i32
    %and3A_149 = arith.andi %ge3A_145, %le3A_148 : i1
    %and3A_150 = arith.andi %ge3A_142, %and3A_149 : i1
    %convert_element_type3A_151 = arith.extui %and3A_150 : i1 to i32
    %cond3A_152 = arith.constant 0 : i32
    %cond3A_153 = arith.cmpi ne, %convert_element_type3A_151, %cond3A_152 : i32
    scf.if %cond3A_153 {
      %rem3A_168 = arith.constant 3 : i32
      %rem3A_169 = arith.remsi %while3A_108, %rem3A_168 : i32
      %mul3A_170 = arith.constant 80 : i32
      %mul3A_171 = arith.muli %while3A_108, %mul3A_170 : i32
      "tpu.region"() ({
        %run_scoped3A = tpu.sem_alloc : memref<!tpu.dma_semaphore, #tpu.memory_space<semaphore_mem>>
        %dma_start3A = arith.constant 0 : i32
        %dma_start3A_172 = arith.constant 0 : i32
        %dma_start3A_173 = tpu.memref_slice %arg6[%rem3A_169, %dma_start3A, %dma_start3A_172] : memref<3x80x128xf32, #tpu.memory_space<vmem>> -> memref<1x80x128xf32, #tpu.memory_space<vmem>>
        %dma_start3A_174 = tpu.memref_squeeze %dma_start3A_173 : memref<1x80x128xf32, #tpu.memory_space<vmem>> -> memref<80x128xf32, #tpu.memory_space<vmem>>
        %dma_start3A_175 = arith.constant 0 : i32
        %dma_start3A_176 = tpu.memref_slice %arg5[%mul3A_171, %dma_start3A_175] : memref<320000x128xf32, #tpu.memory_space<hbm>> -> memref<80x128xf32, #tpu.memory_space<hbm>>
        %dma_start3A_177 = arith.constant 0 : i32
        %dma_start3A_178 = tpu.memref_slice %arg5[%mul3A_171, %dma_start3A_177] : memref<320000x128xf32, #tpu.memory_space<hbm>> -> memref<80x128xf32, #tpu.memory_space<hbm>>
        %dma_start3A_179 = arith.constant 0 : i32
        %dma_start3A_180 = arith.constant 0 : i32
        %dma_start3A_181 = tpu.memref_slice %arg6[%rem3A_169, %dma_start3A_179, %dma_start3A_180] : memref<3x80x128xf32, #tpu.memory_space<vmem>> -> memref<1x80x128xf32, #tpu.memory_space<vmem>>
        %dma_start3A_182 = tpu.memref_squeeze %dma_start3A_181 : memref<1x80x128xf32, #tpu.memory_space<vmem>> -> memref<80x128xf32, #tpu.memory_space<vmem>>
        tpu.enqueue_dma source(%dma_start3A_182 : memref<80x128xf32, #tpu.memory_space<vmem>>) target(%dma_start3A_178 : memref<80x128xf32, #tpu.memory_space<hbm>>) target_semaphore(%run_scoped3A : memref<!tpu.dma_semaphore, #tpu.memory_space<semaphore_mem>>)
        %dma_wait3A = arith.constant 0 : i32
        %dma_wait3A_183 = arith.constant 0 : i32
        %dma_wait3A_184 = tpu.memref_slice %arg6[%rem3A_169, %dma_wait3A, %dma_wait3A_183] : memref<3x80x128xf32, #tpu.memory_space<vmem>> -> memref<1x80x128xf32, #tpu.memory_space<vmem>>
        %dma_wait3A_185 = tpu.memref_squeeze %dma_wait3A_184 : memref<1x80x128xf32, #tpu.memory_space<vmem>> -> memref<80x128xf32, #tpu.memory_space<vmem>>
        %dma_wait3A_186 = arith.constant 0 : i32
        %dma_wait3A_187 = tpu.memref_slice %arg5[%mul3A_171, %dma_wait3A_186] : memref<320000x128xf32, #tpu.memory_space<hbm>> -> memref<80x128xf32, #tpu.memory_space<hbm>>
        %dma_wait3A_188 = arith.constant 0 : i32
        %dma_wait3A_189 = tpu.memref_slice %arg5[%mul3A_171, %dma_wait3A_188] : memref<320000x128xf32, #tpu.memory_space<hbm>> -> memref<80x128xf32, #tpu.memory_space<hbm>>
        %dma_wait3A_190 = arith.constant 0 : i32
        %dma_wait3A_191 = arith.constant 0 : i32
        %dma_wait3A_192 = tpu.memref_slice %arg6[%rem3A_169, %dma_wait3A_190, %dma_wait3A_191] : memref<3x80x128xf32, #tpu.memory_space<vmem>> -> memref<1x80x128xf32, #tpu.memory_space<vmem>>
        %dma_wait3A_193 = tpu.memref_squeeze %dma_wait3A_192 : memref<1x80x128xf32, #tpu.memory_space<vmem>> -> memref<80x128xf32, #tpu.memory_space<vmem>>
        tpu.wait_dma2 semaphore(%run_scoped3A : memref<!tpu.dma_semaphore, #tpu.memory_space<semaphore_mem>>) src(%dma_wait3A_193 : memref<80x128xf32, #tpu.memory_space<vmem>>) dst(%dma_wait3A_189 : memref<80x128xf32, #tpu.memory_space<hbm>>)
        tpu.yield
      }) : () -> ()
    } else {
    }
    %ge3A_154 = arith.constant 0 : i32
    %ge3A_155 = arith.cmpi sge, %while3A_108, %ge3A_154 : i32
    %mul3A_156 = arith.constant 80 : i32
    %mul3A_157 = arith.muli %while3A_108, %mul3A_156 : i32
    %ge3A_158 = arith.cmpi sge, %mul3A_157, %squeeze3A : i32
    %add3A_159 = arith.constant 80 : i32
    %add3A_160 = arith.addi %mul3A_157, %add3A_159 : i32
    %le3A_161 = arith.cmpi sle, %add3A_160, %squeeze3A_4 : i32
    %and3A_162 = arith.andi %ge3A_158, %le3A_161 : i1
    %not3A = arith.constant true
    %not3A_163 = arith.xori %and3A_162, %not3A : i1
    %and3A_164 = arith.andi %ge3A_155, %not3A_163 : i1
    %convert_element_type3A_165 = arith.extui %and3A_164 : i1 to i32
    %cond3A_166 = arith.constant 0 : i32
    %cond3A_167 = arith.cmpi ne, %convert_element_type3A_165, %cond3A_166 : i32
    scf.if %cond3A_167 {
      %mul3A_168 = arith.constant 80 : i32
      %mul3A_169 = arith.muli %while3A_108, %mul3A_168 : i32
      %rem3A_170 = arith.constant 3 : i32
      %rem3A_171 = arith.remsi %while3A_108, %rem3A_170 : i32
      %sub3A_172 = arith.subi %squeeze3A, %mul3A_169 : i32
      %max3A = arith.constant 0 : i32
      %max3A_173 = arith.maxsi %sub3A_172, %max3A : i32
      %sub3A_174 = arith.subi %squeeze3A_4, %mul3A_169 : i32
      %min3A = arith.constant 80 : i32
      %min3A_175 = arith.minsi %sub3A_174, %min3A : i32
      %max3A_176 = arith.maxsi %min3A_175, %max3A_173 : i32
      %while3A_177 = arith.constant 0 : i32
      %while3A_178 = arith.subi %max3A_176, %max3A_173 : i32
      %while3A_179 = arith.addi %max3A_173, %while3A_178 : i32
      %while3A_180 = arith.constant 1 : i32
      %while3A_181 = arith.divsi %while3A_178, %while3A_180 : i32
      %while3A_182 = arith.muli %while3A_181, %while3A_180 : i32
      %while3A_183 = arith.addi %max3A_173, %while3A_182 : i32
      %while3A_184 = arith.constant 1 : i32
      %while3A_185 = scf.for %while3A_188 = %max3A_173 to %while3A_183 step %while3A_184 iter_args(%while3A_189 = %while3A_177) -> (i32)  : i32 {
        %add3A_190 = arith.addi %mul3A_169, %while3A_188 : i32
        "tpu.region"() ({
          %run_scoped3A = tpu.sem_alloc : memref<!tpu.dma_semaphore, #tpu.memory_space<semaphore_mem>>
          %dma_start3A = arith.constant 0 : i32
          %dma_start3A_192 = tpu.memref_slice %arg6[%rem3A_171, %while3A_188, %dma_start3A] : memref<3x80x128xf32, #tpu.memory_space<vmem>> -> memref<1x1x128xf32, #tpu.memory_space<vmem>>
          %dma_start3A_193 = tpu.memref_squeeze %dma_start3A_192 : memref<1x1x128xf32, #tpu.memory_space<vmem>> -> memref<1x128xf32, #tpu.memory_space<vmem>>
          %dma_start3A_194 = arith.constant 0 : i32
          %dma_start3A_195 = tpu.memref_slice %arg5[%add3A_190, %dma_start3A_194] : memref<320000x128xf32, #tpu.memory_space<hbm>> -> memref<1x128xf32, #tpu.memory_space<hbm>>
          %dma_start3A_196 = arith.constant 0 : i32
          %dma_start3A_197 = tpu.memref_slice %arg5[%add3A_190, %dma_start3A_196] : memref<320000x128xf32, #tpu.memory_space<hbm>> -> memref<1x128xf32, #tpu.memory_space<hbm>>
          %dma_start3A_198 = arith.constant 0 : i32
          %dma_start3A_199 = tpu.memref_slice %arg6[%rem3A_171, %while3A_188, %dma_start3A_198] : memref<3x80x128xf32, #tpu.memory_space<vmem>> -> memref<1x1x128xf32, #tpu.memory_space<vmem>>
          %dma_start3A_200 = tpu.memref_squeeze %dma_start3A_199 : memref<1x1x128xf32, #tpu.memory_space<vmem>> -> memref<1x128xf32, #tpu.memory_space<vmem>>
          tpu.enqueue_dma source(%dma_start3A_200 : memref<1x128xf32, #tpu.memory_space<vmem>>) target(%dma_start3A_197 : memref<1x128xf32, #tpu.memory_space<hbm>>) target_semaphore(%run_scoped3A : memref<!tpu.dma_semaphore, #tpu.memory_space<semaphore_mem>>)
          %dma_wait3A = arith.constant 0 : i32
          %dma_wait3A_201 = tpu.memref_slice %arg6[%rem3A_171, %while3A_188, %dma_wait3A] : memref<3x80x128xf32, #tpu.memory_space<vmem>> -> memref<1x1x128xf32, #tpu.memory_space<vmem>>
          %dma_wait3A_202 = tpu.memref_squeeze %dma_wait3A_201 : memref<1x1x128xf32, #tpu.memory_space<vmem>> -> memref<1x128xf32, #tpu.memory_space<vmem>>
          %dma_wait3A_203 = arith.constant 0 : i32
          %dma_wait3A_204 = tpu.memref_slice %arg5[%add3A_190, %dma_wait3A_203] : memref<320000x128xf32, #tpu.memory_space<hbm>> -> memref<1x128xf32, #tpu.memory_space<hbm>>
          %dma_wait3A_205 = arith.constant 0 : i32
          %dma_wait3A_206 = tpu.memref_slice %arg5[%add3A_190, %dma_wait3A_205] : memref<320000x128xf32, #tpu.memory_space<hbm>> -> memref<1x128xf32, #tpu.memory_space<hbm>>
          %dma_wait3A_207 = arith.constant 0 : i32
          %dma_wait3A_208 = tpu.memref_slice %arg6[%rem3A_171, %while3A_188, %dma_wait3A_207] : memref<3x80x128xf32, #tpu.memory_space<vmem>> -> memref<1x1x128xf32, #tpu.memory_space<vmem>>
          %dma_wait3A_209 = tpu.memref_squeeze %dma_wait3A_208 : memref<1x1x128xf32, #tpu.memory_space<vmem>> -> memref<1x128xf32, #tpu.memory_space<vmem>>
          tpu.wait_dma2 semaphore(%run_scoped3A : memref<!tpu.dma_semaphore, #tpu.memory_space<semaphore_mem>>) src(%dma_wait3A_209 : memref<1x128xf32, #tpu.memory_space<vmem>>) dst(%dma_wait3A_206 : memref<1x128xf32, #tpu.memory_space<hbm>>)
          tpu.yield
        }) : () -> ()
        %while3A_191 = arith.constant 0 : i32
        scf.yield %while3A_191 : i32
      }
      %while3A_186 = arith.constant 1 : i32
      %while3A_187 = scf.for %while3A_188 = %while3A_183 to %while3A_179 step %while3A_186 iter_args(%while3A_189 = %while3A_185) -> (i32)  : i32 {
        %add3A_190 = arith.addi %mul3A_169, %while3A_188 : i32
        "tpu.region"() ({
          %run_scoped3A = tpu.sem_alloc : memref<!tpu.dma_semaphore, #tpu.memory_space<semaphore_mem>>
          %dma_start3A = arith.constant 0 : i32
          %dma_start3A_192 = tpu.memref_slice %arg6[%rem3A_171, %while3A_188, %dma_start3A] : memref<3x80x128xf32, #tpu.memory_space<vmem>> -> memref<1x1x128xf32, #tpu.memory_space<vmem>>
          %dma_start3A_193 = tpu.memref_squeeze %dma_start3A_192 : memref<1x1x128xf32, #tpu.memory_space<vmem>> -> memref<1x128xf32, #tpu.memory_space<vmem>>
          %dma_start3A_194 = arith.constant 0 : i32
          %dma_start3A_195 = tpu.memref_slice %arg5[%add3A_190, %dma_start3A_194] : memref<320000x128xf32, #tpu.memory_space<hbm>> -> memref<1x128xf32, #tpu.memory_space<hbm>>
          %dma_start3A_196 = arith.constant 0 : i32
          %dma_start3A_197 = tpu.memref_slice %arg5[%add3A_190, %dma_start3A_196] : memref<320000x128xf32, #tpu.memory_space<hbm>> -> memref<1x128xf32, #tpu.memory_space<hbm>>
          %dma_start3A_198 = arith.constant 0 : i32
          %dma_start3A_199 = tpu.memref_slice %arg6[%rem3A_171, %while3A_188, %dma_start3A_198] : memref<3x80x128xf32, #tpu.memory_space<vmem>> -> memref<1x1x128xf32, #tpu.memory_space<vmem>>
          %dma_start3A_200 = tpu.memref_squeeze %dma_start3A_199 : memref<1x1x128xf32, #tpu.memory_space<vmem>> -> memref<1x128xf32, #tpu.memory_space<vmem>>
          tpu.enqueue_dma source(%dma_start3A_200 : memref<1x128xf32, #tpu.memory_space<vmem>>) target(%dma_start3A_197 : memref<1x128xf32, #tpu.memory_space<hbm>>) target_semaphore(%run_scoped3A : memref<!tpu.dma_semaphore, #tpu.memory_space<semaphore_mem>>)
          %dma_wait3A = arith.constant 0 : i32
          %dma_wait3A_201 = tpu.memref_slice %arg6[%rem3A_171, %while3A_188, %dma_wait3A] : memref<3x80x128xf32, #tpu.memory_space<vmem>> -> memref<1x1x128xf32, #tpu.memory_space<vmem>>
          %dma_wait3A_202 = tpu.memref_squeeze %dma_wait3A_201 : memref<1x1x128xf32, #tpu.memory_space<vmem>> -> memref<1x128xf32, #tpu.memory_space<vmem>>
          %dma_wait3A_203 = arith.constant 0 : i32
          %dma_wait3A_204 = tpu.memref_slice %arg5[%add3A_190, %dma_wait3A_203] : memref<320000x128xf32, #tpu.memory_space<hbm>> -> memref<1x128xf32, #tpu.memory_space<hbm>>
          %dma_wait3A_205 = arith.constant 0 : i32
          %dma_wait3A_206 = tpu.memref_slice %arg5[%add3A_190, %dma_wait3A_205] : memref<320000x128xf32, #tpu.memory_space<hbm>> -> memref<1x128xf32, #tpu.memory_space<hbm>>
          %dma_wait3A_207 = arith.constant 0 : i32
          %dma_wait3A_208 = tpu.memref_slice %arg6[%rem3A_171, %while3A_188, %dma_wait3A_207] : memref<3x80x128xf32, #tpu.memory_space<vmem>> -> memref<1x1x128xf32, #tpu.memory_space<vmem>>
          %dma_wait3A_209 = tpu.memref_squeeze %dma_wait3A_208 : memref<1x1x128xf32, #tpu.memory_space<vmem>> -> memref<1x128xf32, #tpu.memory_space<vmem>>
          tpu.wait_dma2 semaphore(%run_scoped3A : memref<!tpu.dma_semaphore, #tpu.memory_space<semaphore_mem>>) src(%dma_wait3A_209 : memref<1x128xf32, #tpu.memory_space<vmem>>) dst(%dma_wait3A_206 : memref<1x128xf32, #tpu.memory_space<hbm>>)
          tpu.yield
        }) : () -> ()
        %while3A_191 = arith.constant 0 : i32
        scf.yield %while3A_191 : i32
      }
    } else {
    }
    return
  }
}

</mosaic_0001>

<sc_bundles>
// kernel: _run.3.cloned.1.call-start
scs
__scs_entry_jumppad:
0x0: {  	(pc) =	sbr.rel $0x88, $3  }
0x1: {  	(tag) =	ssettag $0x0;
	lr =	simm.s32 $0x1  }
0x2: {  	[smem:$0x3F9E] =	sst lr;
	_ =	strace $0xD0000000  }
0x3: {  	_ = 	snop  }
0x4: {  	_ = 	snop  }
0x5: {  	_ = 	snop  }
0x6: {  	_ = 	snop  }
0x7: {  	_ = 	snop  }
__scs_overlays_trampoline_lowered:
0x8: {  	[smem:$0x3FAD] =	sst s0  }
0x9: {  	[smem:$0x3FAE] =	sst s1  }
0xa: {  	[smem:$0x3FAF] =	sst s2  }
0xb: {  	[smem:$0x3FB0] =	sst s3  }
0xc: {  	[smem:$0x3FB1] =	sst s4  }
0xd: {  	[smem:$0x3FB2] =	sst s5  }
0xe: {  	[smem:$0x3FB3] =	sst s6  }
0xf: {  	[smem:$0x3FB4] =	sst s7  }
0x10: {  	[smem:$0x3FB5] =	sst s8  }
0x11: {  	[smem:$0x3FB6] =	sst s9;
	s0 =	simm.s32 @!p0 $0x0  }
0x12: {  	s1 =	sld [smem:$0x3F9C];
	s0 =	simm.s32 @p0 $0x1  }
0x13: {  	[smem:$0x3FB7] =	sst s0;
	s0 =	simm.s32 @!p1 $0x0  }
0x14: {  	s2 =	sld [smem:$0x3F9B];
	s0 =	simm.s32 @p1 $0x1  }
0x15: {  	[smem:$0x3FB8] =	sst s0;
	s0 =	simm.s32 @!p2 $0x0  }
0x16: {  	s3 =	sld [smem:$0x3FDB];
	s0 =	simm.s32 @p2 $0x1  }
0x17: {  	s4 =	simm.s32 $0x1BF5;
	[smem:$0x3FBA] =	sst s0  }
0x18: {  	s0 =	sld [smem:$0x3F9D];
	_ =	swait.ge [sflag:s4], $0x0  }
0x19: {  	s7 =	sld [smem:$0x3F9E]  }
0x1a: {  	s8 =	sadd.s32 $0xFFFFE003, lr  }
0x1b: {  	s9 =	sadd.s32 $0xFFFFFEF7, lr;
	s5 =	simm.s32 $0xFFFFFFFF;
	p2 =	slt.u32 s8, $0xFFFFF086  }
0x1c: {  	p1 =	slt.u32 s9, $0xF7A;
	s5 =	simm.s32 @!p2 $0x0  }
0x1d: {  	s5 =	simm.s32 @p1 $0x1;
	p0 =	seq.s32 s7, s2  }
0x1e: {  	s7 =	smul.u32 @!p0 $0xF7A, s2;
	p2 =	seq.s32 @!p0 s5, $0x0  }
0x1f: {  	s9 =	smul.u32 $0xF7A, s1;
	s8 =	simm.s32 @!p0 $0x1BF5;
	p2 =	por !p2, p0  }
0x20: {  	[sflag:s8] =	ssyncset.s32 @!p0 $0xFFFFF086;
	s6 =	sadd.s32 @!p0 s3, s7;
	s7 =	simm.s32 @!p0 $0x108  }
0x21: {  	s3 =	sadd.s32 s3, s9;
	s6 =	sadd.s32 @!p0 $0x88, s6;
	s7 =	simm.s32 @p2 $0x1082  }
0x22: {  	[simem:s7], [sflag:s8] =	dma.local @!p0 [hbm:s6], $0xF7A  }
0x23: {  	s9 =	sor.u32 $0xD0000000, s2;
	s6 =	simm.s32 $0x108;
	_ =	swait.ge @!p0 [sflag:s8], $0x0  }
0x24: {  	s3 =	sadd.s32 $0x88, s3;
	s6 =	simm.s32 @!p1 $0x1082;
	[sflag:s4] =	ssyncset.s32 $0xFFFFF086  }
0x25: {  	[simem:s6], [sflag:s4] =	dma.local [hbm:s3], $0xF7A  }
0x26: {  	[smem:$0x3F9E] =	sst s1;
	(tag) =	ssettag s2;
	_ =	strace s9  }
0x27: {  	s1 =	sld [smem:$0x3FAE]  }
0x28: {  	s2 =	sld [smem:$0x3FAF]  }
0x29: {  	s4 =	sld [smem:$0x3FB1]  }
0x2a: {  	p0 =	seq.s32 s5, $0x0;
	s5 =	sld [smem:$0x3FB2]  }
0x2b: {  	s6 =	sld [smem:$0x3FB3]  }
0x2c: {  	s7 =	sld [smem:$0x3FB4]  }
0x2d: {  	s3 =	simm.s32 $0x108;
	s8 =	sld [smem:$0x3FB5]  }
0x2e: {  	s3 =	simm.s32 @!p0 $0x1082;
	s9 =	sld [smem:$0x3FB6]  }
0x2f: {  	lr =	sadd.s32 s0, s3;
	s0 =	sld [smem:$0x3FAD]  }
0x30: {  	s3 =	sld [smem:$0x3FB0]  }
0x31: {  	[smem:$0x3FB9] =	sst s10  }
0x32: {  	s10 =	sld [smem:$0x3FB7];
	_ =	sdelay $0x3  }
0x33: {  	p0 =	seq.s32 s10, $0x1;
	s10 =	sld [smem:$0x3FB9];
	_ =	sdelay $0x3  }
0x34: {  	[smem:$0x3FB9] =	sst s10  }
0x35: {  	s10 =	sld [smem:$0x3FB8];
	_ =	sdelay $0x3  }
0x36: {  	p1 =	seq.s32 s10, $0x1;
	s10 =	sld [smem:$0x3FB9];
	_ =	sdelay $0x3  }
0x37: {  	[smem:$0x3FB9] =	sst s10  }
0x38: {  	s10 =	sld [smem:$0x3FBA]  }
0x39: {  	_ = 	snop;
	(pc) =	sbr.ind lr, $3  }
0x3a: {  	_ = 	snop  }
0x3b: {  	_ = 	snop  }
0x3c: {  	p2 =	seq.s32 s10, $0x1;
	s10 =	sld [smem:$0x3FB9]  }
0x3d: {  	_ =	shalt  }
0x3e: {  	_ =	shalt  }
0x3f: {  	_ =	shalt  }
0x40: {  	_ =	shalt  }
0x41: {  	_ =	shalt  }
0x42: {  	_ =	shalt  }
0x43: {  	_ =	shalt  }
0x44: {  	_ =	shalt  }
0x45: {  	_ =	shalt  }
0x46: {  	_ =	shalt  }
0x47: {  	_ =	shalt  }
0x48: {  	_ =	shalt  }
0x49: {  	_ =	shalt  }
0x4a: {  	_ =	shalt  }
0x4b: {  	_ =	shalt  }
0x4c: {  	_ =	shalt  }
0x4d: {  	_ =	shalt  }
0x4e: {  	_ =	shalt  }
0x4f: {  	_ =	shalt  }
0x50: {  	_ =	shalt  }
0x51: {  	_ =	shalt  }
0x52: {  	_ =	shalt  }
0x53: {  	_ =	shalt  }
0x54: {  	_ =	shalt  }
0x55: {  	_ =	shalt  }
0x56: {  	_ =	shalt  }
0x57: {  	_ =	shalt  }
0x58: {  	_ =	shalt  }
0x59: {  	_ =	shalt  }
0x5a: {  	_ =	shalt  }
0x5b: {  	_ =	shalt  }
0x5c: {  	_ =	shalt  }
0x5d: {  	_ =	shalt  }
0x5e: {  	_ =	shalt  }
0x5f: {  	_ =	shalt  }
0x60: {  	_ =	shalt  }
0x61: {  	_ =	shalt  }
0x62: {  	_ =	shalt  }
0x63: {  	_ =	shalt  }
0x64: {  	_ =	shalt  }
0x65: {  	_ =	shalt  }
0x66: {  	_ =	shalt  }
0x67: {  	_ =	shalt  }
0x68: {  	_ =	shalt  }
0x69: {  	_ =	shalt  }
0x6a: {  	_ =	shalt  }
0x6b: {  	_ =	shalt  }
0x6c: {  	_ =	shalt  }
0x6d: {  	_ =	shalt  }
0x6e: {  	_ =	shalt  }
0x6f: {  	_ =	shalt  }
0x70: {  	_ =	shalt  }
0x71: {  	_ =	shalt  }
0x72: {  	_ =	shalt  }
0x73: {  	_ =	shalt  }
0x74: {  	_ =	shalt  }
0x75: {  	_ =	shalt  }
0x76: {  	_ =	shalt  }
0x77: {  	_ =	shalt  }
0x78: {  	_ =	shalt  }
0x79: {  	_ =	shalt  }
0x7a: {  	_ =	shalt  }
0x7b: {  	_ =	shalt  }
0x7c: {  	_ =	shalt  }
0x7d: {  	_ =	shalt  }
0x7e: {  	_ =	shalt  }
0x7f: {  	_ =	shalt  }
0x80: {  	_ =	shalt  }
0x81: {  	_ =	shalt  }
0x82: {  	_ =	shalt  }
0x83: {  	_ =	shalt  }
0x84: {  	_ =	shalt  }
0x85: {  	_ =	shalt  }
0x86: {  	_ =	shalt  }
0x87: {  	_ =	shalt  }
.Lfunc_end0:
.L_simem_size_0:
called_computation_lowered:
.L_overlay_start_0:
0x88: {  	s2 =	sld [smem:$0x3FD9]  }
0x89: {  	s3 =	sld [smem:$0x3FFE];
	_ =	sdelay $0x1  }
0x8a: {  	s1 =	srdreg.scid  }
0x8b: {  	s0 =	sand.u32 $0x1, s1  }
0x8c: {  	s18 =	sshll.u32 s0, $0xA;
	s2 =	sadd.s32 s3, s2  }
0x8d: {  	s2 =	sadd.s32 s2, s18  }
0x8e: {  	[smem:$0x3FC5] =	sst s2  }
0x8f: {  	_ = 	snop  }
0x90: {  	s2 =	sld [smem:$0x3FC9]  }
0x91: {  	s19 =	sld [smem:$0x3FC8]  }
0x92: {  	s4 =	sld [smem:$0x3FC7]  }
0x93: {  	s5 =	sld [smem:$0x3FD0];
	(tm) =	ssettm $0x1  }
0x94: {  	s6 =	sld [smem:$0x3FFB];
	_ =	sdelay $0x3  }
0x95: {  	_ =	strace s6  }
0x96: {  	s6 =	sld [smem:$0x3FFC];
	_ =	sdelay $0x3  }
0x97: {  	_ =	strace s6  }
0x98: {  	s6 =	sld [smem:$0x3FFD];
	_ =	sdelay $0x3  }
0x99: {  	_ =	strace s6  }
0x9a: {  	_ =	strace $0x8FFFFFFF  }
0x9b: {  	s20 =	sld [smem:$0x3FDB];
	_ =	sdelay $0x1  }
0x9c: {  	s7 =	simm.s32 $_scs_section_size  }
0x9d: {  	s8 =	simm.s32 $_size__tile_overlayer_lowered;
	s9 =	simm.s32 $_tile_overlayer_lowered  }
0x9e: {  	s23 =	simm.s32 $0x1BFF;
	s22 =	sshll.u32 s9, $0x1;
	s6 =	sadd.s32 s7, s20  }
0x9f: {  	s10 =	simm.s32 $0x0;
	s21 =	sshll.u32 s8, $0x1;
	s8 =	sadd.s32 s22, s6  }
0xa0: {  	[timem:s10], [sflag:s23] =	dma.local [hbm:s8], s21  }
0xa1: {  	_ =	swait.ge [sflag:s23], s21  }
0xa2: {  	s7 =	ssub.s32 $0x0, s21;
	[sflag:s23] =	ssyncset.done $0x0  }
0xa3: {  	[sflag:s23] =	ssyncadd.s32 s7;
	_ =	sdelay $0x1  }
0xa4: {  	s24 =	simm.s32 $0x1B8B  }
0xa5: {  	_ =	swait.ge [sflag:s24], $0x1  }
0xa6: {  	[sflag:s24] =	ssyncset.done $0x0  }
0xa7: {  	s25 =	simm.s32 $0x1B8E;
	[sflag:s24] =	ssyncadd.s32 $0xFFFFFFFF  }
0xa8: {  	s26 =	simm.s32 $execute0_lowered;
	[smem:$0x3FD2] =	sst s25  }
0xa9: {  	s7 =	sshll.u32 s26, $0x1;
	_ =	strace $0x80000046;
	[dreg:$0x1] =	wrdreg $0xFFFFFFFF  }
0xaa: {  	s28 =	simm.s32 $_size_execute0_lowered;
	s6 =	sadd.s32 s6, s7;
	[dreg:$0x0] =	wrdreg $0x0  }
0xab: {  	s7 =	sshll.u32 s28, $0x1;
	[dreg:$0x2] =	wrdreg s6  }
0xac: {  	[dreg:$0x3] =	wrdreg s7  }
0xad: {  	[dreg:$0x4] =	wrdreg $0xC0  }
0xae: {  	_ =	task [dreg:s10], $0x5FFFF  }
0xaf: {  	[dreg:$0x1] =	wrdreg $0xFFFFFFFF  }
0xb0: {  	[dreg:$0x0] =	wrdreg $0x60  }
0xb1: {  	[dreg:$0x2] =	wrdreg s2  }
0xb2: {  	[dreg:$0x3] =	wrdreg s19  }
0xb3: {  	[dreg:$0x4] =	wrdreg s4  }
0xb4: {  	[dreg:$0x5] =	wrdreg s5  }
0xb5: {  	[dreg:$0x6] =	wrdreg $0x9  }
0xb6: {  	_ =	task.clear_ibuf [dreg:s10], $0x7FFFF;
	_ =	strace $0x90000046  }
0xb7: {  	s29 =	simm.s32 $0x9;
	_ =	strace $0x80000048  }
0xb8: {  	_ =	swait.ge [sflag:s29], $0x1  }
0xb9: {  	[sflag:s29] =	ssyncadd.s32 $0xFFFFFFFF  }
0xba: {  	_ =	strace $0x90000048  }
0xbb: {  	_ =	sfence  }
0xbc: {  	s30 =	sld [smem:$0x0];
	_ =	sdelay $0x2  }
0xbd: {  	s31 =	sshll.u32 s1, $0xD;
	s1 =	sshrl.u32 s1, $0x2  }
0xbe: {  	s3 =	sand.u32 $0x4000, s31;
	s1 =	sadd.s32 s1, s30  }
0xbf: {  	s0 =	sor.u32 s3, s0;
	s1 =	sshll.u32 s1, $0x11  }
0xc0: {  	s0 =	sor.u32 s1, s0  }
0xc1: {  	s0 =	sadd.s32 $0x8F2B, s0  }
0xc2: {  	[sflag:s0] =	ssyncadd.remote.s32 $0x1  }
0xc3: {  	_ =	sfence.sel $0xFFFF  }
0xc4: {  	[dreg:$0x0] =	wrdreg $0xFFFFFFFF;
	(pc) =	sbr.abs _section_cstart, $3  }
0xc5: {  	[dreg:$0x1] =	wrdreg $0xFFFFFFFF  }
0xc6: {  	_ =	task.clear_ibuf [dreg:s10], $0x2FFFF;
	_ =	strace $0x9FFFFFFF  }
0xc7: {  	(tm) =	ssettm $0x7FFFFFFF  }
tec
execute0_lowered:
.L_overlay_start_1:
0x0: {  	(tag) =	ssettag $0x1  }
0x1: {  	s1 =	rddreg [dreg:$0x0]  }
0x2: {  	s2 =	rddreg [dreg:$0x1]  }
0x3: {  	s31 =	rddreg [dreg:$0x2]  }
0x4: {  	s4 =	rddreg [dreg:$0x3];
	s0 =	srdreg.scid  }
0x5: {  	s5 =	simm.s32 $0x0;
	s3 =	stileid.u32;
	s11 =	simm.s32 $0x0  }
.Ltmp0:
0x6: {  	s0 =	sand.u32 $0x1, s0;
	[smem:$0x7FF] =	sst s5;
	(pc) =	sbr.rel .LBB2_1-.Ltmp0, $4  }
0x7: {  	s9 =	sshll.u32 s3, $0x3;
	s6 =	ssub.s32 $0x2, s0;
	_ =	strace $0x80000047  }
0x8: {  	s0 =	sor.u32 $0x1CD80, s0;
	s30 =	sshrl.u32 s9, $0x2;
	s7 =	sshrl.u32 s6, $0x1  }
0x9: {  	s9 =	simm.s32 $0xA;
	s0 =	sadd.s32 s30, s0;
	s6 =	ssub.s32 s6, s7  }
0xa: {  	s7 =	simm.s32 $0x1CD80;
	[dreg:$0x5] =	wrdreg s0;
	s10 =	smax.u32 s6, $0x1  }
.LBB2_7:
0xb: {  	s0 =	sor.u32 s16, s15  }
0xc: {  	s0 =	sshrl.u32 s0, $0x3  }
0xd: {  	[sflag:s9] =	ssyncadd.s32 @p0 $0xFFFFFF80;
	s0 =	sadd.s32 s4, s0  }
0xe: {  	[hbm4b:s0+s5] =	stream.linear.scatter [tilespmem:s6], [sflag:$0xA], $0x80, $0x38;
	[tilespmem:$0x1CE00] =	vst v63  }
0xf: {  	_ =	swait.ge [sflag:s9], $0x80  }
0x10: {  	[sflag:s9] =	ssyncset.done $0x0  }
0x11: {  	[sflag:s9] =	ssyncadd.s32 $0xFFFFFF80  }
.LBB2_8:
0x12: {  	s11 =	sadd.s32 $0x1, s11  }
0x13: {  	p0 =	sne.s32 s11, s10  }
.Ltmp1:
0x14: {  	_ = 	snop;
	(pc) =	sbr.rel @!p0 .LBB2_9-.Ltmp1, $1  }
0x15: {  	_ =	sdelay $0x3  }
.LBB2_1:
0x16: {  	[tilespmem:s7], [sflag:$0xA] =	stream.linear.gather [hbm4b:s31+s5], $0x80, $0x38;
	[tilespmem:$0x1CE00] =	vst v63  }
0x17: {  	_ =	swait.ge [sflag:s9], $0x80  }
0x18: {  	[sflag:s9] =	ssyncset.done $0x0  }
0x19: {  	s0 =	rddreg [dreg:$0x5];
	[sflag:s9] =	ssyncadd.s32 $0xFFFFFF80  }
0x1a: {  	v0 =	vld [tilespmem:s0+$0x0];
	_ =	sdelay $0x4  }
0x1b: {  	(v2sf) =	vpush v0, $0x0  }
0x1c: {  	(v2sf) =	vpush v0, $0x1;
	_ =	sdelay $0xd  }
0x1d: {  	s12 =	spop (v2sf)  }
0x1e: {  	s13 =	spop (v2sf);
	s25 =	smulhi.u32 $0x66666667, s12;
	s6 =	sshra.s32 s12, $0x1F  }
0x1f: {  	s6 =	smul.u32 $0x66666667, s6;
	s14 =	sadd.s32 $0x4F, s13  }
0x20: {  	s15 =	smulhi.u32 $0x66666667, s14;
	s16 =	sshra.s32 s14, $0x1F  }
0x21: {  	s16 =	smul.u32 $0x66666667, s16  }
0x22: {  	s0 =	sadd.s32 s6, s25  }
0x23: {  	s6 =	sshrl.u32 s0, $0x1F;
	s0 =	sshra.s32 s0, $0x5;
	s15 =	sadd.s32 s16, s15  }
0x24: {  	s0 =	sadd.s32 s6, s0;
	s26 =	sshrl.u32 s15, $0x1F;
	s15 =	sshra.s32 s15, $0x5  }
0x25: {  	s28 =	smul.u32 $0xFFFFFFB0, s0;
	s6 =	sadd.s32 s26, s15  }
0x26: {  	s17 =	smul.u32 $0xFFFFFFB0, s6  }
0x27: {  	s29 =	ssub.s32 $0x0, s12;
	p1 =	slt.s32 s12, $0x1;
	s30 =	ssub.s32 $0xFFFFFFB1, s13  }
0x28: {  	p2 =	slt.s32 s14, $0x1;
	p0 =	sne.s32 s28, s29;
	p6 =	sne.s32 s17, s30  }
0x29: {  	s14 =	simm.s32 $0x1;
	p0 =	por !p1, !p0;
	p1 =	por !p2, !p6  }
0x2a: {  	s15 =	simm.s32 $0x1;
	p0 =	por !p0, !p0;
	p1 =	por !p1, !p1  }
0x2b: {  	s14 =	simm.s32 @!p0 $0x0;
	s15 =	simm.s32 @!p1 $0x0  }
0x2c: {  	s14 =	ssub.s32 s0, s14;
	s15 =	ssub.s32 s6, s15  }
0x2d: {  	p0 =	slt.s32 s14, s15  }
.Ltmp2:
0x2e: {  	_ = 	snop;
	(pc) =	sbr.rel @!p0 .LBB2_2-.Ltmp2, $1  }
0x2f: {  	_ =	sdelay $0x3  }
0x30: {  	s0 =	smulhi.u32 $0x55555556, s14;
	s6 =	sshra.s32 s14, $0x1F  }
0x31: {  	s6 =	smul.u32 $0x55555556, s6;
	_ =	sdelay $0x1  }
0x32: {  	s0 =	sadd.s32 s6, s0  }
0x33: {  	s6 =	sshrl.u32 s0, $0x1F  }
0x34: {  	s0 =	sadd.s32 s6, s0  }
0x35: {  	s0 =	smul.u32 $0x3, s0  }
0x36: {  	s30 =	smul.u32 $0x2800, s14  }
0x37: {  	s20 =	smul.u32 $0x50, s14;
	s0 =	ssub.s32 s14, s0  }
0x38: {  	s7 =	smov.u32 s31;
	s16 =	smul.u32 $0xA000, s0  }
0x39: {  	s21 =	sshrl.u32 s20, $0x3;
	s6 =	sshrl.u32 s30, $0x3;
	s31 =	smul.u32 $0x180, s0  }
0x3a: {  	s19 =	sadd.s32 s1, s6;
	s18 =	sadd.s32 $0x1, s0;
	s17 =	sshra.s32 s16, $0x2  }
.Ltmp3:
0x3b: {  	s16 =	simm.s32 $0x0;
	s6 =	sshra.s32 s31, $0x2;
	(pc) =	sbr.rel .LBB2_12-.Ltmp3, $4  }
0x3c: {  	[tilespmem:s17], [sflag:s18] =	stream.linear.gather [hbm4b:s19+s16], $0x2800, $0x38;
	[tilespmem:$0x1CE00] =	vst v63  }
0x3d: {  	v1 =	vimm.f32 $0.0e+00;
	v8 =	vimm.f32 $0.0e+00;
	s21 =	sadd.s32 s2, s21;
	s0 =	sadd.s32 $0x4, s0;
	s6 =	sadd.s32 $0x7800, s6  }
0x3e: {  	v3 =	vimm.f32 $0.0e+00;
	v2 =	vimm.f32 $0.0e+00;
	v4 =	vimm.f32 $0.0e+00;
	[tilespmem:s6], [sflag:s0] =	stream.linear.gather [hbm4b:s21+s16], $0x50, $0x38;
	[tilespmem:$0x1CE00] =	vst v63  }
0x3f: {  	v7 =	vimm.f32 $0.0e+00;
	v5 =	vimm.f32 $0.0e+00;
	v6 =	vimm.f32 $0.0e+00;
	s22 =	smov.u32 s14;
	s21 =	ssub.s32 s12, s20;
	s6 =	simm.s32 $0xFFFFFFFF  }
.LBB2_15:
0x40: {  	v15 =	vld [tilespmem:s24+$0x0];
	v7 =	vmin.f32 v7, v13;
	v8 =	vpsel p1, v8, v14;
	[tilespmem:s6+$0x79F0] =	vst v1  }
0x41: {  	v3 =	vmin.f32 v3, v11;
	v7 =	vpsel p1, v7, v13;
	[tilespmem:s6+$0x79E0] =	vst v8  }
0x42: {  	v6 =	vmin.f32 v6, v12;
	v3 =	vpsel p1, v3, v11;
	[tilespmem:s6+$0x79A0] =	vst v7  }
0x43: {  	v4 =	vmin.f32 v4, v9;
	v6 =	vpsel p1, v6, v12;
	[tilespmem:s6+$0x79D0] =	vst v3  }
0x44: {  	v5 =	vmin.f32 v5, v10;
	v4 =	vpsel p1, v4, v9;
	[tilespmem:s6+$0x7980] =	vst v6  }
0x45: {  	v5 =	vpsel p1, v5, v10;
	[tilespmem:s6+$0x79B0] =	vst v4;
	v2 =	vmin.f32 v2, v15  }
0x46: {  	[tilespmem:s6+$0x7990] =	vst v5;
	v2 =	vpsel p1, v2, v15  }
0x47: {  	s16 =	smov.u32 s28;
	[tilespmem:s6+$0x79C0] =	vst v2;
	s6 =	smov.u32 s0  }
.LBB2_11:
.Ltmp4:
0x48: {  	(pc) =	sbr.rel @p0 .LBB2_16-.Ltmp4, $2  }
0x49: {  	_ =	sdelay $0x2  }
0x4a: {  	s20 =	sadd.s32 $0x50, s20;
	s21 =	sadd.s32 $0xFFFFFFB0, s21  }
.LBB2_12:
0x4b: {  	s0 =	smulhi.u32 $0x55555556, s22;
	s23 =	sshra.s32 s22, $0x1F  }
0x4c: {  	s23 =	smul.u32 $0x55555556, s23;
	_ =	sdelay $0x1  }
0x4d: {  	s0 =	sadd.s32 s23, s0  }
0x4e: {  	s23 =	sshrl.u32 s0, $0x1F  }
0x4f: {  	s0 =	sadd.s32 s23, s0  }
0x50: {  	s0 =	smul.u32 $0x3, s0;
	_ =	sdelay $0x1  }
0x51: {  	s8 =	smul.u32 $0x50, s22;
	s0 =	ssub.s32 s22, s0;
	s22 =	sadd.s32 $0x1, s22  }
0x52: {  	p0 =	sge.s32 s22, s15  }
0x53: {  	s24 =	smulhi.u32 @!p0 $0x55555556, s22;
	s25 =	sshra.s32 @!p0 s22, $0x1F  }
0x54: {  	s25 =	smul.u32 @!p0 $0x55555556, s25;
	_ =	sdelay $0x1  }
0x55: {  	s24 =	sadd.s32 @!p0 s25, s24  }
0x56: {  	s30 =	sadd.s32 $0x1, s0;
	s26 =	sshrl.u32 @!p0 s24, $0x1F  }
0x57: {  	_ =	swait.ge [sflag:s30], $0x2800;
	s24 =	sadd.s32 @!p0 s26, s24  }
0x58: {  	[sflag:s30] =	ssyncset.done $0x0;
	s24 =	smul.u32 @!p0 $0x3, s24  }
0x59: {  	s31 =	sadd.s32 $0x4, s0;
	s28 =	smul.u32 @!p0 $0x2800, s22;
	[sflag:s30] =	ssyncadd.s32 $0xFFFFD800  }
0x5a: {  	_ =	swait.ge [sflag:s31], $0x50;
	s24 =	ssub.s32 @!p0 s22, s24  }
0x5b: {  	s28 =	sshrl.u32 @!p0 s28, $0x3;
	[sflag:s31] =	ssyncset.done $0x0;
	s29 =	smul.u32 @!p0 $0xA000, s24  }
0x5c: {  	s28 =	sadd.s32 @!p0 s1, s28;
	s26 =	ssub.s32 s12, s8;
	[sflag:s31] =	ssyncadd.s32 $0xFFFFFFB0  }
0x5d: {  	s31 =	simm.s32 @!p0 $0x0;
	s30 =	sadd.s32 @!p0 $0x1, s24;
	s29 =	sshra.s32 @!p0 s29, $0x2  }
0x5e: {  	[tilespmem:s29], [sflag:s30] =	stream.linear.gather @!p0 [hbm4b:s28+s31], $0x2800, $0x38;
	[tilespmem:$0x1CE00] =	vst v63  }
0x5f: {  	p1 =	sgt.s32 s26, $0x0;
	s29 =	ssub.s32 s13, s8  }
0x60: {  	s26 =	simm.s32 @!p1 $0x0;
	p1 =	slt.s32 s29, $0x50  }
0x61: {  	s25 =	smul.u32 @!p0 $0x50, s22;
	s29 =	simm.s32 @!p1 $0x50  }
0x62: {  	s23 =	smul.u32 @!p0 $0x180, s24;
	p1 =	sle.s32 s29, s26  }
.Ltmp5:
0x63: {  	_ = 	snop;
	(pc) =	sbr.rel @p1 .LBB2_11-.Ltmp5, $4  }
0x64: {  	_ = 	snop  }
0x65: {  	s25 =	sshrl.u32 @!p0 s25, $0x3;
	s23 =	sshra.s32 @!p0 s23, $0x2  }
0x66: {  	s25 =	sadd.s32 @!p0 s2, s25;
	s24 =	sadd.s32 @!p0 $0x4, s24;
	s23 =	sadd.s32 @!p0 $0x7800, s23  }
0x67: {  	[tilespmem:s23], [sflag:s24] =	stream.linear.gather @!p0 [hbm4b:s25+s31], $0x50, $0x38;
	[tilespmem:$0x1CE00] =	vst v63  }
0x68: {  	p1 =	sgt.s32 s21, $0x0;
	s24 =	smov.u32 s21  }
0x69: {  	s23 =	smul.u32 $0x180, s0;
	s24 =	simm.s32 @!p1 $0x0  }
0x6a: {  	s25 =	sshll.u32 s24, $0x2  }
0x6b: {  	s23 =	sadd.s32 s25, s23  }
0x6c: {  	s23 =	sshra.s32 s23, $0x2  }
0x6d: {  	s23 =	sadd.s32 $0x7800, s23  }
0x6e: {  	v9 =	vld [tilespmem:s23+$0x0];
	_ =	sdelay $0x4  }
0x6f: {  	(v2sf) =	vpush v9, $0x0;
	_ =	sdelay $0xd  }
0x70: {  	s28 =	sadd.s32 $0x1, s16;
	s25 =	smul.u32 $0xA000, s0  }
0x71: {  	s30 =	sadd.s32 s26, s20;
	s24 =	sshll.u32 s24, $0x9;
	s0 =	spop (v2sf)  }
0x72: {  	s24 =	sadd.s32 s24, s25;
	s25 =	sshll.u32 s28, $0x4;
	p1 =	seq.s32 s0, s6  }
0x73: {  	s24 =	sshra.s32 s24, $0x2;
	v9 =	vmov s30;
	s25 =	simm.s32 @p1 $0x0  }
0x74: {  	p2 =	sgt.s32 s29, s26;
	s24 =	sadd.s32 $0x40, s24;
	[tilespmem:s25+$0x1B980] =	vst v9;
	s25 =	smov.u32 s26  }
0x75: {  	s26 =	sadd.s32 $0x1, s26;
	v15 =	vld [tilespmem:s24+$0x30];
	s25 =	smov.u32 @p2 s29  }
0x76: {  	v14 =	vld [tilespmem:s24+$0x20];
	p2 =	slt.u32 s26, s25  }
.Ltmp6:
0x77: {  	v13 =	vld [tilespmem:s24+$0xFFFFFFE0];
	(pc) =	sbr.rel @!p2 .LBB2_15-.Ltmp6, $4  }
0x78: {  	v11 =	vld [tilespmem:s24+$0x10]  }
0x79: {  	s28 =	smov.u32 @p1 s16;
	v12 =	vld [tilespmem:s24+$0xFFFFFFC0]  }
0x7a: {  	s31 =	sshll.u32 s28, $0x9;
	v9 =	vld [tilespmem:s24+$0xFFFFFFF0];
	v1 =	vmin.f32 v1, v15  }
0x7b: {  	s6 =	sshra.s32 s31, $0x2;
	v10 =	vld [tilespmem:s24+$0xFFFFFFD0];
	v8 =	vmin.f32 v8, v14;
	v1 =	vpsel p1, v1, v15  }
.LBB2_14:
0x7c: {  	s16 =	smov.u32 s28;
	s23 =	sadd.s32 $0x1, s23;
	s29 =	smov.u32 s26  }
0x7d: {  	v7 =	vmin.f32 v7, v13;
	v8 =	vpsel p1, v8, v14;
	s26 =	sadd.s32 $0x1, s26;
	s30 =	smov.u32 s0;
	v15 =	vld [tilespmem:s24+$0x0];
	s24 =	sadd.s32 $0x80, s24  }
0x7e: {  	v3 =	vmin.f32 v3, v11;
	p2 =	slt.u32 s26, s25;
	v7 =	vpsel p1, v7, v13;
	[tilespmem:s6+$0x79E0] =	vst v8  }
0x7f: {  	v6 =	vmin.f32 v6, v12;
	v3 =	vpsel p1, v3, v11;
	[tilespmem:s6+$0x79A0] =	vst v7  }
0x80: {  	v4 =	vmin.f32 v4, v9;
	v6 =	vpsel p1, v6, v12;
	[tilespmem:s6+$0x79D0] =	vst v3  }
0x81: {  	v5 =	vmin.f32 v5, v10;
	v4 =	vpsel p1, v4, v9;
	[tilespmem:s6+$0x7980] =	vst v6  }
0x82: {  	v5 =	vpsel p1, v5, v10;
	v2 =	vmin.f32 v2, v15;
	[tilespmem:s6+$0x79B0] =	vst v4  }
0x83: {  	v2 =	vpsel p1, v2, v15;
	[tilespmem:s6+$0x7990] =	vst v5  }
0x84: {  	[tilespmem:s6+$0x79C0] =	vst v2  }
0x85: {  	[tilespmem:s6+$0x79F0] =	vst v1  }
0x86: {  	v9 =	vld [tilespmem:s23+$0x0];
	_ =	sdelay $0x4  }
0x87: {  	(v2sf) =	vpush v9, $0x0;
	_ =	sdelay $0xe  }
0x88: {  	s28 =	sadd.s32 $0x1, s28;
	s0 =	spop (v2sf)  }
0x89: {  	s6 =	sadd.s32 s29, s20;
	s29 =	sshll.u32 s28, $0x4;
	p1 =	seq.s32 s0, s30  }
0x8a: {  	v9 =	vmov s6;
	s28 =	smov.u32 @p1 s16;
	s29 =	simm.s32 @p1 $0x0  }
0x8b: {  	[tilespmem:s29+$0x1B980] =	vst v9;
	s6 =	sshll.u32 s28, $0x9  }
0x8c: {  	v15 =	vld [tilespmem:s24+$0x30];
	s6 =	sshra.s32 s6, $0x2  }
0x8d: {  	v14 =	vld [tilespmem:s24+$0x20]  }
.Ltmp7:
0x8e: {  	v13 =	vld [tilespmem:s24+$0xFFFFFFE0];
	(pc) =	sbr.rel @p2 .LBB2_14-.Ltmp7, $4  }
0x8f: {  	v11 =	vld [tilespmem:s24+$0x10]  }
0x90: {  	v12 =	vld [tilespmem:s24+$0xFFFFFFC0]  }
0x91: {  	v9 =	vld [tilespmem:s24+$0xFFFFFFF0];
	v1 =	vmin.f32 v1, v15  }
0x92: {  	v10 =	vld [tilespmem:s24+$0xFFFFFFD0];
	v8 =	vmin.f32 v8, v14;
	v1 =	vpsel p1, v1, v15  }
.Ltmp8:
0x93: {  	_ = 	snop;
	(pc) =	sbr.rel .LBB2_15-.Ltmp8, $1  }
0x94: {  	_ =	sdelay $0x3  }
.LBB2_2:
.Ltmp9:
0x95: {  	(pc) =	sbr.rel .LBB2_3-.Ltmp9, $3  }
0x96: {  	_ = 	snop  }
0x97: {  	v0 =	vbroadcast v0, $0x1;
	_ =	sdelay $0x1  }
0x98: {  	s17 =	simm.s32 $0xFFFFFFFF;
	[tilespmem:$0x1B990] =	vst v0  }
.LBB2_16:
0x99: {  	s20 =	sadd.s32 $0x1, s16  }
0x9a: {  	p0 =	slt.s32 s20, $0x2  }
.Ltmp10:
0x9b: {  	_ = 	snop;
	(pc) =	sbr.rel @p0 .LBB2_21-.Ltmp10, $4  }
0x9c: {  	v0 =	vbroadcast v0, $0x1;
	s0 =	sshll.u32 s20, $0x6  }
0x9d: {  	s0 =	sshra.s32 s0, $0x2  }
0x9e: {  	[tilespmem:s0+$0x1B980] =	vst v0  }
0x9f: {  	[tilespmem:s17], [sflag:s18] =	stream.linear.gather [hbm4b:s19+s5], $0x2800, $0x38;
	[tilespmem:$0x1CE00] =	vst v63  }
.Ltmp11:
0xa0: {  	(pc) =	sbr.rel .LBB2_18-.Ltmp11, $2  }
0xa1: {  	_ =	sdelay $0x2  }
0xa2: {  	s21 =	simm.s32 $0x1;
	s23 =	simm.s32 $0xFFFFFFFF  }
.LBB2_19:
0xa3: {  	v15 =	vimm.f32 $0.0e+00  }
0xa4: {  	v6 =	vimm.f32 $0.0e+00;
	v12 =	vimm.f32 $0.0e+00;
	v8 =	vimm.f32 $0.0e+00  }
0xa5: {  	s28 =	smov.u32 s23;
	v14 =	vimm.f32 $0.0e+00;
	v11 =	vimm.f32 $0.0e+00;
	v1 =	vimm.f32 $0.0e+00  }
.LBB2_20:
0xa6: {  	(erf) = vrcp.f32 v15  }
0xa7: {  	(erf) = vrcp.f32 v6  }
0xa8: {  	(erf) = vrcp.f32 v12  }
0xa9: {  	(erf) = vrcp.f32 v8  }
0xaa: {  	(erf) = vrcp.f32 v14  }
0xab: {  	(erf) = vrcp.f32 v11  }
0xac: {  	(erf) = vrcp.f32 v1  }
0xad: {  	(erf) = vrcp.f32 v0;
	_ =	sdelay $0x1  }
0xae: {  	v56 =	vpop (erf)  }
0xaf: {  	s0 =	sor.u32 $0x10, s24;
	v57 =	vpop (erf);
	[tilespmem:s24+$0x11980] =	vst v56  }
0xb0: {  	s3 =	sor.u32 $0x20, s24;
	v58 =	vpop (erf);
	[tilespmem:s0+$0x11980] =	vst v57  }
0xb1: {  	s25 =	sor.u32 $0x30, s24;
	p0 =	sne.s32 s21, s16;
	v59 =	vpop (erf);
	[tilespmem:s3+$0x11980] =	vst v58  }
.Ltmp12:
0xb2: {  	s26 =	sor.u32 $0x40, s24;
	v60 =	vpop (erf);
	[tilespmem:s25+$0x11980] =	vst v59;
	(pc) =	sbr.rel @!p0 .LBB2_21-.Ltmp12, $4  }
0xb3: {  	s29 =	sor.u32 $0x50, s24;
	v61 =	vpop (erf);
	[tilespmem:s26+$0x11980] =	vst v60  }
0xb4: {  	s30 =	sor.u32 $0x60, s24;
	v62 =	vpop (erf);
	[tilespmem:s29+$0x11980] =	vst v61  }
0xb5: {  	s31 =	sor.u32 $0x70, s24;
	[tilespmem:s30+$0x11980] =	vst v62;
	v63 =	vpop (erf)  }
0xb6: {  	s23 =	smov.u32 s28;
	s21 =	smov.u32 s22;
	[tilespmem:s31+$0x11980] =	vst v63  }
.LBB2_18:
0xb7: {  	s0 =	sshll.u32 s21, $0x6;
	s22 =	sadd.s32 $0x1, s21  }
0xb8: {  	s0 =	sshra.s32 s0, $0x2;
	s6 =	sshll.u32 s22, $0x6  }
0xb9: {  	v0 =	vld [tilespmem:s0+$0x1B980];
	s28 =	sshra.s32 s6, $0x2  }
0xba: {  	v1 =	vld [tilespmem:s28+$0x1B980];
	_ =	sdelay $0x3  }
0xbb: {  	(v2sf) =	vpush v0, $0x0  }
0xbc: {  	(v2sf) =	vpush v1, $0x0;
	_ =	sdelay $0xd  }
0xbd: {  	s25 =	spop (v2sf)  }
0xbe: {  	s26 =	spop (v2sf);
	s30 =	smulhi.u32 $0x66666667, s25;
	s31 =	sshra.s32 s25, $0x1F  }
0xbf: {  	s6 =	smul.u32 $0x66666667, s31;
	s24 =	sadd.s32 $0x4F, s26  }
0xc0: {  	s28 =	smulhi.u32 $0x66666667, s24;
	s29 =	sshra.s32 s24, $0x1F  }
0xc1: {  	s29 =	smul.u32 $0x66666667, s29  }
0xc2: {  	s0 =	sadd.s32 s6, s30  }
0xc3: {  	s6 =	sshrl.u32 s0, $0x1F;
	s0 =	sshra.s32 s0, $0x5;
	s28 =	sadd.s32 s29, s28  }
0xc4: {  	s0 =	sadd.s32 s6, s0;
	s3 =	sshrl.u32 s28, $0x1F;
	s28 =	sshra.s32 s28, $0x5  }
0xc5: {  	s29 =	smul.u32 $0xFFFFFFB0, s0;
	s6 =	sadd.s32 s3, s28  }
0xc6: {  	s30 =	smul.u32 $0xFFFFFFB0, s6  }
0xc7: {  	s8 =	ssub.s32 $0x0, s25;
	p1 =	slt.s32 s25, $0x1;
	s31 =	ssub.s32 $0xFFFFFFB1, s26  }
0xc8: {  	p6 =	slt.s32 s24, $0x1;
	p0 =	sne.s32 s29, s8;
	p2 =	sne.s32 s30, s31  }
0xc9: {  	s24 =	simm.s32 $0x1;
	p0 =	por !p1, !p0;
	p1 =	por !p6, !p2  }
0xca: {  	s28 =	simm.s32 $0x1;
	p0 =	por !p0, !p0;
	p1 =	por !p1, !p1  }
0xcb: {  	s24 =	simm.s32 @!p0 $0x0;
	s28 =	simm.s32 @!p1 $0x0  }
0xcc: {  	s0 =	ssub.s32 s0, s24;
	s29 =	ssub.s32 s6, s28  }
0xcd: {  	p0 =	slt.s32 s0, s29  }
.Ltmp13:
0xce: {  	_ = 	snop;
	(pc) =	sbr.rel @!p0 .LBB2_19-.Ltmp13, $2  }
0xcf: {  	_ =	sdelay $0x2  }
0xd0: {  	v0 =	vimm.f32 $0.0e+00;
	s24 =	sshll.u32 s21, $0x7  }
0xd1: {  	v2 =	vld [tilespmem:s24+$0x7980]  }
0xd2: {  	v3 =	vld [tilespmem:s24+$0x7990]  }
0xd3: {  	v4 =	vld [tilespmem:s24+$0x79A0]  }
.Ltmp14:
0xd4: {  	v5 =	vld [tilespmem:s24+$0x79B0];
	(pc) =	sbr.rel .LBB2_24-.Ltmp14, $4  }
0xd5: {  	v7 =	vld [tilespmem:s24+$0x79C0]  }
0xd6: {  	v9 =	vld [tilespmem:s24+$0x79D0];
	v1 =	vimm.f32 $0.0e+00  }
0xd7: {  	v10 =	vld [tilespmem:s24+$0x79E0];
	v11 =	vimm.f32 $0.0e+00;
	v14 =	vimm.f32 $0.0e+00;
	v8 =	vimm.f32 $0.0e+00  }
0xd8: {  	v13 =	vld [tilespmem:s24+$0x79F0];
	v12 =	vimm.f32 $0.0e+00;
	v6 =	vimm.f32 $0.0e+00;
	v15 =	vimm.f32 $0.0e+00  }
.LBB2_26:
0xd9: {  	v18 =	vmov v15  }
0xda: {  	v19 =	vmovc v11;
	v20 =	vmovc v14;
	v23 =	vmov v0;
	v21 =	vmov v12;
	v22 =	vmov v8  }
.LBB2_30:
0xdb: {  	v27 =	vmul.f32 $1.442695020e+00, v27  }
0xdc: {  	(erf) = vpow2.f32 v17;
	v17 =	vsub.f32 v25, v4  }
0xdd: {  	v24 =	vmul.f32 $1.442695020e+00, v24;
	(erf) = vpow2.f32 v27  }
0xde: {  	v17 =	vmul.f32 $1.442695020e+00, v17;
	(erf) = vpow2.f32 v26  }
0xdf: {  	v26 =	vpop @p1 (erf);
	(erf) = vpow2.f32 v16  }
0xe0: {  	v25 =	vadd.f32 @p1 $9.999999740e-06, v28;
	(erf) = vpow2.f32 v24  }
0xe1: {  	v19 =	vadd.f32 @p1 v29, v19;
	v16 =	vadd.f32 @p1 $9.999999740e-06, v26;
	v26 =	vpop @p1 (erf);
	(erf) = vpow2.f32 v17  }
0xe2: {  	v18 =	vadd.f32 @p1 v25, v18;
	v24 =	vadd.f32 @p1 $9.999999740e-06, v30;
	v17 =	vpop @p1 (erf)  }
0xe3: {  	v25 =	vadd.f32 @p1 $9.999999740e-06, v26;
	v16 =	vadd.f32 @p1 v16, v20;
	v52 =	vpop (erf)  }
0xe4: {  	v23 =	vadd.f32 @p1 v24, v23;
	v17 =	vadd.f32 @p1 $9.999999740e-06, v17;
	v53 =	vpop (erf)  }
0xe5: {  	v22 =	vadd.f32 @p1 v25, v22;
	v20 =	vadd.f32 $9.999999740e-06, v52;
	v55 =	vpop (erf)  }
0xe6: {  	v17 =	vadd.f32 @p1 v17, v21;
	v54 =	vadd.f32 $9.999999740e-06, v53;
	v56 =	vpop (erf)  }
0xe7: {  	v11 =	vpsel p1, v19, v11;
	v6 =	vadd.f32 v20, v6;
	v58 =	vadd.f32 $9.999999740e-06, v55;
	v57 =	vpop (erf)  }
0xe8: {  	v15 =	vpsel p1, v18, v15;
	v1 =	vadd.f32 v54, v1;
	v20 =	vadd.f32 $9.999999740e-06, v56;
	v59 =	vpop (erf)  }
0xe9: {  	v14 =	vpsel p1, v16, v14;
	v15 =	vadd.f32 v58, v15;
	v60 =	vadd.f32 $9.999999740e-06, v57;
	v61 =	vpop (erf)  }
0xea: {  	v0 =	vpsel p1, v23, v0;
	v16 =	vadd.f32 $9.999999740e-06, v59;
	v11 =	vadd.f32 v20, v11;
	v62 =	vpop (erf)  }
0xeb: {  	v12 =	vpsel p1, v17, v12;
	v63 =	vadd.f32 $9.999999740e-06, v61;
	v17 =	vadd.f32 $9.999999740e-06, v62  }
0xec: {  	v8 =	vpsel p1, v22, v8;
	v0 =	vadd.f32 v60, v0;
	v14 =	vadd.f32 v16, v14  }
0xed: {  	v8 =	vadd.f32 v63, v8;
	v12 =	vadd.f32 v17, v12  }
.LBB2_23:
0xee: {  	s0 =	sadd.s32 @!p0 $0x1, s23  }
0xef: {  	s0 =	smov.u32 @p0 s30  }
0xf0: {  	p0 =	sge.s32 s0, s29  }
.Ltmp15:
0xf1: {  	_ = 	snop;
	(pc) =	sbr.rel @p0 .LBB2_20-.Ltmp15, $2  }
0xf2: {  	_ =	sdelay $0x2  }
0xf3: {  	s23 =	smov.u32 s28  }
.LBB2_24:
0xf4: {  	p0 =	sne.s32 s0, s23  }
0xf5: {  	s28 =	smov.u32 s0;
	s30 =	sadd.s32 @p0 $0x1, s0  }
0xf6: {  	s0 =	smulhi.u32 @p0 $0x55555556, s0;
	s6 =	sshra.s32 @p0 s28, $0x1F;
	p1 =	sge.s32 @p0 s30, s15  }
0xf7: {  	s6 =	smul.u32 @p0 $0x55555556, s6;
	p1 =	por p1, !p0  }
0xf8: {  	s31 =	smulhi.u32 @!p1 $0x55555556, s30;
	s3 =	sshra.s32 @!p1 s30, $0x1F  }
0xf9: {  	s0 =	sadd.s32 @p0 s6, s0;
	s3 =	smul.u32 @!p1 $0x55555556, s3  }
0xfa: {  	s6 =	sshrl.u32 @p0 s0, $0x1F  }
0xfb: {  	s0 =	sadd.s32 @p0 s6, s0;
	s3 =	sadd.s32 @!p1 s3, s31  }
0xfc: {  	s0 =	smul.u32 @p0 $0x3, s0;
	s6 =	sshrl.u32 @!p1 s3, $0x1F  }
0xfd: {  	s3 =	sadd.s32 @!p1 s6, s3  }
0xfe: {  	s0 =	ssub.s32 @p0 s28, s0;
	s3 =	smul.u32 @!p1 $0x3, s3  }
0xff: {  	s6 =	smul.u32 @!p1 $0x2800, s30;
	s0 =	sadd.s32 @p0 $0x1, s0  }
0x100: {  	_ =	swait.ge @p0 [sflag:s0], $0x2800;
	s3 =	ssub.s32 @!p1 s30, s3  }
0x101: {  	s6 =	sshrl.u32 @!p1 s6, $0x3;
	[sflag:s0] =	ssyncset.done @p0 $0x0;
	s31 =	smul.u32 @!p1 $0xA000, s3  }
0x102: {  	s8 =	smul.u32 $0x50, s28;
	s6 =	sadd.s32 @!p1 s1, s6;
	[sflag:s0] =	ssyncadd.s32 @p0 $0xFFFFD800  }
0x103: {  	s3 =	sadd.s32 @!p1 $0x1, s3;
	s0 =	sshra.s32 @!p1 s31, $0x2;
	s31 =	simm.s32 @!p1 $0x0  }
0x104: {  	[tilespmem:s0], [sflag:s3] =	stream.linear.gather @!p1 [hbm4b:s6+s31], $0x2800, $0x38;
	[tilespmem:$0x1CE00] =	vst v63  }
0x105: {  	s0 =	ssub.s32 s25, s8;
	s31 =	ssub.s32 s26, s8  }
0x106: {  	p1 =	sgt.s32 s0, $0x0;
	p2 =	slt.s32 s31, $0x50  }
0x107: {  	s0 =	simm.s32 @!p1 $0x0;
	s31 =	simm.s32 @!p2 $0x50  }
0x108: {  	p1 =	sge.s32 s0, s31  }
.Ltmp16:
0x109: {  	_ = 	snop;
	(pc) =	sbr.rel @p1 .LBB2_23-.Ltmp16, $1  }
0x10a: {  	_ =	sdelay $0x3  }
0x10b: {  	s3 =	smulhi.u32 $0x55555556, s28;
	s6 =	sshra.s32 s28, $0x1F  }
0x10c: {  	s6 =	smul.u32 $0x55555556, s6;
	_ =	sdelay $0x1  }
0x10d: {  	s3 =	sadd.s32 s6, s3  }
0x10e: {  	s6 =	sshrl.u32 s3, $0x1F  }
0x10f: {  	s3 =	sadd.s32 s6, s3  }
0x110: {  	s3 =	smul.u32 $0x3, s3;
	_ =	sdelay $0x1  }
0x111: {  	s3 =	ssub.s32 s28, s3  }
0x112: {  	s3 =	smul.u32 $0xA000, s3  }
0x113: {  	s8 =	sshll.u32 s0, $0x9  }
0x114: {  	s3 =	sadd.s32 s8, s3  }
0x115: {  	s3 =	sshra.s32 s3, $0x2  }
0x116: {  	s3 =	sor.u32 $0x40, s3  }
0x117: {  	v16 =	vld [tilespmem:s3+$0xFFFFFFC0]  }
0x118: {  	v17 =	vld [tilespmem:s3+$0xFFFFFFD0]  }
0x119: {  	v18 =	vld [tilespmem:s3+$0x20]  }
0x11a: {  	v19 =	vld [tilespmem:s3+$0x0]  }
0x11b: {  	v20 =	vld [tilespmem:s3+$0x30]  }
0x11c: {  	s0 =	sadd.s32 $0x1, s0;
	v21 =	vld [tilespmem:s3+$0x10]  }
0x11d: {  	p2 =	slt.s32 s0, s31;
	v22 =	vld [tilespmem:s3+$0xFFFFFFF0];
	v17 =	vsub.f32 v17, v3  }
.Ltmp17:
0x11e: {  	v16 =	vsub.f32 v16, v2;
	v18 =	vsub.f32 v18, v10;
	(pc) =	sbr.rel @!p2 .LBB2_26-.Ltmp17, $4  }
0x11f: {  	v25 =	vld [tilespmem:s3+$0xFFFFFFE0];
	v19 =	vsub.f32 v19, v7;
	v23 =	vmul.f32 $1.442695020e+00, v17  }
0x120: {  	v20 =	vsub.f32 v20, v13;
	v17 =	vmul.f32 $1.442695020e+00, v16;
	v18 =	vmul.f32 $1.442695020e+00, v18  }
0x121: {  	v27 =	vsub.f32 v21, v9;
	v16 =	vmul.f32 $1.442695020e+00, v19;
	(erf) = vpow2.f32 v23  }
0x122: {  	p1 =	por $0x0, $0x0;
	s6 =	sadd.s32 $0x80, s3;
	v24 =	vsub.f32 v22, v5;
	v26 =	vmul.f32 $1.442695020e+00, v20;
	(erf) = vpow2.f32 v18  }
0x123: {  	v18 =	vld [tilespmem:s6+$0xFFFFFFC0]  }
0x124: {  	v19 =	vmul.f32 $1.442695020e+00, v27;
	(erf) = vpow2.f32 v17;
	v17 =	vld [tilespmem:s6+$0xFFFFFFD0]  }
0x125: {  	v20 =	vld [tilespmem:s6+$0x0]  }
0x126: {  	v21 =	vsub.f32 v25, v4;
	(erf) = vpow2.f32 v19;
	v19 =	vld [tilespmem:s6+$0x20]  }
0x127: {  	v23 =	vmul.f32 $1.442695020e+00, v24;
	(erf) = vpow2.f32 v26  }
0x128: {  	v22 =	vld [tilespmem:s6+$0x30];
	(erf) = vpow2.f32 v16;
	v16 =	vmul.f32 $1.442695020e+00, v21;
	v18 =	vsub.f32 v18, v2  }
0x129: {  	v24 =	vld [tilespmem:s6+$0x10];
	(erf) = vpow2.f32 v23;
	v25 =	vsub.f32 v17, v3  }
0x12a: {  	v23 =	vld [tilespmem:s6+$0xFFFFFFF0];
	(erf) = vpow2.f32 v16;
	v16 =	vsub.f32 v20, v7;
	v21 =	vpop (erf);
	v17 =	vmul.f32 $1.442695020e+00, v18  }
0x12b: {  	s0 =	sadd.s32 $0x1, s0;
	v19 =	vsub.f32 v19, v10;
	v18 =	vadd.f32 $9.999999740e-06, v21;
	v21 =	vmul.f32 $1.442695020e+00, v25;
	v20 =	vpop (erf)  }
0x12c: {  	p2 =	slt.s32 s0, s31;
	v20 =	vadd.f32 $9.999999740e-06, v20  }
.Ltmp18:
0x12d: {  	v25 =	vld [tilespmem:s6+$0xFFFFFFE0];
	v6 =	vadd.f32 v18, v6;
	v18 =	vmul.f32 $1.442695020e+00, v19;
	v19 =	vsub.f32 v22, v13;
	(pc) =	sbr.rel @!p2 .LBB2_28-.Ltmp18, $4  }
0x12e: {  	v27 =	vsub.f32 v24, v9;
	v16 =	vmul.f32 $1.442695020e+00, v16;
	v28 =	vpop (erf);
	(erf) = vpow2.f32 v21  }
0x12f: {  	v24 =	vsub.f32 v23, v5;
	v23 =	vmov v0;
	v22 =	vmov v8;
	v21 =	vpop (erf)  }
0x130: {  	v1 =	vadd.f32 v20, v1;
	v26 =	vmul.f32 $1.442695020e+00, v19;
	(erf) = vpow2.f32 v18;
	v30 =	vpop (erf)  }
0x131: {  	p1 =	por $0x1, $0x1;
	s6 =	sadd.s32 $0x80, s6;
	v29 =	vadd.f32 $9.999999740e-06, v21;
	v20 =	vmovc v14;
	v21 =	vmovc v12;
	v18 =	vmov v15;
	v19 =	vmov v11  }
.LBB2_29:
0x132: {  	v31 =	vld [tilespmem:s6+$0xFFFFFFC0];
	s0 =	sadd.s32 $0x1, s0;
	v25 =	vsub.f32 v25, v4;
	v27 =	vmul.f32 $1.442695020e+00, v27;
	v28 =	vadd.f32 $9.999999740e-06, v28;
	v32 =	vpop (erf)  }
0x133: {  	v30 =	vadd.f32 $9.999999740e-06, v30;
	v33 =	vld [tilespmem:s6+$0x30];
	p2 =	slt.s32 s0, s31;
	(erf) = vpow2.f32 v17;
	v35 =	vadd.f32 $9.999999740e-06, v32;
	v32 =	vpop (erf)  }
0x134: {  	v19 =	vadd.f32 v29, v19;
	v34 =	vld [tilespmem:s6+$0xFFFFFFD0];
	(erf) = vpow2.f32 v27;
	v18 =	vadd.f32 v28, v18  }
0x135: {  	v23 =	vadd.f32 v30, v23;
	v27 =	vld [tilespmem:s6+$0x20];
	(erf) = vpow2.f32 v26;
	v20 =	vadd.f32 v35, v20;
	v17 =	vpop (erf)  }
0x136: {  	v24 =	vmul.f32 $1.442695020e+00, v24;
	v28 =	vmul.f32 $1.442695020e+00, v25;
	v26 =	vld [tilespmem:s6+$0x0];
	v17 =	vadd.f32 $9.999999740e-06, v17  }
0x137: {  	v29 =	vld [tilespmem:s6+$0x10];
	v30 =	vsub.f32 v31, v2;
	(erf) = vpow2.f32 v16;
	v16 =	vadd.f32 $9.999999740e-06, v32  }
0x138: {  	v25 =	vld [tilespmem:s6+$0xFFFFFFE0];
	v31 =	vpop (erf);
	(erf) = vpow2.f32 v24;
	v21 =	vadd.f32 v17, v21  }
0x139: {  	v24 =	vld [tilespmem:s6+$0xFFFFFFF0];
	v17 =	vmul.f32 $1.442695020e+00, v30;
	v30 =	vsub.f32 v34, v3;
	v31 =	vadd.f32 $9.999999740e-06, v31;
	v32 =	vpop (erf)  }
0x13a: {  	v22 =	vadd.f32 v16, v22;
	v27 =	vsub.f32 v27, v10;
	(erf) = vpow2.f32 v28  }
.Ltmp19:
0x13b: {  	v34 =	vmul.f32 $1.442695020e+00, v30;
	v16 =	vsub.f32 v26, v7;
	v6 =	vadd.f32 v31, v6;
	(pc) =	sbr.rel @p2 .LBB2_29-.Ltmp19, $4  }
0x13c: {  	v32 =	vadd.f32 $9.999999740e-06, v32;
	v26 =	vsub.f32 v33, v13;
	v31 =	vmul.f32 $1.442695020e+00, v27;
	v28 =	vpop (erf)  }
0x13d: {  	v27 =	vsub.f32 v29, v9;
	v16 =	vmul.f32 $1.442695020e+00, v16;
	(erf) = vpow2.f32 v34;
	v29 =	vpop (erf)  }
0x13e: {  	v26 =	vmul.f32 $1.442695020e+00, v26;
	v24 =	vsub.f32 v24, v5;
	(erf) = vpow2.f32 v31;
	v30 =	vpop (erf)  }
0x13f: {  	s6 =	sadd.s32 $0x80, s6;
	v1 =	vadd.f32 v32, v1;
	v29 =	vadd.f32 $9.999999740e-06, v29  }
.Ltmp20:
0x140: {  	_ = 	snop;
	(pc) =	sbr.rel .LBB2_30-.Ltmp20, $1  }
0x141: {  	_ =	sdelay $0x3  }
.LBB2_28:
.Ltmp21:
0x142: {  	(pc) =	sbr.rel .LBB2_30-.Ltmp21, $3  }
0x143: {  	_ =	sdelay $0x1  }
0x144: {  	v18 =	vmov v15  }
0x145: {  	v19 =	vmovc v11;
	v20 =	vmovc v14;
	v23 =	vmov v0;
	v21 =	vmov v12;
	v22 =	vmov v8  }
.LBB2_21:
0x146: {  	p0 =	sgt.s32 s20, $0x1  }
.Ltmp22:
0x147: {  	_ = 	snop;
	(pc) =	sbr.rel @p0 .LBB2_32-.Ltmp22, $4  }
0x148: {  	_ = 	snop  }
0x149: {  	[tilespmem:s17], [sflag:s18] =	stream.linear.gather [hbm4b:s19+s5], $0x2800, $0x38;
	[tilespmem:$0x1CE00] =	vst v63  }
0x14a: {  	s18 =	simm.s32 $0x1;
	s25 =	simm.s32 $0xFFFFFFFF  }
0x14b: {  	s17 =	simm.s32 $0xFFFFFFFF;
	s31 =	smov.u32 s7;
	s7 =	simm.s32 $0x1CD80  }
.LBB2_3:
0x14c: {  	s0 =	sadd.s32 $0xFFFFFFFE, s17;
	p0 =	slt.s32 s17, $0x0  }
0x14d: {  	s3 =	smul.u32 $0x50, s0;
	p1 =	slt.s32 @!p0 s0, s14  }
0x14e: {  	p2 =	por p1, p0  }
0x14f: {  	p3 =	slt.s32 @!p2 s3, s12  }
0x150: {  	p4 =	por @!p0 p3, p1  }
0x151: {  	s3 =	sadd.s32 $0x50, s3;
	p4 =	por p4, p0  }
0x152: {  	p4 =	sgt.s32 @!p4 s3, s13;
	s3 =	sadd.s32 $0xFFFFFFFF, s17  }
0x153: {  	p2 =	por @!p2 p4, p3;
	s6 =	smul.u32 $0x50, s3;
	p3 =	sle.s32 @!p0 s17, s14  }
0x154: {  	p1 =	por @!p0 p2, p1;
	p4 =	por p3, p0  }
0x155: {  	p2 =	por p1, p0;
	p1 =	slt.s32 @!p4 s6, s12  }
0x156: {  	p5 =	por @!p0 p1, p3  }
0x157: {  	s15 =	smul.u32 $0x50, s17;
	s6 =	sadd.s32 $0x50, s6;
	p5 =	por p5, p0  }
0x158: {  	s8 =	smulhi.u32 @!p2 $0x55555556, s0;
	s14 =	sshra.s32 @!p2 s0, $0x1F;
	p5 =	sgt.s32 @!p5 s6, s13  }
0x159: {  	s14 =	smul.u32 @!p2 $0x55555556, s14;
	p1 =	por @!p4 p5, p1  }
0x15a: {  	p1 =	por @!p0 p1, p3  }
0x15b: {  	s30 =	sadd.s32 $0x50, s15;
	s6 =	sadd.s32 @!p2 s14, s8;
	p3 =	por p1, p0  }
0x15c: {  	p4 =	sle.s32 s30, s13;
	s14 =	smulhi.u32 @!p3 $0x55555556, s3;
	s16 =	sshra.s32 @!p3 s3, $0x1F  }
0x15d: {  	p5 =	sle.s32 s12, s15;
	s8 =	sshrl.u32 @!p2 s6, $0x1F;
	s16 =	smul.u32 @!p3 $0x55555556, s16  }
0x15e: {  	s6 =	sadd.s32 @!p2 s8, s6;
	p1 =	por !p5, !p4  }
0x15f: {  	s6 =	smul.u32 @!p2 $0x3, s6;
	p4 =	por !p1, !p1;
	s8 =	sadd.s32 @!p3 s16, s14  }
0x160: {  	p1 =	por !p4, p0;
	s14 =	sshrl.u32 @!p3 s8, $0x1F  }
0x161: {  	s0 =	ssub.s32 @!p2 s0, s6;
	s6 =	sadd.s32 @!p3 s14, s8;
	s8 =	smulhi.u32 @!p1 $0xAAAAAAAB, s17  }
0x162: {  	s0 =	sadd.s32 @!p2 $0x7, s0;
	s6 =	smul.u32 @!p3 $0x3, s6  }
0x163: {  	_ =	swait.ge @!p2 [sflag:s0], $0x2800;
	s8 =	sshrl.u32 @!p1 s8, $0x1  }
0x164: {  	[sflag:s0] =	ssyncset.done @!p2 $0x0;
	s3 =	ssub.s32 @!p3 s3, s6;
	s6 =	smul.u32 @!p1 $0x3, s8  }
0x165: {  	[sflag:s0] =	ssyncadd.s32 @!p2 $0xFFFFD800;
	s0 =	sadd.s32 @!p3 $0x7, s3  }
0x166: {  	_ =	swait.ge @!p3 [sflag:s0], $0x2800;
	s3 =	ssub.s32 @!p1 s17, s6;
	s6 =	smul.u32 @!p1 $0x2800, s17  }
0x167: {  	p6 =	por !p4, !p4;
	[sflag:s0] =	ssyncset.done @!p3 $0x0;
	s3 =	smul.u32 @!p1 $0xA000, s3  }
0x168: {  	p0 =	por p0, !p6;
	[sflag:s0] =	ssyncadd.s32 @!p3 $0xFFFFD800;
	s0 =	sshrl.u32 @!p1 s6, $0x3  }
0x169: {  	s6 =	simm.s32 @!p1 $0x0;
	s3 =	sshrl.u32 @!p1 s3, $0x2;
	s0 =	sadd.s32 @!p1 s4, s0  }
0x16a: {  	[hbm4b:s0+s6] =	stream.linear.scatter @!p1 [tilespmem:s3], [sflag:$0xA], $0x2800, $0x38;
	[tilespmem:$0x1CE00] =	vst v63  }
0x16b: {  	s6 =	ssub.s32 @!p0 s12, s15;
	s0 =	ssub.s32 @!p0 s13, s15  }
0x16c: {  	p2 =	sgt.s32 @!p0 s6, $0x0;
	p3 =	slt.s32 @!p0 s0, $0x50  }
0x16d: {  	p2 =	por !p2, p0;
	p3 =	por !p3, p0  }
0x16e: {  	s6 =	simm.s32 @p2 $0x0;
	s0 =	simm.s32 @p3 $0x50  }
0x16f: {  	p2 =	sle.s32 @!p0 s0, s6  }
0x170: {  	p2 =	por p0, p2  }
.Ltmp23:
0x171: {  	_ = 	snop;
	(pc) =	sbr.rel @p2 .LBB2_8-.Ltmp23, $4  }
0x172: {  	s3 =	simm.s32 @!p1 $0xA  }
0x173: {  	_ =	swait.ge @!p1 [sflag:s3], $0x2800  }
0x174: {  	[sflag:s3] =	ssyncset.done @!p1 $0x0  }
0x175: {  	[sflag:s3] =	ssyncadd.s32 @!p1 $0xFFFFD800  }
0x176: {  	s3 =	smulhi.u32 $0xAAAAAAAB, s17;
	p1 =	sgt.s32 @!p0 s0, s6  }
0x177: {  	s8 =	smul.u32 $0xA000, s17;
	p0 =	por !p1, p0  }
0x178: {  	s12 =	sshll.u32 s6, $0x9;
	s13 =	sadd.s32 $0x1, s6;
	s0 =	smov.u32 @p0 s6  }
0x179: {  	s8 =	sadd.s32 s12, s8;
	s12 =	smul.u32 $0x2800, s17;
	p1 =	slt.u32 s13, s0  }
.Ltmp24:
0x17a: {  	s3 =	sshrl.u32 s3, $0x1;
	(pc) =	sbr.rel @!p1 .LBB2_7-.Ltmp24, $4  }
0x17b: {  	s3 =	smul.u32 $0x1E000, s3  }
0x17c: {  	s14 =	sshll.u32 s6, $0x7  }
0x17d: {  	s16 =	sand.u32 $0x380, s14;
	s30 =	sadd.s32 s14, s12;
	s3 =	ssub.s32 s8, s3  }
0x17e: {  	p0 =	por $0x0, $0x0;
	s15 =	sand.u32 $0xFFFFFC00, s30;
	s6 =	sshra.s32 s3, $0x2  }
0x17f: {  	s13 =	sadd.s32 $0x1, s13  }
0x180: {  	s3 =	sor.u32 s16, s15;
	p1 =	slt.u32 s13, s0  }
.Ltmp25:
0x181: {  	s3 =	sshrl.u32 s3, $0x3;
	(pc) =	sbr.rel @!p1 .LBB2_7-.Ltmp25, $4  }
0x182: {  	s14 =	sadd.s32 $0x80, s14;
	p0 =	por $0x1, $0x1;
	s3 =	sadd.s32 s4, s3  }
0x183: {  	[hbm4b:s3+s5] =	stream.linear.scatter [tilespmem:s6], [sflag:$0xA], $0x80, $0x38;
	[tilespmem:$0x1CE00] =	vst v63  }
0x184: {  	s30 =	sadd.s32 s14, s12;
	s16 =	sand.u32 $0x380, s14;
	_ =	swait.ge [sflag:s9], $0x80  }
0x185: {  	s15 =	sand.u32 $0xFFFFFC00, s30;
	s6 =	sadd.s32 $0x80, s6;
	[sflag:s9] =	ssyncset.done $0x0  }
.LBB2_6:
0x186: {  	s13 =	sadd.s32 $0x1, s13  }
0x187: {  	s3 =	sor.u32 s16, s15;
	[sflag:s9] =	ssyncadd.s32 $0xFFFFFF80;
	p1 =	slt.u32 s13, s0  }
.Ltmp26:
0x188: {  	s3 =	sshrl.u32 s3, $0x3;
	(pc) =	sbr.rel @p1 .LBB2_6-.Ltmp26, $4  }
0x189: {  	s14 =	sadd.s32 $0x80, s14;
	s3 =	sadd.s32 s4, s3  }
0x18a: {  	[hbm4b:s3+s5] =	stream.linear.scatter [tilespmem:s6], [sflag:$0xA], $0x80, $0x38;
	[tilespmem:$0x1CE00] =	vst v63  }
0x18b: {  	s3 =	sadd.s32 s14, s12;
	s6 =	sadd.s32 $0x80, s6;
	_ =	swait.ge [sflag:s9], $0x80  }
0x18c: {  	s16 =	sand.u32 $0x380, s14;
	s15 =	sand.u32 $0xFFFFFC00, s3;
	[sflag:s9] =	ssyncset.done $0x0  }
.Ltmp27:
0x18d: {  	_ = 	snop;
	(pc) =	sbr.rel .LBB2_7-.Ltmp27, $1  }
0x18e: {  	_ =	sdelay $0x3  }
.LBB2_33:
0x18f: {  	s17 =	smov.u32 s25  }
.LBB2_31:
0x190: {  	p0 =	seq.s32 s19, s16  }
.Ltmp28:
0x191: {  	_ = 	snop;
	(pc) =	sbr.rel @p0 .LBB2_3-.Ltmp28, $2  }
0x192: {  	_ =	sdelay $0x2  }
0x193: {  	s25 =	smov.u32 s17  }
.LBB2_32:
0x194: {  	s19 =	smov.u32 s18;
	s0 =	sshll.u32 s18, $0x6;
	s18 =	sadd.s32 $0x1, s18  }
0x195: {  	s0 =	sshra.s32 s0, $0x2;
	s3 =	sshll.u32 s18, $0x6  }
0x196: {  	v0 =	vld [tilespmem:s0+$0x1B980];
	s22 =	sshra.s32 s3, $0x2  }
0x197: {  	v1 =	vld [tilespmem:s22+$0x1B980];
	_ =	sdelay $0x3  }
0x198: {  	(v2sf) =	vpush v0, $0x0  }
0x199: {  	(v2sf) =	vpush v1, $0x0;
	_ =	sdelay $0xd  }
0x19a: {  	s20 =	spop (v2sf)  }
0x19b: {  	s21 =	spop (v2sf);
	s23 =	smulhi.u32 $0x66666667, s20;
	s24 =	sshra.s32 s20, $0x1F  }
0x19c: {  	s3 =	smul.u32 $0x66666667, s24;
	s6 =	sadd.s32 $0x4F, s21  }
0x19d: {  	s8 =	smulhi.u32 $0x66666667, s6;
	s17 =	sshra.s32 s6, $0x1F  }
0x19e: {  	s17 =	smul.u32 $0x66666667, s17  }
0x19f: {  	s0 =	sadd.s32 s3, s23  }
0x1a0: {  	s3 =	sshrl.u32 s0, $0x1F;
	s0 =	sshra.s32 s0, $0x5;
	s8 =	sadd.s32 s17, s8  }
0x1a1: {  	s0 =	sadd.s32 s3, s0;
	s26 =	sshrl.u32 s8, $0x1F;
	s8 =	sshra.s32 s8, $0x5  }
0x1a2: {  	s28 =	smul.u32 $0xFFFFFFB0, s0;
	s3 =	sadd.s32 s26, s8  }
0x1a3: {  	s22 =	smul.u32 $0xFFFFFFB0, s3  }
0x1a4: {  	s29 =	ssub.s32 $0x0, s20;
	p1 =	slt.s32 s20, $0x1;
	s30 =	ssub.s32 $0xFFFFFFB1, s21  }
0x1a5: {  	p2 =	slt.s32 s6, $0x1;
	p0 =	sne.s32 s28, s29;
	p6 =	sne.s32 s22, s30  }
0x1a6: {  	s6 =	simm.s32 $0x1;
	p0 =	por !p1, !p0;
	p1 =	por !p2, !p6  }
0x1a7: {  	s8 =	simm.s32 $0x1;
	p0 =	por !p0, !p0;
	p1 =	por !p1, !p1  }
0x1a8: {  	s6 =	simm.s32 @!p0 $0x0;
	s8 =	simm.s32 @!p1 $0x0  }
0x1a9: {  	s24 =	ssub.s32 s0, s6;
	s22 =	ssub.s32 s3, s8  }
0x1aa: {  	p0 =	sge.s32 s24, s22  }
.Ltmp29:
0x1ab: {  	_ = 	snop;
	(pc) =	sbr.rel @p0 .LBB2_33-.Ltmp29, $1  }
0x1ac: {  	_ =	sdelay $0x3  }
0x1ad: {  	s0 =	sshll.u32 s19, $0x7  }
0x1ae: {  	v0 =	vld [tilespmem:s0+$0x7980]  }
0x1af: {  	v1 =	vld [tilespmem:s0+$0x7990]  }
0x1b0: {  	v2 =	vld [tilespmem:s0+$0x79A0]  }
0x1b1: {  	v3 =	vld [tilespmem:s0+$0x79B0]  }
0x1b2: {  	v4 =	vld [tilespmem:s0+$0x79C0]  }
0x1b3: {  	v5 =	vld [tilespmem:s0+$0x79D0]  }
0x1b4: {  	v6 =	vld [tilespmem:s0+$0x79E0]  }
0x1b5: {  	v7 =	vld [tilespmem:s0+$0x79F0]  }
0x1b6: {  	v8 =	vld [tilespmem:s0+$0x11980]  }
0x1b7: {  	v9 =	vld [tilespmem:s0+$0x11990]  }
0x1b8: {  	v10 =	vld [tilespmem:s0+$0x119A0]  }
.Ltmp30:
0x1b9: {  	v12 =	vld [tilespmem:s0+$0x119C0];
	(pc) =	sbr.rel .LBB2_36-.Ltmp30, $4  }
0x1ba: {  	v13 =	vld [tilespmem:s0+$0x119D0]  }
0x1bb: {  	s3 =	smul.u32 $0x50, s24;
	v14 =	vld [tilespmem:s0+$0x119E0]  }
0x1bc: {  	v15 =	vld [tilespmem:s0+$0x119F0]  }
0x1bd: {  	v11 =	vld [tilespmem:s0+$0x119B0];
	s23 =	ssub.s32 s20, s3  }
.LBB2_44:
0x1be: {  	[tilespmem:s26+$0xFFFFFFD0] =	vst v18;
	v59 =	vmul.f32 v19, v12;
	v60 =	vadd.f32 $9.999999740e-06, v20;
	v61 =	vpop (erf)  }
0x1bf: {  	[tilespmem:s26+$0xFFFFFFE0] =	vst v16;
	v16 =	vmul.f32 v17, v13;
	v17 =	vadd.f32 $9.999999740e-06, v61;
	v62 =	vpop (erf)  }
0x1c0: {  	v20 =	vadd.f32 $9.999999740e-06, v62;
	[tilespmem:s26+$0x0] =	vst v59;
	v63 =	vmul.f32 v60, v14  }
0x1c1: {  	[tilespmem:s26+$0x10] =	vst v16;
	v16 =	vmul.f32 v17, v15  }
0x1c2: {  	v17 =	vmul.f32 v20, v11;
	[tilespmem:s26+$0x20] =	vst v63  }
0x1c3: {  	[tilespmem:s26+$0x30] =	vst v16  }
0x1c4: {  	[tilespmem:s26+$0xFFFFFFF0] =	vst v17  }
.LBB2_35:
0x1c5: {  	p0 =	sge.s32 s24, s22  }
.Ltmp31:
0x1c6: {  	_ = 	snop;
	(pc) =	sbr.rel @p0 .LBB2_31-.Ltmp31, $2  }
0x1c7: {  	_ =	sdelay $0x2  }
0x1c8: {  	s23 =	sadd.s32 $0xFFFFFFB0, s23;
	s25 =	smov.u32 s17  }
.LBB2_36:
0x1c9: {  	s0 =	smul.u32 $0x50, s25;
	_ =	sdelay $0x1  }
0x1ca: {  	p0 =	sne.s32 s24, s25;
	s3 =	sadd.s32 $0x50, s0  }
0x1cb: {  	p1 =	sgt.s32 s25, $0xFFFFFFFF;
	p2 =	sle.s32 s12, s0;
	p3 =	sle.s32 s3, s13  }
0x1cc: {  	p1 =	por !p0, !p1;
	p2 =	por !p2, !p3  }
0x1cd: {  	p1 =	por !p1, !p1;
	p2 =	por !p2, !p2  }
0x1ce: {  	p3 =	por !p2, !p1  }
0x1cf: {  	s3 =	smulhi.u32 @!p3 $0xAAAAAAAB, s25;
	_ =	sdelay $0x1  }
0x1d0: {  	s3 =	sshrl.u32 @!p3 s3, $0x1  }
0x1d1: {  	s3 =	smul.u32 @!p3 $0x3, s3;
	_ =	sdelay $0x1  }
0x1d2: {  	p2 =	por !p2, !p2;
	s8 =	smul.u32 @!p3 $0x2800, s25;
	s3 =	ssub.s32 @!p3 s25, s3  }
0x1d3: {  	s17 =	smov.u32 s24;
	p1 =	por !p1, !p2;
	s6 =	smul.u32 @!p3 $0xA000, s3  }
0x1d4: {  	s24 =	simm.s32 @!p3 $0x0;
	p1 =	por !p1, !p1;
	s8 =	sshrl.u32 @!p3 s8, $0x3  }
0x1d5: {  	s8 =	sadd.s32 @!p3 s4, s8;
	s3 =	sadd.s32 @!p3 $0x7, s3;
	s6 =	sshrl.u32 @!p3 s6, $0x2  }
0x1d6: {  	[hbm4b:s8+s24] =	stream.linear.scatter @!p3 [tilespmem:s6], [sflag:s3], $0x2800, $0x38;
	[tilespmem:$0x1CE00] =	vst v63  }
0x1d7: {  	s6 =	ssub.s32 @p1 s12, s0;
	s0 =	ssub.s32 @p1 s13, s0  }
0x1d8: {  	p2 =	sgt.s32 @p1 s6, $0x0;
	p3 =	slt.s32 @p1 s0, $0x50  }
0x1d9: {  	p2 =	por !p2, !p1;
	p3 =	por !p3, !p1  }
0x1da: {  	s6 =	simm.s32 @p2 $0x0;
	s0 =	simm.s32 @p3 $0x50  }
0x1db: {  	p2 =	sle.s32 @p1 s0, s6  }
0x1dc: {  	p2 =	por !p1, p2  }
.Ltmp32:
0x1dd: {  	_ = 	snop;
	(pc) =	sbr.rel @p2 .LBB2_41-.Ltmp32, $1  }
0x1de: {  	_ =	sdelay $0x3  }
0x1df: {  	s3 =	smulhi.u32 $0xAAAAAAAB, s25;
	p2 =	sgt.s32 @p1 s0, s6  }
0x1e0: {  	s8 =	smul.u32 $0xA000, s25;
	p1 =	por !p2, !p1  }
0x1e1: {  	s24 =	sshll.u32 s6, $0x9;
	s26 =	sadd.s32 $0x1, s6;
	s0 =	smov.u32 @p1 s6  }
0x1e2: {  	s8 =	sadd.s32 s24, s8;
	s24 =	smul.u32 $0x2800, s25;
	p2 =	slt.u32 s26, s0  }
.Ltmp33:
0x1e3: {  	s3 =	sshrl.u32 s3, $0x1;
	(pc) =	sbr.rel @!p2 .LBB2_40-.Ltmp33, $4  }
0x1e4: {  	s3 =	smul.u32 $0x1E000, s3  }
0x1e5: {  	s28 =	sshll.u32 s6, $0x7  }
0x1e6: {  	s30 =	sand.u32 $0x380, s28;
	s3 =	ssub.s32 s8, s3;
	s8 =	sadd.s32 s28, s24  }
0x1e7: {  	p1 =	por $0x0, $0x0;
	s6 =	sshra.s32 s3, $0x2;
	s29 =	sand.u32 $0xFFFFFC00, s8  }
0x1e8: {  	s26 =	sadd.s32 $0x1, s26  }
0x1e9: {  	s3 =	sor.u32 s30, s29;
	p2 =	slt.u32 s26, s0  }
.Ltmp34:
0x1ea: {  	s3 =	sshrl.u32 s3, $0x3;
	(pc) =	sbr.rel @!p2 .LBB2_40-.Ltmp34, $4  }
0x1eb: {  	s28 =	sadd.s32 $0x80, s28;
	p1 =	por $0x1, $0x1;
	s3 =	sadd.s32 s4, s3  }
0x1ec: {  	[hbm4b:s3+s5] =	stream.linear.scatter [tilespmem:s6], [sflag:$0xA], $0x80, $0x38;
	[tilespmem:$0x1CE00] =	vst v63  }
0x1ed: {  	s8 =	sadd.s32 s28, s24;
	s30 =	sand.u32 $0x380, s28;
	_ =	swait.ge [sflag:s9], $0x80  }
0x1ee: {  	s29 =	sand.u32 $0xFFFFFC00, s8;
	s6 =	sadd.s32 $0x80, s6;
	[sflag:s9] =	ssyncset.done $0x0  }
.LBB2_39:
0x1ef: {  	s26 =	sadd.s32 $0x1, s26  }
0x1f0: {  	s3 =	sor.u32 s30, s29;
	[sflag:s9] =	ssyncadd.s32 $0xFFFFFF80;
	p2 =	slt.u32 s26, s0  }
.Ltmp35:
0x1f1: {  	s3 =	sshrl.u32 s3, $0x3;
	(pc) =	sbr.rel @p2 .LBB2_39-.Ltmp35, $4  }
0x1f2: {  	s28 =	sadd.s32 $0x80, s28;
	s3 =	sadd.s32 s4, s3  }
0x1f3: {  	[hbm4b:s3+s5] =	stream.linear.scatter [tilespmem:s6], [sflag:$0xA], $0x80, $0x38;
	[tilespmem:$0x1CE00] =	vst v63  }
0x1f4: {  	s3 =	sadd.s32 s28, s24;
	s6 =	sadd.s32 $0x80, s6;
	_ =	swait.ge [sflag:s9], $0x80  }
0x1f5: {  	s30 =	sand.u32 $0x380, s28;
	s29 =	sand.u32 $0xFFFFFC00, s3;
	[sflag:s9] =	ssyncset.done $0x0  }
.LBB2_40:
0x1f6: {  	s0 =	sor.u32 s30, s29  }
0x1f7: {  	s0 =	sshrl.u32 s0, $0x3  }
0x1f8: {  	[sflag:s9] =	ssyncadd.s32 @p1 $0xFFFFFF80;
	s0 =	sadd.s32 s4, s0  }
0x1f9: {  	[hbm4b:s0+s5] =	stream.linear.scatter [tilespmem:s6], [sflag:$0xA], $0x80, $0x38;
	[tilespmem:$0x1CE00] =	vst v63  }
0x1fa: {  	_ =	swait.ge [sflag:s9], $0x80  }
0x1fb: {  	[sflag:s9] =	ssyncset.done $0x0  }
0x1fc: {  	[sflag:s9] =	ssyncadd.s32 $0xFFFFFF80  }
.LBB2_41:
0x1fd: {  	s24 =	sadd.s32 $0x1, s17  }
0x1fe: {  	p1 =	slt.s32 s24, s15  }
0x1ff: {  	p0 =	por !p0, !p1  }
0x200: {  	s0 =	sadd.s32 $0xFFFFFFFE, s17;
	p0 =	por !p0, !p0  }
0x201: {  	s3 =	smul.u32 $0x50, s0;
	p2 =	slt.s32 @p0 s0, s14  }
0x202: {  	p3 =	por p2, !p0  }
0x203: {  	p1 =	seq.s32 s17, s25;
	p4 =	slt.s32 @!p3 s3, s12  }
0x204: {  	s6 =	smulhi.u32 @!p1 $0x55555556, s17;
	p5 =	por @p0 p4, p2  }
0x205: {  	s8 =	sshra.s32 @!p1 s17, $0x1F;
	s3 =	sadd.s32 $0x50, s3;
	p5 =	por p5, !p0  }
0x206: {  	s8 =	smul.u32 @!p1 $0x55555556, s8;
	p5 =	sgt.s32 @!p5 s3, s13  }
0x207: {  	p3 =	por @!p3 p5, p4  }
0x208: {  	s6 =	sadd.s32 @!p1 s8, s6;
	p2 =	por @p0 p3, p2  }
0x209: {  	s25 =	smulhi.u32 @p0 $0x55555556, s24;
	s3 =	sshrl.u32 @!p1 s6, $0x1F;
	p2 =	por p2, !p0  }
0x20a: {  	s3 =	sadd.s32 @!p1 s3, s6;
	s6 =	smulhi.u32 @!p2 $0x55555556, s0;
	s8 =	sshra.s32 @!p2 s0, $0x1F  }
0x20b: {  	s8 =	smul.u32 @!p2 $0x55555556, s8  }
0x20c: {  	s26 =	sshra.s32 @p0 s24, $0x1F;
	s3 =	smul.u32 @!p1 $0x3, s3  }
0x20d: {  	s6 =	sadd.s32 @!p2 s8, s6;
	s8 =	smul.u32 @p0 $0x55555556, s26  }
0x20e: {  	s26 =	sshrl.u32 @!p2 s6, $0x1F  }
0x20f: {  	s3 =	ssub.s32 @!p1 s17, s3;
	s6 =	sadd.s32 @!p2 s26, s6;
	s8 =	sadd.s32 @p0 s8, s25  }
0x210: {  	s3 =	sadd.s32 @!p1 $0x1, s3;
	s6 =	smul.u32 @!p2 $0x3, s6;
	s25 =	sshrl.u32 @p0 s8, $0x1F  }
0x211: {  	_ =	swait.ge @!p1 [sflag:s3], $0x2800;
	s8 =	sadd.s32 @p0 s25, s8  }
0x212: {  	[sflag:s3] =	ssyncset.done @!p1 $0x0;
	s0 =	ssub.s32 @!p2 s0, s6;
	s6 =	smul.u32 @p0 $0x3, s8  }
0x213: {  	[sflag:s3] =	ssyncadd.s32 @!p1 $0xFFFFD800;
	s3 =	smul.u32 @p0 $0x2800, s24  }
0x214: {  	s30 =	smul.u32 $0x50, s17;
	s0 =	sadd.s32 @!p2 $0x7, s0;
	s6 =	ssub.s32 @p0 s24, s6  }
0x215: {  	s3 =	sshrl.u32 @p0 s3, $0x3;
	_ =	swait.ge @!p2 [sflag:s0], $0x2800;
	s8 =	smul.u32 @p0 $0xA000, s6  }
0x216: {  	s3 =	sadd.s32 @p0 s1, s3;
	[sflag:s0] =	ssyncset.done @!p2 $0x0;
	s6 =	sadd.s32 @p0 $0x1, s6  }
0x217: {  	[sflag:s0] =	ssyncadd.s32 @!p2 $0xFFFFD800;
	s0 =	sshra.s32 @p0 s8, $0x2;
	s8 =	simm.s32 @p0 $0x0  }
0x218: {  	[tilespmem:s0], [sflag:s6] =	stream.linear.gather @p0 [hbm4b:s3+s8], $0x2800, $0x38;
	[tilespmem:$0x1CE00] =	vst v63  }
0x219: {  	s25 =	ssub.s32 s21, s30;
	s0 =	ssub.s32 s20, s30  }
0x21a: {  	p1 =	slt.s32 s25, $0x50;
	p0 =	sgt.s32 s0, $0x0  }
0x21b: {  	s25 =	simm.s32 @!p1 $0x50;
	s0 =	simm.s32 @!p0 $0x0  }
0x21c: {  	p0 =	sge.s32 s0, s25  }
.Ltmp36:
0x21d: {  	_ = 	snop;
	(pc) =	sbr.rel @p0 .LBB2_35-.Ltmp36, $1  }
0x21e: {  	_ =	sdelay $0x3  }
0x21f: {  	s3 =	smulhi.u32 $0x55555556, s17;
	s6 =	sshra.s32 s17, $0x1F  }
0x220: {  	s6 =	smul.u32 $0x55555556, s6;
	_ =	sdelay $0x1  }
0x221: {  	s3 =	sadd.s32 s6, s3  }
0x222: {  	s6 =	sshrl.u32 s3, $0x1F  }
0x223: {  	s3 =	sadd.s32 s6, s3  }
0x224: {  	s3 =	smul.u32 $0x3, s3;
	_ =	sdelay $0x1  }
0x225: {  	p0 =	sgt.s32 s23, $0x0;
	s6 =	smov.u32 s23;
	s3 =	ssub.s32 s17, s3  }
0x226: {  	s6 =	simm.s32 @!p0 $0x0;
	s3 =	smul.u32 $0xA000, s3  }
0x227: {  	s6 =	sshll.u32 s6, $0x9  }
0x228: {  	s3 =	sadd.s32 s6, s3  }
0x229: {  	s3 =	sshra.s32 s3, $0x2  }
0x22a: {  	s26 =	sadd.s32 $0x40, s3  }
0x22b: {  	v16 =	vld [tilespmem:s26+$0xFFFFFFC0]  }
0x22c: {  	v17 =	vld [tilespmem:s26+$0xFFFFFFD0]  }
0x22d: {  	v18 =	vld [tilespmem:s26+$0xFFFFFFE0]  }
0x22e: {  	v19 =	vld [tilespmem:s26+$0x0];
	_ =	sdelay $0x1  }
0x22f: {  	v16 =	vsub.f32 v16, v0  }
0x230: {  	v17 =	vsub.f32 v17, v1  }
0x231: {  	v20 =	vld [tilespmem:s26+$0x10];
	v18 =	vsub.f32 v18, v2;
	v16 =	vmul.f32 $1.442695020e+00, v16  }
0x232: {  	v19 =	vsub.f32 v19, v4;
	v17 =	vmul.f32 $1.442695020e+00, v17  }
0x233: {  	v21 =	vld [tilespmem:s26+$0x20];
	v18 =	vmul.f32 $1.442695020e+00, v18;
	(erf) = vpow2.f32 v16  }
0x234: {  	v16 =	vmul.f32 $1.442695020e+00, v19;
	(erf) = vpow2.f32 v17  }
0x235: {  	(erf) = vpow2.f32 v18;
	v18 =	vld [tilespmem:s26+$0x30]  }
0x236: {  	v20 =	vsub.f32 v20, v5;
	(erf) = vpow2.f32 v16;
	v16 =	vld [tilespmem:s26+$0xFFFFFFF0];
	_ =	sdelay $0x1  }
0x237: {  	v19 =	vsub.f32 v21, v6;
	v17 =	vmul.f32 $1.442695020e+00, v20;
	_ =	sdelay $0x1  }
0x238: {  	v19 =	vmul.f32 $1.442695020e+00, v19;
	(erf) = vpow2.f32 v17;
	v17 =	vsub.f32 v18, v7  }
0x239: {  	v16 =	vsub.f32 v16, v3  }
0x23a: {  	v17 =	vmul.f32 $1.442695020e+00, v17  }
0x23b: {  	(erf) = vpow2.f32 v19;
	v18 =	vpop (erf);
	v16 =	vmul.f32 $1.442695020e+00, v16  }
0x23c: {  	v19 =	vpop (erf);
	(erf) = vpow2.f32 v17  }
0x23d: {  	(erf) = vpow2.f32 v16  }
0x23e: {  	s28 =	sadd.s32 $0x1, s0  }
0x23f: {  	p0 =	slt.s32 s28, s25;
	v20 =	vpop (erf)  }
.Ltmp37:
0x240: {  	v18 =	vadd.f32 $9.999999740e-06, v18;
	v20 =	vadd.f32 $9.999999740e-06, v20;
	(pc) =	sbr.rel @!p0 .LBB2_44-.Ltmp37, $4  }
0x241: {  	v19 =	vadd.f32 $9.999999740e-06, v19  }
0x242: {  	v17 =	vmul.f32 v18, v8;
	v21 =	vpop (erf)  }
0x243: {  	v18 =	vmul.f32 v19, v9;
	v22 =	vpop (erf);
	v19 =	vadd.f32 $9.999999740e-06, v21  }
0x244: {  	s0 =	sadd.s32 $0x80, s26;
	[tilespmem:s26+$0xFFFFFFC0] =	vst v17;
	v16 =	vmul.f32 v20, v10;
	v17 =	vadd.f32 $9.999999740e-06, v22;
	v20 =	vpop (erf)  }
.LBB2_43:
0x245: {  	v21 =	vld [tilespmem:s0+$0xFFFFFFC0];
	[tilespmem:s26+$0xFFFFFFD0] =	vst v18;
	v18 =	vmul.f32 v19, v12;
	v19 =	vadd.f32 $9.999999740e-06, v20;
	v20 =	vpop (erf)  }
0x246: {  	v22 =	vld [tilespmem:s0+$0xFFFFFFD0];
	[tilespmem:s26+$0xFFFFFFE0] =	vst v16;
	v16 =	vmul.f32 v17, v13;
	v17 =	vadd.f32 $9.999999740e-06, v20;
	v20 =	vpop (erf)  }
0x247: {  	v23 =	vld [tilespmem:s0+$0xFFFFFFE0];
	v20 =	vadd.f32 $9.999999740e-06, v20;
	[tilespmem:s26+$0x0] =	vst v18;
	v18 =	vmul.f32 v19, v14  }
0x248: {  	v19 =	vld [tilespmem:s0+$0x0];
	[tilespmem:s26+$0x10] =	vst v16;
	v16 =	vmul.f32 v17, v15  }
0x249: {  	v17 =	vld [tilespmem:s0+$0x10];
	v20 =	vmul.f32 v20, v11;
	[tilespmem:s26+$0x20] =	vst v18  }
0x24a: {  	v18 =	vld [tilespmem:s0+$0x20];
	v21 =	vsub.f32 v21, v0;
	[tilespmem:s26+$0x30] =	vst v16  }
0x24b: {  	s28 =	sadd.s32 $0x1, s28;
	v16 =	vld [tilespmem:s0+$0x30];
	v22 =	vsub.f32 v22, v1;
	[tilespmem:s26+$0xFFFFFFF0] =	vst v20;
	s26 =	smov.u32 s0  }
0x24c: {  	p0 =	slt.s32 s28, s25;
	v20 =	vld [tilespmem:s0+$0xFFFFFFF0];
	v21 =	vmul.f32 $1.442695020e+00, v21;
	v23 =	vsub.f32 v23, v2  }
0x24d: {  	v22 =	vmul.f32 $1.442695020e+00, v22;
	v19 =	vsub.f32 v19, v4  }
0x24e: {  	v23 =	vmul.f32 $1.442695020e+00, v23;
	v17 =	vsub.f32 v17, v5;
	(erf) = vpow2.f32 v21  }
0x24f: {  	v19 =	vmul.f32 $1.442695020e+00, v19;
	v18 =	vsub.f32 v18, v6;
	(erf) = vpow2.f32 v22  }
0x250: {  	v17 =	vmul.f32 $1.442695020e+00, v17;
	v16 =	vsub.f32 v16, v7;
	(erf) = vpow2.f32 v23  }
0x251: {  	v20 =	vsub.f32 v20, v3;
	v18 =	vmul.f32 $1.442695020e+00, v18;
	(erf) = vpow2.f32 v19  }
0x252: {  	v16 =	vmul.f32 $1.442695020e+00, v16;
	(erf) = vpow2.f32 v17  }
0x253: {  	v17 =	vmul.f32 $1.442695020e+00, v20;
	(erf) = vpow2.f32 v18  }
0x254: {  	(erf) = vpow2.f32 v16  }
0x255: {  	(erf) = vpow2.f32 v17;
	_ =	sdelay $0x1  }
0x256: {  	v16 =	vpop (erf)  }
.Ltmp38:
0x257: {  	v16 =	vadd.f32 $9.999999740e-06, v16;
	v17 =	vpop (erf);
	(pc) =	sbr.rel @p0 .LBB2_43-.Ltmp38, $4  }
0x258: {  	v21 =	vadd.f32 $9.999999740e-06, v17;
	v18 =	vpop (erf)  }
0x259: {  	v16 =	vmul.f32 v16, v8;
	v22 =	vadd.f32 $9.999999740e-06, v18;
	v19 =	vpop (erf)  }
0x25a: {  	v18 =	vmul.f32 v21, v9;
	v19 =	vadd.f32 $9.999999740e-06, v19;
	v17 =	vpop (erf)  }
0x25b: {  	s0 =	sadd.s32 $0x80, s0;
	[tilespmem:s26+$0xFFFFFFC0] =	vst v16;
	v16 =	vmul.f32 v22, v10;
	v17 =	vadd.f32 $9.999999740e-06, v17;
	v20 =	vpop (erf)  }
.Ltmp39:
0x25c: {  	_ = 	snop;
	(pc) =	sbr.rel .LBB2_44-.Ltmp39, $1  }
0x25d: {  	_ =	sdelay $0x3  }
.LBB2_9:
0x25e: {  	_ =	sfence.sel $0x180000  }
0x25f: {  	[bflag:$0x0] =	sbarrier.arrive $0xFFFF  }
0x260: {  	_ =	strace $0x90000047  }
0x261: {  	s0 =	stileid.u32;
	[bflag:$0x2] =	sbarrier.arrive $0xFFFF  }
0x262: {  	p0 =	sne.s32 s0, $0x0;
	s0 =	rddreg [dreg:$0x4]  }
0x263: {  	s0 =	sadd.s32 @!p0 $0x100000, s0  }
0x264: {  	[sflag:s0] =	ssyncadd.tile.s32 @!p0 $0x1;
	_ =	shalt  }
.Lfunc_end2:
_tile_overlayer_lowered:
.L_overlay_start_2:
0x265: {  	(tag) =	ssettag $0x2  }
0x266: {  	s0 =	rddreg [dreg:$0x0];
	s2 =	stileid.u32  }
0x267: {  	s1 =	rddreg [dreg:$0x1];
	p0 =	sne.s32 s2, $0x0  }
0x268: {  	s3 =	rddreg [dreg:$0x2];
	[bflag:$0x3] =	sbarrier.arrive $0xFFFF;
	s2 =	simm.s32 @!p0 $0x1C0A  }
0x269: {  	[timem:s3], [sflag:s2] =	dma.local @!p0 [hbm:s0], s1  }
0x26a: {  	s0 =	simm.s32 @!p0 $0xA  }
0x26b: {  	_ =	swait.ge @!p0 [sflag:s0], s1  }
0x26c: {  	s1 =	ssub.s32 @!p0 $0x0, s1;
	[sflag:s0] =	ssyncset.done @!p0 $0x0  }
0x26d: {  	[sflag:s0] =	ssyncadd.s32 @!p0 s1  }
0x26e: {  	[bflag:$0x3] =	sbarrier.arrive $0xFFFF  }
0x26f: {  	_ =	shalt  }

</sc_bundles>
